<compile_context>
chip_gen: v7x
topology: tpu7x:2x2x1
jax: 0.10.2.dev20260603
libtpu: 0.0.44.dev20260713+nightly
codegen_flags: <defaults>
</compile_context>

<pallas_src>
import functools

import jax
import jax.numpy as jnp
import numpy as np
from jax import lax
from jax.experimental import pallas as pl
from jax.experimental.pallas import tpu as pltpu
from jax.experimental.pallas import tpu_sc as plsc

N_NODES = 10000
N_EDGES = 320000
D = 128
NG = D // 16

NC, NS = 2, 16
NW = NC * NS
EPW = N_EDGES // NW
CHUNK = 80
NCHUNK = EPW // CHUNK

_PERM = np.empty(D, np.int32)
for _j in range(D // 32):
    for _i in range(16):
        for _p in range(2):
            _PERM[32 * _j + 2 * _i + _p] = 32 * _j + 16 * _p + _i


def _proj_body(x_ref, w1_ref, w2_ref, p1_ref, p2_ref):
    xv = x_ref[...]
    dn = (((1,), (1,)), ((), ()))
    p1_ref[...] = lax.dot_general(xv, w1_ref[...], dn,
                                  preferred_element_type=jnp.float32,
                                  precision=lax.Precision.HIGHEST
                                  ).astype(jnp.bfloat16)
    p2_ref[...] = lax.dot_general(xv, w2_ref[...], dn,
                                  preferred_element_type=jnp.float32,
                                  precision=lax.Precision.HIGHEST
                                  ).astype(jnp.bfloat16)


def _node_proj(x, w1p, w2p):
    return pl.pallas_call(
        _proj_body,
        out_shape=[
            jax.ShapeDtypeStruct((N_NODES, D), jnp.bfloat16),
            jax.ShapeDtypeStruct((N_NODES, D), jnp.bfloat16),
        ],
    )(x, w1p, w2p)


def _edge_body(p1_hbm, p2_hbm, src_hbm, dst_hbm, w_hbm, b_hbm, out_hbm,
               srcv, dstv, wv, ga0, ga1, gc0, gc1, ob0, ob1, bv,
               sa0, sa1, sc0, sc1, so0, so1):
    ga = (ga0, ga1)
    gc = (gc0, gc1)
    ob = (ob0, ob1)
    sa = (sa0, sa1)
    sc = (sc0, sc1)
    so = (so0, so1)

    wid = lax.axis_index("s") * NC + lax.axis_index("c")
    base = wid * EPW

    pltpu.sync_copy(src_hbm.at[pl.ds(base, EPW)], srcv)
    pltpu.sync_copy(dst_hbm.at[pl.ds(base, EPW)], dstv)
    pltpu.sync_copy(w_hbm.at[pl.ds(base, EPW)], wv.at[pl.ds(0, EPW)])
    pltpu.sync_copy(b_hbm, bv)

    nb = [bv[pl.ds(j * 16, 16)] * -1.0 for j in range(NG)]

    def issue_gathers(ci, s):
        isl = pl.ds(ci * CHUNK, CHUNK)
        pltpu.async_copy(p1_hbm.at[srcv.at[isl]], ga[s], sa[s])
        pltpu.async_copy(p2_hbm.at[dstv.at[isl]], gc[s], sc[s])

    def wait_gathers(s):
        pltpu.make_async_copy(p1_hbm.at[srcv.at[pl.ds(0, CHUNK)]], ga[s], sa[s]).wait()
        pltpu.make_async_copy(p2_hbm.at[dstv.at[pl.ds(0, CHUNK)]], gc[s], sc[s]).wait()

    def wait_writeback(s):
        pltpu.make_async_copy(ob[s], out_hbm.at[pl.ds(0, CHUNK)], so[s]).wait()

    def do_chunk(ci, s, first, last):
        wait_gathers(s)
        if not first:
            wait_writeback(s)
        woff = ci * CHUNK

        @plsc.parallel_loop(0, CHUNK, unroll=2)
        def _(e):
            wl = wv[pl.ds(woff + e, 16)][0] * -1.0
            for j in range(D // 32):
                ra = ga[s][e, pl.ds(j * 16, 16)]
                rc = gc[s][e, pl.ds(j * 16, 16)]
                a0 = lax.bitcast_convert_type(ra << 16, jnp.float32)
                a1 = lax.bitcast_convert_type(ra & jnp.int32(-65536), jnp.float32)
                c0 = lax.bitcast_convert_type(rc << 16, jnp.float32)
                c1 = lax.bitcast_convert_type(rc & jnp.int32(-65536), jnp.float32)
                for p, (av, cv) in enumerate(((a0, c0), (a1, c1))):
                    g = 2 * j + p
                    t = (av + cv) * wl + nb[g]
                    ob[s][e, pl.ds(g * 16, 16)] = 1.0 / (1.0 + jnp.exp(t))

        pltpu.async_copy(ob[s], out_hbm.at[pl.ds(base + woff, CHUNK)], so[s])
        if not last:
            @pl.when(ci + 2 < NCHUNK)
            def _():
                issue_gathers(ci + 2, s)

    issue_gathers(0, 0)
    issue_gathers(1, 1)

    def outer(g, _):
        do_chunk(2 * g, 0, first=False, last=False)
        do_chunk(2 * g + 1, 1, first=False, last=False)
        return 0

    do_chunk(0, 0, first=True, last=False)
    do_chunk(1, 1, first=True, last=False)
    lax.fori_loop(1, NCHUNK // 2, outer, 0, unroll=False)
    do_chunk(NCHUNK - 1, 0, first=False, last=True)
    wait_writeback(1)
    wait_writeback(0)


@functools.cache
def _edge_kernel():
    return functools.partial(
        pl.kernel,
        mesh=plsc.VectorSubcoreMesh(core_axis_name="c", subcore_axis_name="s"),
        compiler_params=pltpu.CompilerParams(use_tc_tiling_on_sc=False),
        out_type=jax.ShapeDtypeStruct((N_EDGES, D), jnp.float32),
        scratch_types=[
            pltpu.VMEM((EPW,), jnp.int32),
            pltpu.VMEM((EPW,), jnp.int32),
            pltpu.VMEM((EPW + 16,), jnp.float32),
            pltpu.VMEM((CHUNK, D // 2), jnp.int32),
            pltpu.VMEM((CHUNK, D // 2), jnp.int32),
            pltpu.VMEM((CHUNK, D // 2), jnp.int32),
            pltpu.VMEM((CHUNK, D // 2), jnp.int32),
            pltpu.VMEM((CHUNK, D), jnp.float32),
            pltpu.VMEM((CHUNK, D), jnp.float32),
            pltpu.VMEM((D,), jnp.float32),
            pltpu.SemaphoreType.DMA,
            pltpu.SemaphoreType.DMA,
            pltpu.SemaphoreType.DMA,
            pltpu.SemaphoreType.DMA,
            pltpu.SemaphoreType.DMA,
            pltpu.SemaphoreType.DMA,
        ],
    )(_edge_body)


def kernel(x, edge_index, w, W, b):
    src = edge_index[0].astype(jnp.int32)
    dst = edge_index[1].astype(jnp.int32)
    wf = w.reshape(-1)
    w1p = W[:, :D][_PERM, :]
    w2p = W[:, D:][_PERM, :]
    p1, p2 = _node_proj(x, w1p, w2p)
    p1 = lax.bitcast_convert_type(p1.reshape(N_NODES, D // 2, 2), jnp.int32)
    p2 = lax.bitcast_convert_type(p2.reshape(N_NODES, D // 2, 2), jnp.int32)
    return _edge_kernel()(p1, p2, src, dst, wf, b)

# --- scband reference (transcript-rebuilt; emitter-appended) ---
"""Pipeline reference for scband-nnpm-69544110457403 (READ-ONLY COPY).

The authoritative reference and input builder live on the scoring server;
editing this copy changes nothing except your own understanding.
"""

import jax, jax.numpy as jnp
import numpy as np
import math

N_NODES = 10000
N_EDGES = 320000
D_IN = 128
D_OUT = 128
PRIOR = 0.01

def setup_inputs(seed: int = 0) -> dict:
    key = jax.random.key(seed)
    k1, k2, k3, k4 = jax.random.split(key, 4)
    x = jax.random.normal(k1, (N_NODES, D_IN), dtype=jnp.float32)
    edge_index = jax.random.randint(k2, (2, N_EDGES), 0, N_NODES, dtype=jnp.int64)
    w = jax.random.uniform(k3, (N_EDGES, 1), dtype=jnp.float32)
    # Linear layer params: weight [D_OUT, 2*D_IN], bias [D_OUT]
    bound = 1.0 / math.sqrt(2 * D_IN)
    W = jax.random.uniform(k4, (D_OUT, 2 * D_IN), minval=-bound, maxval=bound, dtype=jnp.float32)
    b = jnp.full((D_OUT,), -math.log((1.0 - PRIOR) / PRIOR), dtype=jnp.float32)
    return {"x": x, "edge_index": edge_index, "w": w, "W": W, "b": b}

def reference(x, edge_index, w, W, b):
    # DGL apply_edges with edge_cls:
    # feat = sigmoid(Linear(edges.data['w'] * cat([src_h, dst_h], dim=1)))
    src = edge_index[0]
    dst = edge_index[1]
    h_src = jnp.take(x, src, axis=0)   # gather [E, D_IN]
    h_dst = jnp.take(x, dst, axis=0)   # gather [E, D_IN]
    cat = jnp.concatenate([h_src, h_dst], axis=1)  # [E, 2*D_IN]
    lin = (w * cat) @ W.T + b          # [E, D_OUT]
    res = jax.nn.sigmoid(lin)
    return res

if __name__ == "__main__":
    import jax
    _d = setup_inputs()
    print(jax.jit(kernel)(*tuple(_d.values())))

</pallas_src>

<mosaic_0001>
#map = affine_map<(d0, d1) -> (0, 0)>
#map1 = affine_map<(d0, d1) -> (0)>
module attributes {stable_mosaic.version = 14 : i64} {
  func.func @_edge_body(%arg0: i32, %arg1: i32, %arg2: memref<10000x64xi32, #tpu.memory_space<hbm>>, %arg3: memref<10000x64xi32, #tpu.memory_space<hbm>>, %arg4: memref<320000xi32, #tpu.memory_space<hbm>>, %arg5: memref<320000xi32, #tpu.memory_space<hbm>>, %arg6: memref<320000xf32, #tpu.memory_space<hbm>>, %arg7: memref<128xf32, #tpu.memory_space<hbm>>, %arg8: memref<320000x128xf32, #tpu.memory_space<hbm>>, %arg9: memref<10000xi32, #tpu.memory_space<vmem>>, %arg10: memref<10000xi32, #tpu.memory_space<vmem>>, %arg11: memref<10016xf32, #tpu.memory_space<vmem>>, %arg12: memref<80x64xi32, #tpu.memory_space<vmem>>, %arg13: memref<80x64xi32, #tpu.memory_space<vmem>>, %arg14: memref<80x64xi32, #tpu.memory_space<vmem>>, %arg15: memref<80x64xi32, #tpu.memory_space<vmem>>, %arg16: memref<80x128xf32, #tpu.memory_space<vmem>>, %arg17: memref<80x128xf32, #tpu.memory_space<vmem>>, %arg18: memref<128xf32, #tpu.memory_space<vmem>>, %arg19: memref<!tpu.dma_semaphore, #tpu.memory_space<semaphore_mem>>, %arg20: memref<!tpu.dma_semaphore, #tpu.memory_space<semaphore_mem>>, %arg21: memref<!tpu.dma_semaphore, #tpu.memory_space<semaphore_mem>>, %arg22: memref<!tpu.dma_semaphore, #tpu.memory_space<semaphore_mem>>, %arg23: memref<!tpu.dma_semaphore, #tpu.memory_space<semaphore_mem>>, %arg24: memref<!tpu.dma_semaphore, #tpu.memory_space<semaphore_mem>>) attributes {dimension_semantics = [#tpu.dimension_semantics<core_parallel>, #tpu.dimension_semantics<subcore_parallel>], iteration_bounds = array<i64: 2, 16>, scalar_prefetch = 0 : i64, scratch_operands = 16 : i64, tpu.core_type = #tpu.core_type<sc_vector_subcore>, window_params = [{transform_indices = #map}, {transform_indices = #map}, {transform_indices = #map1}, {transform_indices = #map1}, {transform_indices = #map1}, {transform_indices = #map1}, {transform_indices = #map}]} {
    %mul3A = arith.constant 2 : i32
    %mul3A_0 = arith.muli %arg1, %mul3A : i32
    %add3A = arith.addi %mul3A_0, %arg0 : i32
    %mul3A_1 = arith.constant 10000 : i32
    %mul3A_2 = arith.muli %add3A, %mul3A_1 : i32
    "tpu.region"() ({
      %run_scoped3A = tpu.sem_alloc : memref<!tpu.dma_semaphore, #tpu.memory_space<semaphore_mem>>
      %dma_start3A_168 = tpu.memref_slice %arg4[%mul3A_2] : memref<320000xi32, #tpu.memory_space<hbm>> -> memref<10000xi32, #tpu.memory_space<hbm>>
      %dma_start3A_169 = tpu.memref_slice %arg4[%mul3A_2] : memref<320000xi32, #tpu.memory_space<hbm>> -> memref<10000xi32, #tpu.memory_space<hbm>>
      tpu.enqueue_dma source(%dma_start3A_169 : memref<10000xi32, #tpu.memory_space<hbm>>) target(%arg9 : memref<10000xi32, #tpu.memory_space<vmem>>) target_semaphore(%run_scoped3A : memref<!tpu.dma_semaphore, #tpu.memory_space<semaphore_mem>>)
      %dma_wait3A_170 = tpu.memref_slice %arg4[%mul3A_2] : memref<320000xi32, #tpu.memory_space<hbm>> -> memref<10000xi32, #tpu.memory_space<hbm>>
      %dma_wait3A_171 = tpu.memref_slice %arg4[%mul3A_2] : memref<320000xi32, #tpu.memory_space<hbm>> -> memref<10000xi32, #tpu.memory_space<hbm>>
      tpu.wait_dma2 semaphore(%run_scoped3A : memref<!tpu.dma_semaphore, #tpu.memory_space<semaphore_mem>>) src(%dma_wait3A_171 : memref<10000xi32, #tpu.memory_space<hbm>>) dst(%arg9 : memref<10000xi32, #tpu.memory_space<vmem>>)
      tpu.yield
    }) : () -> ()
    "tpu.region"() ({
      %run_scoped3A = tpu.sem_alloc : memref<!tpu.dma_semaphore, #tpu.memory_space<semaphore_mem>>
      %dma_start3A_168 = tpu.memref_slice %arg5[%mul3A_2] : memref<320000xi32, #tpu.memory_space<hbm>> -> memref<10000xi32, #tpu.memory_space<hbm>>
      %dma_start3A_169 = tpu.memref_slice %arg5[%mul3A_2] : memref<320000xi32, #tpu.memory_space<hbm>> -> memref<10000xi32, #tpu.memory_space<hbm>>
      tpu.enqueue_dma source(%dma_start3A_169 : memref<10000xi32, #tpu.memory_space<hbm>>) target(%arg10 : memref<10000xi32, #tpu.memory_space<vmem>>) target_semaphore(%run_scoped3A : memref<!tpu.dma_semaphore, #tpu.memory_space<semaphore_mem>>)
      %dma_wait3A_170 = tpu.memref_slice %arg5[%mul3A_2] : memref<320000xi32, #tpu.memory_space<hbm>> -> memref<10000xi32, #tpu.memory_space<hbm>>
      %dma_wait3A_171 = tpu.memref_slice %arg5[%mul3A_2] : memref<320000xi32, #tpu.memory_space<hbm>> -> memref<10000xi32, #tpu.memory_space<hbm>>
      tpu.wait_dma2 semaphore(%run_scoped3A : memref<!tpu.dma_semaphore, #tpu.memory_space<semaphore_mem>>) src(%dma_wait3A_171 : memref<10000xi32, #tpu.memory_space<hbm>>) dst(%arg10 : memref<10000xi32, #tpu.memory_space<vmem>>)
      tpu.yield
    }) : () -> ()
    "tpu.region"() ({
      %run_scoped3A = tpu.sem_alloc : memref<!tpu.dma_semaphore, #tpu.memory_space<semaphore_mem>>
      %dma_start3A_168 = arith.constant 0 : i32
      %dma_start3A_169 = tpu.memref_slice %arg11[%dma_start3A_168] : memref<10016xf32, #tpu.memory_space<vmem>> -> memref<10000xf32, #tpu.memory_space<vmem>>
      %dma_start3A_170 = tpu.memref_slice %arg6[%mul3A_2] : memref<320000xf32, #tpu.memory_space<hbm>> -> memref<10000xf32, #tpu.memory_space<hbm>>
      %dma_start3A_171 = arith.constant 0 : i32
      %dma_start3A_172 = tpu.memref_slice %arg11[%dma_start3A_171] : memref<10016xf32, #tpu.memory_space<vmem>> -> memref<10000xf32, #tpu.memory_space<vmem>>
      %dma_start3A_173 = tpu.memref_slice %arg6[%mul3A_2] : memref<320000xf32, #tpu.memory_space<hbm>> -> memref<10000xf32, #tpu.memory_space<hbm>>
      tpu.enqueue_dma source(%dma_start3A_173 : memref<10000xf32, #tpu.memory_space<hbm>>) target(%dma_start3A_172 : memref<10000xf32, #tpu.memory_space<vmem>>) target_semaphore(%run_scoped3A : memref<!tpu.dma_semaphore, #tpu.memory_space<semaphore_mem>>)
      %dma_wait3A_174 = arith.constant 0 : i32
      %dma_wait3A_175 = tpu.memref_slice %arg11[%dma_wait3A_174] : memref<10016xf32, #tpu.memory_space<vmem>> -> memref<10000xf32, #tpu.memory_space<vmem>>
      %dma_wait3A_176 = tpu.memref_slice %arg6[%mul3A_2] : memref<320000xf32, #tpu.memory_space<hbm>> -> memref<10000xf32, #tpu.memory_space<hbm>>
      %dma_wait3A_177 = arith.constant 0 : i32
      %dma_wait3A_178 = tpu.memref_slice %arg11[%dma_wait3A_177] : memref<10016xf32, #tpu.memory_space<vmem>> -> memref<10000xf32, #tpu.memory_space<vmem>>
      %dma_wait3A_179 = tpu.memref_slice %arg6[%mul3A_2] : memref<320000xf32, #tpu.memory_space<hbm>> -> memref<10000xf32, #tpu.memory_space<hbm>>
      tpu.wait_dma2 semaphore(%run_scoped3A : memref<!tpu.dma_semaphore, #tpu.memory_space<semaphore_mem>>) src(%dma_wait3A_179 : memref<10000xf32, #tpu.memory_space<hbm>>) dst(%dma_wait3A_178 : memref<10000xf32, #tpu.memory_space<vmem>>)
      tpu.yield
    }) : () -> ()
    "tpu.region"() ({
      %run_scoped3A = tpu.sem_alloc : memref<!tpu.dma_semaphore, #tpu.memory_space<semaphore_mem>>
      tpu.enqueue_dma source(%arg7 : memref<128xf32, #tpu.memory_space<hbm>>) target(%arg18 : memref<128xf32, #tpu.memory_space<vmem>>) target_semaphore(%run_scoped3A : memref<!tpu.dma_semaphore, #tpu.memory_space<semaphore_mem>>)
      tpu.wait_dma2 semaphore(%run_scoped3A : memref<!tpu.dma_semaphore, #tpu.memory_space<semaphore_mem>>) src(%arg7 : memref<128xf32, #tpu.memory_space<hbm>>) dst(%arg18 : memref<128xf32, #tpu.memory_space<vmem>>)
      tpu.yield
    }) : () -> ()
    %get3A = arith.constant 0 : index
    %get3A_3 = tpu.vector_load %arg18[%get3A] {strides = array<i32>} : memref<128xf32, #tpu.memory_space<vmem>>, vector<16xf32>,
    %get3A_4 = vector.shape_cast %get3A_3 : vector<16xf32> to vector<16xf32>
    %mul3A_5 = arith.constant -1.000000e+00 : f32
    %mul3A_6 = vector.broadcast %mul3A_5 : f32 to vector<16xf32>
    %mul3A_7 = arith.mulf %get3A_4, %mul3A_6 : vector<16xf32>
    %get3A_8 = arith.constant 16 : index
    %get3A_9 = tpu.vector_load %arg18[%get3A_8] {strides = array<i32>} : memref<128xf32, #tpu.memory_space<vmem>>, vector<16xf32>,
    %get3A_10 = vector.shape_cast %get3A_9 : vector<16xf32> to vector<16xf32>
    %mul3A_11 = arith.constant -1.000000e+00 : f32
    %mul3A_12 = vector.broadcast %mul3A_11 : f32 to vector<16xf32>
    %mul3A_13 = arith.mulf %get3A_10, %mul3A_12 : vector<16xf32>
    %get3A_14 = arith.constant 32 : index
    %get3A_15 = tpu.vector_load %arg18[%get3A_14] {strides = array<i32>} : memref<128xf32, #tpu.memory_space<vmem>>, vector<16xf32>,
    %get3A_16 = vector.shape_cast %get3A_15 : vector<16xf32> to vector<16xf32>
    %mul3A_17 = arith.constant -1.000000e+00 : f32
    %mul3A_18 = vector.broadcast %mul3A_17 : f32 to vector<16xf32>
    %mul3A_19 = arith.mulf %get3A_16, %mul3A_18 : vector<16xf32>
    %get3A_20 = arith.constant 48 : index
    %get3A_21 = tpu.vector_load %arg18[%get3A_20] {strides = array<i32>} : memref<128xf32, #tpu.memory_space<vmem>>, vector<16xf32>,
    %get3A_22 = vector.shape_cast %get3A_21 : vector<16xf32> to vector<16xf32>
    %mul3A_23 = arith.constant -1.000000e+00 : f32
    %mul3A_24 = vector.broadcast %mul3A_23 : f32 to vector<16xf32>
    %mul3A_25 = arith.mulf %get3A_22, %mul3A_24 : vector<16xf32>
    %get3A_26 = arith.constant 64 : index
    %get3A_27 = tpu.vector_load %arg18[%get3A_26] {strides = array<i32>} : memref<128xf32, #tpu.memory_space<vmem>>, vector<16xf32>,
    %get3A_28 = vector.shape_cast %get3A_27 : vector<16xf32> to vector<16xf32>
    %mul3A_29 = arith.constant -1.000000e+00 : f32
    %mul3A_30 = vector.broadcast %mul3A_29 : f32 to vector<16xf32>
    %mul3A_31 = arith.mulf %get3A_28, %mul3A_30 : vector<16xf32>
    %get3A_32 = arith.constant 80 : index
    %get3A_33 = tpu.vector_load %arg18[%get3A_32] {strides = array<i32>} : memref<128xf32, #tpu.memory_space<vmem>>, vector<16xf32>,
    %get3A_34 = vector.shape_cast %get3A_33 : vector<16xf32> to vector<16xf32>
    %mul3A_35 = arith.constant -1.000000e+00 : f32
    %mul3A_36 = vector.broadcast %mul3A_35 : f32 to vector<16xf32>
    %mul3A_37 = arith.mulf %get3A_34, %mul3A_36 : vector<16xf32>
    %get3A_38 = arith.constant 96 : index
    %get3A_39 = tpu.vector_load %arg18[%get3A_38] {strides = array<i32>} : memref<128xf32, #tpu.memory_space<vmem>>, vector<16xf32>,
    %get3A_40 = vector.shape_cast %get3A_39 : vector<16xf32> to vector<16xf32>
    %mul3A_41 = arith.constant -1.000000e+00 : f32
    %mul3A_42 = vector.broadcast %mul3A_41 : f32 to vector<16xf32>
    %mul3A_43 = arith.mulf %get3A_40, %mul3A_42 : vector<16xf32>
    %get3A_44 = arith.constant 112 : index
    %get3A_45 = tpu.vector_load %arg18[%get3A_44] {strides = array<i32>} : memref<128xf32, #tpu.memory_space<vmem>>, vector<16xf32>,
    %get3A_46 = vector.shape_cast %get3A_45 : vector<16xf32> to vector<16xf32>
    %mul3A_47 = arith.constant -1.000000e+00 : f32
    %mul3A_48 = vector.broadcast %mul3A_47 : f32 to vector<16xf32>
    %mul3A_49 = arith.mulf %get3A_46, %mul3A_48 : vector<16xf32>
    %dma_start3A = arith.constant 0 : i32
    %dma_start3A_50 = tpu.memref_slice %arg9[%dma_start3A] : memref<10000xi32, #tpu.memory_space<vmem>> -> memref<80xi32, #tpu.memory_space<vmem>>
    %dma_start3A_51 = arith.constant 0 : i32
    %dma_start3A_52 = arith.constant 0 : i32
    %dma_start3A_53 = tpu.memref_slice %arg2[%dma_start3A_51, %dma_start3A_52] : memref<10000x64xi32, #tpu.memory_space<hbm>> -> memref<10000x64xi32, #tpu.memory_space<hbm>>
    tpu.enqueue_indirect_dma source(%dma_start3A_53 : memref<10000x64xi32, #tpu.memory_space<hbm>>) target(%arg12 : memref<80x64xi32, #tpu.memory_space<vmem>>) offsets(%dma_start3A_50 : memref<80xi32, #tpu.memory_space<vmem>>) semaphore(%arg19 : memref<!tpu.dma_semaphore, #tpu.memory_space<semaphore_mem>>)
    %dma_start3A_54 = arith.constant 0 : i32
    %dma_start3A_55 = tpu.memref_slice %arg10[%dma_start3A_54] : memref<10000xi32, #tpu.memory_space<vmem>> -> memref<80xi32, #tpu.memory_space<vmem>>
    %dma_start3A_56 = arith.constant 0 : i32
    %dma_start3A_57 = arith.constant 0 : i32
    %dma_start3A_58 = tpu.memref_slice %arg3[%dma_start3A_56, %dma_start3A_57] : memref<10000x64xi32, #tpu.memory_space<hbm>> -> memref<10000x64xi32, #tpu.memory_space<hbm>>
    tpu.enqueue_indirect_dma source(%dma_start3A_58 : memref<10000x64xi32, #tpu.memory_space<hbm>>) target(%arg14 : memref<80x64xi32, #tpu.memory_space<vmem>>) offsets(%dma_start3A_55 : memref<80xi32, #tpu.memory_space<vmem>>) semaphore(%arg21 : memref<!tpu.dma_semaphore, #tpu.memory_space<semaphore_mem>>)
    %dma_start3A_59 = arith.constant 80 : i32
    %dma_start3A_60 = tpu.memref_slice %arg9[%dma_start3A_59] : memref<10000xi32, #tpu.memory_space<vmem>> -> memref<80xi32, #tpu.memory_space<vmem>>
    %dma_start3A_61 = arith.constant 0 : i32
    %dma_start3A_62 = arith.constant 0 : i32
    %dma_start3A_63 = tpu.memref_slice %arg2[%dma_start3A_61, %dma_start3A_62] : memref<10000x64xi32, #tpu.memory_space<hbm>> -> memref<10000x64xi32, #tpu.memory_space<hbm>>
    tpu.enqueue_indirect_dma source(%dma_start3A_63 : memref<10000x64xi32, #tpu.memory_space<hbm>>) target(%arg13 : memref<80x64xi32, #tpu.memory_space<vmem>>) offsets(%dma_start3A_60 : memref<80xi32, #tpu.memory_space<vmem>>) semaphore(%arg20 : memref<!tpu.dma_semaphore, #tpu.memory_space<semaphore_mem>>)
    %dma_start3A_64 = arith.constant 80 : i32
    %dma_start3A_65 = tpu.memref_slice %arg10[%dma_start3A_64] : memref<10000xi32, #tpu.memory_space<vmem>> -> memref<80xi32, #tpu.memory_space<vmem>>
    %dma_start3A_66 = arith.constant 0 : i32
    %dma_start3A_67 = arith.constant 0 : i32
    %dma_start3A_68 = tpu.memref_slice %arg3[%dma_start3A_66, %dma_start3A_67] : memref<10000x64xi32, #tpu.memory_space<hbm>> -> memref<10000x64xi32, #tpu.memory_space<hbm>>
    tpu.enqueue_indirect_dma source(%dma_start3A_68 : memref<10000x64xi32, #tpu.memory_space<hbm>>) target(%arg15 : memref<80x64xi32, #tpu.memory_space<vmem>>) offsets(%dma_start3A_65 : memref<80xi32, #tpu.memory_space<vmem>>) semaphore(%arg22 : memref<!tpu.dma_semaphore, #tpu.memory_space<semaphore_mem>>)
    %dma_wait3A = arith.constant 0 : i32
    %dma_wait3A_69 = tpu.memref_slice %arg9[%dma_wait3A] : memref<10000xi32, #tpu.memory_space<vmem>> -> memref<80xi32, #tpu.memory_space<vmem>>
    %dma_wait3A_70 = arith.constant 0 : i32
    %dma_wait3A_71 = arith.constant 0 : i32
    %dma_wait3A_72 = tpu.memref_slice %arg2[%dma_wait3A_70, %dma_wait3A_71] : memref<10000x64xi32, #tpu.memory_space<hbm>> -> memref<10000x64xi32, #tpu.memory_space<hbm>>
    tpu.wait_indirect_dma semaphore(%arg19 : memref<!tpu.dma_semaphore, #tpu.memory_space<semaphore_mem>>) src(%dma_wait3A_72 : memref<10000x64xi32, #tpu.memory_space<hbm>>) dst(%arg12 : memref<80x64xi32, #tpu.memory_space<vmem>>)
    %dma_wait3A_73 = arith.constant 0 : i32
    %dma_wait3A_74 = tpu.memref_slice %arg10[%dma_wait3A_73] : memref<10000xi32, #tpu.memory_space<vmem>> -> memref<80xi32, #tpu.memory_space<vmem>>
    %dma_wait3A_75 = arith.constant 0 : i32
    %dma_wait3A_76 = arith.constant 0 : i32
    %dma_wait3A_77 = tpu.memref_slice %arg3[%dma_wait3A_75, %dma_wait3A_76] : memref<10000x64xi32, #tpu.memory_space<hbm>> -> memref<10000x64xi32, #tpu.memory_space<hbm>>
    tpu.wait_indirect_dma semaphore(%arg21 : memref<!tpu.dma_semaphore, #tpu.memory_space<semaphore_mem>>) src(%dma_wait3A_77 : memref<10000x64xi32, #tpu.memory_space<hbm>>) dst(%arg14 : memref<80x64xi32, #tpu.memory_space<vmem>>)
    %parallel_loop3A = arith.constant 0 : i32
    %parallel_loop3A_78 = arith.constant 80 : i32
    %parallel_loop3A_79 = arith.constant 1 : i32
    scf.for %parallel_loop3A_168 = %parallel_loop3A to %parallel_loop3A_78 step %parallel_loop3A_79  : i32 {
      %parallel_loop3A_169 = arith.constant 0 : i32
      %parallel_loop3A_170 = arith.addi %parallel_loop3A_169, %parallel_loop3A_168 : i32
      %parallel_loop3A_171 = arith.index_cast %parallel_loop3A_170 : i32 to index
      %parallel_loop3A_172 = tpu.vector_load %arg11[%parallel_loop3A_171] {strides = array<i32>} : memref<10016xf32, #tpu.memory_space<vmem>>, vector<16xf32>,
      %parallel_loop3A_173 = vector.shape_cast %parallel_loop3A_172 : vector<16xf32> to vector<16xf32>
      %parallel_loop3A_174 = vector.extract_strided_slice %parallel_loop3A_173 {offsets = [0], sizes = [1], strides = [1]} : vector<16xf32> to vector<1xf32>
      %parallel_loop3A_175 = vector.extract %parallel_loop3A_174[0] : f32 from vector<1xf32>
      %parallel_loop3A_176 = arith.constant -1.000000e+00 : f32
      %parallel_loop3A_177 = arith.mulf %parallel_loop3A_175, %parallel_loop3A_176 : f32
      %parallel_loop3A_178 = arith.index_cast %parallel_loop3A_168 : i32 to index
      %parallel_loop3A_179 = arith.constant 0 : index
      %parallel_loop3A_180 = tpu.vector_load %arg12[%parallel_loop3A_178, %parallel_loop3A_179] {strides = array<i32>} : memref<80x64xi32, #tpu.memory_space<vmem>>, vector<1x16xi32>,
      %parallel_loop3A_181 = vector.shape_cast %parallel_loop3A_180 : vector<1x16xi32> to vector<16xi32>
      %parallel_loop3A_182 = arith.index_cast %parallel_loop3A_168 : i32 to index
      %parallel_loop3A_183 = arith.constant 0 : index
      %parallel_loop3A_184 = tpu.vector_load %arg14[%parallel_loop3A_182, %parallel_loop3A_183] {strides = array<i32>} : memref<80x64xi32, #tpu.memory_space<vmem>>, vector<1x16xi32>,
      %parallel_loop3A_185 = vector.shape_cast %parallel_loop3A_184 : vector<1x16xi32> to vector<16xi32>
      %parallel_loop3A_186 = arith.constant 16 : i32
      %parallel_loop3A_187 = vector.broadcast %parallel_loop3A_186 : i32 to vector<16xi32>
      %parallel_loop3A_188 = arith.shli %parallel_loop3A_181, %parallel_loop3A_187 : vector<16xi32>
      %parallel_loop3A_189 = tpu.bitcast %parallel_loop3A_188 : vector<16xi32> -> vector<16xf32>
      %parallel_loop3A_190 = arith.constant -65536 : i32
      %parallel_loop3A_191 = vector.broadcast %parallel_loop3A_190 : i32 to vector<16xi32>
      %parallel_loop3A_192 = arith.andi %parallel_loop3A_181, %parallel_loop3A_191 : vector<16xi32>
      %parallel_loop3A_193 = tpu.bitcast %parallel_loop3A_192 : vector<16xi32> -> vector<16xf32>
      %parallel_loop3A_194 = arith.constant 16 : i32
      %parallel_loop3A_195 = vector.broadcast %parallel_loop3A_194 : i32 to vector<16xi32>
      %parallel_loop3A_196 = arith.shli %parallel_loop3A_185, %parallel_loop3A_195 : vector<16xi32>
      %parallel_loop3A_197 = tpu.bitcast %parallel_loop3A_196 : vector<16xi32> -> vector<16xf32>
      %parallel_loop3A_198 = arith.constant -65536 : i32
      %parallel_loop3A_199 = vector.broadcast %parallel_loop3A_198 : i32 to vector<16xi32>
      %parallel_loop3A_200 = arith.andi %parallel_loop3A_185, %parallel_loop3A_199 : vector<16xi32>
      %parallel_loop3A_201 = tpu.bitcast %parallel_loop3A_200 : vector<16xi32> -> vector<16xf32>
      %parallel_loop3A_202 = arith.addf %parallel_loop3A_189, %parallel_loop3A_197 : vector<16xf32>
      %parallel_loop3A_203 = vector.broadcast %parallel_loop3A_177 : f32 to vector<16xf32>
      %parallel_loop3A_204 = arith.mulf %parallel_loop3A_202, %parallel_loop3A_203 : vector<16xf32>
      %parallel_loop3A_205 = arith.addf %parallel_loop3A_204, %mul3A_7 : vector<16xf32>
      %parallel_loop3A_206 = math.exp %parallel_loop3A_205 : vector<16xf32>
      %parallel_loop3A_207 = arith.constant 1.000000e+00 : f32
      %parallel_loop3A_208 = vector.broadcast %parallel_loop3A_207 : f32 to vector<16xf32>
      %parallel_loop3A_209 = arith.addf %parallel_loop3A_208, %parallel_loop3A_206 : vector<16xf32>
      %parallel_loop3A_210 = arith.constant 1.000000e+00 : f32
      %parallel_loop3A_211 = vector.broadcast %parallel_loop3A_210 : f32 to vector<16xf32>
      %parallel_loop3A_212 = arith.divf %parallel_loop3A_211, %parallel_loop3A_209 : vector<16xf32>
      %parallel_loop3A_213 = arith.index_cast %parallel_loop3A_168 : i32 to index
      %parallel_loop3A_214 = arith.constant 0 : index
      %parallel_loop3A_215 = tpu.vector_load %arg16[%parallel_loop3A_213, %parallel_loop3A_214] {strides = array<i32>} : memref<80x128xf32, #tpu.memory_space<vmem>>, vector<1x16xf32>,
      %parallel_loop3A_216 = vector.shape_cast %parallel_loop3A_215 : vector<1x16xf32> to vector<16xf32>
      %parallel_loop3A_217 = vector.shape_cast %parallel_loop3A_212 : vector<16xf32> to vector<1x16xf32>
      tpu.vector_store %arg16[%parallel_loop3A_213, %parallel_loop3A_214], %parallel_loop3A_217 {strides = array<i32>} : memref<80x128xf32, #tpu.memory_space<vmem>>, vector<1x16xf32>,
      %parallel_loop3A_218 = arith.addf %parallel_loop3A_193, %parallel_loop3A_201 : vector<16xf32>
      %parallel_loop3A_219 = vector.broadcast %parallel_loop3A_177 : f32 to vector<16xf32>
      %parallel_loop3A_220 = arith.mulf %parallel_loop3A_218, %parallel_loop3A_219 : vector<16xf32>
      %parallel_loop3A_221 = arith.addf %parallel_loop3A_220, %mul3A_13 : vector<16xf32>
      %parallel_loop3A_222 = math.exp %parallel_loop3A_221 : vector<16xf32>
      %parallel_loop3A_223 = arith.constant 1.000000e+00 : f32
      %parallel_loop3A_224 = vector.broadcast %parallel_loop3A_223 : f32 to vector<16xf32>
      %parallel_loop3A_225 = arith.addf %parallel_loop3A_224, %parallel_loop3A_222 : vector<16xf32>
      %parallel_loop3A_226 = arith.constant 1.000000e+00 : f32
      %parallel_loop3A_227 = vector.broadcast %parallel_loop3A_226 : f32 to vector<16xf32>
      %parallel_loop3A_228 = arith.divf %parallel_loop3A_227, %parallel_loop3A_225 : vector<16xf32>
      %parallel_loop3A_229 = arith.index_cast %parallel_loop3A_168 : i32 to index
      %parallel_loop3A_230 = arith.constant 16 : index
      %parallel_loop3A_231 = tpu.vector_load %arg16[%parallel_loop3A_229, %parallel_loop3A_230] {strides = array<i32>} : memref<80x128xf32, #tpu.memory_space<vmem>>, vector<1x16xf32>,
      %parallel_loop3A_232 = vector.shape_cast %parallel_loop3A_231 : vector<1x16xf32> to vector<16xf32>
      %parallel_loop3A_233 = vector.shape_cast %parallel_loop3A_228 : vector<16xf32> to vector<1x16xf32>
      tpu.vector_store %arg16[%parallel_loop3A_229, %parallel_loop3A_230], %parallel_loop3A_233 {strides = array<i32>} : memref<80x128xf32, #tpu.memory_space<vmem>>, vector<1x16xf32>,
      %parallel_loop3A_234 = arith.index_cast %parallel_loop3A_168 : i32 to index
      %parallel_loop3A_235 = arith.constant 16 : index
      %parallel_loop3A_236 = tpu.vector_load %arg12[%parallel_loop3A_234, %parallel_loop3A_235] {strides = array<i32>} : memref<80x64xi32, #tpu.memory_space<vmem>>, vector<1x16xi32>,
      %parallel_loop3A_237 = vector.shape_cast %parallel_loop3A_236 : vector<1x16xi32> to vector<16xi32>
      %parallel_loop3A_238 = arith.index_cast %parallel_loop3A_168 : i32 to index
      %parallel_loop3A_239 = arith.constant 16 : index
      %parallel_loop3A_240 = tpu.vector_load %arg14[%parallel_loop3A_238, %parallel_loop3A_239] {strides = array<i32>} : memref<80x64xi32, #tpu.memory_space<vmem>>, vector<1x16xi32>,
      %parallel_loop3A_241 = vector.shape_cast %parallel_loop3A_240 : vector<1x16xi32> to vector<16xi32>
      %parallel_loop3A_242 = arith.constant 16 : i32
      %parallel_loop3A_243 = vector.broadcast %parallel_loop3A_242 : i32 to vector<16xi32>
      %parallel_loop3A_244 = arith.shli %parallel_loop3A_237, %parallel_loop3A_243 : vector<16xi32>
      %parallel_loop3A_245 = tpu.bitcast %parallel_loop3A_244 : vector<16xi32> -> vector<16xf32>
      %parallel_loop3A_246 = arith.constant -65536 : i32
      %parallel_loop3A_247 = vector.broadcast %parallel_loop3A_246 : i32 to vector<16xi32>
      %parallel_loop3A_248 = arith.andi %parallel_loop3A_237, %parallel_loop3A_247 : vector<16xi32>
      %parallel_loop3A_249 = tpu.bitcast %parallel_loop3A_248 : vector<16xi32> -> vector<16xf32>
      %parallel_loop3A_250 = arith.constant 16 : i32
      %parallel_loop3A_251 = vector.broadcast %parallel_loop3A_250 : i32 to vector<16xi32>
      %parallel_loop3A_252 = arith.shli %parallel_loop3A_241, %parallel_loop3A_251 : vector<16xi32>
      %parallel_loop3A_253 = tpu.bitcast %parallel_loop3A_252 : vector<16xi32> -> vector<16xf32>
      %parallel_loop3A_254 = arith.constant -65536 : i32
      %parallel_loop3A_255 = vector.broadcast %parallel_loop3A_254 : i32 to vector<16xi32>
      %parallel_loop3A_256 = arith.andi %parallel_loop3A_241, %parallel_loop3A_255 : vector<16xi32>
      %parallel_loop3A_257 = tpu.bitcast %parallel_loop3A_256 : vector<16xi32> -> vector<16xf32>
      %parallel_loop3A_258 = arith.addf %parallel_loop3A_245, %parallel_loop3A_253 : vector<16xf32>
      %parallel_loop3A_259 = vector.broadcast %parallel_loop3A_177 : f32 to vector<16xf32>
      %parallel_loop3A_260 = arith.mulf %parallel_loop3A_258, %parallel_loop3A_259 : vector<16xf32>
      %parallel_loop3A_261 = arith.addf %parallel_loop3A_260, %mul3A_19 : vector<16xf32>
      %parallel_loop3A_262 = math.exp %parallel_loop3A_261 : vector<16xf32>
      %parallel_loop3A_263 = arith.constant 1.000000e+00 : f32
      %parallel_loop3A_264 = vector.broadcast %parallel_loop3A_263 : f32 to vector<16xf32>
      %parallel_loop3A_265 = arith.addf %parallel_loop3A_264, %parallel_loop3A_262 : vector<16xf32>
      %parallel_loop3A_266 = arith.constant 1.000000e+00 : f32
      %parallel_loop3A_267 = vector.broadcast %parallel_loop3A_266 : f32 to vector<16xf32>
      %parallel_loop3A_268 = arith.divf %parallel_loop3A_267, %parallel_loop3A_265 : vector<16xf32>
      %parallel_loop3A_269 = arith.index_cast %parallel_loop3A_168 : i32 to index
      %parallel_loop3A_270 = arith.constant 32 : index
      %parallel_loop3A_271 = tpu.vector_load %arg16[%parallel_loop3A_269, %parallel_loop3A_270] {strides = array<i32>} : memref<80x128xf32, #tpu.memory_space<vmem>>, vector<1x16xf32>,
      %parallel_loop3A_272 = vector.shape_cast %parallel_loop3A_271 : vector<1x16xf32> to vector<16xf32>
      %parallel_loop3A_273 = vector.shape_cast %parallel_loop3A_268 : vector<16xf32> to vector<1x16xf32>
      tpu.vector_store %arg16[%parallel_loop3A_269, %parallel_loop3A_270], %parallel_loop3A_273 {strides = array<i32>} : memref<80x128xf32, #tpu.memory_space<vmem>>, vector<1x16xf32>,
      %parallel_loop3A_274 = arith.addf %parallel_loop3A_249, %parallel_loop3A_257 : vector<16xf32>
      %parallel_loop3A_275 = vector.broadcast %parallel_loop3A_177 : f32 to vector<16xf32>
      %parallel_loop3A_276 = arith.mulf %parallel_loop3A_274, %parallel_loop3A_275 : vector<16xf32>
      %parallel_loop3A_277 = arith.addf %parallel_loop3A_276, %mul3A_25 : vector<16xf32>
      %parallel_loop3A_278 = math.exp %parallel_loop3A_277 : vector<16xf32>
      %parallel_loop3A_279 = arith.constant 1.000000e+00 : f32
      %parallel_loop3A_280 = vector.broadcast %parallel_loop3A_279 : f32 to vector<16xf32>
      %parallel_loop3A_281 = arith.addf %parallel_loop3A_280, %parallel_loop3A_278 : vector<16xf32>
      %parallel_loop3A_282 = arith.constant 1.000000e+00 : f32
      %parallel_loop3A_283 = vector.broadcast %parallel_loop3A_282 : f32 to vector<16xf32>
      %parallel_loop3A_284 = arith.divf %parallel_loop3A_283, %parallel_loop3A_281 : vector<16xf32>
      %parallel_loop3A_285 = arith.index_cast %parallel_loop3A_168 : i32 to index
      %parallel_loop3A_286 = arith.constant 48 : index
      %parallel_loop3A_287 = tpu.vector_load %arg16[%parallel_loop3A_285, %parallel_loop3A_286] {strides = array<i32>} : memref<80x128xf32, #tpu.memory_space<vmem>>, vector<1x16xf32>,
      %parallel_loop3A_288 = vector.shape_cast %parallel_loop3A_287 : vector<1x16xf32> to vector<16xf32>
      %parallel_loop3A_289 = vector.shape_cast %parallel_loop3A_284 : vector<16xf32> to vector<1x16xf32>
      tpu.vector_store %arg16[%parallel_loop3A_285, %parallel_loop3A_286], %parallel_loop3A_289 {strides = array<i32>} : memref<80x128xf32, #tpu.memory_space<vmem>>, vector<1x16xf32>,
      %parallel_loop3A_290 = arith.index_cast %parallel_loop3A_168 : i32 to index
      %parallel_loop3A_291 = arith.constant 32 : index
      %parallel_loop3A_292 = tpu.vector_load %arg12[%parallel_loop3A_290, %parallel_loop3A_291] {strides = array<i32>} : memref<80x64xi32, #tpu.memory_space<vmem>>, vector<1x16xi32>,
      %parallel_loop3A_293 = vector.shape_cast %parallel_loop3A_292 : vector<1x16xi32> to vector<16xi32>
      %parallel_loop3A_294 = arith.index_cast %parallel_loop3A_168 : i32 to index
      %parallel_loop3A_295 = arith.constant 32 : index
      %parallel_loop3A_296 = tpu.vector_load %arg14[%parallel_loop3A_294, %parallel_loop3A_295] {strides = array<i32>} : memref<80x64xi32, #tpu.memory_space<vmem>>, vector<1x16xi32>,
      %parallel_loop3A_297 = vector.shape_cast %parallel_loop3A_296 : vector<1x16xi32> to vector<16xi32>
      %parallel_loop3A_298 = arith.constant 16 : i32
      %parallel_loop3A_299 = vector.broadcast %parallel_loop3A_298 : i32 to vector<16xi32>
      %parallel_loop3A_300 = arith.shli %parallel_loop3A_293, %parallel_loop3A_299 : vector<16xi32>
      %parallel_loop3A_301 = tpu.bitcast %parallel_loop3A_300 : vector<16xi32> -> vector<16xf32>
      %parallel_loop3A_302 = arith.constant -65536 : i32
      %parallel_loop3A_303 = vector.broadcast %parallel_loop3A_302 : i32 to vector<16xi32>
      %parallel_loop3A_304 = arith.andi %parallel_loop3A_293, %parallel_loop3A_303 : vector<16xi32>
      %parallel_loop3A_305 = tpu.bitcast %parallel_loop3A_304 : vector<16xi32> -> vector<16xf32>
      %parallel_loop3A_306 = arith.constant 16 : i32
      %parallel_loop3A_307 = vector.broadcast %parallel_loop3A_306 : i32 to vector<16xi32>
      %parallel_loop3A_308 = arith.shli %parallel_loop3A_297, %parallel_loop3A_307 : vector<16xi32>
      %parallel_loop3A_309 = tpu.bitcast %parallel_loop3A_308 : vector<16xi32> -> vector<16xf32>
      %parallel_loop3A_310 = arith.constant -65536 : i32
      %parallel_loop3A_311 = vector.broadcast %parallel_loop3A_310 : i32 to vector<16xi32>
      %parallel_loop3A_312 = arith.andi %parallel_loop3A_297, %parallel_loop3A_311 : vector<16xi32>
      %parallel_loop3A_313 = tpu.bitcast %parallel_loop3A_312 : vector<16xi32> -> vector<16xf32>
      %parallel_loop3A_314 = arith.addf %parallel_loop3A_301, %parallel_loop3A_309 : vector<16xf32>
      %parallel_loop3A_315 = vector.broadcast %parallel_loop3A_177 : f32 to vector<16xf32>
      %parallel_loop3A_316 = arith.mulf %parallel_loop3A_314, %parallel_loop3A_315 : vector<16xf32>
      %parallel_loop3A_317 = arith.addf %parallel_loop3A_316, %mul3A_31 : vector<16xf32>
      %parallel_loop3A_318 = math.exp %parallel_loop3A_317 : vector<16xf32>
      %parallel_loop3A_319 = arith.constant 1.000000e+00 : f32
      %parallel_loop3A_320 = vector.broadcast %parallel_loop3A_319 : f32 to vector<16xf32>
      %parallel_loop3A_321 = arith.addf %parallel_loop3A_320, %parallel_loop3A_318 : vector<16xf32>
      %parallel_loop3A_322 = arith.constant 1.000000e+00 : f32
      %parallel_loop3A_323 = vector.broadcast %parallel_loop3A_322 : f32 to vector<16xf32>
      %parallel_loop3A_324 = arith.divf %parallel_loop3A_323, %parallel_loop3A_321 : vector<16xf32>
      %parallel_loop3A_325 = arith.index_cast %parallel_loop3A_168 : i32 to index
      %parallel_loop3A_326 = arith.constant 64 : index
      %parallel_loop3A_327 = tpu.vector_load %arg16[%parallel_loop3A_325, %parallel_loop3A_326] {strides = array<i32>} : memref<80x128xf32, #tpu.memory_space<vmem>>, vector<1x16xf32>,
      %parallel_loop3A_328 = vector.shape_cast %parallel_loop3A_327 : vector<1x16xf32> to vector<16xf32>
      %parallel_loop3A_329 = vector.shape_cast %parallel_loop3A_324 : vector<16xf32> to vector<1x16xf32>
      tpu.vector_store %arg16[%parallel_loop3A_325, %parallel_loop3A_326], %parallel_loop3A_329 {strides = array<i32>} : memref<80x128xf32, #tpu.memory_space<vmem>>, vector<1x16xf32>,
      %parallel_loop3A_330 = arith.addf %parallel_loop3A_305, %parallel_loop3A_313 : vector<16xf32>
      %parallel_loop3A_331 = vector.broadcast %parallel_loop3A_177 : f32 to vector<16xf32>
      %parallel_loop3A_332 = arith.mulf %parallel_loop3A_330, %parallel_loop3A_331 : vector<16xf32>
      %parallel_loop3A_333 = arith.addf %parallel_loop3A_332, %mul3A_37 : vector<16xf32>
      %parallel_loop3A_334 = math.exp %parallel_loop3A_333 : vector<16xf32>
      %parallel_loop3A_335 = arith.constant 1.000000e+00 : f32
      %parallel_loop3A_336 = vector.broadcast %parallel_loop3A_335 : f32 to vector<16xf32>
      %parallel_loop3A_337 = arith.addf %parallel_loop3A_336, %parallel_loop3A_334 : vector<16xf32>
      %parallel_loop3A_338 = arith.constant 1.000000e+00 : f32
      %parallel_loop3A_339 = vector.broadcast %parallel_loop3A_338 : f32 to vector<16xf32>
      %parallel_loop3A_340 = arith.divf %parallel_loop3A_339, %parallel_loop3A_337 : vector<16xf32>
      %parallel_loop3A_341 = arith.index_cast %parallel_loop3A_168 : i32 to index
      %parallel_loop3A_342 = arith.constant 80 : index
      %parallel_loop3A_343 = tpu.vector_load %arg16[%parallel_loop3A_341, %parallel_loop3A_342] {strides = array<i32>} : memref<80x128xf32, #tpu.memory_space<vmem>>, vector<1x16xf32>,
      %parallel_loop3A_344 = vector.shape_cast %parallel_loop3A_343 : vector<1x16xf32> to vector<16xf32>
      %parallel_loop3A_345 = vector.shape_cast %parallel_loop3A_340 : vector<16xf32> to vector<1x16xf32>
      tpu.vector_store %arg16[%parallel_loop3A_341, %parallel_loop3A_342], %parallel_loop3A_345 {strides = array<i32>} : memref<80x128xf32, #tpu.memory_space<vmem>>, vector<1x16xf32>,
      %parallel_loop3A_346 = arith.index_cast %parallel_loop3A_168 : i32 to index
      %parallel_loop3A_347 = arith.constant 48 : index
      %parallel_loop3A_348 = tpu.vector_load %arg12[%parallel_loop3A_346, %parallel_loop3A_347] {strides = array<i32>} : memref<80x64xi32, #tpu.memory_space<vmem>>, vector<1x16xi32>,
      %parallel_loop3A_349 = vector.shape_cast %parallel_loop3A_348 : vector<1x16xi32> to vector<16xi32>
      %parallel_loop3A_350 = arith.index_cast %parallel_loop3A_168 : i32 to index
      %parallel_loop3A_351 = arith.constant 48 : index
      %parallel_loop3A_352 = tpu.vector_load %arg14[%parallel_loop3A_350, %parallel_loop3A_351] {strides = array<i32>} : memref<80x64xi32, #tpu.memory_space<vmem>>, vector<1x16xi32>,
      %parallel_loop3A_353 = vector.shape_cast %parallel_loop3A_352 : vector<1x16xi32> to vector<16xi32>
      %parallel_loop3A_354 = arith.constant 16 : i32
      %parallel_loop3A_355 = vector.broadcast %parallel_loop3A_354 : i32 to vector<16xi32>
      %parallel_loop3A_356 = arith.shli %parallel_loop3A_349, %parallel_loop3A_355 : vector<16xi32>
      %parallel_loop3A_357 = tpu.bitcast %parallel_loop3A_356 : vector<16xi32> -> vector<16xf32>
      %parallel_loop3A_358 = arith.constant -65536 : i32
      %parallel_loop3A_359 = vector.broadcast %parallel_loop3A_358 : i32 to vector<16xi32>
      %parallel_loop3A_360 = arith.andi %parallel_loop3A_349, %parallel_loop3A_359 : vector<16xi32>
      %parallel_loop3A_361 = tpu.bitcast %parallel_loop3A_360 : vector<16xi32> -> vector<16xf32>
      %parallel_loop3A_362 = arith.constant 16 : i32
      %parallel_loop3A_363 = vector.broadcast %parallel_loop3A_362 : i32 to vector<16xi32>
      %parallel_loop3A_364 = arith.shli %parallel_loop3A_353, %parallel_loop3A_363 : vector<16xi32>
      %parallel_loop3A_365 = tpu.bitcast %parallel_loop3A_364 : vector<16xi32> -> vector<16xf32>
      %parallel_loop3A_366 = arith.constant -65536 : i32
      %parallel_loop3A_367 = vector.broadcast %parallel_loop3A_366 : i32 to vector<16xi32>
      %parallel_loop3A_368 = arith.andi %parallel_loop3A_353, %parallel_loop3A_367 : vector<16xi32>
      %parallel_loop3A_369 = tpu.bitcast %parallel_loop3A_368 : vector<16xi32> -> vector<16xf32>
      %parallel_loop3A_370 = arith.addf %parallel_loop3A_357, %parallel_loop3A_365 : vector<16xf32>
      %parallel_loop3A_371 = vector.broadcast %parallel_loop3A_177 : f32 to vector<16xf32>
      %parallel_loop3A_372 = arith.mulf %parallel_loop3A_370, %parallel_loop3A_371 : vector<16xf32>
      %parallel_loop3A_373 = arith.addf %parallel_loop3A_372, %mul3A_43 : vector<16xf32>
      %parallel_loop3A_374 = math.exp %parallel_loop3A_373 : vector<16xf32>
      %parallel_loop3A_375 = arith.constant 1.000000e+00 : f32
      %parallel_loop3A_376 = vector.broadcast %parallel_loop3A_375 : f32 to vector<16xf32>
      %parallel_loop3A_377 = arith.addf %parallel_loop3A_376, %parallel_loop3A_374 : vector<16xf32>
      %parallel_loop3A_378 = arith.constant 1.000000e+00 : f32
      %parallel_loop3A_379 = vector.broadcast %parallel_loop3A_378 : f32 to vector<16xf32>
      %parallel_loop3A_380 = arith.divf %parallel_loop3A_379, %parallel_loop3A_377 : vector<16xf32>
      %parallel_loop3A_381 = arith.index_cast %parallel_loop3A_168 : i32 to index
      %parallel_loop3A_382 = arith.constant 96 : index
      %parallel_loop3A_383 = tpu.vector_load %arg16[%parallel_loop3A_381, %parallel_loop3A_382] {strides = array<i32>} : memref<80x128xf32, #tpu.memory_space<vmem>>, vector<1x16xf32>,
      %parallel_loop3A_384 = vector.shape_cast %parallel_loop3A_383 : vector<1x16xf32> to vector<16xf32>
      %parallel_loop3A_385 = vector.shape_cast %parallel_loop3A_380 : vector<16xf32> to vector<1x16xf32>
      tpu.vector_store %arg16[%parallel_loop3A_381, %parallel_loop3A_382], %parallel_loop3A_385 {strides = array<i32>} : memref<80x128xf32, #tpu.memory_space<vmem>>, vector<1x16xf32>,
      %parallel_loop3A_386 = arith.addf %parallel_loop3A_361, %parallel_loop3A_369 : vector<16xf32>
      %parallel_loop3A_387 = vector.broadcast %parallel_loop3A_177 : f32 to vector<16xf32>
      %parallel_loop3A_388 = arith.mulf %parallel_loop3A_386, %parallel_loop3A_387 : vector<16xf32>
      %parallel_loop3A_389 = arith.addf %parallel_loop3A_388, %mul3A_49 : vector<16xf32>
      %parallel_loop3A_390 = math.exp %parallel_loop3A_389 : vector<16xf32>
      %parallel_loop3A_391 = arith.constant 1.000000e+00 : f32
      %parallel_loop3A_392 = vector.broadcast %parallel_loop3A_391 : f32 to vector<16xf32>
      %parallel_loop3A_393 = arith.addf %parallel_loop3A_392, %parallel_loop3A_390 : vector<16xf32>
      %parallel_loop3A_394 = arith.constant 1.000000e+00 : f32
      %parallel_loop3A_395 = vector.broadcast %parallel_loop3A_394 : f32 to vector<16xf32>
      %parallel_loop3A_396 = arith.divf %parallel_loop3A_395, %parallel_loop3A_393 : vector<16xf32>
      %parallel_loop3A_397 = arith.index_cast %parallel_loop3A_168 : i32 to index
      %parallel_loop3A_398 = arith.constant 112 : index
      %parallel_loop3A_399 = tpu.vector_load %arg16[%parallel_loop3A_397, %parallel_loop3A_398] {strides = array<i32>} : memref<80x128xf32, #tpu.memory_space<vmem>>, vector<1x16xf32>,
      %parallel_loop3A_400 = vector.shape_cast %parallel_loop3A_399 : vector<1x16xf32> to vector<16xf32>
      %parallel_loop3A_401 = vector.shape_cast %parallel_loop3A_396 : vector<16xf32> to vector<1x16xf32>
      tpu.vector_store %arg16[%parallel_loop3A_397, %parallel_loop3A_398], %parallel_loop3A_401 {strides = array<i32>} : memref<80x128xf32, #tpu.memory_space<vmem>>, vector<1x16xf32>,
    } {sc.loop_unroll_factor = 2 : i64, sc.parallel_access}
    %add3A_80 = arith.constant 0 : i32
    %add3A_81 = arith.addi %mul3A_2, %add3A_80 : i32
    %dma_start3A_82 = arith.constant 0 : i32
    %dma_start3A_83 = tpu.memref_slice %arg8[%add3A_81, %dma_start3A_82] : memref<320000x128xf32, #tpu.memory_space<hbm>> -> memref<80x128xf32, #tpu.memory_space<hbm>>
    %dma_start3A_84 = arith.constant 0 : i32
    %dma_start3A_85 = tpu.memref_slice %arg8[%add3A_81, %dma_start3A_84] : memref<320000x128xf32, #tpu.memory_space<hbm>> -> memref<80x128xf32, #tpu.memory_space<hbm>>
    tpu.enqueue_dma source(%arg16 : memref<80x128xf32, #tpu.memory_space<vmem>>) target(%dma_start3A_85 : memref<80x128xf32, #tpu.memory_space<hbm>>) target_semaphore(%arg23 : memref<!tpu.dma_semaphore, #tpu.memory_space<semaphore_mem>>)
    %dma_start3A_86 = arith.constant 160 : i32
    %dma_start3A_87 = tpu.memref_slice %arg9[%dma_start3A_86] : memref<10000xi32, #tpu.memory_space<vmem>> -> memref<80xi32, #tpu.memory_space<vmem>>
    %dma_start3A_88 = arith.constant 0 : i32
    %dma_start3A_89 = arith.constant 0 : i32
    %dma_start3A_90 = tpu.memref_slice %arg2[%dma_start3A_88, %dma_start3A_89] : memref<10000x64xi32, #tpu.memory_space<hbm>> -> memref<10000x64xi32, #tpu.memory_space<hbm>>
    tpu.enqueue_indirect_dma source(%dma_start3A_90 : memref<10000x64xi32, #tpu.memory_space<hbm>>) target(%arg12 : memref<80x64xi32, #tpu.memory_space<vmem>>) offsets(%dma_start3A_87 : memref<80xi32, #tpu.memory_space<vmem>>) semaphore(%arg19 : memref<!tpu.dma_semaphore, #tpu.memory_space<semaphore_mem>>)
    %dma_start3A_91 = arith.constant 160 : i32
    %dma_start3A_92 = tpu.memref_slice %arg10[%dma_start3A_91] : memref<10000xi32, #tpu.memory_space<vmem>> -> memref<80xi32, #tpu.memory_space<vmem>>
    %dma_start3A_93 = arith.constant 0 : i32
    %dma_start3A_94 = arith.constant 0 : i32
    %dma_start3A_95 = tpu.memref_slice %arg3[%dma_start3A_93, %dma_start3A_94] : memref<10000x64xi32, #tpu.memory_space<hbm>> -> memref<10000x64xi32, #tpu.memory_space<hbm>>
    tpu.enqueue_indirect_dma source(%dma_start3A_95 : memref<10000x64xi32, #tpu.memory_space<hbm>>) target(%arg14 : memref<80x64xi32, #tpu.memory_space<vmem>>) offsets(%dma_start3A_92 : memref<80xi32, #tpu.memory_space<vmem>>) semaphore(%arg21 : memref<!tpu.dma_semaphore, #tpu.memory_space<semaphore_mem>>)
    %dma_wait3A_96 = arith.constant 0 : i32
    %dma_wait3A_97 = tpu.memref_slice %arg9[%dma_wait3A_96] : memref<10000xi32, #tpu.memory_space<vmem>> -> memref<80xi32, #tpu.memory_space<vmem>>
    %dma_wait3A_98 = arith.constant 0 : i32
    %dma_wait3A_99 = arith.constant 0 : i32
    %dma_wait3A_100 = tpu.memref_slice %arg2[%dma_wait3A_98, %dma_wait3A_99] : memref<10000x64xi32, #tpu.memory_space<hbm>> -> memref<10000x64xi32, #tpu.memory_space<hbm>>
    tpu.wait_indirect_dma semaphore(%arg20 : memref<!tpu.dma_semaphore, #tpu.memory_space<semaphore_mem>>) src(%dma_wait3A_100 : memref<10000x64xi32, #tpu.memory_space<hbm>>) dst(%arg13 : memref<80x64xi32, #tpu.memory_space<vmem>>)
    %dma_wait3A_101 = arith.constant 0 : i32
    %dma_wait3A_102 = tpu.memref_slice %arg10[%dma_wait3A_101] : memref<10000xi32, #tpu.memory_space<vmem>> -> memref<80xi32, #tpu.memory_space<vmem>>
    %dma_wait3A_103 = arith.constant 0 : i32
    %dma_wait3A_104 = arith.constant 0 : i32
    %dma_wait3A_105 = tpu.memref_slice %arg3[%dma_wait3A_103, %dma_wait3A_104] : memref<10000x64xi32, #tpu.memory_space<hbm>> -> memref<10000x64xi32, #tpu.memory_space<hbm>>
    tpu.wait_indirect_dma semaphore(%arg22 : memref<!tpu.dma_semaphore, #tpu.memory_space<semaphore_mem>>) src(%dma_wait3A_105 : memref<10000x64xi32, #tpu.memory_space<hbm>>) dst(%arg15 : memref<80x64xi32, #tpu.memory_space<vmem>>)
    %parallel_loop3A_106 = arith.constant 0 : i32
    %parallel_loop3A_107 = arith.constant 80 : i32
    %parallel_loop3A_108 = arith.constant 1 : i32
    scf.for %parallel_loop3A_168 = %parallel_loop3A_106 to %parallel_loop3A_107 step %parallel_loop3A_108  : i32 {
      %parallel_loop3A_169 = arith.constant 80 : i32
      %parallel_loop3A_170 = arith.addi %parallel_loop3A_169, %parallel_loop3A_168 : i32
      %parallel_loop3A_171 = arith.index_cast %parallel_loop3A_170 : i32 to index
      %parallel_loop3A_172 = tpu.vector_load %arg11[%parallel_loop3A_171] {strides = array<i32>} : memref<10016xf32, #tpu.memory_space<vmem>>, vector<16xf32>,
      %parallel_loop3A_173 = vector.shape_cast %parallel_loop3A_172 : vector<16xf32> to vector<16xf32>
      %parallel_loop3A_174 = vector.extract_strided_slice %parallel_loop3A_173 {offsets = [0], sizes = [1], strides = [1]} : vector<16xf32> to vector<1xf32>
      %parallel_loop3A_175 = vector.extract %parallel_loop3A_174[0] : f32 from vector<1xf32>
      %parallel_loop3A_176 = arith.constant -1.000000e+00 : f32
      %parallel_loop3A_177 = arith.mulf %parallel_loop3A_175, %parallel_loop3A_176 : f32
      %parallel_loop3A_178 = arith.index_cast %parallel_loop3A_168 : i32 to index
      %parallel_loop3A_179 = arith.constant 0 : index
      %parallel_loop3A_180 = tpu.vector_load %arg13[%parallel_loop3A_178, %parallel_loop3A_179] {strides = array<i32>} : memref<80x64xi32, #tpu.memory_space<vmem>>, vector<1x16xi32>,
      %parallel_loop3A_181 = vector.shape_cast %parallel_loop3A_180 : vector<1x16xi32> to vector<16xi32>
      %parallel_loop3A_182 = arith.index_cast %parallel_loop3A_168 : i32 to index
      %parallel_loop3A_183 = arith.constant 0 : index
      %parallel_loop3A_184 = tpu.vector_load %arg15[%parallel_loop3A_182, %parallel_loop3A_183] {strides = array<i32>} : memref<80x64xi32, #tpu.memory_space<vmem>>, vector<1x16xi32>,
      %parallel_loop3A_185 = vector.shape_cast %parallel_loop3A_184 : vector<1x16xi32> to vector<16xi32>
      %parallel_loop3A_186 = arith.constant 16 : i32
      %parallel_loop3A_187 = vector.broadcast %parallel_loop3A_186 : i32 to vector<16xi32>
      %parallel_loop3A_188 = arith.shli %parallel_loop3A_181, %parallel_loop3A_187 : vector<16xi32>
      %parallel_loop3A_189 = tpu.bitcast %parallel_loop3A_188 : vector<16xi32> -> vector<16xf32>
      %parallel_loop3A_190 = arith.constant -65536 : i32
      %parallel_loop3A_191 = vector.broadcast %parallel_loop3A_190 : i32 to vector<16xi32>
      %parallel_loop3A_192 = arith.andi %parallel_loop3A_181, %parallel_loop3A_191 : vector<16xi32>
      %parallel_loop3A_193 = tpu.bitcast %parallel_loop3A_192 : vector<16xi32> -> vector<16xf32>
      %parallel_loop3A_194 = arith.constant 16 : i32
      %parallel_loop3A_195 = vector.broadcast %parallel_loop3A_194 : i32 to vector<16xi32>
      %parallel_loop3A_196 = arith.shli %parallel_loop3A_185, %parallel_loop3A_195 : vector<16xi32>
      %parallel_loop3A_197 = tpu.bitcast %parallel_loop3A_196 : vector<16xi32> -> vector<16xf32>
      %parallel_loop3A_198 = arith.constant -65536 : i32
      %parallel_loop3A_199 = vector.broadcast %parallel_loop3A_198 : i32 to vector<16xi32>
      %parallel_loop3A_200 = arith.andi %parallel_loop3A_185, %parallel_loop3A_199 : vector<16xi32>
      %parallel_loop3A_201 = tpu.bitcast %parallel_loop3A_200 : vector<16xi32> -> vector<16xf32>
      %parallel_loop3A_202 = arith.addf %parallel_loop3A_189, %parallel_loop3A_197 : vector<16xf32>
      %parallel_loop3A_203 = vector.broadcast %parallel_loop3A_177 : f32 to vector<16xf32>
      %parallel_loop3A_204 = arith.mulf %parallel_loop3A_202, %parallel_loop3A_203 : vector<16xf32>
      %parallel_loop3A_205 = arith.addf %parallel_loop3A_204, %mul3A_7 : vector<16xf32>
      %parallel_loop3A_206 = math.exp %parallel_loop3A_205 : vector<16xf32>
      %parallel_loop3A_207 = arith.constant 1.000000e+00 : f32
      %parallel_loop3A_208 = vector.broadcast %parallel_loop3A_207 : f32 to vector<16xf32>
      %parallel_loop3A_209 = arith.addf %parallel_loop3A_208, %parallel_loop3A_206 : vector<16xf32>
      %parallel_loop3A_210 = arith.constant 1.000000e+00 : f32
      %parallel_loop3A_211 = vector.broadcast %parallel_loop3A_210 : f32 to vector<16xf32>
      %parallel_loop3A_212 = arith.divf %parallel_loop3A_211, %parallel_loop3A_209 : vector<16xf32>
      %parallel_loop3A_213 = arith.index_cast %parallel_loop3A_168 : i32 to index
      %parallel_loop3A_214 = arith.constant 0 : index
      %parallel_loop3A_215 = tpu.vector_load %arg17[%parallel_loop3A_213, %parallel_loop3A_214] {strides = array<i32>} : memref<80x128xf32, #tpu.memory_space<vmem>>, vector<1x16xf32>,
      %parallel_loop3A_216 = vector.shape_cast %parallel_loop3A_215 : vector<1x16xf32> to vector<16xf32>
      %parallel_loop3A_217 = vector.shape_cast %parallel_loop3A_212 : vector<16xf32> to vector<1x16xf32>
      tpu.vector_store %arg17[%parallel_loop3A_213, %parallel_loop3A_214], %parallel_loop3A_217 {strides = array<i32>} : memref<80x128xf32, #tpu.memory_space<vmem>>, vector<1x16xf32>,
      %parallel_loop3A_218 = arith.addf %parallel_loop3A_193, %parallel_loop3A_201 : vector<16xf32>
      %parallel_loop3A_219 = vector.broadcast %parallel_loop3A_177 : f32 to vector<16xf32>
      %parallel_loop3A_220 = arith.mulf %parallel_loop3A_218, %parallel_loop3A_219 : vector<16xf32>
      %parallel_loop3A_221 = arith.addf %parallel_loop3A_220, %mul3A_13 : vector<16xf32>
      %parallel_loop3A_222 = math.exp %parallel_loop3A_221 : vector<16xf32>
      %parallel_loop3A_223 = arith.constant 1.000000e+00 : f32
      %parallel_loop3A_224 = vector.broadcast %parallel_loop3A_223 : f32 to vector<16xf32>
      %parallel_loop3A_225 = arith.addf %parallel_loop3A_224, %parallel_loop3A_222 : vector<16xf32>
      %parallel_loop3A_226 = arith.constant 1.000000e+00 : f32
      %parallel_loop3A_227 = vector.broadcast %parallel_loop3A_226 : f32 to vector<16xf32>
      %parallel_loop3A_228 = arith.divf %parallel_loop3A_227, %parallel_loop3A_225 : vector<16xf32>
      %parallel_loop3A_229 = arith.index_cast %parallel_loop3A_168 : i32 to index
      %parallel_loop3A_230 = arith.constant 16 : index
      %parallel_loop3A_231 = tpu.vector_load %arg17[%parallel_loop3A_229, %parallel_loop3A_230] {strides = array<i32>} : memref<80x128xf32, #tpu.memory_space<vmem>>, vector<1x16xf32>,
      %parallel_loop3A_232 = vector.shape_cast %parallel_loop3A_231 : vector<1x16xf32> to vector<16xf32>
      %parallel_loop3A_233 = vector.shape_cast %parallel_loop3A_228 : vector<16xf32> to vector<1x16xf32>
      tpu.vector_store %arg17[%parallel_loop3A_229, %parallel_loop3A_230], %parallel_loop3A_233 {strides = array<i32>} : memref<80x128xf32, #tpu.memory_space<vmem>>, vector<1x16xf32>,
      %parallel_loop3A_234 = arith.index_cast %parallel_loop3A_168 : i32 to index
      %parallel_loop3A_235 = arith.constant 16 : index
      %parallel_loop3A_236 = tpu.vector_load %arg13[%parallel_loop3A_234, %parallel_loop3A_235] {strides = array<i32>} : memref<80x64xi32, #tpu.memory_space<vmem>>, vector<1x16xi32>,
      %parallel_loop3A_237 = vector.shape_cast %parallel_loop3A_236 : vector<1x16xi32> to vector<16xi32>
      %parallel_loop3A_238 = arith.index_cast %parallel_loop3A_168 : i32 to index
      %parallel_loop3A_239 = arith.constant 16 : index
      %parallel_loop3A_240 = tpu.vector_load %arg15[%parallel_loop3A_238, %parallel_loop3A_239] {strides = array<i32>} : memref<80x64xi32, #tpu.memory_space<vmem>>, vector<1x16xi32>,
      %parallel_loop3A_241 = vector.shape_cast %parallel_loop3A_240 : vector<1x16xi32> to vector<16xi32>
      %parallel_loop3A_242 = arith.constant 16 : i32
      %parallel_loop3A_243 = vector.broadcast %parallel_loop3A_242 : i32 to vector<16xi32>
      %parallel_loop3A_244 = arith.shli %parallel_loop3A_237, %parallel_loop3A_243 : vector<16xi32>
      %parallel_loop3A_245 = tpu.bitcast %parallel_loop3A_244 : vector<16xi32> -> vector<16xf32>
      %parallel_loop3A_246 = arith.constant -65536 : i32
      %parallel_loop3A_247 = vector.broadcast %parallel_loop3A_246 : i32 to vector<16xi32>
      %parallel_loop3A_248 = arith.andi %parallel_loop3A_237, %parallel_loop3A_247 : vector<16xi32>
      %parallel_loop3A_249 = tpu.bitcast %parallel_loop3A_248 : vector<16xi32> -> vector<16xf32>
      %parallel_loop3A_250 = arith.constant 16 : i32
      %parallel_loop3A_251 = vector.broadcast %parallel_loop3A_250 : i32 to vector<16xi32>
      %parallel_loop3A_252 = arith.shli %parallel_loop3A_241, %parallel_loop3A_251 : vector<16xi32>
      %parallel_loop3A_253 = tpu.bitcast %parallel_loop3A_252 : vector<16xi32> -> vector<16xf32>
      %parallel_loop3A_254 = arith.constant -65536 : i32
      %parallel_loop3A_255 = vector.broadcast %parallel_loop3A_254 : i32 to vector<16xi32>
      %parallel_loop3A_256 = arith.andi %parallel_loop3A_241, %parallel_loop3A_255 : vector<16xi32>
      %parallel_loop3A_257 = tpu.bitcast %parallel_loop3A_256 : vector<16xi32> -> vector<16xf32>
      %parallel_loop3A_258 = arith.addf %parallel_loop3A_245, %parallel_loop3A_253 : vector<16xf32>
      %parallel_loop3A_259 = vector.broadcast %parallel_loop3A_177 : f32 to vector<16xf32>
      %parallel_loop3A_260 = arith.mulf %parallel_loop3A_258, %parallel_loop3A_259 : vector<16xf32>
      %parallel_loop3A_261 = arith.addf %parallel_loop3A_260, %mul3A_19 : vector<16xf32>
      %parallel_loop3A_262 = math.exp %parallel_loop3A_261 : vector<16xf32>
      %parallel_loop3A_263 = arith.constant 1.000000e+00 : f32
      %parallel_loop3A_264 = vector.broadcast %parallel_loop3A_263 : f32 to vector<16xf32>
      %parallel_loop3A_265 = arith.addf %parallel_loop3A_264, %parallel_loop3A_262 : vector<16xf32>
      %parallel_loop3A_266 = arith.constant 1.000000e+00 : f32
      %parallel_loop3A_267 = vector.broadcast %parallel_loop3A_266 : f32 to vector<16xf32>
      %parallel_loop3A_268 = arith.divf %parallel_loop3A_267, %parallel_loop3A_265 : vector<16xf32>
      %parallel_loop3A_269 = arith.index_cast %parallel_loop3A_168 : i32 to index
      %parallel_loop3A_270 = arith.constant 32 : index
      %parallel_loop3A_271 = tpu.vector_load %arg17[%parallel_loop3A_269, %parallel_loop3A_270] {strides = array<i32>} : memref<80x128xf32, #tpu.memory_space<vmem>>, vector<1x16xf32>,
      %parallel_loop3A_272 = vector.shape_cast %parallel_loop3A_271 : vector<1x16xf32> to vector<16xf32>
      %parallel_loop3A_273 = vector.shape_cast %parallel_loop3A_268 : vector<16xf32> to vector<1x16xf32>
      tpu.vector_store %arg17[%parallel_loop3A_269, %parallel_loop3A_270], %parallel_loop3A_273 {strides = array<i32>} : memref<80x128xf32, #tpu.memory_space<vmem>>, vector<1x16xf32>,
      %parallel_loop3A_274 = arith.addf %parallel_loop3A_249, %parallel_loop3A_257 : vector<16xf32>
      %parallel_loop3A_275 = vector.broadcast %parallel_loop3A_177 : f32 to vector<16xf32>
      %parallel_loop3A_276 = arith.mulf %parallel_loop3A_274, %parallel_loop3A_275 : vector<16xf32>
      %parallel_loop3A_277 = arith.addf %parallel_loop3A_276, %mul3A_25 : vector<16xf32>
      %parallel_loop3A_278 = math.exp %parallel_loop3A_277 : vector<16xf32>
      %parallel_loop3A_279 = arith.constant 1.000000e+00 : f32
      %parallel_loop3A_280 = vector.broadcast %parallel_loop3A_279 : f32 to vector<16xf32>
      %parallel_loop3A_281 = arith.addf %parallel_loop3A_280, %parallel_loop3A_278 : vector<16xf32>
      %parallel_loop3A_282 = arith.constant 1.000000e+00 : f32
      %parallel_loop3A_283 = vector.broadcast %parallel_loop3A_282 : f32 to vector<16xf32>
      %parallel_loop3A_284 = arith.divf %parallel_loop3A_283, %parallel_loop3A_281 : vector<16xf32>
      %parallel_loop3A_285 = arith.index_cast %parallel_loop3A_168 : i32 to index
      %parallel_loop3A_286 = arith.constant 48 : index
      %parallel_loop3A_287 = tpu.vector_load %arg17[%parallel_loop3A_285, %parallel_loop3A_286] {strides = array<i32>} : memref<80x128xf32, #tpu.memory_space<vmem>>, vector<1x16xf32>,
      %parallel_loop3A_288 = vector.shape_cast %parallel_loop3A_287 : vector<1x16xf32> to vector<16xf32>
      %parallel_loop3A_289 = vector.shape_cast %parallel_loop3A_284 : vector<16xf32> to vector<1x16xf32>
      tpu.vector_store %arg17[%parallel_loop3A_285, %parallel_loop3A_286], %parallel_loop3A_289 {strides = array<i32>} : memref<80x128xf32, #tpu.memory_space<vmem>>, vector<1x16xf32>,
      %parallel_loop3A_290 = arith.index_cast %parallel_loop3A_168 : i32 to index
      %parallel_loop3A_291 = arith.constant 32 : index
      %parallel_loop3A_292 = tpu.vector_load %arg13[%parallel_loop3A_290, %parallel_loop3A_291] {strides = array<i32>} : memref<80x64xi32, #tpu.memory_space<vmem>>, vector<1x16xi32>,
      %parallel_loop3A_293 = vector.shape_cast %parallel_loop3A_292 : vector<1x16xi32> to vector<16xi32>
      %parallel_loop3A_294 = arith.index_cast %parallel_loop3A_168 : i32 to index
      %parallel_loop3A_295 = arith.constant 32 : index
      %parallel_loop3A_296 = tpu.vector_load %arg15[%parallel_loop3A_294, %parallel_loop3A_295] {strides = array<i32>} : memref<80x64xi32, #tpu.memory_space<vmem>>, vector<1x16xi32>,
      %parallel_loop3A_297 = vector.shape_cast %parallel_loop3A_296 : vector<1x16xi32> to vector<16xi32>
      %parallel_loop3A_298 = arith.constant 16 : i32
      %parallel_loop3A_299 = vector.broadcast %parallel_loop3A_298 : i32 to vector<16xi32>
      %parallel_loop3A_300 = arith.shli %parallel_loop3A_293, %parallel_loop3A_299 : vector<16xi32>
      %parallel_loop3A_301 = tpu.bitcast %parallel_loop3A_300 : vector<16xi32> -> vector<16xf32>
      %parallel_loop3A_302 = arith.constant -65536 : i32
      %parallel_loop3A_303 = vector.broadcast %parallel_loop3A_302 : i32 to vector<16xi32>
      %parallel_loop3A_304 = arith.andi %parallel_loop3A_293, %parallel_loop3A_303 : vector<16xi32>
      %parallel_loop3A_305 = tpu.bitcast %parallel_loop3A_304 : vector<16xi32> -> vector<16xf32>
      %parallel_loop3A_306 = arith.constant 16 : i32
      %parallel_loop3A_307 = vector.broadcast %parallel_loop3A_306 : i32 to vector<16xi32>
      %parallel_loop3A_308 = arith.shli %parallel_loop3A_297, %parallel_loop3A_307 : vector<16xi32>
      %parallel_loop3A_309 = tpu.bitcast %parallel_loop3A_308 : vector<16xi32> -> vector<16xf32>
      %parallel_loop3A_310 = arith.constant -65536 : i32
      %parallel_loop3A_311 = vector.broadcast %parallel_loop3A_310 : i32 to vector<16xi32>
      %parallel_loop3A_312 = arith.andi %parallel_loop3A_297, %parallel_loop3A_311 : vector<16xi32>
      %parallel_loop3A_313 = tpu.bitcast %parallel_loop3A_312 : vector<16xi32> -> vector<16xf32>
      %parallel_loop3A_314 = arith.addf %parallel_loop3A_301, %parallel_loop3A_309 : vector<16xf32>
      %parallel_loop3A_315 = vector.broadcast %parallel_loop3A_177 : f32 to vector<16xf32>
      %parallel_loop3A_316 = arith.mulf %parallel_loop3A_314, %parallel_loop3A_315 : vector<16xf32>
      %parallel_loop3A_317 = arith.addf %parallel_loop3A_316, %mul3A_31 : vector<16xf32>
      %parallel_loop3A_318 = math.exp %parallel_loop3A_317 : vector<16xf32>
      %parallel_loop3A_319 = arith.constant 1.000000e+00 : f32
      %parallel_loop3A_320 = vector.broadcast %parallel_loop3A_319 : f32 to vector<16xf32>
      %parallel_loop3A_321 = arith.addf %parallel_loop3A_320, %parallel_loop3A_318 : vector<16xf32>
      %parallel_loop3A_322 = arith.constant 1.000000e+00 : f32
      %parallel_loop3A_323 = vector.broadcast %parallel_loop3A_322 : f32 to vector<16xf32>
      %parallel_loop3A_324 = arith.divf %parallel_loop3A_323, %parallel_loop3A_321 : vector<16xf32>
      %parallel_loop3A_325 = arith.index_cast %parallel_loop3A_168 : i32 to index
      %parallel_loop3A_326 = arith.constant 64 : index
      %parallel_loop3A_327 = tpu.vector_load %arg17[%parallel_loop3A_325, %parallel_loop3A_326] {strides = array<i32>} : memref<80x128xf32, #tpu.memory_space<vmem>>, vector<1x16xf32>,
      %parallel_loop3A_328 = vector.shape_cast %parallel_loop3A_327 : vector<1x16xf32> to vector<16xf32>
      %parallel_loop3A_329 = vector.shape_cast %parallel_loop3A_324 : vector<16xf32> to vector<1x16xf32>
      tpu.vector_store %arg17[%parallel_loop3A_325, %parallel_loop3A_326], %parallel_loop3A_329 {strides = array<i32>} : memref<80x128xf32, #tpu.memory_space<vmem>>, vector<1x16xf32>,
      %parallel_loop3A_330 = arith.addf %parallel_loop3A_305, %parallel_loop3A_313 : vector<16xf32>
      %parallel_loop3A_331 = vector.broadcast %parallel_loop3A_177 : f32 to vector<16xf32>
      %parallel_loop3A_332 = arith.mulf %parallel_loop3A_330, %parallel_loop3A_331 : vector<16xf32>
      %parallel_loop3A_333 = arith.addf %parallel_loop3A_332, %mul3A_37 : vector<16xf32>
      %parallel_loop3A_334 = math.exp %parallel_loop3A_333 : vector<16xf32>
      %parallel_loop3A_335 = arith.constant 1.000000e+00 : f32
      %parallel_loop3A_336 = vector.broadcast %parallel_loop3A_335 : f32 to vector<16xf32>
      %parallel_loop3A_337 = arith.addf %parallel_loop3A_336, %parallel_loop3A_334 : vector<16xf32>
      %parallel_loop3A_338 = arith.constant 1.000000e+00 : f32
      %parallel_loop3A_339 = vector.broadcast %parallel_loop3A_338 : f32 to vector<16xf32>
      %parallel_loop3A_340 = arith.divf %parallel_loop3A_339, %parallel_loop3A_337 : vector<16xf32>
      %parallel_loop3A_341 = arith.index_cast %parallel_loop3A_168 : i32 to index
      %parallel_loop3A_342 = arith.constant 80 : index
      %parallel_loop3A_343 = tpu.vector_load %arg17[%parallel_loop3A_341, %parallel_loop3A_342] {strides = array<i32>} : memref<80x128xf32, #tpu.memory_space<vmem>>, vector<1x16xf32>,
      %parallel_loop3A_344 = vector.shape_cast %parallel_loop3A_343 : vector<1x16xf32> to vector<16xf32>
      %parallel_loop3A_345 = vector.shape_cast %parallel_loop3A_340 : vector<16xf32> to vector<1x16xf32>
      tpu.vector_store %arg17[%parallel_loop3A_341, %parallel_loop3A_342], %parallel_loop3A_345 {strides = array<i32>} : memref<80x128xf32, #tpu.memory_space<vmem>>, vector<1x16xf32>,
      %parallel_loop3A_346 = arith.index_cast %parallel_loop3A_168 : i32 to index
      %parallel_loop3A_347 = arith.constant 48 : index
      %parallel_loop3A_348 = tpu.vector_load %arg13[%parallel_loop3A_346, %parallel_loop3A_347] {strides = array<i32>} : memref<80x64xi32, #tpu.memory_space<vmem>>, vector<1x16xi32>,
      %parallel_loop3A_349 = vector.shape_cast %parallel_loop3A_348 : vector<1x16xi32> to vector<16xi32>
      %parallel_loop3A_350 = arith.index_cast %parallel_loop3A_168 : i32 to index
      %parallel_loop3A_351 = arith.constant 48 : index
      %parallel_loop3A_352 = tpu.vector_load %arg15[%parallel_loop3A_350, %parallel_loop3A_351] {strides = array<i32>} : memref<80x64xi32, #tpu.memory_space<vmem>>, vector<1x16xi32>,
      %parallel_loop3A_353 = vector.shape_cast %parallel_loop3A_352 : vector<1x16xi32> to vector<16xi32>
      %parallel_loop3A_354 = arith.constant 16 : i32
      %parallel_loop3A_355 = vector.broadcast %parallel_loop3A_354 : i32 to vector<16xi32>
      %parallel_loop3A_356 = arith.shli %parallel_loop3A_349, %parallel_loop3A_355 : vector<16xi32>
      %parallel_loop3A_357 = tpu.bitcast %parallel_loop3A_356 : vector<16xi32> -> vector<16xf32>
      %parallel_loop3A_358 = arith.constant -65536 : i32
      %parallel_loop3A_359 = vector.broadcast %parallel_loop3A_358 : i32 to vector<16xi32>
      %parallel_loop3A_360 = arith.andi %parallel_loop3A_349, %parallel_loop3A_359 : vector<16xi32>
      %parallel_loop3A_361 = tpu.bitcast %parallel_loop3A_360 : vector<16xi32> -> vector<16xf32>
      %parallel_loop3A_362 = arith.constant 16 : i32
      %parallel_loop3A_363 = vector.broadcast %parallel_loop3A_362 : i32 to vector<16xi32>
      %parallel_loop3A_364 = arith.shli %parallel_loop3A_353, %parallel_loop3A_363 : vector<16xi32>
      %parallel_loop3A_365 = tpu.bitcast %parallel_loop3A_364 : vector<16xi32> -> vector<16xf32>
      %parallel_loop3A_366 = arith.constant -65536 : i32
      %parallel_loop3A_367 = vector.broadcast %parallel_loop3A_366 : i32 to vector<16xi32>
      %parallel_loop3A_368 = arith.andi %parallel_loop3A_353, %parallel_loop3A_367 : vector<16xi32>
      %parallel_loop3A_369 = tpu.bitcast %parallel_loop3A_368 : vector<16xi32> -> vector<16xf32>
      %parallel_loop3A_370 = arith.addf %parallel_loop3A_357, %parallel_loop3A_365 : vector<16xf32>
      %parallel_loop3A_371 = vector.broadcast %parallel_loop3A_177 : f32 to vector<16xf32>
      %parallel_loop3A_372 = arith.mulf %parallel_loop3A_370, %parallel_loop3A_371 : vector<16xf32>
      %parallel_loop3A_373 = arith.addf %parallel_loop3A_372, %mul3A_43 : vector<16xf32>
      %parallel_loop3A_374 = math.exp %parallel_loop3A_373 : vector<16xf32>
      %parallel_loop3A_375 = arith.constant 1.000000e+00 : f32
      %parallel_loop3A_376 = vector.broadcast %parallel_loop3A_375 : f32 to vector<16xf32>
      %parallel_loop3A_377 = arith.addf %parallel_loop3A_376, %parallel_loop3A_374 : vector<16xf32>
      %parallel_loop3A_378 = arith.constant 1.000000e+00 : f32
      %parallel_loop3A_379 = vector.broadcast %parallel_loop3A_378 : f32 to vector<16xf32>
      %parallel_loop3A_380 = arith.divf %parallel_loop3A_379, %parallel_loop3A_377 : vector<16xf32>
      %parallel_loop3A_381 = arith.index_cast %parallel_loop3A_168 : i32 to index
      %parallel_loop3A_382 = arith.constant 96 : index
      %parallel_loop3A_383 = tpu.vector_load %arg17[%parallel_loop3A_381, %parallel_loop3A_382] {strides = array<i32>} : memref<80x128xf32, #tpu.memory_space<vmem>>, vector<1x16xf32>,
      %parallel_loop3A_384 = vector.shape_cast %parallel_loop3A_383 : vector<1x16xf32> to vector<16xf32>
      %parallel_loop3A_385 = vector.shape_cast %parallel_loop3A_380 : vector<16xf32> to vector<1x16xf32>
      tpu.vector_store %arg17[%parallel_loop3A_381, %parallel_loop3A_382], %parallel_loop3A_385 {strides = array<i32>} : memref<80x128xf32, #tpu.memory_space<vmem>>, vector<1x16xf32>,
      %parallel_loop3A_386 = arith.addf %parallel_loop3A_361, %parallel_loop3A_369 : vector<16xf32>
      %parallel_loop3A_387 = vector.broadcast %parallel_loop3A_177 : f32 to vector<16xf32>
      %parallel_loop3A_388 = arith.mulf %parallel_loop3A_386, %parallel_loop3A_387 : vector<16xf32>
      %parallel_loop3A_389 = arith.addf %parallel_loop3A_388, %mul3A_49 : vector<16xf32>
      %parallel_loop3A_390 = math.exp %parallel_loop3A_389 : vector<16xf32>
      %parallel_loop3A_391 = arith.constant 1.000000e+00 : f32
      %parallel_loop3A_392 = vector.broadcast %parallel_loop3A_391 : f32 to vector<16xf32>
      %parallel_loop3A_393 = arith.addf %parallel_loop3A_392, %parallel_loop3A_390 : vector<16xf32>
      %parallel_loop3A_394 = arith.constant 1.000000e+00 : f32
      %parallel_loop3A_395 = vector.broadcast %parallel_loop3A_394 : f32 to vector<16xf32>
      %parallel_loop3A_396 = arith.divf %parallel_loop3A_395, %parallel_loop3A_393 : vector<16xf32>
      %parallel_loop3A_397 = arith.index_cast %parallel_loop3A_168 : i32 to index
      %parallel_loop3A_398 = arith.constant 112 : index
      %parallel_loop3A_399 = tpu.vector_load %arg17[%parallel_loop3A_397, %parallel_loop3A_398] {strides = array<i32>} : memref<80x128xf32, #tpu.memory_space<vmem>>, vector<1x16xf32>,
      %parallel_loop3A_400 = vector.shape_cast %parallel_loop3A_399 : vector<1x16xf32> to vector<16xf32>
      %parallel_loop3A_401 = vector.shape_cast %parallel_loop3A_396 : vector<16xf32> to vector<1x16xf32>
      tpu.vector_store %arg17[%parallel_loop3A_397, %parallel_loop3A_398], %parallel_loop3A_401 {strides = array<i32>} : memref<80x128xf32, #tpu.memory_space<vmem>>, vector<1x16xf32>,
    } {sc.loop_unroll_factor = 2 : i64, sc.parallel_access}
    %add3A_109 = arith.constant 80 : i32
    %add3A_110 = arith.addi %mul3A_2, %add3A_109 : i32
    %dma_start3A_111 = arith.constant 0 : i32
    %dma_start3A_112 = tpu.memref_slice %arg8[%add3A_110, %dma_start3A_111] : memref<320000x128xf32, #tpu.memory_space<hbm>> -> memref<80x128xf32, #tpu.memory_space<hbm>>
    %dma_start3A_113 = arith.constant 0 : i32
    %dma_start3A_114 = tpu.memref_slice %arg8[%add3A_110, %dma_start3A_113] : memref<320000x128xf32, #tpu.memory_space<hbm>> -> memref<80x128xf32, #tpu.memory_space<hbm>>
    tpu.enqueue_dma source(%arg17 : memref<80x128xf32, #tpu.memory_space<vmem>>) target(%dma_start3A_114 : memref<80x128xf32, #tpu.memory_space<hbm>>) target_semaphore(%arg24 : memref<!tpu.dma_semaphore, #tpu.memory_space<semaphore_mem>>)
    %dma_start3A_115 = arith.constant 240 : i32
    %dma_start3A_116 = tpu.memref_slice %arg9[%dma_start3A_115] : memref<10000xi32, #tpu.memory_space<vmem>> -> memref<80xi32, #tpu.memory_space<vmem>>
    %dma_start3A_117 = arith.constant 0 : i32
    %dma_start3A_118 = arith.constant 0 : i32
    %dma_start3A_119 = tpu.memref_slice %arg2[%dma_start3A_117, %dma_start3A_118] : memref<10000x64xi32, #tpu.memory_space<hbm>> -> memref<10000x64xi32, #tpu.memory_space<hbm>>
    tpu.enqueue_indirect_dma source(%dma_start3A_119 : memref<10000x64xi32, #tpu.memory_space<hbm>>) target(%arg13 : memref<80x64xi32, #tpu.memory_space<vmem>>) offsets(%dma_start3A_116 : memref<80xi32, #tpu.memory_space<vmem>>) semaphore(%arg20 : memref<!tpu.dma_semaphore, #tpu.memory_space<semaphore_mem>>)
    %dma_start3A_120 = arith.constant 240 : i32
    %dma_start3A_121 = tpu.memref_slice %arg10[%dma_start3A_120] : memref<10000xi32, #tpu.memory_space<vmem>> -> memref<80xi32, #tpu.memory_space<vmem>>
    %dma_start3A_122 = arith.constant 0 : i32
    %dma_start3A_123 = arith.constant 0 : i32
    %dma_start3A_124 = tpu.memref_slice %arg3[%dma_start3A_122, %dma_start3A_123] : memref<10000x64xi32, #tpu.memory_space<hbm>> -> memref<10000x64xi32, #tpu.memory_space<hbm>>
    tpu.enqueue_indirect_dma source(%dma_start3A_124 : memref<10000x64xi32, #tpu.memory_space<hbm>>) target(%arg15 : memref<80x64xi32, #tpu.memory_space<vmem>>) offsets(%dma_start3A_121 : memref<80xi32, #tpu.memory_space<vmem>>) semaphore(%arg22 : memref<!tpu.dma_semaphore, #tpu.memory_space<semaphore_mem>>)
    %scan3A = arith.constant 0 : i32
    %scan3A_125 = arith.constant 1 : i32
    %scan3A_126 = arith.constant 61 : i32
    %scan3A_127 = arith.addi %scan3A_125, %scan3A_126 : i32
    %scan3A_128 = arith.constant 1 : i32
    %scan3A_129 = scf.for %scan3A_168 = %scan3A_125 to %scan3A_127 step %scan3A_128 iter_args(%scan3A_169 = %scan3A) -> (i32)  : i32 {
      %mul3A_170 = arith.constant 2 : i32
      %mul3A_171 = arith.muli %mul3A_170, %scan3A_168 : i32
      %dma_wait3A_172 = arith.constant 0 : i32
      %dma_wait3A_173 = tpu.memref_slice %arg9[%dma_wait3A_172] : memref<10000xi32, #tpu.memory_space<vmem>> -> memref<80xi32, #tpu.memory_space<vmem>>
      %dma_wait3A_174 = arith.constant 0 : i32
      %dma_wait3A_175 = arith.constant 0 : i32
      %dma_wait3A_176 = tpu.memref_slice %arg2[%dma_wait3A_174, %dma_wait3A_175] : memref<10000x64xi32, #tpu.memory_space<hbm>> -> memref<10000x64xi32, #tpu.memory_space<hbm>>
      tpu.wait_indirect_dma semaphore(%arg19 : memref<!tpu.dma_semaphore, #tpu.memory_space<semaphore_mem>>) src(%dma_wait3A_176 : memref<10000x64xi32, #tpu.memory_space<hbm>>) dst(%arg12 : memref<80x64xi32, #tpu.memory_space<vmem>>)
      %dma_wait3A_177 = arith.constant 0 : i32
      %dma_wait3A_178 = tpu.memref_slice %arg10[%dma_wait3A_177] : memref<10000xi32, #tpu.memory_space<vmem>> -> memref<80xi32, #tpu.memory_space<vmem>>
      %dma_wait3A_179 = arith.constant 0 : i32
      %dma_wait3A_180 = arith.constant 0 : i32
      %dma_wait3A_181 = tpu.memref_slice %arg3[%dma_wait3A_179, %dma_wait3A_180] : memref<10000x64xi32, #tpu.memory_space<hbm>> -> memref<10000x64xi32, #tpu.memory_space<hbm>>
      tpu.wait_indirect_dma semaphore(%arg21 : memref<!tpu.dma_semaphore, #tpu.memory_space<semaphore_mem>>) src(%dma_wait3A_181 : memref<10000x64xi32, #tpu.memory_space<hbm>>) dst(%arg14 : memref<80x64xi32, #tpu.memory_space<vmem>>)
      %dma_wait3A_182 = arith.constant 0 : i32
      %dma_wait3A_183 = arith.constant 0 : i32
      %dma_wait3A_184 = tpu.memref_slice %arg8[%dma_wait3A_182, %dma_wait3A_183] : memref<320000x128xf32, #tpu.memory_space<hbm>> -> memref<80x128xf32, #tpu.memory_space<hbm>>
      %dma_wait3A_185 = arith.constant 0 : i32
      %dma_wait3A_186 = arith.constant 0 : i32
      %dma_wait3A_187 = tpu.memref_slice %arg8[%dma_wait3A_185, %dma_wait3A_186] : memref<320000x128xf32, #tpu.memory_space<hbm>> -> memref<80x128xf32, #tpu.memory_space<hbm>>
      tpu.wait_dma2 semaphore(%arg23 : memref<!tpu.dma_semaphore, #tpu.memory_space<semaphore_mem>>) src(%arg16 : memref<80x128xf32, #tpu.memory_space<vmem>>) dst(%dma_wait3A_187 : memref<80x128xf32, #tpu.memory_space<hbm>>)
      %mul3A_188 = arith.constant 80 : i32
      %mul3A_189 = arith.muli %mul3A_171, %mul3A_188 : i32
      %parallel_loop3A_190 = arith.constant 0 : i32
      %parallel_loop3A_191 = arith.constant 80 : i32
      %parallel_loop3A_192 = arith.constant 1 : i32
      scf.for %parallel_loop3A_240 = %parallel_loop3A_190 to %parallel_loop3A_191 step %parallel_loop3A_192  : i32 {
        %parallel_loop3A_241 = arith.addi %mul3A_189, %parallel_loop3A_240 : i32
        %parallel_loop3A_242 = arith.index_cast %parallel_loop3A_241 : i32 to index
        %parallel_loop3A_243 = tpu.vector_load %arg11[%parallel_loop3A_242] {strides = array<i32>} : memref<10016xf32, #tpu.memory_space<vmem>>, vector<16xf32>,
        %parallel_loop3A_244 = vector.shape_cast %parallel_loop3A_243 : vector<16xf32> to vector<16xf32>
        %parallel_loop3A_245 = vector.extract_strided_slice %parallel_loop3A_244 {offsets = [0], sizes = [1], strides = [1]} : vector<16xf32> to vector<1xf32>
        %parallel_loop3A_246 = vector.extract %parallel_loop3A_245[0] : f32 from vector<1xf32>
        %parallel_loop3A_247 = arith.constant -1.000000e+00 : f32
        %parallel_loop3A_248 = arith.mulf %parallel_loop3A_246, %parallel_loop3A_247 : f32
        %parallel_loop3A_249 = arith.index_cast %parallel_loop3A_240 : i32 to index
        %parallel_loop3A_250 = arith.constant 0 : index
        %parallel_loop3A_251 = tpu.vector_load %arg12[%parallel_loop3A_249, %parallel_loop3A_250] {strides = array<i32>} : memref<80x64xi32, #tpu.memory_space<vmem>>, vector<1x16xi32>,
        %parallel_loop3A_252 = vector.shape_cast %parallel_loop3A_251 : vector<1x16xi32> to vector<16xi32>
        %parallel_loop3A_253 = arith.index_cast %parallel_loop3A_240 : i32 to index
        %parallel_loop3A_254 = arith.constant 0 : index
        %parallel_loop3A_255 = tpu.vector_load %arg14[%parallel_loop3A_253, %parallel_loop3A_254] {strides = array<i32>} : memref<80x64xi32, #tpu.memory_space<vmem>>, vector<1x16xi32>,
        %parallel_loop3A_256 = vector.shape_cast %parallel_loop3A_255 : vector<1x16xi32> to vector<16xi32>
        %parallel_loop3A_257 = arith.constant 16 : i32
        %parallel_loop3A_258 = vector.broadcast %parallel_loop3A_257 : i32 to vector<16xi32>
        %parallel_loop3A_259 = arith.shli %parallel_loop3A_252, %parallel_loop3A_258 : vector<16xi32>
        %parallel_loop3A_260 = tpu.bitcast %parallel_loop3A_259 : vector<16xi32> -> vector<16xf32>
        %parallel_loop3A_261 = arith.constant -65536 : i32
        %parallel_loop3A_262 = vector.broadcast %parallel_loop3A_261 : i32 to vector<16xi32>
        %parallel_loop3A_263 = arith.andi %parallel_loop3A_252, %parallel_loop3A_262 : vector<16xi32>
        %parallel_loop3A_264 = tpu.bitcast %parallel_loop3A_263 : vector<16xi32> -> vector<16xf32>
        %parallel_loop3A_265 = arith.constant 16 : i32
        %parallel_loop3A_266 = vector.broadcast %parallel_loop3A_265 : i32 to vector<16xi32>
        %parallel_loop3A_267 = arith.shli %parallel_loop3A_256, %parallel_loop3A_266 : vector<16xi32>
        %parallel_loop3A_268 = tpu.bitcast %parallel_loop3A_267 : vector<16xi32> -> vector<16xf32>
        %parallel_loop3A_269 = arith.constant -65536 : i32
        %parallel_loop3A_270 = vector.broadcast %parallel_loop3A_269 : i32 to vector<16xi32>
        %parallel_loop3A_271 = arith.andi %parallel_loop3A_256, %parallel_loop3A_270 : vector<16xi32>
        %parallel_loop3A_272 = tpu.bitcast %parallel_loop3A_271 : vector<16xi32> -> vector<16xf32>
        %parallel_loop3A_273 = arith.addf %parallel_loop3A_260, %parallel_loop3A_268 : vector<16xf32>
        %parallel_loop3A_274 = vector.broadcast %parallel_loop3A_248 : f32 to vector<16xf32>
        %parallel_loop3A_275 = arith.mulf %parallel_loop3A_273, %parallel_loop3A_274 : vector<16xf32>
        %parallel_loop3A_276 = arith.addf %parallel_loop3A_275, %mul3A_7 : vector<16xf32>
        %parallel_loop3A_277 = math.exp %parallel_loop3A_276 : vector<16xf32>
        %parallel_loop3A_278 = arith.constant 1.000000e+00 : f32
        %parallel_loop3A_279 = vector.broadcast %parallel_loop3A_278 : f32 to vector<16xf32>
        %parallel_loop3A_280 = arith.addf %parallel_loop3A_279, %parallel_loop3A_277 : vector<16xf32>
        %parallel_loop3A_281 = arith.constant 1.000000e+00 : f32
        %parallel_loop3A_282 = vector.broadcast %parallel_loop3A_281 : f32 to vector<16xf32>
        %parallel_loop3A_283 = arith.divf %parallel_loop3A_282, %parallel_loop3A_280 : vector<16xf32>
        %parallel_loop3A_284 = arith.index_cast %parallel_loop3A_240 : i32 to index
        %parallel_loop3A_285 = arith.constant 0 : index
        %parallel_loop3A_286 = tpu.vector_load %arg16[%parallel_loop3A_284, %parallel_loop3A_285] {strides = array<i32>} : memref<80x128xf32, #tpu.memory_space<vmem>>, vector<1x16xf32>,
        %parallel_loop3A_287 = vector.shape_cast %parallel_loop3A_286 : vector<1x16xf32> to vector<16xf32>
        %parallel_loop3A_288 = vector.shape_cast %parallel_loop3A_283 : vector<16xf32> to vector<1x16xf32>
        tpu.vector_store %arg16[%parallel_loop3A_284, %parallel_loop3A_285], %parallel_loop3A_288 {strides = array<i32>} : memref<80x128xf32, #tpu.memory_space<vmem>>, vector<1x16xf32>,
        %parallel_loop3A_289 = arith.addf %parallel_loop3A_264, %parallel_loop3A_272 : vector<16xf32>
        %parallel_loop3A_290 = vector.broadcast %parallel_loop3A_248 : f32 to vector<16xf32>
        %parallel_loop3A_291 = arith.mulf %parallel_loop3A_289, %parallel_loop3A_290 : vector<16xf32>
        %parallel_loop3A_292 = arith.addf %parallel_loop3A_291, %mul3A_13 : vector<16xf32>
        %parallel_loop3A_293 = math.exp %parallel_loop3A_292 : vector<16xf32>
        %parallel_loop3A_294 = arith.constant 1.000000e+00 : f32
        %parallel_loop3A_295 = vector.broadcast %parallel_loop3A_294 : f32 to vector<16xf32>
        %parallel_loop3A_296 = arith.addf %parallel_loop3A_295, %parallel_loop3A_293 : vector<16xf32>
        %parallel_loop3A_297 = arith.constant 1.000000e+00 : f32
        %parallel_loop3A_298 = vector.broadcast %parallel_loop3A_297 : f32 to vector<16xf32>
        %parallel_loop3A_299 = arith.divf %parallel_loop3A_298, %parallel_loop3A_296 : vector<16xf32>
        %parallel_loop3A_300 = arith.index_cast %parallel_loop3A_240 : i32 to index
        %parallel_loop3A_301 = arith.constant 16 : index
        %parallel_loop3A_302 = tpu.vector_load %arg16[%parallel_loop3A_300, %parallel_loop3A_301] {strides = array<i32>} : memref<80x128xf32, #tpu.memory_space<vmem>>, vector<1x16xf32>,
        %parallel_loop3A_303 = vector.shape_cast %parallel_loop3A_302 : vector<1x16xf32> to vector<16xf32>
        %parallel_loop3A_304 = vector.shape_cast %parallel_loop3A_299 : vector<16xf32> to vector<1x16xf32>
        tpu.vector_store %arg16[%parallel_loop3A_300, %parallel_loop3A_301], %parallel_loop3A_304 {strides = array<i32>} : memref<80x128xf32, #tpu.memory_space<vmem>>, vector<1x16xf32>,
        %parallel_loop3A_305 = arith.index_cast %parallel_loop3A_240 : i32 to index
        %parallel_loop3A_306 = arith.constant 16 : index
        %parallel_loop3A_307 = tpu.vector_load %arg12[%parallel_loop3A_305, %parallel_loop3A_306] {strides = array<i32>} : memref<80x64xi32, #tpu.memory_space<vmem>>, vector<1x16xi32>,
        %parallel_loop3A_308 = vector.shape_cast %parallel_loop3A_307 : vector<1x16xi32> to vector<16xi32>
        %parallel_loop3A_309 = arith.index_cast %parallel_loop3A_240 : i32 to index
        %parallel_loop3A_310 = arith.constant 16 : index
        %parallel_loop3A_311 = tpu.vector_load %arg14[%parallel_loop3A_309, %parallel_loop3A_310] {strides = array<i32>} : memref<80x64xi32, #tpu.memory_space<vmem>>, vector<1x16xi32>,
        %parallel_loop3A_312 = vector.shape_cast %parallel_loop3A_311 : vector<1x16xi32> to vector<16xi32>
        %parallel_loop3A_313 = arith.constant 16 : i32
        %parallel_loop3A_314 = vector.broadcast %parallel_loop3A_313 : i32 to vector<16xi32>
        %parallel_loop3A_315 = arith.shli %parallel_loop3A_308, %parallel_loop3A_314 : vector<16xi32>
        %parallel_loop3A_316 = tpu.bitcast %parallel_loop3A_315 : vector<16xi32> -> vector<16xf32>
        %parallel_loop3A_317 = arith.constant -65536 : i32
        %parallel_loop3A_318 = vector.broadcast %parallel_loop3A_317 : i32 to vector<16xi32>
        %parallel_loop3A_319 = arith.andi %parallel_loop3A_308, %parallel_loop3A_318 : vector<16xi32>
        %parallel_loop3A_320 = tpu.bitcast %parallel_loop3A_319 : vector<16xi32> -> vector<16xf32>
        %parallel_loop3A_321 = arith.constant 16 : i32
        %parallel_loop3A_322 = vector.broadcast %parallel_loop3A_321 : i32 to vector<16xi32>
        %parallel_loop3A_323 = arith.shli %parallel_loop3A_312, %parallel_loop3A_322 : vector<16xi32>
        %parallel_loop3A_324 = tpu.bitcast %parallel_loop3A_323 : vector<16xi32> -> vector<16xf32>
        %parallel_loop3A_325 = arith.constant -65536 : i32
        %parallel_loop3A_326 = vector.broadcast %parallel_loop3A_325 : i32 to vector<16xi32>
        %parallel_loop3A_327 = arith.andi %parallel_loop3A_312, %parallel_loop3A_326 : vector<16xi32>
        %parallel_loop3A_328 = tpu.bitcast %parallel_loop3A_327 : vector<16xi32> -> vector<16xf32>
        %parallel_loop3A_329 = arith.addf %parallel_loop3A_316, %parallel_loop3A_324 : vector<16xf32>
        %parallel_loop3A_330 = vector.broadcast %parallel_loop3A_248 : f32 to vector<16xf32>
        %parallel_loop3A_331 = arith.mulf %parallel_loop3A_329, %parallel_loop3A_330 : vector<16xf32>
        %parallel_loop3A_332 = arith.addf %parallel_loop3A_331, %mul3A_19 : vector<16xf32>
        %parallel_loop3A_333 = math.exp %parallel_loop3A_332 : vector<16xf32>
        %parallel_loop3A_334 = arith.constant 1.000000e+00 : f32
        %parallel_loop3A_335 = vector.broadcast %parallel_loop3A_334 : f32 to vector<16xf32>
        %parallel_loop3A_336 = arith.addf %parallel_loop3A_335, %parallel_loop3A_333 : vector<16xf32>
        %parallel_loop3A_337 = arith.constant 1.000000e+00 : f32
        %parallel_loop3A_338 = vector.broadcast %parallel_loop3A_337 : f32 to vector<16xf32>
        %parallel_loop3A_339 = arith.divf %parallel_loop3A_338, %parallel_loop3A_336 : vector<16xf32>
        %parallel_loop3A_340 = arith.index_cast %parallel_loop3A_240 : i32 to index
        %parallel_loop3A_341 = arith.constant 32 : index
        %parallel_loop3A_342 = tpu.vector_load %arg16[%parallel_loop3A_340, %parallel_loop3A_341] {strides = array<i32>} : memref<80x128xf32, #tpu.memory_space<vmem>>, vector<1x16xf32>,
        %parallel_loop3A_343 = vector.shape_cast %parallel_loop3A_342 : vector<1x16xf32> to vector<16xf32>
        %parallel_loop3A_344 = vector.shape_cast %parallel_loop3A_339 : vector<16xf32> to vector<1x16xf32>
        tpu.vector_store %arg16[%parallel_loop3A_340, %parallel_loop3A_341], %parallel_loop3A_344 {strides = array<i32>} : memref<80x128xf32, #tpu.memory_space<vmem>>, vector<1x16xf32>,
        %parallel_loop3A_345 = arith.addf %parallel_loop3A_320, %parallel_loop3A_328 : vector<16xf32>
        %parallel_loop3A_346 = vector.broadcast %parallel_loop3A_248 : f32 to vector<16xf32>
        %parallel_loop3A_347 = arith.mulf %parallel_loop3A_345, %parallel_loop3A_346 : vector<16xf32>
        %parallel_loop3A_348 = arith.addf %parallel_loop3A_347, %mul3A_25 : vector<16xf32>
        %parallel_loop3A_349 = math.exp %parallel_loop3A_348 : vector<16xf32>
        %parallel_loop3A_350 = arith.constant 1.000000e+00 : f32
        %parallel_loop3A_351 = vector.broadcast %parallel_loop3A_350 : f32 to vector<16xf32>
        %parallel_loop3A_352 = arith.addf %parallel_loop3A_351, %parallel_loop3A_349 : vector<16xf32>
        %parallel_loop3A_353 = arith.constant 1.000000e+00 : f32
        %parallel_loop3A_354 = vector.broadcast %parallel_loop3A_353 : f32 to vector<16xf32>
        %parallel_loop3A_355 = arith.divf %parallel_loop3A_354, %parallel_loop3A_352 : vector<16xf32>
        %parallel_loop3A_356 = arith.index_cast %parallel_loop3A_240 : i32 to index
        %parallel_loop3A_357 = arith.constant 48 : index
        %parallel_loop3A_358 = tpu.vector_load %arg16[%parallel_loop3A_356, %parallel_loop3A_357] {strides = array<i32>} : memref<80x128xf32, #tpu.memory_space<vmem>>, vector<1x16xf32>,
        %parallel_loop3A_359 = vector.shape_cast %parallel_loop3A_358 : vector<1x16xf32> to vector<16xf32>
        %parallel_loop3A_360 = vector.shape_cast %parallel_loop3A_355 : vector<16xf32> to vector<1x16xf32>
        tpu.vector_store %arg16[%parallel_loop3A_356, %parallel_loop3A_357], %parallel_loop3A_360 {strides = array<i32>} : memref<80x128xf32, #tpu.memory_space<vmem>>, vector<1x16xf32>,
        %parallel_loop3A_361 = arith.index_cast %parallel_loop3A_240 : i32 to index
        %parallel_loop3A_362 = arith.constant 32 : index
        %parallel_loop3A_363 = tpu.vector_load %arg12[%parallel_loop3A_361, %parallel_loop3A_362] {strides = array<i32>} : memref<80x64xi32, #tpu.memory_space<vmem>>, vector<1x16xi32>,
        %parallel_loop3A_364 = vector.shape_cast %parallel_loop3A_363 : vector<1x16xi32> to vector<16xi32>
        %parallel_loop3A_365 = arith.index_cast %parallel_loop3A_240 : i32 to index
        %parallel_loop3A_366 = arith.constant 32 : index
        %parallel_loop3A_367 = tpu.vector_load %arg14[%parallel_loop3A_365, %parallel_loop3A_366] {strides = array<i32>} : memref<80x64xi32, #tpu.memory_space<vmem>>, vector<1x16xi32>,
        %parallel_loop3A_368 = vector.shape_cast %parallel_loop3A_367 : vector<1x16xi32> to vector<16xi32>
        %parallel_loop3A_369 = arith.constant 16 : i32
        %parallel_loop3A_370 = vector.broadcast %parallel_loop3A_369 : i32 to vector<16xi32>
        %parallel_loop3A_371 = arith.shli %parallel_loop3A_364, %parallel_loop3A_370 : vector<16xi32>
        %parallel_loop3A_372 = tpu.bitcast %parallel_loop3A_371 : vector<16xi32> -> vector<16xf32>
        %parallel_loop3A_373 = arith.constant -65536 : i32
        %parallel_loop3A_374 = vector.broadcast %parallel_loop3A_373 : i32 to vector<16xi32>
        %parallel_loop3A_375 = arith.andi %parallel_loop3A_364, %parallel_loop3A_374 : vector<16xi32>
        %parallel_loop3A_376 = tpu.bitcast %parallel_loop3A_375 : vector<16xi32> -> vector<16xf32>
        %parallel_loop3A_377 = arith.constant 16 : i32
        %parallel_loop3A_378 = vector.broadcast %parallel_loop3A_377 : i32 to vector<16xi32>
        %parallel_loop3A_379 = arith.shli %parallel_loop3A_368, %parallel_loop3A_378 : vector<16xi32>
        %parallel_loop3A_380 = tpu.bitcast %parallel_loop3A_379 : vector<16xi32> -> vector<16xf32>
        %parallel_loop3A_381 = arith.constant -65536 : i32
        %parallel_loop3A_382 = vector.broadcast %parallel_loop3A_381 : i32 to vector<16xi32>
        %parallel_loop3A_383 = arith.andi %parallel_loop3A_368, %parallel_loop3A_382 : vector<16xi32>
        %parallel_loop3A_384 = tpu.bitcast %parallel_loop3A_383 : vector<16xi32> -> vector<16xf32>
        %parallel_loop3A_385 = arith.addf %parallel_loop3A_372, %parallel_loop3A_380 : vector<16xf32>
        %parallel_loop3A_386 = vector.broadcast %parallel_loop3A_248 : f32 to vector<16xf32>
        %parallel_loop3A_387 = arith.mulf %parallel_loop3A_385, %parallel_loop3A_386 : vector<16xf32>
        %parallel_loop3A_388 = arith.addf %parallel_loop3A_387, %mul3A_31 : vector<16xf32>
        %parallel_loop3A_389 = math.exp %parallel_loop3A_388 : vector<16xf32>
        %parallel_loop3A_390 = arith.constant 1.000000e+00 : f32
        %parallel_loop3A_391 = vector.broadcast %parallel_loop3A_390 : f32 to vector<16xf32>
        %parallel_loop3A_392 = arith.addf %parallel_loop3A_391, %parallel_loop3A_389 : vector<16xf32>
        %parallel_loop3A_393 = arith.constant 1.000000e+00 : f32
        %parallel_loop3A_394 = vector.broadcast %parallel_loop3A_393 : f32 to vector<16xf32>
        %parallel_loop3A_395 = arith.divf %parallel_loop3A_394, %parallel_loop3A_392 : vector<16xf32>
        %parallel_loop3A_396 = arith.index_cast %parallel_loop3A_240 : i32 to index
        %parallel_loop3A_397 = arith.constant 64 : index
        %parallel_loop3A_398 = tpu.vector_load %arg16[%parallel_loop3A_396, %parallel_loop3A_397] {strides = array<i32>} : memref<80x128xf32, #tpu.memory_space<vmem>>, vector<1x16xf32>,
        %parallel_loop3A_399 = vector.shape_cast %parallel_loop3A_398 : vector<1x16xf32> to vector<16xf32>
        %parallel_loop3A_400 = vector.shape_cast %parallel_loop3A_395 : vector<16xf32> to vector<1x16xf32>
        tpu.vector_store %arg16[%parallel_loop3A_396, %parallel_loop3A_397], %parallel_loop3A_400 {strides = array<i32>} : memref<80x128xf32, #tpu.memory_space<vmem>>, vector<1x16xf32>,
        %parallel_loop3A_401 = arith.addf %parallel_loop3A_376, %parallel_loop3A_384 : vector<16xf32>
        %parallel_loop3A_402 = vector.broadcast %parallel_loop3A_248 : f32 to vector<16xf32>
        %parallel_loop3A_403 = arith.mulf %parallel_loop3A_401, %parallel_loop3A_402 : vector<16xf32>
        %parallel_loop3A_404 = arith.addf %parallel_loop3A_403, %mul3A_37 : vector<16xf32>
        %parallel_loop3A_405 = math.exp %parallel_loop3A_404 : vector<16xf32>
        %parallel_loop3A_406 = arith.constant 1.000000e+00 : f32
        %parallel_loop3A_407 = vector.broadcast %parallel_loop3A_406 : f32 to vector<16xf32>
        %parallel_loop3A_408 = arith.addf %parallel_loop3A_407, %parallel_loop3A_405 : vector<16xf32>
        %parallel_loop3A_409 = arith.constant 1.000000e+00 : f32
        %parallel_loop3A_410 = vector.broadcast %parallel_loop3A_409 : f32 to vector<16xf32>
        %parallel_loop3A_411 = arith.divf %parallel_loop3A_410, %parallel_loop3A_408 : vector<16xf32>
        %parallel_loop3A_412 = arith.index_cast %parallel_loop3A_240 : i32 to index
        %parallel_loop3A_413 = arith.constant 80 : index
        %parallel_loop3A_414 = tpu.vector_load %arg16[%parallel_loop3A_412, %parallel_loop3A_413] {strides = array<i32>} : memref<80x128xf32, #tpu.memory_space<vmem>>, vector<1x16xf32>,
        %parallel_loop3A_415 = vector.shape_cast %parallel_loop3A_414 : vector<1x16xf32> to vector<16xf32>
        %parallel_loop3A_416 = vector.shape_cast %parallel_loop3A_411 : vector<16xf32> to vector<1x16xf32>
        tpu.vector_store %arg16[%parallel_loop3A_412, %parallel_loop3A_413], %parallel_loop3A_416 {strides = array<i32>} : memref<80x128xf32, #tpu.memory_space<vmem>>, vector<1x16xf32>,
        %parallel_loop3A_417 = arith.index_cast %parallel_loop3A_240 : i32 to index
        %parallel_loop3A_418 = arith.constant 48 : index
        %parallel_loop3A_419 = tpu.vector_load %arg12[%parallel_loop3A_417, %parallel_loop3A_418] {strides = array<i32>} : memref<80x64xi32, #tpu.memory_space<vmem>>, vector<1x16xi32>,
        %parallel_loop3A_420 = vector.shape_cast %parallel_loop3A_419 : vector<1x16xi32> to vector<16xi32>
        %parallel_loop3A_421 = arith.index_cast %parallel_loop3A_240 : i32 to index
        %parallel_loop3A_422 = arith.constant 48 : index
        %parallel_loop3A_423 = tpu.vector_load %arg14[%parallel_loop3A_421, %parallel_loop3A_422] {strides = array<i32>} : memref<80x64xi32, #tpu.memory_space<vmem>>, vector<1x16xi32>,
        %parallel_loop3A_424 = vector.shape_cast %parallel_loop3A_423 : vector<1x16xi32> to vector<16xi32>
        %parallel_loop3A_425 = arith.constant 16 : i32
        %parallel_loop3A_426 = vector.broadcast %parallel_loop3A_425 : i32 to vector<16xi32>
        %parallel_loop3A_427 = arith.shli %parallel_loop3A_420, %parallel_loop3A_426 : vector<16xi32>
        %parallel_loop3A_428 = tpu.bitcast %parallel_loop3A_427 : vector<16xi32> -> vector<16xf32>
        %parallel_loop3A_429 = arith.constant -65536 : i32
        %parallel_loop3A_430 = vector.broadcast %parallel_loop3A_429 : i32 to vector<16xi32>
        %parallel_loop3A_431 = arith.andi %parallel_loop3A_420, %parallel_loop3A_430 : vector<16xi32>
        %parallel_loop3A_432 = tpu.bitcast %parallel_loop3A_431 : vector<16xi32> -> vector<16xf32>
        %parallel_loop3A_433 = arith.constant 16 : i32
        %parallel_loop3A_434 = vector.broadcast %parallel_loop3A_433 : i32 to vector<16xi32>
        %parallel_loop3A_435 = arith.shli %parallel_loop3A_424, %parallel_loop3A_434 : vector<16xi32>
        %parallel_loop3A_436 = tpu.bitcast %parallel_loop3A_435 : vector<16xi32> -> vector<16xf32>
        %parallel_loop3A_437 = arith.constant -65536 : i32
        %parallel_loop3A_438 = vector.broadcast %parallel_loop3A_437 : i32 to vector<16xi32>
        %parallel_loop3A_439 = arith.andi %parallel_loop3A_424, %parallel_loop3A_438 : vector<16xi32>
        %parallel_loop3A_440 = tpu.bitcast %parallel_loop3A_439 : vector<16xi32> -> vector<16xf32>
        %parallel_loop3A_441 = arith.addf %parallel_loop3A_428, %parallel_loop3A_436 : vector<16xf32>
        %parallel_loop3A_442 = vector.broadcast %parallel_loop3A_248 : f32 to vector<16xf32>
        %parallel_loop3A_443 = arith.mulf %parallel_loop3A_441, %parallel_loop3A_442 : vector<16xf32>
        %parallel_loop3A_444 = arith.addf %parallel_loop3A_443, %mul3A_43 : vector<16xf32>
        %parallel_loop3A_445 = math.exp %parallel_loop3A_444 : vector<16xf32>
        %parallel_loop3A_446 = arith.constant 1.000000e+00 : f32
        %parallel_loop3A_447 = vector.broadcast %parallel_loop3A_446 : f32 to vector<16xf32>
        %parallel_loop3A_448 = arith.addf %parallel_loop3A_447, %parallel_loop3A_445 : vector<16xf32>
        %parallel_loop3A_449 = arith.constant 1.000000e+00 : f32
        %parallel_loop3A_450 = vector.broadcast %parallel_loop3A_449 : f32 to vector<16xf32>
        %parallel_loop3A_451 = arith.divf %parallel_loop3A_450, %parallel_loop3A_448 : vector<16xf32>
        %parallel_loop3A_452 = arith.index_cast %parallel_loop3A_240 : i32 to index
        %parallel_loop3A_453 = arith.constant 96 : index
        %parallel_loop3A_454 = tpu.vector_load %arg16[%parallel_loop3A_452, %parallel_loop3A_453] {strides = array<i32>} : memref<80x128xf32, #tpu.memory_space<vmem>>, vector<1x16xf32>,
        %parallel_loop3A_455 = vector.shape_cast %parallel_loop3A_454 : vector<1x16xf32> to vector<16xf32>
        %parallel_loop3A_456 = vector.shape_cast %parallel_loop3A_451 : vector<16xf32> to vector<1x16xf32>
        tpu.vector_store %arg16[%parallel_loop3A_452, %parallel_loop3A_453], %parallel_loop3A_456 {strides = array<i32>} : memref<80x128xf32, #tpu.memory_space<vmem>>, vector<1x16xf32>,
        %parallel_loop3A_457 = arith.addf %parallel_loop3A_432, %parallel_loop3A_440 : vector<16xf32>
        %parallel_loop3A_458 = vector.broadcast %parallel_loop3A_248 : f32 to vector<16xf32>
        %parallel_loop3A_459 = arith.mulf %parallel_loop3A_457, %parallel_loop3A_458 : vector<16xf32>
        %parallel_loop3A_460 = arith.addf %parallel_loop3A_459, %mul3A_49 : vector<16xf32>
        %parallel_loop3A_461 = math.exp %parallel_loop3A_460 : vector<16xf32>
        %parallel_loop3A_462 = arith.constant 1.000000e+00 : f32
        %parallel_loop3A_463 = vector.broadcast %parallel_loop3A_462 : f32 to vector<16xf32>
        %parallel_loop3A_464 = arith.addf %parallel_loop3A_463, %parallel_loop3A_461 : vector<16xf32>
        %parallel_loop3A_465 = arith.constant 1.000000e+00 : f32
        %parallel_loop3A_466 = vector.broadcast %parallel_loop3A_465 : f32 to vector<16xf32>
        %parallel_loop3A_467 = arith.divf %parallel_loop3A_466, %parallel_loop3A_464 : vector<16xf32>
        %parallel_loop3A_468 = arith.index_cast %parallel_loop3A_240 : i32 to index
        %parallel_loop3A_469 = arith.constant 112 : index
        %parallel_loop3A_470 = tpu.vector_load %arg16[%parallel_loop3A_468, %parallel_loop3A_469] {strides = array<i32>} : memref<80x128xf32, #tpu.memory_space<vmem>>, vector<1x16xf32>,
        %parallel_loop3A_471 = vector.shape_cast %parallel_loop3A_470 : vector<1x16xf32> to vector<16xf32>
        %parallel_loop3A_472 = vector.shape_cast %parallel_loop3A_467 : vector<16xf32> to vector<1x16xf32>
        tpu.vector_store %arg16[%parallel_loop3A_468, %parallel_loop3A_469], %parallel_loop3A_472 {strides = array<i32>} : memref<80x128xf32, #tpu.memory_space<vmem>>, vector<1x16xf32>,
      } {sc.loop_unroll_factor = 2 : i64, sc.parallel_access}
      %add3A_193 = arith.addi %mul3A_2, %mul3A_189 : i32
      %dma_start3A_194 = arith.constant 0 : i32
      %dma_start3A_195 = tpu.memref_slice %arg8[%add3A_193, %dma_start3A_194] : memref<320000x128xf32, #tpu.memory_space<hbm>> -> memref<80x128xf32, #tpu.memory_space<hbm>>
      %dma_start3A_196 = arith.constant 0 : i32
      %dma_start3A_197 = tpu.memref_slice %arg8[%add3A_193, %dma_start3A_196] : memref<320000x128xf32, #tpu.memory_space<hbm>> -> memref<80x128xf32, #tpu.memory_space<hbm>>
      tpu.enqueue_dma source(%arg16 : memref<80x128xf32, #tpu.memory_space<vmem>>) target(%dma_start3A_197 : memref<80x128xf32, #tpu.memory_space<hbm>>) target_semaphore(%arg23 : memref<!tpu.dma_semaphore, #tpu.memory_space<semaphore_mem>>)
      %add3A_198 = arith.constant 2 : i32
      %add3A_199 = arith.addi %mul3A_171, %add3A_198 : i32
      %lt3A = arith.constant 125 : i32
      %lt3A_200 = arith.cmpi slt, %add3A_199, %lt3A : i32
      %convert_element_type3A = arith.extui %lt3A_200 : i1 to i32
      %cond3A = arith.constant 0 : i32
      %cond3A_201 = arith.cmpi ne, %convert_element_type3A, %cond3A : i32
      scf.if %cond3A_201 {
        %add3A_240 = arith.constant 2 : i32
        %add3A_241 = arith.addi %mul3A_171, %add3A_240 : i32
        %mul3A_242 = arith.constant 80 : i32
        %mul3A_243 = arith.muli %add3A_241, %mul3A_242 : i32
        %dma_start3A_244 = tpu.memref_slice %arg9[%mul3A_243] : memref<10000xi32, #tpu.memory_space<vmem>> -> memref<80xi32, #tpu.memory_space<vmem>>
        %dma_start3A_245 = arith.constant 0 : i32
        %dma_start3A_246 = arith.constant 0 : i32
        %dma_start3A_247 = tpu.memref_slice %arg2[%dma_start3A_245, %dma_start3A_246] : memref<10000x64xi32, #tpu.memory_space<hbm>> -> memref<10000x64xi32, #tpu.memory_space<hbm>>
        tpu.enqueue_indirect_dma source(%dma_start3A_247 : memref<10000x64xi32, #tpu.memory_space<hbm>>) target(%arg12 : memref<80x64xi32, #tpu.memory_space<vmem>>) offsets(%dma_start3A_244 : memref<80xi32, #tpu.memory_space<vmem>>) semaphore(%arg19 : memref<!tpu.dma_semaphore, #tpu.memory_space<semaphore_mem>>)
        %dma_start3A_248 = tpu.memref_slice %arg10[%mul3A_243] : memref<10000xi32, #tpu.memory_space<vmem>> -> memref<80xi32, #tpu.memory_space<vmem>>
        %dma_start3A_249 = arith.constant 0 : i32
        %dma_start3A_250 = arith.constant 0 : i32
        %dma_start3A_251 = tpu.memref_slice %arg3[%dma_start3A_249, %dma_start3A_250] : memref<10000x64xi32, #tpu.memory_space<hbm>> -> memref<10000x64xi32, #tpu.memory_space<hbm>>
        tpu.enqueue_indirect_dma source(%dma_start3A_251 : memref<10000x64xi32, #tpu.memory_space<hbm>>) target(%arg14 : memref<80x64xi32, #tpu.memory_space<vmem>>) offsets(%dma_start3A_248 : memref<80xi32, #tpu.memory_space<vmem>>) semaphore(%arg21 : memref<!tpu.dma_semaphore, #tpu.memory_space<semaphore_mem>>)
      } else {
      }
      %mul3A_202 = arith.constant 2 : i32
      %mul3A_203 = arith.muli %mul3A_202, %scan3A_168 : i32
      %add3A_204 = arith.constant 1 : i32
      %add3A_205 = arith.addi %mul3A_203, %add3A_204 : i32
      %dma_wait3A_206 = arith.constant 0 : i32
      %dma_wait3A_207 = tpu.memref_slice %arg9[%dma_wait3A_206] : memref<10000xi32, #tpu.memory_space<vmem>> -> memref<80xi32, #tpu.memory_space<vmem>>
      %dma_wait3A_208 = arith.constant 0 : i32
      %dma_wait3A_209 = arith.constant 0 : i32
      %dma_wait3A_210 = tpu.memref_slice %arg2[%dma_wait3A_208, %dma_wait3A_209] : memref<10000x64xi32, #tpu.memory_space<hbm>> -> memref<10000x64xi32, #tpu.memory_space<hbm>>
      tpu.wait_indirect_dma semaphore(%arg20 : memref<!tpu.dma_semaphore, #tpu.memory_space<semaphore_mem>>) src(%dma_wait3A_210 : memref<10000x64xi32, #tpu.memory_space<hbm>>) dst(%arg13 : memref<80x64xi32, #tpu.memory_space<vmem>>)
      %dma_wait3A_211 = arith.constant 0 : i32
      %dma_wait3A_212 = tpu.memref_slice %arg10[%dma_wait3A_211] : memref<10000xi32, #tpu.memory_space<vmem>> -> memref<80xi32, #tpu.memory_space<vmem>>
      %dma_wait3A_213 = arith.constant 0 : i32
      %dma_wait3A_214 = arith.constant 0 : i32
      %dma_wait3A_215 = tpu.memref_slice %arg3[%dma_wait3A_213, %dma_wait3A_214] : memref<10000x64xi32, #tpu.memory_space<hbm>> -> memref<10000x64xi32, #tpu.memory_space<hbm>>
      tpu.wait_indirect_dma semaphore(%arg22 : memref<!tpu.dma_semaphore, #tpu.memory_space<semaphore_mem>>) src(%dma_wait3A_215 : memref<10000x64xi32, #tpu.memory_space<hbm>>) dst(%arg15 : memref<80x64xi32, #tpu.memory_space<vmem>>)
      %dma_wait3A_216 = arith.constant 0 : i32
      %dma_wait3A_217 = arith.constant 0 : i32
      %dma_wait3A_218 = tpu.memref_slice %arg8[%dma_wait3A_216, %dma_wait3A_217] : memref<320000x128xf32, #tpu.memory_space<hbm>> -> memref<80x128xf32, #tpu.memory_space<hbm>>
      %dma_wait3A_219 = arith.constant 0 : i32
      %dma_wait3A_220 = arith.constant 0 : i32
      %dma_wait3A_221 = tpu.memref_slice %arg8[%dma_wait3A_219, %dma_wait3A_220] : memref<320000x128xf32, #tpu.memory_space<hbm>> -> memref<80x128xf32, #tpu.memory_space<hbm>>
      tpu.wait_dma2 semaphore(%arg24 : memref<!tpu.dma_semaphore, #tpu.memory_space<semaphore_mem>>) src(%arg17 : memref<80x128xf32, #tpu.memory_space<vmem>>) dst(%dma_wait3A_221 : memref<80x128xf32, #tpu.memory_space<hbm>>)
      %mul3A_222 = arith.constant 80 : i32
      %mul3A_223 = arith.muli %add3A_205, %mul3A_222 : i32
      %parallel_loop3A_224 = arith.constant 0 : i32
      %parallel_loop3A_225 = arith.constant 80 : i32
      %parallel_loop3A_226 = arith.constant 1 : i32
      scf.for %parallel_loop3A_240 = %parallel_loop3A_224 to %parallel_loop3A_225 step %parallel_loop3A_226  : i32 {
        %parallel_loop3A_241 = arith.addi %mul3A_223, %parallel_loop3A_240 : i32
        %parallel_loop3A_242 = arith.index_cast %parallel_loop3A_241 : i32 to index
        %parallel_loop3A_243 = tpu.vector_load %arg11[%parallel_loop3A_242] {strides = array<i32>} : memref<10016xf32, #tpu.memory_space<vmem>>, vector<16xf32>,
        %parallel_loop3A_244 = vector.shape_cast %parallel_loop3A_243 : vector<16xf32> to vector<16xf32>
        %parallel_loop3A_245 = vector.extract_strided_slice %parallel_loop3A_244 {offsets = [0], sizes = [1], strides = [1]} : vector<16xf32> to vector<1xf32>
        %parallel_loop3A_246 = vector.extract %parallel_loop3A_245[0] : f32 from vector<1xf32>
        %parallel_loop3A_247 = arith.constant -1.000000e+00 : f32
        %parallel_loop3A_248 = arith.mulf %parallel_loop3A_246, %parallel_loop3A_247 : f32
        %parallel_loop3A_249 = arith.index_cast %parallel_loop3A_240 : i32 to index
        %parallel_loop3A_250 = arith.constant 0 : index
        %parallel_loop3A_251 = tpu.vector_load %arg13[%parallel_loop3A_249, %parallel_loop3A_250] {strides = array<i32>} : memref<80x64xi32, #tpu.memory_space<vmem>>, vector<1x16xi32>,
        %parallel_loop3A_252 = vector.shape_cast %parallel_loop3A_251 : vector<1x16xi32> to vector<16xi32>
        %parallel_loop3A_253 = arith.index_cast %parallel_loop3A_240 : i32 to index
        %parallel_loop3A_254 = arith.constant 0 : index
        %parallel_loop3A_255 = tpu.vector_load %arg15[%parallel_loop3A_253, %parallel_loop3A_254] {strides = array<i32>} : memref<80x64xi32, #tpu.memory_space<vmem>>, vector<1x16xi32>,
        %parallel_loop3A_256 = vector.shape_cast %parallel_loop3A_255 : vector<1x16xi32> to vector<16xi32>
        %parallel_loop3A_257 = arith.constant 16 : i32
        %parallel_loop3A_258 = vector.broadcast %parallel_loop3A_257 : i32 to vector<16xi32>
        %parallel_loop3A_259 = arith.shli %parallel_loop3A_252, %parallel_loop3A_258 : vector<16xi32>
        %parallel_loop3A_260 = tpu.bitcast %parallel_loop3A_259 : vector<16xi32> -> vector<16xf32>
        %parallel_loop3A_261 = arith.constant -65536 : i32
        %parallel_loop3A_262 = vector.broadcast %parallel_loop3A_261 : i32 to vector<16xi32>
        %parallel_loop3A_263 = arith.andi %parallel_loop3A_252, %parallel_loop3A_262 : vector<16xi32>
        %parallel_loop3A_264 = tpu.bitcast %parallel_loop3A_263 : vector<16xi32> -> vector<16xf32>
        %parallel_loop3A_265 = arith.constant 16 : i32
        %parallel_loop3A_266 = vector.broadcast %parallel_loop3A_265 : i32 to vector<16xi32>
        %parallel_loop3A_267 = arith.shli %parallel_loop3A_256, %parallel_loop3A_266 : vector<16xi32>
        %parallel_loop3A_268 = tpu.bitcast %parallel_loop3A_267 : vector<16xi32> -> vector<16xf32>
        %parallel_loop3A_269 = arith.constant -65536 : i32
        %parallel_loop3A_270 = vector.broadcast %parallel_loop3A_269 : i32 to vector<16xi32>
        %parallel_loop3A_271 = arith.andi %parallel_loop3A_256, %parallel_loop3A_270 : vector<16xi32>
        %parallel_loop3A_272 = tpu.bitcast %parallel_loop3A_271 : vector<16xi32> -> vector<16xf32>
        %parallel_loop3A_273 = arith.addf %parallel_loop3A_260, %parallel_loop3A_268 : vector<16xf32>
        %parallel_loop3A_274 = vector.broadcast %parallel_loop3A_248 : f32 to vector<16xf32>
        %parallel_loop3A_275 = arith.mulf %parallel_loop3A_273, %parallel_loop3A_274 : vector<16xf32>
        %parallel_loop3A_276 = arith.addf %parallel_loop3A_275, %mul3A_7 : vector<16xf32>
        %parallel_loop3A_277 = math.exp %parallel_loop3A_276 : vector<16xf32>
        %parallel_loop3A_278 = arith.constant 1.000000e+00 : f32
        %parallel_loop3A_279 = vector.broadcast %parallel_loop3A_278 : f32 to vector<16xf32>
        %parallel_loop3A_280 = arith.addf %parallel_loop3A_279, %parallel_loop3A_277 : vector<16xf32>
        %parallel_loop3A_281 = arith.constant 1.000000e+00 : f32
        %parallel_loop3A_282 = vector.broadcast %parallel_loop3A_281 : f32 to vector<16xf32>
        %parallel_loop3A_283 = arith.divf %parallel_loop3A_282, %parallel_loop3A_280 : vector<16xf32>
        %parallel_loop3A_284 = arith.index_cast %parallel_loop3A_240 : i32 to index
        %parallel_loop3A_285 = arith.constant 0 : index
        %parallel_loop3A_286 = tpu.vector_load %arg17[%parallel_loop3A_284, %parallel_loop3A_285] {strides = array<i32>} : memref<80x128xf32, #tpu.memory_space<vmem>>, vector<1x16xf32>,
        %parallel_loop3A_287 = vector.shape_cast %parallel_loop3A_286 : vector<1x16xf32> to vector<16xf32>
        %parallel_loop3A_288 = vector.shape_cast %parallel_loop3A_283 : vector<16xf32> to vector<1x16xf32>
        tpu.vector_store %arg17[%parallel_loop3A_284, %parallel_loop3A_285], %parallel_loop3A_288 {strides = array<i32>} : memref<80x128xf32, #tpu.memory_space<vmem>>, vector<1x16xf32>,
        %parallel_loop3A_289 = arith.addf %parallel_loop3A_264, %parallel_loop3A_272 : vector<16xf32>
        %parallel_loop3A_290 = vector.broadcast %parallel_loop3A_248 : f32 to vector<16xf32>
        %parallel_loop3A_291 = arith.mulf %parallel_loop3A_289, %parallel_loop3A_290 : vector<16xf32>
        %parallel_loop3A_292 = arith.addf %parallel_loop3A_291, %mul3A_13 : vector<16xf32>
        %parallel_loop3A_293 = math.exp %parallel_loop3A_292 : vector<16xf32>
        %parallel_loop3A_294 = arith.constant 1.000000e+00 : f32
        %parallel_loop3A_295 = vector.broadcast %parallel_loop3A_294 : f32 to vector<16xf32>
        %parallel_loop3A_296 = arith.addf %parallel_loop3A_295, %parallel_loop3A_293 : vector<16xf32>
        %parallel_loop3A_297 = arith.constant 1.000000e+00 : f32
        %parallel_loop3A_298 = vector.broadcast %parallel_loop3A_297 : f32 to vector<16xf32>
        %parallel_loop3A_299 = arith.divf %parallel_loop3A_298, %parallel_loop3A_296 : vector<16xf32>
        %parallel_loop3A_300 = arith.index_cast %parallel_loop3A_240 : i32 to index
        %parallel_loop3A_301 = arith.constant 16 : index
        %parallel_loop3A_302 = tpu.vector_load %arg17[%parallel_loop3A_300, %parallel_loop3A_301] {strides = array<i32>} : memref<80x128xf32, #tpu.memory_space<vmem>>, vector<1x16xf32>,
        %parallel_loop3A_303 = vector.shape_cast %parallel_loop3A_302 : vector<1x16xf32> to vector<16xf32>
        %parallel_loop3A_304 = vector.shape_cast %parallel_loop3A_299 : vector<16xf32> to vector<1x16xf32>
        tpu.vector_store %arg17[%parallel_loop3A_300, %parallel_loop3A_301], %parallel_loop3A_304 {strides = array<i32>} : memref<80x128xf32, #tpu.memory_space<vmem>>, vector<1x16xf32>,
        %parallel_loop3A_305 = arith.index_cast %parallel_loop3A_240 : i32 to index
        %parallel_loop3A_306 = arith.constant 16 : index
        %parallel_loop3A_307 = tpu.vector_load %arg13[%parallel_loop3A_305, %parallel_loop3A_306] {strides = array<i32>} : memref<80x64xi32, #tpu.memory_space<vmem>>, vector<1x16xi32>,
        %parallel_loop3A_308 = vector.shape_cast %parallel_loop3A_307 : vector<1x16xi32> to vector<16xi32>
        %parallel_loop3A_309 = arith.index_cast %parallel_loop3A_240 : i32 to index
        %parallel_loop3A_310 = arith.constant 16 : index
        %parallel_loop3A_311 = tpu.vector_load %arg15[%parallel_loop3A_309, %parallel_loop3A_310] {strides = array<i32>} : memref<80x64xi32, #tpu.memory_space<vmem>>, vector<1x16xi32>,
        %parallel_loop3A_312 = vector.shape_cast %parallel_loop3A_311 : vector<1x16xi32> to vector<16xi32>
        %parallel_loop3A_313 = arith.constant 16 : i32
        %parallel_loop3A_314 = vector.broadcast %parallel_loop3A_313 : i32 to vector<16xi32>
        %parallel_loop3A_315 = arith.shli %parallel_loop3A_308, %parallel_loop3A_314 : vector<16xi32>
        %parallel_loop3A_316 = tpu.bitcast %parallel_loop3A_315 : vector<16xi32> -> vector<16xf32>
        %parallel_loop3A_317 = arith.constant -65536 : i32
        %parallel_loop3A_318 = vector.broadcast %parallel_loop3A_317 : i32 to vector<16xi32>
        %parallel_loop3A_319 = arith.andi %parallel_loop3A_308, %parallel_loop3A_318 : vector<16xi32>
        %parallel_loop3A_320 = tpu.bitcast %parallel_loop3A_319 : vector<16xi32> -> vector<16xf32>
        %parallel_loop3A_321 = arith.constant 16 : i32
        %parallel_loop3A_322 = vector.broadcast %parallel_loop3A_321 : i32 to vector<16xi32>
        %parallel_loop3A_323 = arith.shli %parallel_loop3A_312, %parallel_loop3A_322 : vector<16xi32>
        %parallel_loop3A_324 = tpu.bitcast %parallel_loop3A_323 : vector<16xi32> -> vector<16xf32>
        %parallel_loop3A_325 = arith.constant -65536 : i32
        %parallel_loop3A_326 = vector.broadcast %parallel_loop3A_325 : i32 to vector<16xi32>
        %parallel_loop3A_327 = arith.andi %parallel_loop3A_312, %parallel_loop3A_326 : vector<16xi32>
        %parallel_loop3A_328 = tpu.bitcast %parallel_loop3A_327 : vector<16xi32> -> vector<16xf32>
        %parallel_loop3A_329 = arith.addf %parallel_loop3A_316, %parallel_loop3A_324 : vector<16xf32>
        %parallel_loop3A_330 = vector.broadcast %parallel_loop3A_248 : f32 to vector<16xf32>
        %parallel_loop3A_331 = arith.mulf %parallel_loop3A_329, %parallel_loop3A_330 : vector<16xf32>
        %parallel_loop3A_332 = arith.addf %parallel_loop3A_331, %mul3A_19 : vector<16xf32>
        %parallel_loop3A_333 = math.exp %parallel_loop3A_332 : vector<16xf32>
        %parallel_loop3A_334 = arith.constant 1.000000e+00 : f32
        %parallel_loop3A_335 = vector.broadcast %parallel_loop3A_334 : f32 to vector<16xf32>
        %parallel_loop3A_336 = arith.addf %parallel_loop3A_335, %parallel_loop3A_333 : vector<16xf32>
        %parallel_loop3A_337 = arith.constant 1.000000e+00 : f32
        %parallel_loop3A_338 = vector.broadcast %parallel_loop3A_337 : f32 to vector<16xf32>
        %parallel_loop3A_339 = arith.divf %parallel_loop3A_338, %parallel_loop3A_336 : vector<16xf32>
        %parallel_loop3A_340 = arith.index_cast %parallel_loop3A_240 : i32 to index
        %parallel_loop3A_341 = arith.constant 32 : index
        %parallel_loop3A_342 = tpu.vector_load %arg17[%parallel_loop3A_340, %parallel_loop3A_341] {strides = array<i32>} : memref<80x128xf32, #tpu.memory_space<vmem>>, vector<1x16xf32>,
        %parallel_loop3A_343 = vector.shape_cast %parallel_loop3A_342 : vector<1x16xf32> to vector<16xf32>
        %parallel_loop3A_344 = vector.shape_cast %parallel_loop3A_339 : vector<16xf32> to vector<1x16xf32>
        tpu.vector_store %arg17[%parallel_loop3A_340, %parallel_loop3A_341], %parallel_loop3A_344 {strides = array<i32>} : memref<80x128xf32, #tpu.memory_space<vmem>>, vector<1x16xf32>,
        %parallel_loop3A_345 = arith.addf %parallel_loop3A_320, %parallel_loop3A_328 : vector<16xf32>
        %parallel_loop3A_346 = vector.broadcast %parallel_loop3A_248 : f32 to vector<16xf32>
        %parallel_loop3A_347 = arith.mulf %parallel_loop3A_345, %parallel_loop3A_346 : vector<16xf32>
        %parallel_loop3A_348 = arith.addf %parallel_loop3A_347, %mul3A_25 : vector<16xf32>
        %parallel_loop3A_349 = math.exp %parallel_loop3A_348 : vector<16xf32>
        %parallel_loop3A_350 = arith.constant 1.000000e+00 : f32
        %parallel_loop3A_351 = vector.broadcast %parallel_loop3A_350 : f32 to vector<16xf32>
        %parallel_loop3A_352 = arith.addf %parallel_loop3A_351, %parallel_loop3A_349 : vector<16xf32>
        %parallel_loop3A_353 = arith.constant 1.000000e+00 : f32
        %parallel_loop3A_354 = vector.broadcast %parallel_loop3A_353 : f32 to vector<16xf32>
        %parallel_loop3A_355 = arith.divf %parallel_loop3A_354, %parallel_loop3A_352 : vector<16xf32>
        %parallel_loop3A_356 = arith.index_cast %parallel_loop3A_240 : i32 to index
        %parallel_loop3A_357 = arith.constant 48 : index
        %parallel_loop3A_358 = tpu.vector_load %arg17[%parallel_loop3A_356, %parallel_loop3A_357] {strides = array<i32>} : memref<80x128xf32, #tpu.memory_space<vmem>>, vector<1x16xf32>,
        %parallel_loop3A_359 = vector.shape_cast %parallel_loop3A_358 : vector<1x16xf32> to vector<16xf32>
        %parallel_loop3A_360 = vector.shape_cast %parallel_loop3A_355 : vector<16xf32> to vector<1x16xf32>
        tpu.vector_store %arg17[%parallel_loop3A_356, %parallel_loop3A_357], %parallel_loop3A_360 {strides = array<i32>} : memref<80x128xf32, #tpu.memory_space<vmem>>, vector<1x16xf32>,
        %parallel_loop3A_361 = arith.index_cast %parallel_loop3A_240 : i32 to index
        %parallel_loop3A_362 = arith.constant 32 : index
        %parallel_loop3A_363 = tpu.vector_load %arg13[%parallel_loop3A_361, %parallel_loop3A_362] {strides = array<i32>} : memref<80x64xi32, #tpu.memory_space<vmem>>, vector<1x16xi32>,
        %parallel_loop3A_364 = vector.shape_cast %parallel_loop3A_363 : vector<1x16xi32> to vector<16xi32>
        %parallel_loop3A_365 = arith.index_cast %parallel_loop3A_240 : i32 to index
        %parallel_loop3A_366 = arith.constant 32 : index
        %parallel_loop3A_367 = tpu.vector_load %arg15[%parallel_loop3A_365, %parallel_loop3A_366] {strides = array<i32>} : memref<80x64xi32, #tpu.memory_space<vmem>>, vector<1x16xi32>,
        %parallel_loop3A_368 = vector.shape_cast %parallel_loop3A_367 : vector<1x16xi32> to vector<16xi32>
        %parallel_loop3A_369 = arith.constant 16 : i32
        %parallel_loop3A_370 = vector.broadcast %parallel_loop3A_369 : i32 to vector<16xi32>
        %parallel_loop3A_371 = arith.shli %parallel_loop3A_364, %parallel_loop3A_370 : vector<16xi32>
        %parallel_loop3A_372 = tpu.bitcast %parallel_loop3A_371 : vector<16xi32> -> vector<16xf32>
        %parallel_loop3A_373 = arith.constant -65536 : i32
        %parallel_loop3A_374 = vector.broadcast %parallel_loop3A_373 : i32 to vector<16xi32>
        %parallel_loop3A_375 = arith.andi %parallel_loop3A_364, %parallel_loop3A_374 : vector<16xi32>
        %parallel_loop3A_376 = tpu.bitcast %parallel_loop3A_375 : vector<16xi32> -> vector<16xf32>
        %parallel_loop3A_377 = arith.constant 16 : i32
        %parallel_loop3A_378 = vector.broadcast %parallel_loop3A_377 : i32 to vector<16xi32>
        %parallel_loop3A_379 = arith.shli %parallel_loop3A_368, %parallel_loop3A_378 : vector<16xi32>
        %parallel_loop3A_380 = tpu.bitcast %parallel_loop3A_379 : vector<16xi32> -> vector<16xf32>
        %parallel_loop3A_381 = arith.constant -65536 : i32
        %parallel_loop3A_382 = vector.broadcast %parallel_loop3A_381 : i32 to vector<16xi32>
        %parallel_loop3A_383 = arith.andi %parallel_loop3A_368, %parallel_loop3A_382 : vector<16xi32>
        %parallel_loop3A_384 = tpu.bitcast %parallel_loop3A_383 : vector<16xi32> -> vector<16xf32>
        %parallel_loop3A_385 = arith.addf %parallel_loop3A_372, %parallel_loop3A_380 : vector<16xf32>
        %parallel_loop3A_386 = vector.broadcast %parallel_loop3A_248 : f32 to vector<16xf32>
        %parallel_loop3A_387 = arith.mulf %parallel_loop3A_385, %parallel_loop3A_386 : vector<16xf32>
        %parallel_loop3A_388 = arith.addf %parallel_loop3A_387, %mul3A_31 : vector<16xf32>
        %parallel_loop3A_389 = math.exp %parallel_loop3A_388 : vector<16xf32>
        %parallel_loop3A_390 = arith.constant 1.000000e+00 : f32
        %parallel_loop3A_391 = vector.broadcast %parallel_loop3A_390 : f32 to vector<16xf32>
        %parallel_loop3A_392 = arith.addf %parallel_loop3A_391, %parallel_loop3A_389 : vector<16xf32>
        %parallel_loop3A_393 = arith.constant 1.000000e+00 : f32
        %parallel_loop3A_394 = vector.broadcast %parallel_loop3A_393 : f32 to vector<16xf32>
        %parallel_loop3A_395 = arith.divf %parallel_loop3A_394, %parallel_loop3A_392 : vector<16xf32>
        %parallel_loop3A_396 = arith.index_cast %parallel_loop3A_240 : i32 to index
        %parallel_loop3A_397 = arith.constant 64 : index
        %parallel_loop3A_398 = tpu.vector_load %arg17[%parallel_loop3A_396, %parallel_loop3A_397] {strides = array<i32>} : memref<80x128xf32, #tpu.memory_space<vmem>>, vector<1x16xf32>,
        %parallel_loop3A_399 = vector.shape_cast %parallel_loop3A_398 : vector<1x16xf32> to vector<16xf32>
        %parallel_loop3A_400 = vector.shape_cast %parallel_loop3A_395 : vector<16xf32> to vector<1x16xf32>
        tpu.vector_store %arg17[%parallel_loop3A_396, %parallel_loop3A_397], %parallel_loop3A_400 {strides = array<i32>} : memref<80x128xf32, #tpu.memory_space<vmem>>, vector<1x16xf32>,
        %parallel_loop3A_401 = arith.addf %parallel_loop3A_376, %parallel_loop3A_384 : vector<16xf32>
        %parallel_loop3A_402 = vector.broadcast %parallel_loop3A_248 : f32 to vector<16xf32>
        %parallel_loop3A_403 = arith.mulf %parallel_loop3A_401, %parallel_loop3A_402 : vector<16xf32>
        %parallel_loop3A_404 = arith.addf %parallel_loop3A_403, %mul3A_37 : vector<16xf32>
        %parallel_loop3A_405 = math.exp %parallel_loop3A_404 : vector<16xf32>
        %parallel_loop3A_406 = arith.constant 1.000000e+00 : f32
        %parallel_loop3A_407 = vector.broadcast %parallel_loop3A_406 : f32 to vector<16xf32>
        %parallel_loop3A_408 = arith.addf %parallel_loop3A_407, %parallel_loop3A_405 : vector<16xf32>
        %parallel_loop3A_409 = arith.constant 1.000000e+00 : f32
        %parallel_loop3A_410 = vector.broadcast %parallel_loop3A_409 : f32 to vector<16xf32>
        %parallel_loop3A_411 = arith.divf %parallel_loop3A_410, %parallel_loop3A_408 : vector<16xf32>
        %parallel_loop3A_412 = arith.index_cast %parallel_loop3A_240 : i32 to index
        %parallel_loop3A_413 = arith.constant 80 : index
        %parallel_loop3A_414 = tpu.vector_load %arg17[%parallel_loop3A_412, %parallel_loop3A_413] {strides = array<i32>} : memref<80x128xf32, #tpu.memory_space<vmem>>, vector<1x16xf32>,
        %parallel_loop3A_415 = vector.shape_cast %parallel_loop3A_414 : vector<1x16xf32> to vector<16xf32>
        %parallel_loop3A_416 = vector.shape_cast %parallel_loop3A_411 : vector<16xf32> to vector<1x16xf32>
        tpu.vector_store %arg17[%parallel_loop3A_412, %parallel_loop3A_413], %parallel_loop3A_416 {strides = array<i32>} : memref<80x128xf32, #tpu.memory_space<vmem>>, vector<1x16xf32>,
        %parallel_loop3A_417 = arith.index_cast %parallel_loop3A_240 : i32 to index
        %parallel_loop3A_418 = arith.constant 48 : index
        %parallel_loop3A_419 = tpu.vector_load %arg13[%parallel_loop3A_417, %parallel_loop3A_418] {strides = array<i32>} : memref<80x64xi32, #tpu.memory_space<vmem>>, vector<1x16xi32>,
        %parallel_loop3A_420 = vector.shape_cast %parallel_loop3A_419 : vector<1x16xi32> to vector<16xi32>
        %parallel_loop3A_421 = arith.index_cast %parallel_loop3A_240 : i32 to index
        %parallel_loop3A_422 = arith.constant 48 : index
        %parallel_loop3A_423 = tpu.vector_load %arg15[%parallel_loop3A_421, %parallel_loop3A_422] {strides = array<i32>} : memref<80x64xi32, #tpu.memory_space<vmem>>, vector<1x16xi32>,
        %parallel_loop3A_424 = vector.shape_cast %parallel_loop3A_423 : vector<1x16xi32> to vector<16xi32>
        %parallel_loop3A_425 = arith.constant 16 : i32
        %parallel_loop3A_426 = vector.broadcast %parallel_loop3A_425 : i32 to vector<16xi32>
        %parallel_loop3A_427 = arith.shli %parallel_loop3A_420, %parallel_loop3A_426 : vector<16xi32>
        %parallel_loop3A_428 = tpu.bitcast %parallel_loop3A_427 : vector<16xi32> -> vector<16xf32>
        %parallel_loop3A_429 = arith.constant -65536 : i32
        %parallel_loop3A_430 = vector.broadcast %parallel_loop3A_429 : i32 to vector<16xi32>
        %parallel_loop3A_431 = arith.andi %parallel_loop3A_420, %parallel_loop3A_430 : vector<16xi32>
        %parallel_loop3A_432 = tpu.bitcast %parallel_loop3A_431 : vector<16xi32> -> vector<16xf32>
        %parallel_loop3A_433 = arith.constant 16 : i32
        %parallel_loop3A_434 = vector.broadcast %parallel_loop3A_433 : i32 to vector<16xi32>
        %parallel_loop3A_435 = arith.shli %parallel_loop3A_424, %parallel_loop3A_434 : vector<16xi32>
        %parallel_loop3A_436 = tpu.bitcast %parallel_loop3A_435 : vector<16xi32> -> vector<16xf32>
        %parallel_loop3A_437 = arith.constant -65536 : i32
        %parallel_loop3A_438 = vector.broadcast %parallel_loop3A_437 : i32 to vector<16xi32>
        %parallel_loop3A_439 = arith.andi %parallel_loop3A_424, %parallel_loop3A_438 : vector<16xi32>
        %parallel_loop3A_440 = tpu.bitcast %parallel_loop3A_439 : vector<16xi32> -> vector<16xf32>
        %parallel_loop3A_441 = arith.addf %parallel_loop3A_428, %parallel_loop3A_436 : vector<16xf32>
        %parallel_loop3A_442 = vector.broadcast %parallel_loop3A_248 : f32 to vector<16xf32>
        %parallel_loop3A_443 = arith.mulf %parallel_loop3A_441, %parallel_loop3A_442 : vector<16xf32>
        %parallel_loop3A_444 = arith.addf %parallel_loop3A_443, %mul3A_43 : vector<16xf32>
        %parallel_loop3A_445 = math.exp %parallel_loop3A_444 : vector<16xf32>
        %parallel_loop3A_446 = arith.constant 1.000000e+00 : f32
        %parallel_loop3A_447 = vector.broadcast %parallel_loop3A_446 : f32 to vector<16xf32>
        %parallel_loop3A_448 = arith.addf %parallel_loop3A_447, %parallel_loop3A_445 : vector<16xf32>
        %parallel_loop3A_449 = arith.constant 1.000000e+00 : f32
        %parallel_loop3A_450 = vector.broadcast %parallel_loop3A_449 : f32 to vector<16xf32>
        %parallel_loop3A_451 = arith.divf %parallel_loop3A_450, %parallel_loop3A_448 : vector<16xf32>
        %parallel_loop3A_452 = arith.index_cast %parallel_loop3A_240 : i32 to index
        %parallel_loop3A_453 = arith.constant 96 : index
        %parallel_loop3A_454 = tpu.vector_load %arg17[%parallel_loop3A_452, %parallel_loop3A_453] {strides = array<i32>} : memref<80x128xf32, #tpu.memory_space<vmem>>, vector<1x16xf32>,
        %parallel_loop3A_455 = vector.shape_cast %parallel_loop3A_454 : vector<1x16xf32> to vector<16xf32>
        %parallel_loop3A_456 = vector.shape_cast %parallel_loop3A_451 : vector<16xf32> to vector<1x16xf32>
        tpu.vector_store %arg17[%parallel_loop3A_452, %parallel_loop3A_453], %parallel_loop3A_456 {strides = array<i32>} : memref<80x128xf32, #tpu.memory_space<vmem>>, vector<1x16xf32>,
        %parallel_loop3A_457 = arith.addf %parallel_loop3A_432, %parallel_loop3A_440 : vector<16xf32>
        %parallel_loop3A_458 = vector.broadcast %parallel_loop3A_248 : f32 to vector<16xf32>
        %parallel_loop3A_459 = arith.mulf %parallel_loop3A_457, %parallel_loop3A_458 : vector<16xf32>
        %parallel_loop3A_460 = arith.addf %parallel_loop3A_459, %mul3A_49 : vector<16xf32>
        %parallel_loop3A_461 = math.exp %parallel_loop3A_460 : vector<16xf32>
        %parallel_loop3A_462 = arith.constant 1.000000e+00 : f32
        %parallel_loop3A_463 = vector.broadcast %parallel_loop3A_462 : f32 to vector<16xf32>
        %parallel_loop3A_464 = arith.addf %parallel_loop3A_463, %parallel_loop3A_461 : vector<16xf32>
        %parallel_loop3A_465 = arith.constant 1.000000e+00 : f32
        %parallel_loop3A_466 = vector.broadcast %parallel_loop3A_465 : f32 to vector<16xf32>
        %parallel_loop3A_467 = arith.divf %parallel_loop3A_466, %parallel_loop3A_464 : vector<16xf32>
        %parallel_loop3A_468 = arith.index_cast %parallel_loop3A_240 : i32 to index
        %parallel_loop3A_469 = arith.constant 112 : index
        %parallel_loop3A_470 = tpu.vector_load %arg17[%parallel_loop3A_468, %parallel_loop3A_469] {strides = array<i32>} : memref<80x128xf32, #tpu.memory_space<vmem>>, vector<1x16xf32>,
        %parallel_loop3A_471 = vector.shape_cast %parallel_loop3A_470 : vector<1x16xf32> to vector<16xf32>
        %parallel_loop3A_472 = vector.shape_cast %parallel_loop3A_467 : vector<16xf32> to vector<1x16xf32>
        tpu.vector_store %arg17[%parallel_loop3A_468, %parallel_loop3A_469], %parallel_loop3A_472 {strides = array<i32>} : memref<80x128xf32, #tpu.memory_space<vmem>>, vector<1x16xf32>,
      } {sc.loop_unroll_factor = 2 : i64, sc.parallel_access}
      %add3A_227 = arith.addi %mul3A_2, %mul3A_223 : i32
      %dma_start3A_228 = arith.constant 0 : i32
      %dma_start3A_229 = tpu.memref_slice %arg8[%add3A_227, %dma_start3A_228] : memref<320000x128xf32, #tpu.memory_space<hbm>> -> memref<80x128xf32, #tpu.memory_space<hbm>>
      %dma_start3A_230 = arith.constant 0 : i32
      %dma_start3A_231 = tpu.memref_slice %arg8[%add3A_227, %dma_start3A_230] : memref<320000x128xf32, #tpu.memory_space<hbm>> -> memref<80x128xf32, #tpu.memory_space<hbm>>
      tpu.enqueue_dma source(%arg17 : memref<80x128xf32, #tpu.memory_space<vmem>>) target(%dma_start3A_231 : memref<80x128xf32, #tpu.memory_space<hbm>>) target_semaphore(%arg24 : memref<!tpu.dma_semaphore, #tpu.memory_space<semaphore_mem>>)
      %add3A_232 = arith.constant 2 : i32
      %add3A_233 = arith.addi %add3A_205, %add3A_232 : i32
      %lt3A_234 = arith.constant 125 : i32
      %lt3A_235 = arith.cmpi slt, %add3A_233, %lt3A_234 : i32
      %convert_element_type3A_236 = arith.extui %lt3A_235 : i1 to i32
      %cond3A_237 = arith.constant 0 : i32
      %cond3A_238 = arith.cmpi ne, %convert_element_type3A_236, %cond3A_237 : i32
      scf.if %cond3A_238 {
        %add3A_240 = arith.constant 2 : i32
        %add3A_241 = arith.addi %add3A_205, %add3A_240 : i32
        %mul3A_242 = arith.constant 80 : i32
        %mul3A_243 = arith.muli %add3A_241, %mul3A_242 : i32
        %dma_start3A_244 = tpu.memref_slice %arg9[%mul3A_243] : memref<10000xi32, #tpu.memory_space<vmem>> -> memref<80xi32, #tpu.memory_space<vmem>>
        %dma_start3A_245 = arith.constant 0 : i32
        %dma_start3A_246 = arith.constant 0 : i32
        %dma_start3A_247 = tpu.memref_slice %arg2[%dma_start3A_245, %dma_start3A_246] : memref<10000x64xi32, #tpu.memory_space<hbm>> -> memref<10000x64xi32, #tpu.memory_space<hbm>>
        tpu.enqueue_indirect_dma source(%dma_start3A_247 : memref<10000x64xi32, #tpu.memory_space<hbm>>) target(%arg13 : memref<80x64xi32, #tpu.memory_space<vmem>>) offsets(%dma_start3A_244 : memref<80xi32, #tpu.memory_space<vmem>>) semaphore(%arg20 : memref<!tpu.dma_semaphore, #tpu.memory_space<semaphore_mem>>)
        %dma_start3A_248 = tpu.memref_slice %arg10[%mul3A_243] : memref<10000xi32, #tpu.memory_space<vmem>> -> memref<80xi32, #tpu.memory_space<vmem>>
        %dma_start3A_249 = arith.constant 0 : i32
        %dma_start3A_250 = arith.constant 0 : i32
        %dma_start3A_251 = tpu.memref_slice %arg3[%dma_start3A_249, %dma_start3A_250] : memref<10000x64xi32, #tpu.memory_space<hbm>> -> memref<10000x64xi32, #tpu.memory_space<hbm>>
        tpu.enqueue_indirect_dma source(%dma_start3A_251 : memref<10000x64xi32, #tpu.memory_space<hbm>>) target(%arg15 : memref<80x64xi32, #tpu.memory_space<vmem>>) offsets(%dma_start3A_248 : memref<80xi32, #tpu.memory_space<vmem>>) semaphore(%arg22 : memref<!tpu.dma_semaphore, #tpu.memory_space<semaphore_mem>>)
      } else {
      }
      %scan3A_239 = arith.constant 0 : i32
      scf.yield %scan3A_239 : i32
    }
    %scan3A_130 = arith.constant 61 : i32
    %dma_wait3A_131 = arith.constant 0 : i32
    %dma_wait3A_132 = tpu.memref_slice %arg9[%dma_wait3A_131] : memref<10000xi32, #tpu.memory_space<vmem>> -> memref<80xi32, #tpu.memory_space<vmem>>
    %dma_wait3A_133 = arith.constant 0 : i32
    %dma_wait3A_134 = arith.constant 0 : i32
    %dma_wait3A_135 = tpu.memref_slice %arg2[%dma_wait3A_133, %dma_wait3A_134] : memref<10000x64xi32, #tpu.memory_space<hbm>> -> memref<10000x64xi32, #tpu.memory_space<hbm>>
    tpu.wait_indirect_dma semaphore(%arg19 : memref<!tpu.dma_semaphore, #tpu.memory_space<semaphore_mem>>) src(%dma_wait3A_135 : memref<10000x64xi32, #tpu.memory_space<hbm>>) dst(%arg12 : memref<80x64xi32, #tpu.memory_space<vmem>>)
    %dma_wait3A_136 = arith.constant 0 : i32
    %dma_wait3A_137 = tpu.memref_slice %arg10[%dma_wait3A_136] : memref<10000xi32, #tpu.memory_space<vmem>> -> memref<80xi32, #tpu.memory_space<vmem>>
    %dma_wait3A_138 = arith.constant 0 : i32
    %dma_wait3A_139 = arith.constant 0 : i32
    %dma_wait3A_140 = tpu.memref_slice %arg3[%dma_wait3A_138, %dma_wait3A_139] : memref<10000x64xi32, #tpu.memory_space<hbm>> -> memref<10000x64xi32, #tpu.memory_space<hbm>>
    tpu.wait_indirect_dma semaphore(%arg21 : memref<!tpu.dma_semaphore, #tpu.memory_space<semaphore_mem>>) src(%dma_wait3A_140 : memref<10000x64xi32, #tpu.memory_space<hbm>>) dst(%arg14 : memref<80x64xi32, #tpu.memory_space<vmem>>)
    %dma_wait3A_141 = arith.constant 0 : i32
    %dma_wait3A_142 = arith.constant 0 : i32
    %dma_wait3A_143 = tpu.memref_slice %arg8[%dma_wait3A_141, %dma_wait3A_142] : memref<320000x128xf32, #tpu.memory_space<hbm>> -> memref<80x128xf32, #tpu.memory_space<hbm>>
    %dma_wait3A_144 = arith.constant 0 : i32
    %dma_wait3A_145 = arith.constant 0 : i32
    %dma_wait3A_146 = tpu.memref_slice %arg8[%dma_wait3A_144, %dma_wait3A_145] : memref<320000x128xf32, #tpu.memory_space<hbm>> -> memref<80x128xf32, #tpu.memory_space<hbm>>
    tpu.wait_dma2 semaphore(%arg23 : memref<!tpu.dma_semaphore, #tpu.memory_space<semaphore_mem>>) src(%arg16 : memref<80x128xf32, #tpu.memory_space<vmem>>) dst(%dma_wait3A_146 : memref<80x128xf32, #tpu.memory_space<hbm>>)
    %parallel_loop3A_147 = arith.constant 0 : i32
    %parallel_loop3A_148 = arith.constant 80 : i32
    %parallel_loop3A_149 = arith.constant 1 : i32
    scf.for %parallel_loop3A_168 = %parallel_loop3A_147 to %parallel_loop3A_148 step %parallel_loop3A_149  : i32 {
      %parallel_loop3A_169 = arith.constant 9920 : i32
      %parallel_loop3A_170 = arith.addi %parallel_loop3A_169, %parallel_loop3A_168 : i32
      %parallel_loop3A_171 = arith.index_cast %parallel_loop3A_170 : i32 to index
      %parallel_loop3A_172 = tpu.vector_load %arg11[%parallel_loop3A_171] {strides = array<i32>} : memref<10016xf32, #tpu.memory_space<vmem>>, vector<16xf32>,
      %parallel_loop3A_173 = vector.shape_cast %parallel_loop3A_172 : vector<16xf32> to vector<16xf32>
      %parallel_loop3A_174 = vector.extract_strided_slice %parallel_loop3A_173 {offsets = [0], sizes = [1], strides = [1]} : vector<16xf32> to vector<1xf32>
      %parallel_loop3A_175 = vector.extract %parallel_loop3A_174[0] : f32 from vector<1xf32>
      %parallel_loop3A_176 = arith.constant -1.000000e+00 : f32
      %parallel_loop3A_177 = arith.mulf %parallel_loop3A_175, %parallel_loop3A_176 : f32
      %parallel_loop3A_178 = arith.index_cast %parallel_loop3A_168 : i32 to index
      %parallel_loop3A_179 = arith.constant 0 : index
      %parallel_loop3A_180 = tpu.vector_load %arg12[%parallel_loop3A_178, %parallel_loop3A_179] {strides = array<i32>} : memref<80x64xi32, #tpu.memory_space<vmem>>, vector<1x16xi32>,
      %parallel_loop3A_181 = vector.shape_cast %parallel_loop3A_180 : vector<1x16xi32> to vector<16xi32>
      %parallel_loop3A_182 = arith.index_cast %parallel_loop3A_168 : i32 to index
      %parallel_loop3A_183 = arith.constant 0 : index
      %parallel_loop3A_184 = tpu.vector_load %arg14[%parallel_loop3A_182, %parallel_loop3A_183] {strides = array<i32>} : memref<80x64xi32, #tpu.memory_space<vmem>>, vector<1x16xi32>,
      %parallel_loop3A_185 = vector.shape_cast %parallel_loop3A_184 : vector<1x16xi32> to vector<16xi32>
      %parallel_loop3A_186 = arith.constant 16 : i32
      %parallel_loop3A_187 = vector.broadcast %parallel_loop3A_186 : i32 to vector<16xi32>
      %parallel_loop3A_188 = arith.shli %parallel_loop3A_181, %parallel_loop3A_187 : vector<16xi32>
      %parallel_loop3A_189 = tpu.bitcast %parallel_loop3A_188 : vector<16xi32> -> vector<16xf32>
      %parallel_loop3A_190 = arith.constant -65536 : i32
      %parallel_loop3A_191 = vector.broadcast %parallel_loop3A_190 : i32 to vector<16xi32>
      %parallel_loop3A_192 = arith.andi %parallel_loop3A_181, %parallel_loop3A_191 : vector<16xi32>
      %parallel_loop3A_193 = tpu.bitcast %parallel_loop3A_192 : vector<16xi32> -> vector<16xf32>
      %parallel_loop3A_194 = arith.constant 16 : i32
      %parallel_loop3A_195 = vector.broadcast %parallel_loop3A_194 : i32 to vector<16xi32>
      %parallel_loop3A_196 = arith.shli %parallel_loop3A_185, %parallel_loop3A_195 : vector<16xi32>
      %parallel_loop3A_197 = tpu.bitcast %parallel_loop3A_196 : vector<16xi32> -> vector<16xf32>
      %parallel_loop3A_198 = arith.constant -65536 : i32
      %parallel_loop3A_199 = vector.broadcast %parallel_loop3A_198 : i32 to vector<16xi32>
      %parallel_loop3A_200 = arith.andi %parallel_loop3A_185, %parallel_loop3A_199 : vector<16xi32>
      %parallel_loop3A_201 = tpu.bitcast %parallel_loop3A_200 : vector<16xi32> -> vector<16xf32>
      %parallel_loop3A_202 = arith.addf %parallel_loop3A_189, %parallel_loop3A_197 : vector<16xf32>
      %parallel_loop3A_203 = vector.broadcast %parallel_loop3A_177 : f32 to vector<16xf32>
      %parallel_loop3A_204 = arith.mulf %parallel_loop3A_202, %parallel_loop3A_203 : vector<16xf32>
      %parallel_loop3A_205 = arith.addf %parallel_loop3A_204, %mul3A_7 : vector<16xf32>
      %parallel_loop3A_206 = math.exp %parallel_loop3A_205 : vector<16xf32>
      %parallel_loop3A_207 = arith.constant 1.000000e+00 : f32
      %parallel_loop3A_208 = vector.broadcast %parallel_loop3A_207 : f32 to vector<16xf32>
      %parallel_loop3A_209 = arith.addf %parallel_loop3A_208, %parallel_loop3A_206 : vector<16xf32>
      %parallel_loop3A_210 = arith.constant 1.000000e+00 : f32
      %parallel_loop3A_211 = vector.broadcast %parallel_loop3A_210 : f32 to vector<16xf32>
      %parallel_loop3A_212 = arith.divf %parallel_loop3A_211, %parallel_loop3A_209 : vector<16xf32>
      %parallel_loop3A_213 = arith.index_cast %parallel_loop3A_168 : i32 to index
      %parallel_loop3A_214 = arith.constant 0 : index
      %parallel_loop3A_215 = tpu.vector_load %arg16[%parallel_loop3A_213, %parallel_loop3A_214] {strides = array<i32>} : memref<80x128xf32, #tpu.memory_space<vmem>>, vector<1x16xf32>,
      %parallel_loop3A_216 = vector.shape_cast %parallel_loop3A_215 : vector<1x16xf32> to vector<16xf32>
      %parallel_loop3A_217 = vector.shape_cast %parallel_loop3A_212 : vector<16xf32> to vector<1x16xf32>
      tpu.vector_store %arg16[%parallel_loop3A_213, %parallel_loop3A_214], %parallel_loop3A_217 {strides = array<i32>} : memref<80x128xf32, #tpu.memory_space<vmem>>, vector<1x16xf32>,
      %parallel_loop3A_218 = arith.addf %parallel_loop3A_193, %parallel_loop3A_201 : vector<16xf32>
      %parallel_loop3A_219 = vector.broadcast %parallel_loop3A_177 : f32 to vector<16xf32>
      %parallel_loop3A_220 = arith.mulf %parallel_loop3A_218, %parallel_loop3A_219 : vector<16xf32>
      %parallel_loop3A_221 = arith.addf %parallel_loop3A_220, %mul3A_13 : vector<16xf32>
      %parallel_loop3A_222 = math.exp %parallel_loop3A_221 : vector<16xf32>
      %parallel_loop3A_223 = arith.constant 1.000000e+00 : f32
      %parallel_loop3A_224 = vector.broadcast %parallel_loop3A_223 : f32 to vector<16xf32>
      %parallel_loop3A_225 = arith.addf %parallel_loop3A_224, %parallel_loop3A_222 : vector<16xf32>
      %parallel_loop3A_226 = arith.constant 1.000000e+00 : f32
      %parallel_loop3A_227 = vector.broadcast %parallel_loop3A_226 : f32 to vector<16xf32>
      %parallel_loop3A_228 = arith.divf %parallel_loop3A_227, %parallel_loop3A_225 : vector<16xf32>
      %parallel_loop3A_229 = arith.index_cast %parallel_loop3A_168 : i32 to index
      %parallel_loop3A_230 = arith.constant 16 : index
      %parallel_loop3A_231 = tpu.vector_load %arg16[%parallel_loop3A_229, %parallel_loop3A_230] {strides = array<i32>} : memref<80x128xf32, #tpu.memory_space<vmem>>, vector<1x16xf32>,
      %parallel_loop3A_232 = vector.shape_cast %parallel_loop3A_231 : vector<1x16xf32> to vector<16xf32>
      %parallel_loop3A_233 = vector.shape_cast %parallel_loop3A_228 : vector<16xf32> to vector<1x16xf32>
      tpu.vector_store %arg16[%parallel_loop3A_229, %parallel_loop3A_230], %parallel_loop3A_233 {strides = array<i32>} : memref<80x128xf32, #tpu.memory_space<vmem>>, vector<1x16xf32>,
      %parallel_loop3A_234 = arith.index_cast %parallel_loop3A_168 : i32 to index
      %parallel_loop3A_235 = arith.constant 16 : index
      %parallel_loop3A_236 = tpu.vector_load %arg12[%parallel_loop3A_234, %parallel_loop3A_235] {strides = array<i32>} : memref<80x64xi32, #tpu.memory_space<vmem>>, vector<1x16xi32>,
      %parallel_loop3A_237 = vector.shape_cast %parallel_loop3A_236 : vector<1x16xi32> to vector<16xi32>
      %parallel_loop3A_238 = arith.index_cast %parallel_loop3A_168 : i32 to index
      %parallel_loop3A_239 = arith.constant 16 : index
      %parallel_loop3A_240 = tpu.vector_load %arg14[%parallel_loop3A_238, %parallel_loop3A_239] {strides = array<i32>} : memref<80x64xi32, #tpu.memory_space<vmem>>, vector<1x16xi32>,
      %parallel_loop3A_241 = vector.shape_cast %parallel_loop3A_240 : vector<1x16xi32> to vector<16xi32>
      %parallel_loop3A_242 = arith.constant 16 : i32
      %parallel_loop3A_243 = vector.broadcast %parallel_loop3A_242 : i32 to vector<16xi32>
      %parallel_loop3A_244 = arith.shli %parallel_loop3A_237, %parallel_loop3A_243 : vector<16xi32>
      %parallel_loop3A_245 = tpu.bitcast %parallel_loop3A_244 : vector<16xi32> -> vector<16xf32>
      %parallel_loop3A_246 = arith.constant -65536 : i32
      %parallel_loop3A_247 = vector.broadcast %parallel_loop3A_246 : i32 to vector<16xi32>
      %parallel_loop3A_248 = arith.andi %parallel_loop3A_237, %parallel_loop3A_247 : vector<16xi32>
      %parallel_loop3A_249 = tpu.bitcast %parallel_loop3A_248 : vector<16xi32> -> vector<16xf32>
      %parallel_loop3A_250 = arith.constant 16 : i32
      %parallel_loop3A_251 = vector.broadcast %parallel_loop3A_250 : i32 to vector<16xi32>
      %parallel_loop3A_252 = arith.shli %parallel_loop3A_241, %parallel_loop3A_251 : vector<16xi32>
      %parallel_loop3A_253 = tpu.bitcast %parallel_loop3A_252 : vector<16xi32> -> vector<16xf32>
      %parallel_loop3A_254 = arith.constant -65536 : i32
      %parallel_loop3A_255 = vector.broadcast %parallel_loop3A_254 : i32 to vector<16xi32>
      %parallel_loop3A_256 = arith.andi %parallel_loop3A_241, %parallel_loop3A_255 : vector<16xi32>
      %parallel_loop3A_257 = tpu.bitcast %parallel_loop3A_256 : vector<16xi32> -> vector<16xf32>
      %parallel_loop3A_258 = arith.addf %parallel_loop3A_245, %parallel_loop3A_253 : vector<16xf32>
      %parallel_loop3A_259 = vector.broadcast %parallel_loop3A_177 : f32 to vector<16xf32>
      %parallel_loop3A_260 = arith.mulf %parallel_loop3A_258, %parallel_loop3A_259 : vector<16xf32>
      %parallel_loop3A_261 = arith.addf %parallel_loop3A_260, %mul3A_19 : vector<16xf32>
      %parallel_loop3A_262 = math.exp %parallel_loop3A_261 : vector<16xf32>
      %parallel_loop3A_263 = arith.constant 1.000000e+00 : f32
      %parallel_loop3A_264 = vector.broadcast %parallel_loop3A_263 : f32 to vector<16xf32>
      %parallel_loop3A_265 = arith.addf %parallel_loop3A_264, %parallel_loop3A_262 : vector<16xf32>
      %parallel_loop3A_266 = arith.constant 1.000000e+00 : f32
      %parallel_loop3A_267 = vector.broadcast %parallel_loop3A_266 : f32 to vector<16xf32>
      %parallel_loop3A_268 = arith.divf %parallel_loop3A_267, %parallel_loop3A_265 : vector<16xf32>
      %parallel_loop3A_269 = arith.index_cast %parallel_loop3A_168 : i32 to index
      %parallel_loop3A_270 = arith.constant 32 : index
      %parallel_loop3A_271 = tpu.vector_load %arg16[%parallel_loop3A_269, %parallel_loop3A_270] {strides = array<i32>} : memref<80x128xf32, #tpu.memory_space<vmem>>, vector<1x16xf32>,
      %parallel_loop3A_272 = vector.shape_cast %parallel_loop3A_271 : vector<1x16xf32> to vector<16xf32>
      %parallel_loop3A_273 = vector.shape_cast %parallel_loop3A_268 : vector<16xf32> to vector<1x16xf32>
      tpu.vector_store %arg16[%parallel_loop3A_269, %parallel_loop3A_270], %parallel_loop3A_273 {strides = array<i32>} : memref<80x128xf32, #tpu.memory_space<vmem>>, vector<1x16xf32>,
      %parallel_loop3A_274 = arith.addf %parallel_loop3A_249, %parallel_loop3A_257 : vector<16xf32>
      %parallel_loop3A_275 = vector.broadcast %parallel_loop3A_177 : f32 to vector<16xf32>
      %parallel_loop3A_276 = arith.mulf %parallel_loop3A_274, %parallel_loop3A_275 : vector<16xf32>
      %parallel_loop3A_277 = arith.addf %parallel_loop3A_276, %mul3A_25 : vector<16xf32>
      %parallel_loop3A_278 = math.exp %parallel_loop3A_277 : vector<16xf32>
      %parallel_loop3A_279 = arith.constant 1.000000e+00 : f32
      %parallel_loop3A_280 = vector.broadcast %parallel_loop3A_279 : f32 to vector<16xf32>
      %parallel_loop3A_281 = arith.addf %parallel_loop3A_280, %parallel_loop3A_278 : vector<16xf32>
      %parallel_loop3A_282 = arith.constant 1.000000e+00 : f32
      %parallel_loop3A_283 = vector.broadcast %parallel_loop3A_282 : f32 to vector<16xf32>
      %parallel_loop3A_284 = arith.divf %parallel_loop3A_283, %parallel_loop3A_281 : vector<16xf32>
      %parallel_loop3A_285 = arith.index_cast %parallel_loop3A_168 : i32 to index
      %parallel_loop3A_286 = arith.constant 48 : index
      %parallel_loop3A_287 = tpu.vector_load %arg16[%parallel_loop3A_285, %parallel_loop3A_286] {strides = array<i32>} : memref<80x128xf32, #tpu.memory_space<vmem>>, vector<1x16xf32>,
      %parallel_loop3A_288 = vector.shape_cast %parallel_loop3A_287 : vector<1x16xf32> to vector<16xf32>
      %parallel_loop3A_289 = vector.shape_cast %parallel_loop3A_284 : vector<16xf32> to vector<1x16xf32>
      tpu.vector_store %arg16[%parallel_loop3A_285, %parallel_loop3A_286], %parallel_loop3A_289 {strides = array<i32>} : memref<80x128xf32, #tpu.memory_space<vmem>>, vector<1x16xf32>,
      %parallel_loop3A_290 = arith.index_cast %parallel_loop3A_168 : i32 to index
      %parallel_loop3A_291 = arith.constant 32 : index
      %parallel_loop3A_292 = tpu.vector_load %arg12[%parallel_loop3A_290, %parallel_loop3A_291] {strides = array<i32>} : memref<80x64xi32, #tpu.memory_space<vmem>>, vector<1x16xi32>,
      %parallel_loop3A_293 = vector.shape_cast %parallel_loop3A_292 : vector<1x16xi32> to vector<16xi32>
      %parallel_loop3A_294 = arith.index_cast %parallel_loop3A_168 : i32 to index
      %parallel_loop3A_295 = arith.constant 32 : index
      %parallel_loop3A_296 = tpu.vector_load %arg14[%parallel_loop3A_294, %parallel_loop3A_295] {strides = array<i32>} : memref<80x64xi32, #tpu.memory_space<vmem>>, vector<1x16xi32>,
      %parallel_loop3A_297 = vector.shape_cast %parallel_loop3A_296 : vector<1x16xi32> to vector<16xi32>
      %parallel_loop3A_298 = arith.constant 16 : i32
      %parallel_loop3A_299 = vector.broadcast %parallel_loop3A_298 : i32 to vector<16xi32>
      %parallel_loop3A_300 = arith.shli %parallel_loop3A_293, %parallel_loop3A_299 : vector<16xi32>
      %parallel_loop3A_301 = tpu.bitcast %parallel_loop3A_300 : vector<16xi32> -> vector<16xf32>
      %parallel_loop3A_302 = arith.constant -65536 : i32
      %parallel_loop3A_303 = vector.broadcast %parallel_loop3A_302 : i32 to vector<16xi32>
      %parallel_loop3A_304 = arith.andi %parallel_loop3A_293, %parallel_loop3A_303 : vector<16xi32>
      %parallel_loop3A_305 = tpu.bitcast %parallel_loop3A_304 : vector<16xi32> -> vector<16xf32>
      %parallel_loop3A_306 = arith.constant 16 : i32
      %parallel_loop3A_307 = vector.broadcast %parallel_loop3A_306 : i32 to vector<16xi32>
      %parallel_loop3A_308 = arith.shli %parallel_loop3A_297, %parallel_loop3A_307 : vector<16xi32>
      %parallel_loop3A_309 = tpu.bitcast %parallel_loop3A_308 : vector<16xi32> -> vector<16xf32>
      %parallel_loop3A_310 = arith.constant -65536 : i32
      %parallel_loop3A_311 = vector.broadcast %parallel_loop3A_310 : i32 to vector<16xi32>
      %parallel_loop3A_312 = arith.andi %parallel_loop3A_297, %parallel_loop3A_311 : vector<16xi32>
      %parallel_loop3A_313 = tpu.bitcast %parallel_loop3A_312 : vector<16xi32> -> vector<16xf32>
      %parallel_loop3A_314 = arith.addf %parallel_loop3A_301, %parallel_loop3A_309 : vector<16xf32>
      %parallel_loop3A_315 = vector.broadcast %parallel_loop3A_177 : f32 to vector<16xf32>
      %parallel_loop3A_316 = arith.mulf %parallel_loop3A_314, %parallel_loop3A_315 : vector<16xf32>
      %parallel_loop3A_317 = arith.addf %parallel_loop3A_316, %mul3A_31 : vector<16xf32>
      %parallel_loop3A_318 = math.exp %parallel_loop3A_317 : vector<16xf32>
      %parallel_loop3A_319 = arith.constant 1.000000e+00 : f32
      %parallel_loop3A_320 = vector.broadcast %parallel_loop3A_319 : f32 to vector<16xf32>
      %parallel_loop3A_321 = arith.addf %parallel_loop3A_320, %parallel_loop3A_318 : vector<16xf32>
      %parallel_loop3A_322 = arith.constant 1.000000e+00 : f32
      %parallel_loop3A_323 = vector.broadcast %parallel_loop3A_322 : f32 to vector<16xf32>
      %parallel_loop3A_324 = arith.divf %parallel_loop3A_323, %parallel_loop3A_321 : vector<16xf32>
      %parallel_loop3A_325 = arith.index_cast %parallel_loop3A_168 : i32 to index
      %parallel_loop3A_326 = arith.constant 64 : index
      %parallel_loop3A_327 = tpu.vector_load %arg16[%parallel_loop3A_325, %parallel_loop3A_326] {strides = array<i32>} : memref<80x128xf32, #tpu.memory_space<vmem>>, vector<1x16xf32>,
      %parallel_loop3A_328 = vector.shape_cast %parallel_loop3A_327 : vector<1x16xf32> to vector<16xf32>
      %parallel_loop3A_329 = vector.shape_cast %parallel_loop3A_324 : vector<16xf32> to vector<1x16xf32>
      tpu.vector_store %arg16[%parallel_loop3A_325, %parallel_loop3A_326], %parallel_loop3A_329 {strides = array<i32>} : memref<80x128xf32, #tpu.memory_space<vmem>>, vector<1x16xf32>,
      %parallel_loop3A_330 = arith.addf %parallel_loop3A_305, %parallel_loop3A_313 : vector<16xf32>
      %parallel_loop3A_331 = vector.broadcast %parallel_loop3A_177 : f32 to vector<16xf32>
      %parallel_loop3A_332 = arith.mulf %parallel_loop3A_330, %parallel_loop3A_331 : vector<16xf32>
      %parallel_loop3A_333 = arith.addf %parallel_loop3A_332, %mul3A_37 : vector<16xf32>
      %parallel_loop3A_334 = math.exp %parallel_loop3A_333 : vector<16xf32>
      %parallel_loop3A_335 = arith.constant 1.000000e+00 : f32
      %parallel_loop3A_336 = vector.broadcast %parallel_loop3A_335 : f32 to vector<16xf32>
      %parallel_loop3A_337 = arith.addf %parallel_loop3A_336, %parallel_loop3A_334 : vector<16xf32>
      %parallel_loop3A_338 = arith.constant 1.000000e+00 : f32
      %parallel_loop3A_339 = vector.broadcast %parallel_loop3A_338 : f32 to vector<16xf32>
      %parallel_loop3A_340 = arith.divf %parallel_loop3A_339, %parallel_loop3A_337 : vector<16xf32>
      %parallel_loop3A_341 = arith.index_cast %parallel_loop3A_168 : i32 to index
      %parallel_loop3A_342 = arith.constant 80 : index
      %parallel_loop3A_343 = tpu.vector_load %arg16[%parallel_loop3A_341, %parallel_loop3A_342] {strides = array<i32>} : memref<80x128xf32, #tpu.memory_space<vmem>>, vector<1x16xf32>,
      %parallel_loop3A_344 = vector.shape_cast %parallel_loop3A_343 : vector<1x16xf32> to vector<16xf32>
      %parallel_loop3A_345 = vector.shape_cast %parallel_loop3A_340 : vector<16xf32> to vector<1x16xf32>
      tpu.vector_store %arg16[%parallel_loop3A_341, %parallel_loop3A_342], %parallel_loop3A_345 {strides = array<i32>} : memref<80x128xf32, #tpu.memory_space<vmem>>, vector<1x16xf32>,
      %parallel_loop3A_346 = arith.index_cast %parallel_loop3A_168 : i32 to index
      %parallel_loop3A_347 = arith.constant 48 : index
      %parallel_loop3A_348 = tpu.vector_load %arg12[%parallel_loop3A_346, %parallel_loop3A_347] {strides = array<i32>} : memref<80x64xi32, #tpu.memory_space<vmem>>, vector<1x16xi32>,
      %parallel_loop3A_349 = vector.shape_cast %parallel_loop3A_348 : vector<1x16xi32> to vector<16xi32>
      %parallel_loop3A_350 = arith.index_cast %parallel_loop3A_168 : i32 to index
      %parallel_loop3A_351 = arith.constant 48 : index
      %parallel_loop3A_352 = tpu.vector_load %arg14[%parallel_loop3A_350, %parallel_loop3A_351] {strides = array<i32>} : memref<80x64xi32, #tpu.memory_space<vmem>>, vector<1x16xi32>,
      %parallel_loop3A_353 = vector.shape_cast %parallel_loop3A_352 : vector<1x16xi32> to vector<16xi32>
      %parallel_loop3A_354 = arith.constant 16 : i32
      %parallel_loop3A_355 = vector.broadcast %parallel_loop3A_354 : i32 to vector<16xi32>
      %parallel_loop3A_356 = arith.shli %parallel_loop3A_349, %parallel_loop3A_355 : vector<16xi32>
      %parallel_loop3A_357 = tpu.bitcast %parallel_loop3A_356 : vector<16xi32> -> vector<16xf32>
      %parallel_loop3A_358 = arith.constant -65536 : i32
      %parallel_loop3A_359 = vector.broadcast %parallel_loop3A_358 : i32 to vector<16xi32>
      %parallel_loop3A_360 = arith.andi %parallel_loop3A_349, %parallel_loop3A_359 : vector<16xi32>
      %parallel_loop3A_361 = tpu.bitcast %parallel_loop3A_360 : vector<16xi32> -> vector<16xf32>
      %parallel_loop3A_362 = arith.constant 16 : i32
      %parallel_loop3A_363 = vector.broadcast %parallel_loop3A_362 : i32 to vector<16xi32>
      %parallel_loop3A_364 = arith.shli %parallel_loop3A_353, %parallel_loop3A_363 : vector<16xi32>
      %parallel_loop3A_365 = tpu.bitcast %parallel_loop3A_364 : vector<16xi32> -> vector<16xf32>
      %parallel_loop3A_366 = arith.constant -65536 : i32
      %parallel_loop3A_367 = vector.broadcast %parallel_loop3A_366 : i32 to vector<16xi32>
      %parallel_loop3A_368 = arith.andi %parallel_loop3A_353, %parallel_loop3A_367 : vector<16xi32>
      %parallel_loop3A_369 = tpu.bitcast %parallel_loop3A_368 : vector<16xi32> -> vector<16xf32>
      %parallel_loop3A_370 = arith.addf %parallel_loop3A_357, %parallel_loop3A_365 : vector<16xf32>
      %parallel_loop3A_371 = vector.broadcast %parallel_loop3A_177 : f32 to vector<16xf32>
      %parallel_loop3A_372 = arith.mulf %parallel_loop3A_370, %parallel_loop3A_371 : vector<16xf32>
      %parallel_loop3A_373 = arith.addf %parallel_loop3A_372, %mul3A_43 : vector<16xf32>
      %parallel_loop3A_374 = math.exp %parallel_loop3A_373 : vector<16xf32>
      %parallel_loop3A_375 = arith.constant 1.000000e+00 : f32
      %parallel_loop3A_376 = vector.broadcast %parallel_loop3A_375 : f32 to vector<16xf32>
      %parallel_loop3A_377 = arith.addf %parallel_loop3A_376, %parallel_loop3A_374 : vector<16xf32>
      %parallel_loop3A_378 = arith.constant 1.000000e+00 : f32
      %parallel_loop3A_379 = vector.broadcast %parallel_loop3A_378 : f32 to vector<16xf32>
      %parallel_loop3A_380 = arith.divf %parallel_loop3A_379, %parallel_loop3A_377 : vector<16xf32>
      %parallel_loop3A_381 = arith.index_cast %parallel_loop3A_168 : i32 to index
      %parallel_loop3A_382 = arith.constant 96 : index
      %parallel_loop3A_383 = tpu.vector_load %arg16[%parallel_loop3A_381, %parallel_loop3A_382] {strides = array<i32>} : memref<80x128xf32, #tpu.memory_space<vmem>>, vector<1x16xf32>,
      %parallel_loop3A_384 = vector.shape_cast %parallel_loop3A_383 : vector<1x16xf32> to vector<16xf32>
      %parallel_loop3A_385 = vector.shape_cast %parallel_loop3A_380 : vector<16xf32> to vector<1x16xf32>
      tpu.vector_store %arg16[%parallel_loop3A_381, %parallel_loop3A_382], %parallel_loop3A_385 {strides = array<i32>} : memref<80x128xf32, #tpu.memory_space<vmem>>, vector<1x16xf32>,
      %parallel_loop3A_386 = arith.addf %parallel_loop3A_361, %parallel_loop3A_369 : vector<16xf32>
      %parallel_loop3A_387 = vector.broadcast %parallel_loop3A_177 : f32 to vector<16xf32>
      %parallel_loop3A_388 = arith.mulf %parallel_loop3A_386, %parallel_loop3A_387 : vector<16xf32>
      %parallel_loop3A_389 = arith.addf %parallel_loop3A_388, %mul3A_49 : vector<16xf32>
      %parallel_loop3A_390 = math.exp %parallel_loop3A_389 : vector<16xf32>
      %parallel_loop3A_391 = arith.constant 1.000000e+00 : f32
      %parallel_loop3A_392 = vector.broadcast %parallel_loop3A_391 : f32 to vector<16xf32>
      %parallel_loop3A_393 = arith.addf %parallel_loop3A_392, %parallel_loop3A_390 : vector<16xf32>
      %parallel_loop3A_394 = arith.constant 1.000000e+00 : f32
      %parallel_loop3A_395 = vector.broadcast %parallel_loop3A_394 : f32 to vector<16xf32>
      %parallel_loop3A_396 = arith.divf %parallel_loop3A_395, %parallel_loop3A_393 : vector<16xf32>
      %parallel_loop3A_397 = arith.index_cast %parallel_loop3A_168 : i32 to index
      %parallel_loop3A_398 = arith.constant 112 : index
      %parallel_loop3A_399 = tpu.vector_load %arg16[%parallel_loop3A_397, %parallel_loop3A_398] {strides = array<i32>} : memref<80x128xf32, #tpu.memory_space<vmem>>, vector<1x16xf32>,
      %parallel_loop3A_400 = vector.shape_cast %parallel_loop3A_399 : vector<1x16xf32> to vector<16xf32>
      %parallel_loop3A_401 = vector.shape_cast %parallel_loop3A_396 : vector<16xf32> to vector<1x16xf32>
      tpu.vector_store %arg16[%parallel_loop3A_397, %parallel_loop3A_398], %parallel_loop3A_401 {strides = array<i32>} : memref<80x128xf32, #tpu.memory_space<vmem>>, vector<1x16xf32>,
    } {sc.loop_unroll_factor = 2 : i64, sc.parallel_access}
    %add3A_150 = arith.constant 9920 : i32
    %add3A_151 = arith.addi %mul3A_2, %add3A_150 : i32
    %dma_start3A_152 = arith.constant 0 : i32
    %dma_start3A_153 = tpu.memref_slice %arg8[%add3A_151, %dma_start3A_152] : memref<320000x128xf32, #tpu.memory_space<hbm>> -> memref<80x128xf32, #tpu.memory_space<hbm>>
    %dma_start3A_154 = arith.constant 0 : i32
    %dma_start3A_155 = tpu.memref_slice %arg8[%add3A_151, %dma_start3A_154] : memref<320000x128xf32, #tpu.memory_space<hbm>> -> memref<80x128xf32, #tpu.memory_space<hbm>>
    tpu.enqueue_dma source(%arg16 : memref<80x128xf32, #tpu.memory_space<vmem>>) target(%dma_start3A_155 : memref<80x128xf32, #tpu.memory_space<hbm>>) target_semaphore(%arg23 : memref<!tpu.dma_semaphore, #tpu.memory_space<semaphore_mem>>)
    %dma_wait3A_156 = arith.constant 0 : i32
    %dma_wait3A_157 = arith.constant 0 : i32
    %dma_wait3A_158 = tpu.memref_slice %arg8[%dma_wait3A_156, %dma_wait3A_157] : memref<320000x128xf32, #tpu.memory_space<hbm>> -> memref<80x128xf32, #tpu.memory_space<hbm>>
    %dma_wait3A_159 = arith.constant 0 : i32
    %dma_wait3A_160 = arith.constant 0 : i32
    %dma_wait3A_161 = tpu.memref_slice %arg8[%dma_wait3A_159, %dma_wait3A_160] : memref<320000x128xf32, #tpu.memory_space<hbm>> -> memref<80x128xf32, #tpu.memory_space<hbm>>
    tpu.wait_dma2 semaphore(%arg24 : memref<!tpu.dma_semaphore, #tpu.memory_space<semaphore_mem>>) src(%arg17 : memref<80x128xf32, #tpu.memory_space<vmem>>) dst(%dma_wait3A_161 : memref<80x128xf32, #tpu.memory_space<hbm>>)
    %dma_wait3A_162 = arith.constant 0 : i32
    %dma_wait3A_163 = arith.constant 0 : i32
    %dma_wait3A_164 = tpu.memref_slice %arg8[%dma_wait3A_162, %dma_wait3A_163] : memref<320000x128xf32, #tpu.memory_space<hbm>> -> memref<80x128xf32, #tpu.memory_space<hbm>>
    %dma_wait3A_165 = arith.constant 0 : i32
    %dma_wait3A_166 = arith.constant 0 : i32
    %dma_wait3A_167 = tpu.memref_slice %arg8[%dma_wait3A_165, %dma_wait3A_166] : memref<320000x128xf32, #tpu.memory_space<hbm>> -> memref<80x128xf32, #tpu.memory_space<hbm>>
    tpu.wait_dma2 semaphore(%arg23 : memref<!tpu.dma_semaphore, #tpu.memory_space<semaphore_mem>>) src(%arg16 : memref<80x128xf32, #tpu.memory_space<vmem>>) dst(%dma_wait3A_167 : memref<80x128xf32, #tpu.memory_space<hbm>>)
    return
  }
}

module attributes {stable_mosaic.version = 14 : i64} {
  func.func @_proj_body(%arg0: memref<10000x128xf32, #tpu.memory_space<vmem>>, %arg1: memref<128x128xf32, #tpu.memory_space<vmem>>, %arg2: memref<128x128xf32, #tpu.memory_space<vmem>>, %arg3: memref<10000x128xbf16, #tpu.memory_space<vmem>>, %arg4: memref<10000x128xbf16, #tpu.memory_space<vmem>>) attributes {dimension_semantics = [], scalar_prefetch = 0 : i64, scratch_operands = 0 : i64, tpu.core_type = #tpu.core_type<tc>} {
    %get3A = arith.constant 0 : index
    %get3A_0 = arith.constant 0 : index
    %get3A_1 = vector.load %arg0[%get3A, %get3A_0] : memref<10000x128xf32, #tpu.memory_space<vmem>>, vector<10000x128xf32>
    %get3A_2 = arith.constant 0 : index
    %get3A_3 = arith.constant 0 : index
    %get3A_4 = vector.load %arg1[%get3A_2, %get3A_3] : memref<128x128xf32, #tpu.memory_space<vmem>>, vector<128x128xf32>
    %dot_general3A = arith.constant dense<0.000000e+00> : vector<10000x128xf32>
    %dot_general3A_5 = tpu.matmul %get3A_1, %get3A_4, %dot_general3A {dimension_numbers = #tpu.dot_dimension_numbers<[1], [1], [0], [0], [0, 0, 1, 0], [], []>, precision = #tpu.contract_precision<fp32>, transpose_lhs_hint = false} : vector<10000x128xf32>, vector<128x128xf32>, vector<10000x128xf32> -> vector<10000x128xf32>
    %convert_element_type3A = arith.truncf %dot_general3A_5 : vector<10000x128xf32> to vector<10000x128xbf16>
    %swap3A = arith.constant 0 : index
    %swap3A_6 = arith.constant 0 : index
    %swap3A_7 = vector.load %arg3[%swap3A, %swap3A_6] : memref<10000x128xbf16, #tpu.memory_space<vmem>>, vector<10000x128xbf16>
    tpu.vector_store %arg3[%swap3A, %swap3A_6], %convert_element_type3A {strides = array<i32>} : memref<10000x128xbf16, #tpu.memory_space<vmem>>, vector<10000x128xbf16>,
    %get3A_8 = arith.constant 0 : index
    %get3A_9 = arith.constant 0 : index
    %get3A_10 = vector.load %arg2[%get3A_8, %get3A_9] : memref<128x128xf32, #tpu.memory_space<vmem>>, vector<128x128xf32>
    %dot_general3A_11 = arith.constant dense<0.000000e+00> : vector<10000x128xf32>
    %dot_general3A_12 = tpu.matmul %get3A_1, %get3A_10, %dot_general3A_11 {dimension_numbers = #tpu.dot_dimension_numbers<[1], [1], [0], [0], [0, 0, 1, 0], [], []>, precision = #tpu.contract_precision<fp32>, transpose_lhs_hint = false} : vector<10000x128xf32>, vector<128x128xf32>, vector<10000x128xf32> -> vector<10000x128xf32>
    %convert_element_type3A_13 = arith.truncf %dot_general3A_12 : vector<10000x128xf32> to vector<10000x128xbf16>
    %swap3A_14 = arith.constant 0 : index
    %swap3A_15 = arith.constant 0 : index
    %swap3A_16 = vector.load %arg4[%swap3A_14, %swap3A_15] : memref<10000x128xbf16, #tpu.memory_space<vmem>>, vector<10000x128xbf16>
    tpu.vector_store %arg4[%swap3A_14, %swap3A_15], %convert_element_type3A_13 {strides = array<i32>} : memref<10000x128xbf16, #tpu.memory_space<vmem>>, vector<10000x128xbf16>,
    return
  }
}

</mosaic_0001>

<sc_bundles>
// kernel: kernel.4.cloned.1.call-start
scs
__scs_entry_jumppad:
0x0: {  	(pc) =	sbr.rel $0x88, $3  }
0x1: {  	(tag) =	ssettag $0x0;
	lr =	simm.s32 $0x1  }
0x2: {  	[smem:$0x3F9C] =	sst lr;
	_ =	strace $0xD0000000  }
0x3: {  	_ = 	snop  }
0x4: {  	_ = 	snop  }
0x5: {  	_ = 	snop  }
0x6: {  	_ = 	snop  }
0x7: {  	_ = 	snop  }
__scs_overlays_trampoline_lowered:
0x8: {  	[smem:$0x3FAB] =	sst s0  }
0x9: {  	[smem:$0x3FAC] =	sst s1  }
0xa: {  	[smem:$0x3FAD] =	sst s2  }
0xb: {  	[smem:$0x3FAE] =	sst s3  }
0xc: {  	[smem:$0x3FAF] =	sst s4  }
0xd: {  	[smem:$0x3FB0] =	sst s5  }
0xe: {  	[smem:$0x3FB1] =	sst s6  }
0xf: {  	[smem:$0x3FB2] =	sst s7  }
0x10: {  	[smem:$0x3FB3] =	sst s8  }
0x11: {  	[smem:$0x3FB4] =	sst s9;
	s0 =	simm.s32 @!p0 $0x0  }
0x12: {  	s1 =	sld [smem:$0x3F9A];
	s0 =	simm.s32 @p0 $0x1  }
0x13: {  	[smem:$0x3FB5] =	sst s0;
	s0 =	simm.s32 @!p1 $0x0  }
0x14: {  	s2 =	sld [smem:$0x3F99];
	s0 =	simm.s32 @p1 $0x1  }
0x15: {  	[smem:$0x3FB6] =	sst s0;
	s0 =	simm.s32 @!p2 $0x0  }
0x16: {  	s3 =	sld [smem:$0x3FDB];
	s0 =	simm.s32 @p2 $0x1  }
0x17: {  	s4 =	simm.s32 $0x1BF5;
	[smem:$0x3FB8] =	sst s0  }
0x18: {  	s0 =	sld [smem:$0x3F9B];
	_ =	swait.ge [sflag:s4], $0x0  }
0x19: {  	s7 =	sld [smem:$0x3F9C]  }
0x1a: {  	s8 =	sadd.s32 $0xFFFFE003, lr  }
0x1b: {  	s9 =	sadd.s32 $0xFFFFFEF7, lr;
	s5 =	simm.s32 $0xFFFFFFFF;
	p2 =	slt.u32 s8, $0xFFFFF086  }
0x1c: {  	p1 =	slt.u32 s9, $0xF7A;
	s5 =	simm.s32 @!p2 $0x0  }
0x1d: {  	s5 =	simm.s32 @p1 $0x1;
	p0 =	seq.s32 s7, s2  }
0x1e: {  	s7 =	smul.u32 @!p0 $0xF7A, s2;
	p2 =	seq.s32 @!p0 s5, $0x0  }
0x1f: {  	s9 =	smul.u32 $0xF7A, s1;
	s8 =	simm.s32 @!p0 $0x1BF5;
	p2 =	por !p2, p0  }
0x20: {  	[sflag:s8] =	ssyncset.s32 @!p0 $0xFFFFF086;
	s6 =	sadd.s32 @!p0 s3, s7;
	s7 =	simm.s32 @!p0 $0x108  }
0x21: {  	s3 =	sadd.s32 s3, s9;
	s6 =	sadd.s32 @!p0 $0x88, s6;
	s7 =	simm.s32 @p2 $0x1082  }
0x22: {  	[simem:s7], [sflag:s8] =	dma.local @!p0 [hbm:s6], $0xF7A  }
0x23: {  	s9 =	sor.u32 $0xD0000000, s2;
	s6 =	simm.s32 $0x108;
	_ =	swait.ge @!p0 [sflag:s8], $0x0  }
0x24: {  	s3 =	sadd.s32 $0x88, s3;
	s6 =	simm.s32 @!p1 $0x1082;
	[sflag:s4] =	ssyncset.s32 $0xFFFFF086  }
0x25: {  	[simem:s6], [sflag:s4] =	dma.local [hbm:s3], $0xF7A  }
0x26: {  	[smem:$0x3F9C] =	sst s1;
	(tag) =	ssettag s2;
	_ =	strace s9  }
0x27: {  	s1 =	sld [smem:$0x3FAC]  }
0x28: {  	s2 =	sld [smem:$0x3FAD]  }
0x29: {  	s4 =	sld [smem:$0x3FAF]  }
0x2a: {  	p0 =	seq.s32 s5, $0x0;
	s5 =	sld [smem:$0x3FB0]  }
0x2b: {  	s6 =	sld [smem:$0x3FB1]  }
0x2c: {  	s7 =	sld [smem:$0x3FB2]  }
0x2d: {  	s3 =	simm.s32 $0x108;
	s8 =	sld [smem:$0x3FB3]  }
0x2e: {  	s3 =	simm.s32 @!p0 $0x1082;
	s9 =	sld [smem:$0x3FB4]  }
0x2f: {  	lr =	sadd.s32 s0, s3;
	s0 =	sld [smem:$0x3FAB]  }
0x30: {  	s3 =	sld [smem:$0x3FAE]  }
0x31: {  	[smem:$0x3FB7] =	sst s10  }
0x32: {  	s10 =	sld [smem:$0x3FB5];
	_ =	sdelay $0x3  }
0x33: {  	p0 =	seq.s32 s10, $0x1;
	s10 =	sld [smem:$0x3FB7];
	_ =	sdelay $0x3  }
0x34: {  	[smem:$0x3FB7] =	sst s10  }
0x35: {  	s10 =	sld [smem:$0x3FB6];
	_ =	sdelay $0x3  }
0x36: {  	p1 =	seq.s32 s10, $0x1;
	s10 =	sld [smem:$0x3FB7];
	_ =	sdelay $0x3  }
0x37: {  	[smem:$0x3FB7] =	sst s10  }
0x38: {  	s10 =	sld [smem:$0x3FB8]  }
0x39: {  	_ = 	snop;
	(pc) =	sbr.ind lr, $3  }
0x3a: {  	_ = 	snop  }
0x3b: {  	_ = 	snop  }
0x3c: {  	p2 =	seq.s32 s10, $0x1;
	s10 =	sld [smem:$0x3FB7]  }
0x3d: {  	_ =	shalt  }
0x3e: {  	_ =	shalt  }
0x3f: {  	_ =	shalt  }
0x40: {  	_ =	shalt  }
0x41: {  	_ =	shalt  }
0x42: {  	_ =	shalt  }
0x43: {  	_ =	shalt  }
0x44: {  	_ =	shalt  }
0x45: {  	_ =	shalt  }
0x46: {  	_ =	shalt  }
0x47: {  	_ =	shalt  }
0x48: {  	_ =	shalt  }
0x49: {  	_ =	shalt  }
0x4a: {  	_ =	shalt  }
0x4b: {  	_ =	shalt  }
0x4c: {  	_ =	shalt  }
0x4d: {  	_ =	shalt  }
0x4e: {  	_ =	shalt  }
0x4f: {  	_ =	shalt  }
0x50: {  	_ =	shalt  }
0x51: {  	_ =	shalt  }
0x52: {  	_ =	shalt  }
0x53: {  	_ =	shalt  }
0x54: {  	_ =	shalt  }
0x55: {  	_ =	shalt  }
0x56: {  	_ =	shalt  }
0x57: {  	_ =	shalt  }
0x58: {  	_ =	shalt  }
0x59: {  	_ =	shalt  }
0x5a: {  	_ =	shalt  }
0x5b: {  	_ =	shalt  }
0x5c: {  	_ =	shalt  }
0x5d: {  	_ =	shalt  }
0x5e: {  	_ =	shalt  }
0x5f: {  	_ =	shalt  }
0x60: {  	_ =	shalt  }
0x61: {  	_ =	shalt  }
0x62: {  	_ =	shalt  }
0x63: {  	_ =	shalt  }
0x64: {  	_ =	shalt  }
0x65: {  	_ =	shalt  }
0x66: {  	_ =	shalt  }
0x67: {  	_ =	shalt  }
0x68: {  	_ =	shalt  }
0x69: {  	_ =	shalt  }
0x6a: {  	_ =	shalt  }
0x6b: {  	_ =	shalt  }
0x6c: {  	_ =	shalt  }
0x6d: {  	_ =	shalt  }
0x6e: {  	_ =	shalt  }
0x6f: {  	_ =	shalt  }
0x70: {  	_ =	shalt  }
0x71: {  	_ =	shalt  }
0x72: {  	_ =	shalt  }
0x73: {  	_ =	shalt  }
0x74: {  	_ =	shalt  }
0x75: {  	_ =	shalt  }
0x76: {  	_ =	shalt  }
0x77: {  	_ =	shalt  }
0x78: {  	_ =	shalt  }
0x79: {  	_ =	shalt  }
0x7a: {  	_ =	shalt  }
0x7b: {  	_ =	shalt  }
0x7c: {  	_ =	shalt  }
0x7d: {  	_ =	shalt  }
0x7e: {  	_ =	shalt  }
0x7f: {  	_ =	shalt  }
0x80: {  	_ =	shalt  }
0x81: {  	_ =	shalt  }
0x82: {  	_ =	shalt  }
0x83: {  	_ =	shalt  }
0x84: {  	_ =	shalt  }
0x85: {  	_ =	shalt  }
0x86: {  	_ =	shalt  }
0x87: {  	_ =	shalt  }
.Lfunc_end0:
.L_simem_size_0:
called_computation_lowered:
.L_overlay_start_0:
0x88: {  	s2 =	sld [smem:$0x3FD9]  }
0x89: {  	s3 =	sld [smem:$0x3FFE];
	_ =	sdelay $0x1  }
0x8a: {  	s1 =	srdreg.scid  }
0x8b: {  	s0 =	sand.u32 $0x1, s1  }
0x8c: {  	s17 =	sshll.u32 s0, $0xA;
	s2 =	sadd.s32 s3, s2  }
0x8d: {  	s2 =	sadd.s32 s2, s17  }
0x8e: {  	[smem:$0x3FC3] =	sst s2  }
0x8f: {  	_ = 	snop  }
0x90: {  	s2 =	sld [smem:$0x3FC5]  }
0x91: {  	s18 =	sld [smem:$0x3FD0];
	(tm) =	ssettm $0x1  }
0x92: {  	s4 =	sld [smem:$0x3FFB];
	_ =	sdelay $0x3  }
0x93: {  	_ =	strace s4  }
0x94: {  	s4 =	sld [smem:$0x3FFC];
	_ =	sdelay $0x3  }
0x95: {  	_ =	strace s4  }
0x96: {  	s4 =	sld [smem:$0x3FFD];
	_ =	sdelay $0x3  }
0x97: {  	_ =	strace s4  }
0x98: {  	_ =	strace $0x8FFFFFFF  }
0x99: {  	s19 =	sld [smem:$0x3FDB];
	_ =	sdelay $0x1  }
0x9a: {  	s5 =	simm.s32 $_scs_section_size  }
0x9b: {  	s6 =	simm.s32 $_size__tile_overlayer_lowered;
	s7 =	simm.s32 $_tile_overlayer_lowered  }
0x9c: {  	s22 =	simm.s32 $0x1BFF;
	s21 =	sshll.u32 s7, $0x1;
	s4 =	sadd.s32 s5, s19  }
0x9d: {  	s8 =	simm.s32 $0x0;
	s20 =	sshll.u32 s6, $0x1;
	s6 =	sadd.s32 s21, s4  }
0x9e: {  	[timem:s8], [sflag:s22] =	dma.local [hbm:s6], s20  }
0x9f: {  	_ =	swait.ge [sflag:s22], s20  }
0xa0: {  	s5 =	ssub.s32 $0x0, s20;
	[sflag:s22] =	ssyncset.done $0x0  }
0xa1: {  	[sflag:s22] =	ssyncadd.s32 s5;
	_ =	sdelay $0x1  }
0xa2: {  	s23 =	simm.s32 $0x1B8B  }
0xa3: {  	_ =	swait.ge [sflag:s23], $0x1  }
0xa4: {  	[sflag:s23] =	ssyncset.done $0x0  }
0xa5: {  	s25 =	simm.s32 $0x1B8E;
	s24 =	sld [smem:$0x3FFE];
	[sflag:s23] =	ssyncadd.s32 $0xFFFFFFFF  }
0xa6: {  	s26 =	simm.s32 $execute0_lowered;
	[smem:$0x3FD2] =	sst s25  }
0xa7: {  	s6 =	sshll.u32 s26, $0x1;
	_ =	strace $0x80000046;
	[dreg:$0x1] =	wrdreg $0xFFFFFFFF  }
0xa8: {  	s28 =	simm.s32 $_size_execute0_lowered;
	s4 =	sadd.s32 s4, s6;
	[dreg:$0x0] =	wrdreg $0x0  }
0xa9: {  	s6 =	sshll.u32 s28, $0x1;
	[dreg:$0x2] =	wrdreg s4  }
0xaa: {  	[dreg:$0x3] =	wrdreg s6  }
0xab: {  	[dreg:$0x4] =	wrdreg $0xC0  }
0xac: {  	_ =	task [dreg:s8], $0x5FFFF  }
0xad: {  	[dreg:$0x1] =	wrdreg $0xFFFFFFFF  }
0xae: {  	[dreg:$0x0] =	wrdreg $0x60  }
0xaf: {  	[dreg:$0x2] =	wrdreg s24  }
0xb0: {  	[dreg:$0x3] =	wrdreg s2  }
0xb1: {  	[dreg:$0x4] =	wrdreg s18  }
0xb2: {  	[dreg:$0x5] =	wrdreg $0x9  }
0xb3: {  	_ =	task.clear_ibuf [dreg:s8], $0x6FFFF;
	_ =	strace $0x90000046  }
0xb4: {  	s29 =	simm.s32 $0x9;
	_ =	strace $0x80000048  }
0xb5: {  	_ =	swait.ge [sflag:s29], $0x1  }
0xb6: {  	[sflag:s29] =	ssyncadd.s32 $0xFFFFFFFF  }
0xb7: {  	_ =	strace $0x90000048  }
0xb8: {  	_ =	sfence  }
0xb9: {  	s30 =	sld [smem:$0x0];
	_ =	sdelay $0x2  }
0xba: {  	s31 =	sshll.u32 s1, $0xD;
	s1 =	sshrl.u32 s1, $0x2  }
0xbb: {  	s3 =	sand.u32 $0x4000, s31;
	s1 =	sadd.s32 s1, s30  }
0xbc: {  	s0 =	sor.u32 s3, s0;
	s1 =	sshll.u32 s1, $0x11  }
0xbd: {  	s0 =	sor.u32 s1, s0  }
0xbe: {  	s0 =	sadd.s32 $0x8F2B, s0  }
0xbf: {  	[sflag:s0] =	ssyncadd.remote.s32 $0x1  }
0xc0: {  	_ =	sfence.sel $0xFFFF  }
0xc1: {  	[dreg:$0x0] =	wrdreg $0xFFFFFFFF;
	(pc) =	sbr.abs _section_cstart, $3  }
0xc2: {  	[dreg:$0x1] =	wrdreg $0xFFFFFFFF  }
0xc3: {  	_ =	task.clear_ibuf [dreg:s8], $0x2FFFF;
	_ =	strace $0x9FFFFFFF  }
0xc4: {  	(tm) =	ssettm $0x7FFFFFFF  }
0xc5: {  	_ =	shalt  }
tec
execute0_lowered:
.L_overlay_start_1:
0x0: {  	(tag) =	ssettag $0x1  }
0x1: {  	s0 =	rddreg [dreg:$0x0]  }
0x2: {  	s6 =	rddreg [dreg:$0x2]  }
0x3: {  	s1 =	srdreg.scid;
	s2 =	stileid.u32;
	s25 =	simm.s32 $0x0  }
0x4: {  	s1 =	sand.u32 $0x1, s1;
	s2 =	sshll.u32 s2, $0x1;
	[smem:$0x7FF] =	sst s25  }
0x5: {  	s3 =	sadd.s32 $0x27600, s0;
	s2 =	sor.u32 s1, s2;
	s1 =	ssub.s32 $0x2, s1  }
0x6: {  	_ =	strace $0x80000047;
	s5 =	smul.u32 $0x2710, s2;
	s4 =	sshrl.u32 s1, $0x1  }
0x7: {  	[dreg:$0x5] =	wrdreg s3;
	s23 =	smul.u32 $0x27100, s2;
	s1 =	ssub.s32 s1, s4  }
0x8: {  	[dreg:$0x4] =	wrdreg s5;
	s5 =	sshrl.u32 s5, $0x3;
	s31 =	smax.u32 s1, $0x1  }
0x9: {  	s22 =	smul.u32 $0x138800, s2;
	s5 =	sadd.s32 s0, s5;
	[dreg:$0xc] =	wrdreg s31  }
0xa: {  	s7 =	sadd.s32 $0x13C00, s0;
	s0 =	sadd.s32 s6, s23;
	[dreg:$0x6] =	wrdreg s5  }
0xb: {  	s24 =	sshrl.u32 s22, $0x3;
	s26 =	sadd.s32 $0x9E00, s5;
	[dreg:$0x9] =	wrdreg s0  }
0xc: {  	s2 =	sadd.s32 s6, s24;
	s28 =	sadd.s32 $0x3B000, s5;
	[dreg:$0x7] =	wrdreg s26  }
0xd: {  	s29 =	sadd.s32 $0x500, s2;
	[dreg:$0x8] =	wrdreg s28  }
0xe: {  	s30 =	sadd.s32 $0x26C00, s2;
	[dreg:$0xa] =	wrdreg s29  }
0xf: {  	s19 =	simm.s32 $0x50;
	s2 =	simm.s32 $0x0;
	[dreg:$0xb] =	wrdreg s30  }
.LBB2_1:
0x10: {  	[dreg:$0xd] =	wrdreg s2  }
0x11: {  	s0 =	rddreg [dreg:$0x7];
	s1 =	simm.s32 $0x7  }
0x12: {  	[tilespmem:s25], [sflag:$0x7] =	stream.linear.gather [hbm4b:s0+s25], $0x2710, $0x38;
	[tilespmem:$0x115C0] =	vst v63  }
0x13: {  	_ =	swait.ge [sflag:s1], $0x2710  }
0x14: {  	[sflag:s1] =	ssyncset.done $0x0  }
0x15: {  	s22 =	simm.s32 $0x2710;
	s21 =	rddreg [dreg:$0x6];
	[sflag:s1] =	ssyncadd.s32 $0xFFFFD8F0  }
0x16: {  	[tilespmem:s22], [sflag:$0x7] =	stream.linear.gather [hbm4b:s21+s25], $0x2710, $0x38;
	[tilespmem:$0x115C0] =	vst v63  }
0x17: {  	_ =	swait.ge [sflag:s1], $0x2710  }
0x18: {  	[sflag:s1] =	ssyncset.done $0x0  }
0x19: {  	s3 =	simm.s32 $0x4E20;
	s23 =	rddreg [dreg:$0x8];
	[sflag:s1] =	ssyncadd.s32 $0xFFFFD8F0  }
0x1a: {  	[tilespmem:s3], [sflag:$0x7] =	stream.linear.gather [hbm4b:s23+s25], $0x2710, $0x38;
	[tilespmem:$0x115C0] =	vst v63  }
0x1b: {  	_ =	swait.ge [sflag:s1], $0x2710  }
0x1c: {  	[sflag:s1] =	ssyncset.done $0x0  }
0x1d: {  	[sflag:s1] =	ssyncadd.s32 $0xFFFFD8F0  }
0x1e: {  	s26 =	simm.s32 $0x11540;
	s24 =	rddreg [dreg:$0x1]  }
0x1f: {  	[tilespmem:s26], [sflag:$0x7] =	stream.linear.gather [hbm4b:s24+s25], $0x80, $0x38;
	[tilespmem:$0x115C0] =	vst v63  }
0x20: {  	_ =	swait.ge [sflag:s1], $0x80  }
0x21: {  	[sflag:s1] =	ssyncset.done $0x0  }
0x22: {  	[sflag:s1] =	ssyncadd.s32 $0xFFFFFF80  }
0x23: {  	v6 =	vld [tilespmem:$0x11540]  }
0x24: {  	v7 =	vld [tilespmem:$0x11550]  }
0x25: {  	v5 =	vld [tilespmem:$0x11560]  }
0x26: {  	v4 =	vld [tilespmem:$0x11570]  }
0x27: {  	v3 =	vld [tilespmem:$0x11580]  }
0x28: {  	v2 =	vld [tilespmem:$0x11590]  }
0x29: {  	s30 =	simm.s32 $0x7540;
	s28 =	rddreg [dreg:$0x5];
	v1 =	vld [tilespmem:$0x115A0]  }
0x2a: {  	v0 =	vld [tilespmem:$0x115B0];
	[tilespmem:s30], [sflag:$0x1] =	stream.indirect.gather [hbm4b:s28+s19], $0x40, s25, s19, $0xb8  }
0x2b: {  	s31 =	simm.s32 $0x9D40  }
0x2c: {  	[tilespmem:s31], [sflag:$0x3] =	stream.indirect.gather [hbm4b:s7+s19], $0x40, s22, s19, $0xb8;
	[tilespmem:$0x115C0] =	vst v63  }
0x2d: {  	s2 =	simm.s32 $0x8940  }
0x2e: {  	[tilespmem:s2], [sflag:$0x2] =	stream.indirect.gather [hbm4b:s28+s19], $0x40, s19, s19, $0xb8;
	[tilespmem:$0x115C0] =	vst v63  }
0x2f: {  	s4 =	simm.s32 $0xB140;
	s5 =	simm.s32 $0x1;
	s3 =	simm.s32 $0x2760  }
0x30: {  	[tilespmem:s4], [sflag:$0x4] =	stream.indirect.gather [hbm4b:s7+s19], $0x40, s3, s19, $0xb8;
	[tilespmem:$0x115C0] =	vst v63  }
0x31: {  	_ =	swait.ge [sflag:s5], $0x1400  }
0x32: {  	[sflag:s5] =	ssyncset.done $0x0  }
0x33: {  	s6 =	simm.s32 $0x3;
	[sflag:s5] =	ssyncadd.s32 $0xFFFFEC00  }
0x34: {  	_ =	swait.ge [sflag:s6], $0x1400  }
0x35: {  	[sflag:s6] =	ssyncset.done $0x0  }
0x36: {  	s8 =	simm.s32 $0x4E21;
	[sflag:s6] =	ssyncadd.s32 $0xFFFFEC00  }
0x37: {  	v8 =	vld [tilespmem:s8+$0x0];
	_ =	sdelay $0x4  }
0x38: {  	(v2sf) =	vpush v8, $0x0;
	_ =	sdelay $0x4  }
0x39: {  	v8 =	vld [tilespmem:s8+$0xFFFFFFFF];
	_ =	sdelay $0x1  }
0x3a: {  	s14 =	simm.s32 $0x7580  }
0x3b: {  	s4 =	simm.s32 $0x9D80;
	v9 =	vld [tilespmem:s14+$0x0]  }
0x3c: {  	v10 =	vld [tilespmem:s4+$0x0]  }
0x3d: {  	(v2sf) =	vpush v8, $0x0;
	_ =	sdelay $0x3  }
0x3e: {  	v11 =	vshll.u32 v10, $0x10;
	v8 =	vshll.u32 v9, $0x10  }
0x3f: {  	v10 =	vand.u32 $0xFFFF0000, v10;
	v9 =	vand.u32 $0xFFFF0000, v9;
	v8 =	vadd.f32 v11, v8;
	s9 =	spop (v2sf)  }
0x40: {  	v9 =	vadd.f32 v10, v9;
	s10 =	sxor.u32 $0x80000000, s9  }
0x41: {  	v8 =	vmul.f32 s10, v8  }
0x42: {  	v10 =	vld [tilespmem:s14+$0xFFFFFFC0];
	v9 =	vmul.f32 s10, v9  }
0x43: {  	v11 =	vld [tilespmem:s4+$0xFFFFFFC0];
	v8 =	vsub.f32 v8, v6  }
0x44: {  	v9 =	vsub.f32 v9, v7  }
0x45: {  	v8 =	vmul.f32 $1.442695020e+00, v8  }
0x46: {  	v9 =	vmul.f32 $1.442695020e+00, v9  }
0x47: {  	(erf) = vpow2.f32 v8  }
0x48: {  	v12 =	vshll.u32 v11, $0x10;
	v8 =	vshll.u32 v10, $0x10;
	(erf) = vpow2.f32 v9  }
0x49: {  	s11 =	spop (v2sf);
	v9 =	vand.u32 $0xFFFF0000, v10;
	v10 =	vand.u32 $0xFFFF0000, v11;
	v8 =	vadd.f32 v12, v8  }
0x4a: {  	s0 =	sxor.u32 $0x80000000, s11;
	v9 =	vadd.f32 v10, v9  }
0x4b: {  	v8 =	vmul.f32 s0, v8  }
0x4c: {  	v9 =	vmul.f32 s0, v9  }
0x4d: {  	v8 =	vsub.f32 v8, v6  }
0x4e: {  	v9 =	vsub.f32 v9, v7  }
0x4f: {  	v8 =	vmul.f32 $1.442695020e+00, v8  }
0x50: {  	v9 =	vmul.f32 $1.442695020e+00, v9;
	v10 =	vpop (erf)  }
0x51: {  	(erf) = vpow2.f32 v8;
	v8 =	vadd.f32 $1.000000000e+00, v10;
	v10 =	vpop (erf)  }
0x52: {  	(erf) = vpow2.f32 v9;
	v9 =	vadd.f32 $1.000000000e+00, v10  }
0x53: {  	(erf) = vrcp.f32 v8  }
0x54: {  	(erf) = vrcp.f32 v9;
	_ =	sdelay $0x4  }
0x55: {  	s12 =	simm.s32 $0x4E23  }
0x56: {  	v10 =	vld [tilespmem:s12+$0x0];
	v8 =	vpop (erf)  }
0x57: {  	v9 =	vpop (erf)  }
0x58: {  	s2 =	simm.s32 $0xC5C0;
	v11 =	vpop (erf)  }
0x59: {  	[tilespmem:s2+$0x0] =	vst v11;
	v11 =	vpop (erf)  }
0x5a: {  	[tilespmem:s2+$0x10] =	vst v11  }
0x5b: {  	(v2sf) =	vpush v10, $0x0;
	v11 =	vld [tilespmem:s14+$0x10]  }
0x5c: {  	v12 =	vld [tilespmem:s4+$0x10]  }
0x5d: {  	v8 =	vadd.f32 $1.000000000e+00, v8  }
0x5e: {  	v9 =	vadd.f32 $1.000000000e+00, v9  }
0x5f: {  	(erf) = vrcp.f32 v8;
	v8 =	vld [tilespmem:s12+$0xFFFFFFFF]  }
0x60: {  	(erf) = vrcp.f32 v9  }
0x61: {  	v9 =	vshll.u32 v11, $0x10;
	v10 =	vshll.u32 v12, $0x10  }
0x62: {  	s20 =	simm.s32 $0x7600;
	v9 =	vadd.f32 v10, v9  }
0x63: {  	s15 =	simm.s32 $0x9E00;
	v11 =	vand.u32 $0xFFFF0000, v11;
	v12 =	vand.u32 $0xFFFF0000, v12;
	v10 =	vld [tilespmem:s20+$0x0]  }
0x64: {  	(v2sf) =	vpush v8, $0x0;
	v8 =	vadd.f32 v12, v11;
	v12 =	vld [tilespmem:s15+$0x0];
	v9 =	vmul.f32 s10, v9;
	_ =	sdelay $0x1  }
0x65: {  	v8 =	vmul.f32 s10, v8;
	v9 =	vsub.f32 v9, v5;
	_ =	sdelay $0x1  }
0x66: {  	v11 =	vpop (erf);
	v8 =	vsub.f32 v8, v4;
	v9 =	vmul.f32 $1.442695020e+00, v9  }
0x67: {  	[tilespmem:s2+$0xFFFFFF80] =	vst v11;
	v11 =	vpop (erf);
	v14 =	vshll.u32 v10, $0x10;
	v15 =	vshll.u32 v12, $0x10;
	v10 =	vand.u32 $0xFFFF0000, v10  }
0x68: {  	s13 =	spop (v2sf);
	[tilespmem:s2+$0xFFFFFF90] =	vst v11;
	v12 =	vand.u32 $0xFFFF0000, v12;
	v14 =	vadd.f32 v15, v14;
	(erf) = vpow2.f32 v9  }
0x69: {  	s18 =	sxor.u32 $0x80000000, s13;
	v11 =	vld [tilespmem:s14+$0xFFFFFFD0];
	v8 =	vmul.f32 $1.442695020e+00, v8;
	v10 =	vadd.f32 v12, v10  }
0x6a: {  	v9 =	vld [tilespmem:s20+$0xFFFFFFC0];
	v12 =	vmul.f32 s18, v14  }
0x6b: {  	v10 =	vmul.f32 s18, v10;
	(erf) = vpow2.f32 v8;
	v8 =	vld [tilespmem:s15+$0xFFFFFFC0];
	_ =	sdelay $0x1  }
0x6c: {  	v12 =	vsub.f32 v12, v6;
	v10 =	vsub.f32 v10, v7  }
0x6d: {  	v13 =	vld [tilespmem:s4+$0xFFFFFFD0]  }
0x6e: {  	v14 =	vshll.u32 v11, $0x10;
	v12 =	vmul.f32 $1.442695020e+00, v12;
	v16 =	vshll.u32 v9, $0x10  }
0x6f: {  	v9 =	vand.u32 $0xFFFF0000, v9;
	v17 =	vshll.u32 v8, $0x10;
	v8 =	vand.u32 $0xFFFF0000, v8  }
0x70: {  	v11 =	vand.u32 $0xFFFF0000, v11;
	v8 =	vadd.f32 v8, v9;
	v9 =	vmul.f32 $1.442695020e+00, v10;
	v10 =	vpop (erf)  }
0x71: {  	s16 =	spop (v2sf);
	(erf) = vpow2.f32 v12;
	v16 =	vadd.f32 v17, v16;
	v10 =	vadd.f32 $1.000000000e+00, v10  }
0x72: {  	v15 =	vshll.u32 v13, $0x10;
	v13 =	vand.u32 $0xFFFF0000, v13;
	s3 =	sxor.u32 $0x80000000, s16;
	(erf) = vpow2.f32 v9  }
0x73: {  	v16 =	vmul.f32 s3, v16;
	v12 =	vpop (erf);
	(erf) = vrcp.f32 v10;
	v10 =	vadd.f32 v13, v11  }
0x74: {  	v8 =	vmul.f32 s3, v8;
	v9 =	vadd.f32 $1.000000000e+00, v12;
	v12 =	vadd.f32 v15, v14  }
0x75: {  	v14 =	vsub.f32 v16, v6;
	v10 =	vmul.f32 s0, v10  }
0x76: {  	v8 =	vsub.f32 v8, v7;
	(erf) = vrcp.f32 v9;
	v9 =	vmul.f32 s0, v12  }
0x77: {  	v11 =	vmul.f32 $1.442695020e+00, v14;
	v10 =	vsub.f32 v10, v4  }
0x78: {  	v8 =	vmul.f32 $1.442695020e+00, v8;
	v9 =	vsub.f32 v9, v5  }
0x79: {  	(erf) = vpow2.f32 v11  }
0x7a: {  	(erf) = vpow2.f32 v8;
	v8 =	vmul.f32 $1.442695020e+00, v9  }
0x7b: {  	v9 =	vmul.f32 $1.442695020e+00, v10;
	v10 =	vpop (erf)  }
0x7c: {  	(erf) = vpow2.f32 v8;
	v8 =	vadd.f32 $1.000000000e+00, v10  }
0x7d: {  	v10 =	vpop (erf)  }
0x7e: {  	(erf) = vpow2.f32 v9;
	v9 =	vadd.f32 $1.000000000e+00, v10  }
0x7f: {  	v10 =	vpop (erf)  }
0x80: {  	(erf) = vrcp.f32 v8;
	[tilespmem:s2+$0x20] =	vst v10;
	v8 =	vpop (erf)  }
0x81: {  	(erf) = vrcp.f32 v9;
	[tilespmem:s2+$0x30] =	vst v8  }
0x82: {  	v9 =	vpop (erf);
	v10 =	vld [tilespmem:s4+$0x20]  }
0x83: {  	v9 =	vadd.f32 $1.000000000e+00, v9;
	v11 =	vpop (erf)  }
0x84: {  	v8 =	vld [tilespmem:s14+$0x20];
	v11 =	vadd.f32 $1.000000000e+00, v11;
	_ =	sdelay $0x2  }
0x85: {  	(erf) = vrcp.f32 v9;
	v9 =	vpop (erf);
	v13 =	vshll.u32 v10, $0x10  }
0x86: {  	s5 =	simm.s32 $0x4E25;
	(erf) = vrcp.f32 v11;
	v11 =	vpop (erf)  }
0x87: {  	s9 =	simm.s32 $0xC6C0;
	v14 =	vld [tilespmem:s5+$0x0];
	v12 =	vshll.u32 v8, $0x10;
	v15 =	vpop (erf)  }
0x88: {  	v8 =	vand.u32 $0xFFFF0000, v8;
	v10 =	vand.u32 $0xFFFF0000, v10;
	v12 =	vadd.f32 v13, v12;
	[tilespmem:s9+$0x0] =	vst v15;
	v13 =	vpop (erf)  }
0x89: {  	v9 =	vadd.f32 $1.000000000e+00, v9;
	v8 =	vadd.f32 v10, v8;
	[tilespmem:s9+$0x10] =	vst v13  }
0x8a: {  	v11 =	vadd.f32 $1.000000000e+00, v11;
	v12 =	vmul.f32 s10, v12;
	v13 =	vld [tilespmem:s20+$0x10]  }
0x8b: {  	(erf) = vrcp.f32 v9;
	v8 =	vmul.f32 s10, v8;
	v9 =	vld [tilespmem:s15+$0x10]  }
0x8c: {  	(v2sf) =	vpush v14, $0x0;
	v10 =	vld [tilespmem:s5+$0xFFFFFFFF];
	v12 =	vsub.f32 v12, v3  }
0x8d: {  	v8 =	vsub.f32 v8, v2  }
0x8e: {  	(erf) = vrcp.f32 v11;
	v11 =	vpop (erf);
	v12 =	vmul.f32 $1.442695020e+00, v12  }
0x8f: {  	[tilespmem:s9+$0xFFFFFF80] =	vst v11;
	v8 =	vmul.f32 $1.442695020e+00, v8;
	v11 =	vpop (erf)  }
0x90: {  	s11 =	simm.s32 $0x9E80;
	[tilespmem:s9+$0xFFFFFF90] =	vst v11;
	(erf) = vpow2.f32 v12;
	v11 =	vshll.u32 v13, $0x10;
	v12 =	vshll.u32 v9, $0x10  }
0x91: {  	v15 =	vld [tilespmem:s11+$0x0];
	(v2sf) =	vpush v10, $0x0;
	v11 =	vadd.f32 v12, v11  }
0x92: {  	v10 =	vld [tilespmem:s20+$0xFFFFFFD0];
	(erf) = vpow2.f32 v8;
	v13 =	vand.u32 $0xFFFF0000, v13;
	v9 =	vand.u32 $0xFFFF0000, v9  }
0x93: {  	v8 =	vld [tilespmem:s15+$0xFFFFFFD0];
	v9 =	vadd.f32 v9, v13;
	v11 =	vmul.f32 s18, v11  }
0x94: {  	s12 =	simm.s32 $0x7680  }
0x95: {  	v12 =	vld [tilespmem:s12+$0x0];
	v9 =	vmul.f32 s18, v9;
	v11 =	vsub.f32 v11, v5  }
0x96: {  	v19 =	vshll.u32 v15, $0x10;
	v15 =	vand.u32 $0xFFFF0000, v15;
	v13 =	vpop (erf)  }
0x97: {  	[tilespmem:s2+$0xFFFFFFA0] =	vst v13;
	v13 =	vpop (erf);
	v14 =	vshll.u32 v10, $0x10;
	v9 =	vsub.f32 v9, v4;
	v11 =	vmul.f32 $1.442695020e+00, v11  }
0x98: {  	[tilespmem:s2+$0xFFFFFFB0] =	vst v13;
	v10 =	vand.u32 $0xFFFF0000, v10;
	v13 =	vshll.u32 v8, $0x10;
	v8 =	vand.u32 $0xFFFF0000, v8  }
0x99: {  	v18 =	vld [tilespmem:s11+$0xFFFFFFC0];
	v13 =	vadd.f32 v13, v14;
	v9 =	vmul.f32 $1.442695020e+00, v9;
	(erf) = vpow2.f32 v11  }
0x9a: {  	v14 =	vld [tilespmem:s12+$0xFFFFFFC0];
	v8 =	vadd.f32 v8, v10;
	v10 =	vshll.u32 v12, $0x10;
	v12 =	vand.u32 $0xFFFF0000, v12;
	v17 =	vpop (erf)  }
0x9b: {  	s17 =	spop (v2sf);
	v10 =	vadd.f32 v19, v10;
	v11 =	vadd.f32 $1.000000000e+00, v17;
	v17 =	vpop (erf);
	(erf) = vpow2.f32 v9  }
0x9c: {  	s22 =	sxor.u32 $0x80000000, s17;
	v12 =	vadd.f32 v15, v12;
	v9 =	vadd.f32 $1.000000000e+00, v17  }
0x9d: {  	v10 =	vmul.f32 s22, v10;
	(erf) = vrcp.f32 v11  }
0x9e: {  	v12 =	vmul.f32 s22, v12;
	v17 =	vshll.u32 v18, $0x10;
	(erf) = vrcp.f32 v9  }
0x9f: {  	v18 =	vand.u32 $0xFFFF0000, v18;
	v15 =	vshll.u32 v14, $0x10;
	v10 =	vsub.f32 v10, v6  }
0xa0: {  	v14 =	vand.u32 $0xFFFF0000, v14;
	s21 =	spop (v2sf);
	v12 =	vsub.f32 v12, v7;
	v15 =	vadd.f32 v17, v15  }
0xa1: {  	v16 =	vld [tilespmem:s14+$0xFFFFFFE0];
	v13 =	vmul.f32 s3, v13;
	s16 =	sxor.u32 $0x80000000, s21;
	v14 =	vadd.f32 v18, v14;
	v10 =	vmul.f32 $1.442695020e+00, v10  }
0xa2: {  	v9 =	vld [tilespmem:s4+$0xFFFFFFE0];
	v12 =	vmul.f32 $1.442695020e+00, v12;
	v15 =	vmul.f32 s16, v15;
	v18 =	vpop (erf)  }
0xa3: {  	v14 =	vmul.f32 s16, v14;
	(erf) = vpow2.f32 v10;
	v10 =	vadd.f32 $1.000000000e+00, v18  }
0xa4: {  	v8 =	vmul.f32 s3, v8;
	v13 =	vsub.f32 v13, v5;
	v15 =	vsub.f32 v15, v6;
	v18 =	vpop (erf)  }
0xa5: {  	v14 =	vsub.f32 v14, v7;
	(erf) = vpow2.f32 v12;
	v12 =	vadd.f32 $1.000000000e+00, v18  }
0xa6: {  	v11 =	vshll.u32 v16, $0x10;
	v15 =	vmul.f32 $1.442695020e+00, v15;
	v18 =	vpop (erf);
	(erf) = vrcp.f32 v10  }
0xa7: {  	v17 =	vshll.u32 v9, $0x10;
	v14 =	vmul.f32 $1.442695020e+00, v14;
	(erf) = vrcp.f32 v12;
	v10 =	vpop (erf)  }
0xa8: {  	v11 =	vadd.f32 v17, v11;
	(erf) = vpow2.f32 v15;
	[tilespmem:s2+$0x50] =	vst v10;
	v10 =	vmul.f32 $1.442695020e+00, v13  }
0xa9: {  	[tilespmem:s2+$0x40] =	vst v18;
	(erf) = vpow2.f32 v14  }
0xaa: {  	v8 =	vsub.f32 v8, v4;
	v12 =	vld [tilespmem:s14+$0x30];
	(erf) = vpow2.f32 v10;
	v10 =	vmul.f32 s0, v11  }
0xab: {  	v13 =	vld [tilespmem:s4+$0x30]  }
0xac: {  	v8 =	vmul.f32 $1.442695020e+00, v8  }
0xad: {  	v16 =	vand.u32 $0xFFFF0000, v16;
	v9 =	vand.u32 $0xFFFF0000, v9  }
0xae: {  	v9 =	vadd.f32 v9, v16;
	(erf) = vpow2.f32 v8;
	v8 =	vsub.f32 v10, v3;
	v10 =	vpop (erf)  }
0xaf: {  	v10 =	vadd.f32 $1.000000000e+00, v10  }
0xb0: {  	v9 =	vmul.f32 s0, v9;
	v14 =	vand.u32 $0xFFFF0000, v12;
	v15 =	vand.u32 $0xFFFF0000, v13  }
0xb1: {  	v11 =	vpop (erf);
	v14 =	vadd.f32 v15, v14  }
0xb2: {  	v9 =	vsub.f32 v9, v2;
	v16 =	vpop (erf)  }
0xb3: {  	v11 =	vadd.f32 $1.000000000e+00, v11;
	(erf) = vrcp.f32 v10;
	v10 =	vpop (erf)  }
0xb4: {  	v9 =	vmul.f32 $1.442695020e+00, v9;
	v8 =	vmul.f32 $1.442695020e+00, v8;
	[tilespmem:s9+$0x20] =	vst v16;
	v15 =	vpop (erf)  }
0xb5: {  	(erf) = vrcp.f32 v11;
	v11 =	vshll.u32 v12, $0x10;
	[tilespmem:s9+$0x30] =	vst v10;
	v10 =	vmul.f32 s10, v14;
	v14 =	vpop (erf)  }
0xb6: {  	(erf) = vpow2.f32 v8;
	v12 =	vadd.f32 $1.000000000e+00, v15;
	v8 =	vadd.f32 $1.000000000e+00, v14;
	v14 =	vld [tilespmem:s15+$0x20]  }
0xb7: {  	(erf) = vpow2.f32 v9;
	v16 =	vpop (erf);
	v10 =	vsub.f32 v10, v0  }
0xb8: {  	v9 =	vshll.u32 v13, $0x10;
	v15 =	vld [tilespmem:s20+$0x20];
	(erf) = vrcp.f32 v12;
	v12 =	vadd.f32 $1.000000000e+00, v16  }
0xb9: {  	v9 =	vadd.f32 v9, v11;
	v11 =	vpop (erf);
	(erf) = vrcp.f32 v8;
	v8 =	vmul.f32 $1.442695020e+00, v10  }
0xba: {  	v10 =	vadd.f32 $1.000000000e+00, v11;
	(erf) = vrcp.f32 v12  }
0xbb: {  	s23 =	simm.s32 $0x4E27;
	(erf) = vpow2.f32 v8;
	v11 =	vshll.u32 v14, $0x10  }
0xbc: {  	(erf) = vrcp.f32 v10;
	v10 =	vld [tilespmem:s23+$0x0]  }
0xbd: {  	v9 =	vmul.f32 s10, v9;
	s10 =	simm.s32 $0xC7C0;
	v8 =	vshll.u32 v15, $0x10;
	v12 =	vpop (erf)  }
0xbe: {  	v13 =	vand.u32 $0xFFFF0000, v15;
	v14 =	vand.u32 $0xFFFF0000, v14;
	v8 =	vadd.f32 v11, v8;
	[tilespmem:s10+$0x0] =	vst v12;
	v11 =	vpop (erf)  }
0xbf: {  	v12 =	vadd.f32 v14, v13;
	v13 =	vld [tilespmem:s23+$0xFFFFFFFF];
	[tilespmem:s10+$0x10] =	vst v11;
	v11 =	vpop (erf)  }
0xc0: {  	v9 =	vsub.f32 v9, v1;
	v8 =	vmul.f32 s18, v8;
	v14 =	vld [tilespmem:s12+$0x10];
	v15 =	vpop (erf)  }
0xc1: {  	v12 =	vmul.f32 s18, v12;
	v11 =	vadd.f32 $1.000000000e+00, v11;
	v16 =	vld [tilespmem:s11+$0x10];
	(v2sf) =	vpush v10, $0x0;
	v17 =	vpop (erf)  }
0xc2: {  	v9 =	vmul.f32 $1.442695020e+00, v9;
	v8 =	vsub.f32 v8, v3;
	v15 =	vadd.f32 $1.000000000e+00, v15;
	[tilespmem:s10+$0xFFFFFF80] =	vst v17;
	v10 =	vpop (erf)  }
0xc3: {  	v12 =	vsub.f32 v12, v2;
	(erf) = vrcp.f32 v11;
	[tilespmem:s10+$0xFFFFFF90] =	vst v10  }
0xc4: {  	v8 =	vmul.f32 $1.442695020e+00, v8;
	(erf) = vrcp.f32 v15;
	v11 =	vld [tilespmem:s12+$0xFFFFFFD0]  }
0xc5: {  	(v2sf) =	vpush v13, $0x0;
	v12 =	vmul.f32 $1.442695020e+00, v12;
	v10 =	vpop (erf);
	(erf) = vpow2.f32 v9;
	v13 =	vld [tilespmem:s11+$0xFFFFFFD0]  }
0xc6: {  	s29 =	simm.s32 $0x9F00;
	v9 =	vpop (erf);
	(erf) = vpow2.f32 v8;
	v8 =	vshll.u32 v14, $0x10;
	v15 =	vshll.u32 v16, $0x10  }
0xc7: {  	v17 =	vld [tilespmem:s29+$0x0];
	[tilespmem:s9+$0xFFFFFFA0] =	vst v10;
	v10 =	vpop (erf);
	v8 =	vadd.f32 v15, v8  }
0xc8: {  	(erf) = vpow2.f32 v12;
	v12 =	vand.u32 $0xFFFF0000, v14;
	[tilespmem:s9+$0xFFFFFFB0] =	vst v10;
	v10 =	vand.u32 $0xFFFF0000, v16  }
0xc9: {  	s13 =	simm.s32 $0x7700;
	v10 =	vadd.f32 v10, v12;
	v8 =	vmul.f32 s22, v8  }
0xca: {  	v9 =	vadd.f32 $1.000000000e+00, v9;
	v12 =	vld [tilespmem:s13+$0x0];
	v15 =	vshll.u32 v11, $0x10;
	v16 =	vshll.u32 v13, $0x10  }
0xcb: {  	v11 =	vand.u32 $0xFFFF0000, v11;
	v10 =	vmul.f32 s22, v10;
	v8 =	vsub.f32 v8, v5  }
0xcc: {  	(erf) = vrcp.f32 v9;
	v23 =	vshll.u32 v17, $0x10;
	v15 =	vadd.f32 v16, v15  }
0xcd: {  	v17 =	vand.u32 $0xFFFF0000, v17;
	v13 =	vand.u32 $0xFFFF0000, v13;
	v10 =	vsub.f32 v10, v4;
	v16 =	vpop (erf)  }
0xce: {  	v9 =	vadd.f32 v13, v11;
	v13 =	vld [tilespmem:s13+$0xFFFFFFC0];
	v15 =	vmul.f32 s16, v15;
	v19 =	vmul.f32 $1.442695020e+00, v8;
	v11 =	vpop (erf)  }
0xcf: {  	v20 =	vld [tilespmem:s29+$0xFFFFFFC0];
	v21 =	vshll.u32 v12, $0x10;
	v12 =	vand.u32 $0xFFFF0000, v12;
	v10 =	vmul.f32 $1.442695020e+00, v10;
	v8 =	vpop (erf)  }
0xd0: {  	v21 =	vadd.f32 v23, v21;
	v12 =	vadd.f32 v17, v12;
	(erf) = vpow2.f32 v19;
	v22 =	vpop (erf);
	s24 =	spop (v2sf)  }
0xd1: {  	v15 =	vsub.f32 v15, v5;
	v19 =	vadd.f32 $1.000000000e+00, v22;
	v34 =	vpop (erf);
	s1 =	sxor.u32 $0x80000000, s24  }
0xd2: {  	(erf) = vpow2.f32 v10;
	v10 =	vadd.f32 $1.000000000e+00, v34;
	v17 =	vmul.f32 s1, v21  }
0xd3: {  	v35 =	vshll.u32 v13, $0x10;
	v12 =	vmul.f32 s1, v12;
	(erf) = vrcp.f32 v19  }
0xd4: {  	(erf) = vrcp.f32 v10;
	v10 =	vand.u32 $0xFFFF0000, v13;
	v13 =	vshll.u32 v20, $0x10  }
0xd5: {  	s26 =	spop (v2sf);
	v17 =	vsub.f32 v17, v6;
	v13 =	vadd.f32 v13, v35  }
0xd6: {  	v14 =	vld [tilespmem:s20+$0xFFFFFFE0];
	s8 =	sxor.u32 $0x80000000, s26;
	v12 =	vsub.f32 v12, v7  }
0xd7: {  	v20 =	vand.u32 $0xFFFF0000, v20;
	v17 =	vmul.f32 $1.442695020e+00, v17;
	v13 =	vmul.f32 s8, v13  }
0xd8: {  	v9 =	vmul.f32 s16, v9;
	[tilespmem:s2+$0xFFFFFFC0] =	vst v16;
	v19 =	vld [tilespmem:s15+$0xFFFFFFE0];
	v20 =	vadd.f32 v20, v10;
	v12 =	vmul.f32 $1.442695020e+00, v12;
	v10 =	vpop (erf)  }
0xd9: {  	[tilespmem:s2+$0xFFFFFFD0] =	vst v11;
	(erf) = vpow2.f32 v17;
	v11 =	vsub.f32 v13, v6;
	v13 =	vmul.f32 $1.442695020e+00, v15;
	v15 =	vpop (erf)  }
0xda: {  	v9 =	vsub.f32 v9, v4;
	v36 =	vld [tilespmem:s14+$0xFFFFFFF0];
	v20 =	vmul.f32 s8, v20;
	v15 =	vadd.f32 $1.000000000e+00, v15  }
0xdb: {  	v18 =	vshll.u32 v14, $0x10;
	v14 =	vand.u32 $0xFFFF0000, v14;
	(erf) = vpow2.f32 v12;
	v17 =	vpop (erf)  }
0xdc: {  	v37 =	vld [tilespmem:s4+$0xFFFFFFF0];
	v9 =	vmul.f32 $1.442695020e+00, v9;
	v20 =	vsub.f32 v20, v7;
	v12 =	vadd.f32 $1.000000000e+00, v17  }
0xdd: {  	v16 =	vshll.u32 v19, $0x10;
	v11 =	vmul.f32 $1.442695020e+00, v11;
	v17 =	vpop (erf);
	(erf) = vrcp.f32 v15  }
0xde: {  	v20 =	vmul.f32 $1.442695020e+00, v20;
	[tilespmem:s9+$0x40] =	vst v17;
	v17 =	vand.u32 $0xFFFF0000, v19;
	(erf) = vrcp.f32 v12;
	v15 =	vpop (erf)  }
0xdf: {  	v12 =	vadd.f32 v16, v18;
	(erf) = vpow2.f32 v11;
	[tilespmem:s9+$0x50] =	vst v15;
	v15 =	vshll.u32 v36, $0x10  }
0xe0: {  	v11 =	vadd.f32 v17, v14;
	v17 =	vand.u32 $0xFFFF0000, v36;
	(erf) = vpow2.f32 v20;
	v16 =	vld [tilespmem:s15+$0x30]  }
0xe1: {  	v12 =	vmul.f32 s3, v12;
	v14 =	vld [tilespmem:s20+$0x30];
	(erf) = vpow2.f32 v13;
	v13 =	vshll.u32 v37, $0x10  }
0xe2: {  	(erf) = vpow2.f32 v9;
	v13 =	vadd.f32 v13, v15;
	v15 =	vpop (erf)  }
0xe3: {  	v9 =	vsub.f32 v12, v3;
	v12 =	vand.u32 $0xFFFF0000, v37;
	v15 =	vadd.f32 $1.000000000e+00, v15  }
0xe4: {  	v11 =	vmul.f32 s3, v11;
	v12 =	vadd.f32 v12, v17;
	v17 =	vpop (erf)  }
0xe5: {  	v17 =	vadd.f32 $1.000000000e+00, v17;
	v19 =	vand.u32 $0xFFFF0000, v16  }
0xe6: {  	v11 =	vsub.f32 v11, v2;
	v18 =	vshll.u32 v14, $0x10;
	v14 =	vand.u32 $0xFFFF0000, v14;
	v38 =	vpop (erf)  }
0xe7: {  	v9 =	vmul.f32 $1.442695020e+00, v9;
	(erf) = vrcp.f32 v15;
	v14 =	vadd.f32 v19, v14;
	[tilespmem:s10+$0x20] =	vst v38;
	v15 =	vpop (erf)  }
0xe8: {  	v11 =	vmul.f32 $1.442695020e+00, v11;
	v16 =	vshll.u32 v16, $0x10;
	(erf) = vrcp.f32 v17;
	v19 =	vpop (erf);
	[tilespmem:s10+$0x30] =	vst v15  }
0xe9: {  	(erf) = vpow2.f32 v9;
	v15 =	vadd.f32 v16, v18;
	v14 =	vmul.f32 s18, v14;
	v17 =	vpop (erf);
	v18 =	vld [tilespmem:s12+$0x20]  }
0xea: {  	v9 =	vmul.f32 s0, v12;
	v16 =	vadd.f32 $1.000000000e+00, v19;
	v12 =	vadd.f32 $1.000000000e+00, v17;
	v17 =	vld [tilespmem:s11+$0x20]  }
0xeb: {  	v13 =	vmul.f32 s0, v13;
	(erf) = vpow2.f32 v11;
	v19 =	vpop (erf);
	v14 =	vsub.f32 v14, v0  }
0xec: {  	v15 =	vmul.f32 s18, v15;
	(erf) = vrcp.f32 v16;
	v11 =	vadd.f32 $1.000000000e+00, v19  }
0xed: {  	(erf) = vrcp.f32 v12;
	v12 =	vmul.f32 $1.442695020e+00, v14  }
0xee: {  	(erf) = vrcp.f32 v11;
	v11 =	vsub.f32 v13, v1;
	v13 =	vsub.f32 v15, v1  }
0xef: {  	v16 =	vpop (erf);
	(erf) = vpow2.f32 v12;
	v12 =	vshll.u32 v18, $0x10;
	v15 =	vshll.u32 v17, $0x10  }
0xf0: {  	v14 =	vadd.f32 $1.000000000e+00, v16;
	v12 =	vadd.f32 v15, v12  }
0xf1: {  	s28 =	simm.s32 $0x4E29;
	v9 =	vsub.f32 v9, v0;
	v18 =	vand.u32 $0xFFFF0000, v18  }
0xf2: {  	s18 =	simm.s32 $0xC8C0;
	v16 =	vpop (erf);
	v17 =	vand.u32 $0xFFFF0000, v17;
	(erf) = vrcp.f32 v14;
	v14 =	vld [tilespmem:s28+$0x0];
	v12 =	vmul.f32 s22, v12  }
0xf3: {  	v9 =	vmul.f32 $1.442695020e+00, v9;
	[tilespmem:s18+$0x0] =	vst v16;
	v11 =	vmul.f32 $1.442695020e+00, v11;
	v16 =	vadd.f32 v17, v18;
	v15 =	vpop (erf)  }
0xf4: {  	v17 =	vld [tilespmem:s28+$0xFFFFFFFF];
	[tilespmem:s18+$0x10] =	vst v15;
	v15 =	vpop (erf);
	v12 =	vsub.f32 v12, v3  }
0xf5: {  	(erf) = vpow2.f32 v11;
	v16 =	vmul.f32 s22, v16;
	v18 =	vld [tilespmem:s13+$0x10];
	v15 =	vadd.f32 $1.000000000e+00, v15;
	v19 =	vpop (erf)  }
0xf6: {  	v13 =	vmul.f32 $1.442695020e+00, v13;
	(erf) = vpow2.f32 v9;
	v11 =	vld [tilespmem:s29+$0x10];
	v39 =	vpop (erf);
	v19 =	vadd.f32 $1.000000000e+00, v19  }
0xf7: {  	(v2sf) =	vpush v14, $0x0;
	v14 =	vsub.f32 v16, v2;
	[tilespmem:s18+$0xFFFFFF80] =	vst v39;
	v9 =	vpop (erf);
	(erf) = vrcp.f32 v15  }
0xf8: {  	[tilespmem:s18+$0xFFFFFF90] =	vst v9;
	v9 =	vmul.f32 $1.442695020e+00, v12;
	(erf) = vrcp.f32 v19;
	v12 =	vpop (erf)  }
0xf9: {  	v14 =	vmul.f32 $1.442695020e+00, v14;
	(erf) = vpow2.f32 v13;
	[tilespmem:s10+$0xFFFFFFA0] =	vst v12;
	v12 =	vld [tilespmem:s29+$0xFFFFFFD0]  }
0xfa: {  	(v2sf) =	vpush v17, $0x0;
	v13 =	vpop (erf);
	v16 =	vshll.u32 v18, $0x10;
	(erf) = vpow2.f32 v9  }
0xfb: {  	v15 =	vld [tilespmem:s13+$0xFFFFFFD0];
	v17 =	vpop (erf);
	v9 =	vadd.f32 $1.000000000e+00, v13;
	v13 =	vshll.u32 v11, $0x10;
	(erf) = vpow2.f32 v14  }
0xfc: {  	s21 =	simm.s32 $0x9F80;
	v14 =	vand.u32 $0xFFFF0000, v18;
	v11 =	vand.u32 $0xFFFF0000, v11;
	v13 =	vadd.f32 v13, v16  }
0xfd: {  	v40 =	vld [tilespmem:s21+$0x0];
	[tilespmem:s10+$0xFFFFFFB0] =	vst v17;
	v17 =	vadd.f32 $1.000000000e+00, v8;
	v8 =	vadd.f32 v11, v14  }
0xfe: {  	v24 =	vld [tilespmem:s21+$0xFFFFFFC0];
	s0 =	simm.s32 $0x7780;
	v19 =	vshll.u32 v12, $0x10  }
0xff: {  	v43 =	vld [tilespmem:s0+$0xFFFFFFC0];
	v13 =	vmul.f32 s1, v13;
	v11 =	vpop (erf);
	v8 =	vmul.f32 s1, v8  }
0x100: {  	v14 =	vld [tilespmem:s0+$0x0];
	(erf) = vrcp.f32 v9;
	v18 =	vshll.u32 v15, $0x10;
	v15 =	vand.u32 $0xFFFF0000, v15;
	v9 =	vpop (erf)  }
0x101: {  	v12 =	vand.u32 $0xFFFF0000, v12;
	v18 =	vadd.f32 v19, v18;
	v13 =	vsub.f32 v13, v5;
	v19 =	vpop (erf)  }
0x102: {  	v12 =	vadd.f32 v12, v15;
	v15 =	vsub.f32 v8, v4;
	v42 =	vpop (erf)  }
0x103: {  	v46 =	vshll.u32 v24, $0x10;
	v24 =	vand.u32 $0xFFFF0000, v24;
	v16 =	vld [tilespmem:s12+$0xFFFFFFE0];
	v13 =	vmul.f32 $1.442695020e+00, v13;
	v8 =	vpop (erf)  }
0x104: {  	v20 =	vand.u32 $0xFFFF0000, v40;
	v45 =	vand.u32 $0xFFFF0000, v43;
	v15 =	vmul.f32 $1.442695020e+00, v15;
	v26 =	vpop (erf)  }
0x105: {  	v25 =	vshll.u32 v14, $0x10;
	(erf) = vpow2.f32 v13;
	v13 =	vadd.f32 $1.000000000e+00, v26;
	v44 =	vpop (erf)  }
0x106: {  	(erf) = vpow2.f32 v15;
	v15 =	vshll.u32 v40, $0x10;
	v26 =	vadd.f32 $1.000000000e+00, v44  }
0x107: {  	v14 =	vand.u32 $0xFFFF0000, v14;
	s30 =	spop (v2sf);
	v15 =	vadd.f32 v15, v25;
	(erf) = vrcp.f32 v13  }
0x108: {  	v27 =	vld [tilespmem:s11+$0xFFFFFFE0];
	v41 =	vshll.u32 v16, $0x10;
	v14 =	vadd.f32 v20, v14;
	s4 =	sxor.u32 $0x80000000, s30;
	(erf) = vrcp.f32 v26  }
0x109: {  	v18 =	vmul.f32 s8, v18;
	v16 =	vand.u32 $0xFFFF0000, v16;
	v15 =	vmul.f32 s4, v15  }
0x10a: {  	v20 =	vadd.f32 v24, v45;
	s31 =	spop (v2sf);
	v14 =	vmul.f32 s4, v14;
	v13 =	vshll.u32 v43, $0x10  }
0x10b: {  	v12 =	vmul.f32 s8, v12;
	s14 =	sxor.u32 $0x80000000, s31;
	v13 =	vadd.f32 v46, v13;
	v15 =	vsub.f32 v15, v6  }
0x10c: {  	v18 =	vsub.f32 v18, v5;
	v20 =	vmul.f32 s14, v20;
	v14 =	vsub.f32 v14, v7  }
0x10d: {  	v47 =	vshll.u32 v27, $0x10;
	[tilespmem:s9+$0xFFFFFFC0] =	vst v19;
	v19 =	vpop (erf);
	v13 =	vmul.f32 s14, v13;
	v15 =	vmul.f32 $1.442695020e+00, v15  }
0x10e: {  	v18 =	vmul.f32 $1.442695020e+00, v18;
	v20 =	vsub.f32 v20, v7;
	v14 =	vmul.f32 $1.442695020e+00, v14;
	v48 =	vpop (erf)  }
0x10f: {  	[tilespmem:s9+$0xFFFFFFD0] =	vst v42;
	v13 =	vsub.f32 v13, v6;
	(erf) = vpow2.f32 v15;
	v15 =	vadd.f32 $1.000000000e+00, v48;
	v49 =	vpop (erf)  }
0x110: {  	v22 =	vld [tilespmem:s20+$0xFFFFFFF0];
	v20 =	vmul.f32 $1.442695020e+00, v20;
	(erf) = vpow2.f32 v14;
	v14 =	vadd.f32 $1.000000000e+00, v49;
	v51 =	vpop (erf)  }
0x111: {  	v12 =	vsub.f32 v12, v4;
	v50 =	vld [tilespmem:s15+$0xFFFFFFF0];
	v13 =	vmul.f32 $1.442695020e+00, v13;
	(erf) = vrcp.f32 v15;
	[tilespmem:s10+$0x40] =	vst v51;
	v52 =	vpop (erf)  }
0x112: {  	v15 =	vand.u32 $0xFFFF0000, v27;
	(erf) = vrcp.f32 v14;
	v14 =	vadd.f32 v47, v41;
	[tilespmem:s10+$0x50] =	vst v52  }
0x113: {  	v12 =	vmul.f32 $1.442695020e+00, v12;
	(erf) = vpow2.f32 v13;
	v13 =	vadd.f32 v15, v16;
	v15 =	vld [tilespmem:s12+$0x30]  }
0x114: {  	(erf) = vpow2.f32 v20;
	v14 =	vmul.f32 s16, v14;
	v53 =	vld [tilespmem:s11+$0x30]  }
0x115: {  	v16 =	vshll.u32 v22, $0x10;
	(erf) = vpow2.f32 v18;
	v13 =	vmul.f32 s16, v13  }
0x116: {  	v18 =	vshll.u32 v50, $0x10;
	(erf) = vpow2.f32 v12;
	v12 =	vsub.f32 v14, v3  }
0x117: {  	v54 =	vand.u32 $0xFFFF0000, v22;
	v14 =	vand.u32 $0xFFFF0000, v50;
	v16 =	vadd.f32 v18, v16  }
0x118: {  	v13 =	vsub.f32 v13, v2;
	(erf) = vrcp.f32 v17;
	v18 =	vmul.f32 $1.442695020e+00, v12  }
0x119: {  	v17 =	vpop (erf);
	v12 =	vshll.u32 v15, $0x10;
	v15 =	vand.u32 $0xFFFF0000, v15;
	v56 =	vand.u32 $0xFFFF0000, v53  }
0x11a: {  	v17 =	vadd.f32 $1.000000000e+00, v17;
	v55 =	vpop (erf);
	v58 =	vmul.f32 $1.442695020e+00, v13;
	v13 =	vadd.f32 v56, v15  }
0x11b: {  	v14 =	vadd.f32 v14, v54;
	v21 =	vadd.f32 $1.000000000e+00, v55;
	v57 =	vpop (erf)  }
0x11c: {  	v16 =	vmul.f32 s3, v16;
	(erf) = vrcp.f32 v17;
	[tilespmem:s18+$0x20] =	vst v57;
	v17 =	vshll.u32 v53, $0x10;
	v15 =	vpop (erf)  }
0x11d: {  	(erf) = vrcp.f32 v21;
	v59 =	vpop (erf);
	[tilespmem:s18+$0x30] =	vst v15;
	v15 =	vadd.f32 v17, v12;
	v17 =	vmul.f32 s22, v13  }
0x11e: {  	v14 =	vmul.f32 s3, v14;
	(erf) = vpow2.f32 v18;
	v20 =	vadd.f32 $1.000000000e+00, v59;
	v13 =	vpop (erf);
	v12 =	vld [tilespmem:s13+$0x20]  }
0x11f: {  	v18 =	vadd.f32 $1.000000000e+00, v13;
	v13 =	vld [tilespmem:s29+$0x20];
	v60 =	vpop (erf);
	v17 =	vsub.f32 v17, v0;
	(erf) = vpow2.f32 v58  }
0x120: {  	v63 =	vmul.f32 s22, v15;
	(erf) = vrcp.f32 v20;
	v61 =	vadd.f32 $1.000000000e+00, v60  }
0x121: {  	[tilespmem:s2+$0x70] =	vst v10;
	v10 =	vadd.f32 $1.000000000e+00, v11;
	v62 =	vpop (erf);
	(erf) = vrcp.f32 v18;
	v17 =	vmul.f32 $1.442695020e+00, v17  }
0x122: {  	v16 =	vsub.f32 v16, v1;
	v18 =	vadd.f32 $1.000000000e+00, v62;
	(erf) = vrcp.f32 v61  }
0x123: {  	s17 =	simm.s32 $0x8;
	s20 =	simm.s32 $0x7780;
	[tilespmem:s9+$0x70] =	vst v19;
	v15 =	vsub.f32 v14, v0;
	v19 =	vpop (erf);
	v14 =	vsub.f32 v63, v1;
	(erf) = vpow2.f32 v17  }
0x124: {  	s15 =	simm.s32 $0x9F80;
	s3 =	simm.s32 $0xC8C0;
	s22 =	simm.s32 $0x4E2B;
	[tilespmem:s2+$0x60] =	vst v19;
	v11 =	vshll.u32 v12, $0x10;
	v17 =	vshll.u32 v13, $0x10;
	(erf) = vrcp.f32 v18  }
.LBB2_2:
0x125: {  	v18 =	vld [tilespmem:s22+$0x0];
	v19 =	vpop (erf);
	v12 =	vand.u32 $0xFFFF0000, v12;
	v13 =	vand.u32 $0xFFFF0000, v13;
	v11 =	vadd.f32 v17, v11;
	s18 =	sadd.s32 $0x100, s18  }
0x126: {  	v15 =	vmul.f32 $1.442695020e+00, v15;
	v17 =	vld [tilespmem:s22+$0xFFFFFFFF];
	[tilespmem:s18+$0x0] =	vst v19;
	v19 =	vpop (erf);
	v12 =	vadd.f32 v13, v12;
	v13 =	vmul.f32 $1.442695020e+00, v16  }
0x127: {  	v14 =	vmul.f32 $1.442695020e+00, v14;
	[tilespmem:s18+$0x10] =	vst v19;
	v11 =	vmul.f32 s1, v11;
	v16 =	vpop (erf);
	v19 =	vadd.f32 $1.000000000e+00, v9  }
0x128: {  	v9 =	vld [tilespmem:s0+$0x10];
	v12 =	vmul.f32 s1, v12;
	v16 =	vadd.f32 $1.000000000e+00, v16;
	v20 =	vpop (erf);
	(erf) = vpow2.f32 v13  }
0x129: {  	v13 =	vld [tilespmem:s21+$0x10];
	v21 =	vpop (erf);
	v22 =	vsub.f32 v11, v3;
	v20 =	vadd.f32 $1.000000000e+00, v20;
	(erf) = vpow2.f32 v15  }
0x12a: {  	(v2sf) =	vpush v18, $0x0;
	[tilespmem:s18+$0xFFFFFF80] =	vst v21;
	v15 =	vpop (erf);
	v12 =	vsub.f32 v12, v2;
	(erf) = vrcp.f32 v16  }
0x12b: {  	s17 =	sadd.s32 $0x2, s17;
	(v2sf) =	vpush v17, $0x0;
	[tilespmem:s18+$0xFFFFFF90] =	vst v15;
	v15 =	vmul.f32 $1.442695020e+00, v22;
	v11 =	vpop (erf);
	(erf) = vrcp.f32 v20  }
0x12c: {  	p0 =	slt.u32 s17, $0x4E;
	v16 =	vld [tilespmem:s0+$0xFFFFFFD0];
	[tilespmem:s3+$0xFFFFFFA0] =	vst v11;
	v12 =	vmul.f32 $1.442695020e+00, v12;
	(erf) = vpow2.f32 v14;
	v14 =	vpop (erf);
	v11 =	vadd.f32 $1.000000000e+00, v8  }
0x12d: {  	v8 =	vld [tilespmem:s21+$0xFFFFFFD0];
	v17 =	vshll.u32 v9, $0x10;
	v18 =	vpop (erf);
	(erf) = vpow2.f32 v15;
	v14 =	vadd.f32 $1.000000000e+00, v14  }
0x12e: {  	v9 =	vand.u32 $0xFFFF0000, v9;
	v15 =	vshll.u32 v13, $0x10;
	[tilespmem:s3+$0xFFFFFFB0] =	vst v18;
	(erf) = vpow2.f32 v12  }
0x12f: {  	v12 =	vand.u32 $0xFFFF0000, v13;
	v13 =	vadd.f32 v15, v17;
	v15 =	vld [tilespmem:s13+$0xFFFFFFE0];
	(erf) = vrcp.f32 v14  }
0x130: {  	s0 =	sadd.s32 $0x80, s0;
	v22 =	vadd.f32 v12, v9;
	v12 =	vld [tilespmem:s29+$0xFFFFFFE0];
	(erf) = vrcp.f32 v10  }
0x131: {  	v14 =	vld [tilespmem:s0+$0x0];
	v17 =	vshll.u32 v16, $0x10;
	v16 =	vand.u32 $0xFFFF0000, v16;
	v13 =	vmul.f32 s4, v13;
	v10 =	vpop (erf)  }
0x132: {  	s21 =	sadd.s32 $0x80, s21;
	v21 =	vmul.f32 s4, v22;
	v18 =	vld [tilespmem:s0+$0xFFFFFFC0];
	v23 =	vshll.u32 v8, $0x10;
	v24 =	vand.u32 $0xFFFF0000, v8;
	v9 =	vpop (erf)  }
0x133: {  	v22 =	vld [tilespmem:s21+$0x0];
	v17 =	vadd.f32 v23, v17;
	v13 =	vsub.f32 v13, v5;
	v20 =	vpop (erf);
	(erf) = vrcp.f32 v19  }
0x134: {  	v16 =	vadd.f32 v24, v16;
	v21 =	vsub.f32 v21, v4;
	v19 =	vld [tilespmem:s21+$0xFFFFFFC0];
	v23 =	vshll.u32 v15, $0x10;
	[tilespmem:s10+$0xFFFFFFC0] =	vst v20;
	v8 =	vpop (erf)  }
0x135: {  	v15 =	vand.u32 $0xFFFF0000, v15;
	v17 =	vmul.f32 s14, v17;
	v13 =	vmul.f32 $1.442695020e+00, v13;
	[tilespmem:s10+$0xFFFFFFD0] =	vst v8;
	v8 =	vpop (erf)  }
0x136: {  	v16 =	vmul.f32 s14, v16;
	v21 =	vmul.f32 $1.442695020e+00, v21;
	v20 =	vshll.u32 v14, $0x10;
	v24 =	vpop (erf);
	v25 =	vld [tilespmem:s12+$0xFFFFFFF0];
	s12 =	smov.u32 s13;
	s13 =	smov.u32 s20;
	s20 =	smov.u32 s0  }
0x137: {  	v14 =	vand.u32 $0xFFFF0000, v14;
	(erf) = vpow2.f32 v13;
	v28 =	vadd.f32 $1.000000000e+00, v24;
	v24 =	vpop (erf);
	v26 =	vld [tilespmem:s11+$0xFFFFFFF0];
	s11 =	smov.u32 s29;
	s29 =	smov.u32 s15;
	s15 =	smov.u32 s21  }
0x138: {  	v27 =	vshll.u32 v22, $0x10;
	(erf) = vpow2.f32 v21;
	v21 =	vadd.f32 $1.000000000e+00, v24;
	v24 =	vpop (erf)  }
0x139: {  	v22 =	vand.u32 $0xFFFF0000, v22;
	v20 =	vadd.f32 v27, v20;
	s5 =	spop (v2sf);
	(erf) = vrcp.f32 v28;
	[tilespmem:s10+$0x70] =	vst v24;
	v13 =	vpop (erf)  }
0x13a: {  	v24 =	vshll.u32 v18, $0x10;
	v14 =	vadd.f32 v22, v14;
	s23 =	sxor.u32 $0x80000000, s5;
	s5 =	spop (v2sf);
	(erf) = vrcp.f32 v21;
	[tilespmem:s2+$0xFFFFFFE0] =	vst v13  }
0x13b: {  	v13 =	vand.u32 $0xFFFF0000, v18;
	v18 =	vshll.u32 v19, $0x10;
	s24 =	sxor.u32 $0x80000000, s5;
	v20 =	vmul.f32 s23, v20  }
0x13c: {  	v19 =	vand.u32 $0xFFFF0000, v19;
	v18 =	vadd.f32 v18, v24;
	v14 =	vmul.f32 s23, v14;
	v21 =	vpop (erf)  }
0x13d: {  	v13 =	vadd.f32 v19, v13;
	v19 =	vsub.f32 v20, v6;
	v20 =	vshll.u32 v12, $0x10;
	[tilespmem:s2+$0xFFFFFFF0] =	vst v21;
	s2 =	smov.u32 s9;
	s9 =	smov.u32 s10;
	s10 =	smov.u32 s3  }
0x13e: {  	v17 =	vsub.f32 v17, v5;
	v18 =	vmul.f32 s24, v18;
	v14 =	vsub.f32 v14, v7;
	s3 =	smov.u32 s18  }
0x13f: {  	v16 =	vsub.f32 v16, v4;
	v13 =	vmul.f32 s24, v13;
	v19 =	vmul.f32 $1.442695020e+00, v19  }
0x140: {  	v17 =	vmul.f32 $1.442695020e+00, v17;
	v18 =	vsub.f32 v18, v6;
	v14 =	vmul.f32 $1.442695020e+00, v14;
	v21 =	vpop (erf)  }
0x141: {  	v13 =	vsub.f32 v13, v7;
	(erf) = vpow2.f32 v19;
	v22 =	vadd.f32 $1.000000000e+00, v21;
	v21 =	vpop (erf)  }
0x142: {  	v18 =	vmul.f32 $1.442695020e+00, v18;
	(erf) = vpow2.f32 v14;
	v14 =	vadd.f32 $1.000000000e+00, v21;
	v21 =	vpop (erf)  }
0x143: {  	v12 =	vand.u32 $0xFFFF0000, v12;
	v13 =	vmul.f32 $1.442695020e+00, v13;
	(erf) = vrcp.f32 v22;
	[tilespmem:s10+$0x40] =	vst v21;
	v19 =	vpop (erf)  }
0x144: {  	v16 =	vmul.f32 $1.442695020e+00, v16;
	(erf) = vrcp.f32 v14;
	v14 =	vadd.f32 v20, v23;
	[tilespmem:s10+$0x50] =	vst v19  }
0x145: {  	v12 =	vadd.f32 v12, v15;
	(erf) = vpow2.f32 v18;
	v15 =	vld [tilespmem:s12+$0x30];
	v18 =	vshll.u32 v25, $0x10  }
0x146: {  	v19 =	vand.u32 $0xFFFF0000, v25;
	(erf) = vpow2.f32 v13;
	v13 =	vmul.f32 s8, v14;
	v14 =	vld [tilespmem:s11+$0x30]  }
0x147: {  	v12 =	vmul.f32 s8, v12;
	(erf) = vpow2.f32 v17;
	v17 =	vshll.u32 v26, $0x10  }
0x148: {  	(erf) = vpow2.f32 v16;
	v13 =	vsub.f32 v13, v3;
	v16 =	vand.u32 $0xFFFF0000, v26  }
0x149: {  	v12 =	vsub.f32 v12, v2;
	v17 =	vadd.f32 v17, v18;
	(erf) = vrcp.f32 v11  }
0x14a: {  	v16 =	vadd.f32 v16, v19;
	v11 =	vpop (erf);
	v13 =	vmul.f32 $1.442695020e+00, v13;
	v18 =	vshll.u32 v15, $0x10  }
0x14b: {  	v15 =	vand.u32 $0xFFFF0000, v15;
	v23 =	vadd.f32 $1.000000000e+00, v11;
	v19 =	vpop (erf);
	v20 =	vand.u32 $0xFFFF0000, v14  }
0x14c: {  	v22 =	vmul.f32 $1.442695020e+00, v12;
	v19 =	vadd.f32 $1.000000000e+00, v19;
	v21 =	vpop (erf);
	v12 =	vadd.f32 v20, v15  }
0x14d: {  	v14 =	vshll.u32 v14, $0x10;
	v15 =	vmul.f32 s16, v17;
	(erf) = vrcp.f32 v23;
	[tilespmem:s18+$0x20] =	vst v21;
	v11 =	vpop (erf)  }
0x14e: {  	v17 =	vpop (erf);
	(erf) = vrcp.f32 v19;
	[tilespmem:s18+$0x30] =	vst v11;
	v11 =	vadd.f32 v14, v18;
	v14 =	vmul.f32 s1, v12  }
0x14f: {  	v19 =	vmul.f32 s16, v16;
	s16 =	smov.u32 s8;
	s8 =	smov.u32 s14;
	s14 =	smov.u32 s24;
	v17 =	vadd.f32 $1.000000000e+00, v17;
	v18 =	vpop (erf);
	v12 =	vld [tilespmem:s13+$0x20];
	(erf) = vpow2.f32 v13  }
0x150: {  	v16 =	vadd.f32 $1.000000000e+00, v18;
	v13 =	vld [tilespmem:s29+$0x20];
	v18 =	vpop (erf);
	v21 =	vsub.f32 v14, v0;
	(erf) = vpow2.f32 v22  }
.Ltmp0:
0x151: {  	v11 =	vmul.f32 s1, v11;
	s1 =	smov.u32 s4;
	s4 =	smov.u32 s23;
	(erf) = vrcp.f32 v17;
	v17 =	vadd.f32 $1.000000000e+00, v18;
	v18 =	vpop (erf);
	(pc) =	sbr.rel @p0 .LBB2_2-.Ltmp0, $4  }
0x152: {  	(erf) = vrcp.f32 v16;
	v18 =	vadd.f32 $1.000000000e+00, v18;
	v20 =	vmul.f32 $1.442695020e+00, v21;
	v14 =	vpop (erf)  }
0x153: {  	v16 =	vsub.f32 v15, v1;
	v15 =	vsub.f32 v19, v0;
	(erf) = vrcp.f32 v17;
	[tilespmem:s2+$0x60] =	vst v14  }
0x154: {  	v10 =	vadd.f32 $1.000000000e+00, v10;
	v14 =	vsub.f32 v11, v1;
	(erf) = vpow2.f32 v20  }
0x155: {  	s22 =	sadd.s32 $0x2, s22;
	v11 =	vshll.u32 v12, $0x10;
	v17 =	vshll.u32 v13, $0x10;
	(erf) = vrcp.f32 v18  }
0x156: {  	v18 =	vpop (erf);
	v12 =	vand.u32 $0xFFFF0000, v12;
	s18 =	sadd.s32 $0x100, s18;
	v13 =	vand.u32 $0xFFFF0000, v13;
	v16 =	vmul.f32 $1.442695020e+00, v16  }
0x157: {  	v11 =	vadd.f32 v17, v11;
	v19 =	vpop (erf);
	[tilespmem:s18+$0x0] =	vst v18;
	v12 =	vadd.f32 v13, v12;
	v13 =	vmul.f32 $1.442695020e+00, v15  }
0x158: {  	v17 =	vpop (erf);
	[tilespmem:s18+$0x10] =	vst v19  }
0x159: {  	v11 =	vmul.f32 s1, v11;
	v15 =	vpop (erf);
	v19 =	vld [tilespmem:s21+$0x10]  }
0x15a: {  	(erf) = vpow2.f32 v16;
	v18 =	vld [tilespmem:s0+$0x10];
	v17 =	vadd.f32 $1.000000000e+00, v17;
	v12 =	vmul.f32 s1, v12;
	v16 =	vpop (erf)  }
0x15b: {  	(erf) = vpow2.f32 v13;
	v11 =	vsub.f32 v11, v3;
	v15 =	vadd.f32 $1.000000000e+00, v15;
	v13 =	vpop (erf)  }
0x15c: {  	(erf) = vrcp.f32 v17;
	v12 =	vsub.f32 v12, v2;
	[tilespmem:s18+$0xFFFFFF90] =	vst v13;
	v13 =	vmul.f32 $1.442695020e+00, v14  }
0x15d: {  	[tilespmem:s18+$0xFFFFFF80] =	vst v16;
	v16 =	vpop (erf);
	v11 =	vmul.f32 $1.442695020e+00, v11;
	(erf) = vrcp.f32 v15  }
0x15e: {  	v12 =	vmul.f32 $1.442695020e+00, v12;
	(erf) = vpow2.f32 v13;
	v14 =	vshll.u32 v19, $0x10  }
0x15f: {  	v13 =	vshll.u32 v18, $0x10;
	(erf) = vpow2.f32 v11;
	v11 =	vand.u32 $0xFFFF0000, v18  }
0x160: {  	v13 =	vadd.f32 v14, v13;
	(erf) = vpow2.f32 v12;
	v12 =	vand.u32 $0xFFFF0000, v19  }
0x161: {  	v14 =	vpop (erf);
	v11 =	vadd.f32 v12, v11  }
0x162: {  	v12 =	vmul.f32 s4, v13;
	v17 =	vadd.f32 $1.000000000e+00, v14  }
0x163: {  	v15 =	vpop (erf);
	v11 =	vmul.f32 s4, v11  }
0x164: {  	v13 =	vpop (erf);
	v12 =	vsub.f32 v12, v5  }
0x165: {  	v14 =	vpop (erf);
	v11 =	vsub.f32 v11, v4  }
0x166: {  	(erf) = vrcp.f32 v17;
	v17 =	vpop (erf)  }
0x167: {  	v9 =	vadd.f32 $1.000000000e+00, v9;
	v18 =	vpop (erf)  }
0x168: {  	(erf) = vrcp.f32 v10;
	v10 =	vmul.f32 $1.442695020e+00, v12;
	v12 =	vpop (erf)  }
0x169: {  	(erf) = vrcp.f32 v9;
	v9 =	vmul.f32 $1.442695020e+00, v11;
	v11 =	vpop (erf)  }
0x16a: {  	v20 =	vld [tilespmem:s21+$0xFFFFFFD0];
	(erf) = vpow2.f32 v10;
	v10 =	vadd.f32 $1.000000000e+00, v11;
	v11 =	vpop (erf)  }
0x16b: {  	v19 =	vld [tilespmem:s0+$0xFFFFFFD0];
	(erf) = vpow2.f32 v9;
	v9 =	vadd.f32 $1.000000000e+00, v11  }
0x16c: {  	(erf) = vrcp.f32 v10  }
0x16d: {  	(erf) = vrcp.f32 v9;
	_ =	sdelay $0x1  }
0x16e: {  	[tilespmem:s3+$0xFFFFFFA0] =	vst v16;
	v16 =	vshll.u32 v20, $0x10  }
0x16f: {  	[tilespmem:s3+$0xFFFFFFB0] =	vst v15;
	v20 =	vand.u32 $0xFFFF0000, v20;
	v15 =	vshll.u32 v19, $0x10;
	v19 =	vand.u32 $0xFFFF0000, v19;
	v10 =	vpop (erf)  }
0x170: {  	v22 =	vld [tilespmem:s29+$0xFFFFFFE0];
	v19 =	vadd.f32 v20, v19;
	v9 =	vpop (erf)  }
0x171: {  	v21 =	vld [tilespmem:s13+$0xFFFFFFE0];
	v15 =	vadd.f32 v16, v15;
	v11 =	vpop (erf)  }
0x172: {  	v16 =	vpop (erf)  }
0x173: {  	[tilespmem:s10+$0xFFFFFFC0] =	vst v17;
	v15 =	vmul.f32 s14, v15;
	v16 =	vadd.f32 $1.000000000e+00, v16;
	v33 =	vpop (erf)  }
0x174: {  	[tilespmem:s10+$0xFFFFFFD0] =	vst v18;
	v18 =	vmul.f32 s14, v19;
	v17 =	vadd.f32 $1.000000000e+00, v33;
	v19 =	vpop (erf)  }
0x175: {  	v34 =	vld [tilespmem:s11+$0xFFFFFFF0];
	v35 =	vshll.u32 v22, $0x10;
	v15 =	vsub.f32 v15, v5;
	(erf) = vrcp.f32 v16;
	[tilespmem:s3+$0x40] =	vst v19;
	v19 =	vpop (erf)  }
0x176: {  	v18 =	vsub.f32 v18, v4;
	v16 =	vld [tilespmem:s12+$0xFFFFFFF0];
	(erf) = vrcp.f32 v17;
	v17 =	vshll.u32 v21, $0x10;
	[tilespmem:s3+$0x50] =	vst v19  }
0x177: {  	v15 =	vmul.f32 $1.442695020e+00, v15;
	v17 =	vadd.f32 v35, v17;
	v23 =	vld [tilespmem:s13+$0x30]  }
0x178: {  	v8 =	vadd.f32 $1.000000000e+00, v8;
	v22 =	vand.u32 $0xFFFF0000, v22;
	v18 =	vmul.f32 $1.442695020e+00, v18;
	v36 =	vld [tilespmem:s29+$0x30]  }
0x179: {  	(erf) = vpow2.f32 v15;
	v19 =	vand.u32 $0xFFFF0000, v21;
	v15 =	vmul.f32 s8, v17  }
0x17a: {  	(erf) = vpow2.f32 v18;
	v19 =	vadd.f32 v22, v19  }
0x17b: {  	v20 =	vand.u32 $0xFFFF0000, v34;
	(erf) = vrcp.f32 v8;
	v15 =	vsub.f32 v15, v3  }
0x17c: {  	v17 =	vshll.u32 v16, $0x10;
	v16 =	vand.u32 $0xFFFF0000, v16;
	v18 =	vmul.f32 s8, v19  }
0x17d: {  	v15 =	vmul.f32 $1.442695020e+00, v15;
	v37 =	vand.u32 $0xFFFF0000, v23;
	v24 =	vand.u32 $0xFFFF0000, v36  }
0x17e: {  	v19 =	vshll.u32 v34, $0x10;
	v18 =	vsub.f32 v18, v2;
	v25 =	vpop (erf);
	v22 =	vadd.f32 v24, v37  }
0x17f: {  	[tilespmem:s18+$0x20] =	vst v25;
	v38 =	vpop (erf);
	(erf) = vpow2.f32 v15;
	v15 =	vadd.f32 v20, v16;
	v16 =	vshll.u32 v36, $0x10  }
0x180: {  	v17 =	vadd.f32 v19, v17;
	v8 =	vmul.f32 $1.442695020e+00, v18;
	[tilespmem:s18+$0x30] =	vst v38;
	v19 =	vmul.f32 s1, v22  }
0x181: {  	v18 =	vshll.u32 v23, $0x10;
	v39 =	vld [tilespmem:s20+$0x20]  }
0x182: {  	v40 =	vld [tilespmem:s15+$0x20];
	(erf) = vpow2.f32 v8;
	v8 =	vadd.f32 v16, v18;
	v16 =	vpop (erf);
	v18 =	vsub.f32 v19, v0  }
0x183: {  	v15 =	vmul.f32 s16, v15;
	v16 =	vadd.f32 $1.000000000e+00, v16  }
0x184: {  	v41 =	vmul.f32 s1, v8;
	v8 =	vmul.f32 $1.442695020e+00, v18  }
0x185: {  	v17 =	vmul.f32 s16, v17;
	(erf) = vrcp.f32 v16  }
0x186: {  	v15 =	vsub.f32 v15, v0;
	v19 =	vpop (erf);
	(erf) = vpow2.f32 v8;
	v8 =	vshll.u32 v39, $0x10  }
0x187: {  	v16 =	vsub.f32 v17, v1;
	v19 =	vadd.f32 $1.000000000e+00, v19;
	v17 =	vshll.u32 v40, $0x10  }
0x188: {  	v18 =	vand.u32 $0xFFFF0000, v39;
	v20 =	vand.u32 $0xFFFF0000, v40;
	v17 =	vadd.f32 v17, v8  }
0x189: {  	v15 =	vmul.f32 $1.442695020e+00, v15;
	v18 =	vadd.f32 v20, v18;
	v16 =	vmul.f32 $1.442695020e+00, v16;
	v8 =	vpop (erf)  }
0x18a: {  	(erf) = vrcp.f32 v19;
	v19 =	vsub.f32 v41, v1;
	v17 =	vmul.f32 s4, v17;
	v42 =	vpop (erf)  }
0x18b: {  	v18 =	vmul.f32 s4, v18;
	(erf) = vpow2.f32 v16;
	v20 =	vadd.f32 $1.000000000e+00, v42;
	v43 =	vpop (erf)  }
0x18c: {  	(erf) = vpow2.f32 v15;
	v16 =	vsub.f32 v17, v3;
	v17 =	vadd.f32 $1.000000000e+00, v43  }
0x18d: {  	v15 =	vmul.f32 $1.442695020e+00, v19;
	v18 =	vsub.f32 v18, v2;
	(erf) = vrcp.f32 v20  }
0x18e: {  	v16 =	vmul.f32 $1.442695020e+00, v16;
	(erf) = vrcp.f32 v17  }
0x18f: {  	v17 =	vmul.f32 $1.442695020e+00, v18;
	(erf) = vpow2.f32 v15  }
0x190: {  	(erf) = vpow2.f32 v16  }
0x191: {  	v15 =	vpop (erf);
	(erf) = vpow2.f32 v17  }
0x192: {  	v16 =	vpop (erf)  }
0x193: {  	v17 =	vpop (erf)  }
0x194: {  	v18 =	vpop (erf)  }
0x195: {  	v16 =	vadd.f32 $1.000000000e+00, v16;
	v19 =	vpop (erf)  }
0x196: {  	v20 =	vpop (erf)  }
0x197: {  	v44 =	vpop (erf)  }
0x198: {  	v13 =	vadd.f32 $1.000000000e+00, v13;
	v45 =	vpop (erf)  }
0x199: {  	v14 =	vadd.f32 $1.000000000e+00, v14;
	(erf) = vrcp.f32 v16;
	v16 =	vpop (erf)  }
0x19a: {  	(erf) = vrcp.f32 v13;
	v13 =	vadd.f32 $1.000000000e+00, v16;
	v16 =	vpop (erf)  }
0x19b: {  	(erf) = vrcp.f32 v14;
	v14 =	vadd.f32 $1.000000000e+00, v16  }
0x19c: {  	(erf) = vrcp.f32 v13  }
0x19d: {  	(erf) = vrcp.f32 v14  }
0x19e: {  	[tilespmem:s18+$0xFFFFFFA0] =	vst v15  }
0x19f: {  	[tilespmem:s18+$0xFFFFFFB0] =	vst v17  }
0x1a0: {  	v13 =	vld [tilespmem:s20+$0xFFFFFFE0]  }
0x1a1: {  	v14 =	vld [tilespmem:s15+$0xFFFFFFE0]  }
0x1a2: {  	v15 =	vpop (erf)  }
0x1a3: {  	v16 =	vpop (erf)  }
0x1a4: {  	v17 =	vpop (erf)  }
0x1a5: {  	[tilespmem:s3+$0xFFFFFFC0] =	vst v20;
	v48 =	vpop (erf)  }
0x1a6: {  	v46 =	vshll.u32 v13, $0x10;
	v47 =	vshll.u32 v14, $0x10;
	[tilespmem:s18+$0x40] =	vst v48;
	v49 =	vpop (erf)  }
0x1a7: {  	v13 =	vand.u32 $0xFFFF0000, v13;
	v14 =	vand.u32 $0xFFFF0000, v14;
	v20 =	vadd.f32 v47, v46;
	[tilespmem:s18+$0x50] =	vst v49  }
0x1a8: {  	v13 =	vadd.f32 v14, v13;
	v14 =	vld [tilespmem:s20+$0x30]  }
0x1a9: {  	v20 =	vmul.f32 s14, v20;
	v23 =	vld [tilespmem:s15+$0x30]  }
0x1aa: {  	[tilespmem:s3+$0xFFFFFFD0] =	vst v44;
	v13 =	vmul.f32 s14, v13  }
0x1ab: {  	v12 =	vadd.f32 $1.000000000e+00, v12;
	v50 =	vld [tilespmem:s13+$0xFFFFFFF0];
	v20 =	vsub.f32 v20, v3  }
0x1ac: {  	v51 =	vld [tilespmem:s29+$0xFFFFFFF0];
	v13 =	vsub.f32 v13, v2  }
0x1ad: {  	(erf) = vrcp.f32 v12;
	v20 =	vmul.f32 $1.442695020e+00, v20  }
0x1ae: {  	v12 =	vmul.f32 $1.442695020e+00, v13;
	v13 =	vand.u32 $0xFFFF0000, v14;
	v26 =	vand.u32 $0xFFFF0000, v23  }
0x1af: {  	v13 =	vadd.f32 v26, v13  }
0x1b0: {  	v52 =	vshll.u32 v50, $0x10;
	(erf) = vpow2.f32 v20  }
0x1b1: {  	v53 =	vshll.u32 v51, $0x10;
	(erf) = vpow2.f32 v12;
	v13 =	vmul.f32 s4, v13  }
0x1b2: {  	v54 =	vand.u32 $0xFFFF0000, v51;
	v20 =	vadd.f32 v53, v52;
	v12 =	vand.u32 $0xFFFF0000, v50  }
0x1b3: {  	v12 =	vadd.f32 v54, v12;
	v13 =	vsub.f32 v13, v0  }
0x1b4: {  	v20 =	vmul.f32 s8, v20  }
0x1b5: {  	v12 =	vmul.f32 s8, v12;
	v13 =	vmul.f32 $1.442695020e+00, v13  }
0x1b6: {  	v20 =	vsub.f32 v20, v1  }
0x1b7: {  	v12 =	vsub.f32 v12, v0  }
0x1b8: {  	v55 =	vpop (erf);
	v20 =	vmul.f32 $1.442695020e+00, v20  }
0x1b9: {  	v12 =	vmul.f32 $1.442695020e+00, v12;
	(erf) = vpow2.f32 v13;
	v13 =	vpop (erf)  }
0x1ba: {  	(erf) = vpow2.f32 v20;
	v13 =	vadd.f32 $1.000000000e+00, v13;
	v56 =	vpop (erf)  }
0x1bb: {  	(erf) = vpow2.f32 v12;
	v57 =	vadd.f32 $1.000000000e+00, v56  }
0x1bc: {  	(erf) = vrcp.f32 v13  }
0x1bd: {  	(erf) = vrcp.f32 v57;
	_ =	sdelay $0x4  }
0x1be: {  	v12 =	vpop (erf)  }
0x1bf: {  	v13 =	vpop (erf)  }
0x1c0: {  	v58 =	vpop (erf)  }
0x1c1: {  	v59 =	vpop (erf)  }
0x1c2: {  	[tilespmem:s18+$0xFFFFFFC0] =	vst v59;
	v60 =	vpop (erf)  }
0x1c3: {  	[tilespmem:s18+$0xFFFFFFD0] =	vst v60  }
0x1c4: {  	v24 =	vld [tilespmem:s20+$0xFFFFFFF0]  }
0x1c5: {  	v14 =	vshll.u32 v14, $0x10;
	v23 =	vshll.u32 v23, $0x10;
	v61 =	vld [tilespmem:s15+$0xFFFFFFF0]  }
0x1c6: {  	v14 =	vadd.f32 v23, v14;
	_ =	sdelay $0x1  }
0x1c7: {  	v14 =	vmul.f32 s4, v14;
	_ =	sdelay $0x1  }
0x1c8: {  	v14 =	vsub.f32 v14, v1;
	v62 =	vshll.u32 v24, $0x10;
	v63 =	vshll.u32 v61, $0x10  }
0x1c9: {  	v24 =	vand.u32 $0xFFFF0000, v24;
	v25 =	vand.u32 $0xFFFF0000, v61;
	v23 =	vadd.f32 v63, v62  }
0x1ca: {  	v14 =	vmul.f32 $1.442695020e+00, v14;
	v24 =	vadd.f32 v25, v24  }
0x1cb: {  	v12 =	vadd.f32 $1.000000000e+00, v12;
	v23 =	vmul.f32 s14, v23  }
0x1cc: {  	v18 =	vadd.f32 $1.000000000e+00, v18;
	(erf) = vpow2.f32 v14;
	v14 =	vmul.f32 s14, v24  }
0x1cd: {  	v19 =	vadd.f32 $1.000000000e+00, v19;
	(erf) = vrcp.f32 v12;
	v12 =	vsub.f32 v23, v1  }
0x1ce: {  	v22 =	vadd.f32 $1.000000000e+00, v45;
	(erf) = vrcp.f32 v18;
	v14 =	vsub.f32 v14, v0  }
0x1cf: {  	(erf) = vrcp.f32 v19;
	v12 =	vmul.f32 $1.442695020e+00, v12  }
0x1d0: {  	(erf) = vrcp.f32 v22;
	v14 =	vmul.f32 $1.442695020e+00, v14  }
0x1d1: {  	(erf) = vpow2.f32 v12  }
0x1d2: {  	(erf) = vpow2.f32 v14;
	_ =	sdelay $0x2  }
0x1d3: {  	v12 =	vpop (erf)  }
0x1d4: {  	v14 =	vpop (erf)  }
0x1d5: {  	v18 =	vpop (erf)  }
0x1d6: {  	[tilespmem:s10+$0x70] =	vst v10;
	v13 =	vadd.f32 $1.000000000e+00, v13;
	v10 =	vpop (erf)  }
0x1d7: {  	[tilespmem:s2+$0xFFFFFFE0] =	vst v9;
	v19 =	vadd.f32 $1.000000000e+00, v58;
	v9 =	vpop (erf)  }
0x1d8: {  	[tilespmem:s2+$0xFFFFFFF0] =	vst v11;
	(erf) = vrcp.f32 v13;
	v11 =	vadd.f32 $1.000000000e+00, v12;
	v12 =	vpop (erf)  }
0x1d9: {  	[tilespmem:s9+$0x60] =	vst v8;
	(erf) = vrcp.f32 v19;
	v8 =	vpop (erf);
	v12 =	vadd.f32 $1.000000000e+00, v12  }
0x1da: {  	[tilespmem:s3+$0x70] =	vst v15;
	(erf) = vrcp.f32 v11;
	v8 =	vadd.f32 $1.000000000e+00, v8  }
0x1db: {  	[tilespmem:s9+$0xFFFFFFE0] =	vst v16;
	(erf) = vrcp.f32 v12  }
0x1dc: {  	[tilespmem:s9+$0xFFFFFFF0] =	vst v17;
	(erf) = vrcp.f32 v8  }
0x1dd: {  	[tilespmem:s10+$0x60] =	vst v55  }
0x1de: {  	[tilespmem:s18+$0x70] =	vst v14  }
0x1df: {  	[tilespmem:s10+$0xFFFFFFE0] =	vst v18  }
0x1e0: {  	[tilespmem:s10+$0xFFFFFFF0] =	vst v10  }
0x1e1: {  	[tilespmem:s3+$0x60] =	vst v9;
	v8 =	vpop (erf)  }
0x1e2: {  	[tilespmem:s3+$0xFFFFFFE0] =	vst v8;
	v8 =	vpop (erf)  }
0x1e3: {  	[tilespmem:s3+$0xFFFFFFF0] =	vst v8;
	v8 =	vpop (erf)  }
0x1e4: {  	[tilespmem:s18+$0x60] =	vst v8;
	v8 =	vpop (erf)  }
0x1e5: {  	[tilespmem:s18+$0xFFFFFFE0] =	vst v8;
	v8 =	vpop (erf)  }
0x1e6: {  	[tilespmem:s18+$0xFFFFFFF0] =	vst v8  }
0x1e7: {  	s24 =	simm.s32 $0xC540;
	s23 =	rddreg [dreg:$0x9]  }
0x1e8: {  	[hbm4b:s23+s25] =	stream.linear.scatter [tilespmem:s24], [sflag:$0x5], $0x2800, $0x38;
	[tilespmem:$0x115C0] =	vst v63  }
0x1e9: {  	s28 =	simm.s32 $0x7540;
	s31 =	simm.s32 $0xA0;
	s26 =	rddreg [dreg:$0x5]  }
0x1ea: {  	[tilespmem:s28], [sflag:$0x1] =	stream.indirect.gather [hbm4b:s26+s19], $0x40, s31, s19, $0xb8;
	[tilespmem:$0x115C0] =	vst v63  }
0x1eb: {  	s2 =	simm.s32 $0x9D40;
	s4 =	simm.s32 $0x2;
	s3 =	simm.s32 $0x27B0  }
0x1ec: {  	[tilespmem:s2], [sflag:$0x3] =	stream.indirect.gather [hbm4b:s7+s19], $0x40, s3, s19, $0xb8;
	[tilespmem:$0x115C0] =	vst v63  }
0x1ed: {  	_ =	swait.ge [sflag:s4], $0x1400  }
0x1ee: {  	[sflag:s4] =	ssyncset.done $0x0  }
0x1ef: {  	s5 =	simm.s32 $0x4;
	[sflag:s4] =	ssyncadd.s32 $0xFFFFEC00  }
0x1f0: {  	_ =	swait.ge [sflag:s5], $0x1400  }
0x1f1: {  	s6 =	simm.s32 $0x0;
	[sflag:s5] =	ssyncset.done $0x0  }
0x1f2: {  	s0 =	sand.u32 $0x7E, s6;
	[sflag:s5] =	ssyncadd.s32 $0xFFFFEC00  }
0x1f3: {  	v8 =	vld [tilespmem:s0+$0x4E70];
	_ =	sdelay $0x4  }
0x1f4: {  	(v2sf) =	vpush v8, $0x0;
	_ =	sdelay $0x3  }
0x1f5: {  	s8 =	simm.s32 $0x4E71  }
0x1f6: {  	v8 =	vld [tilespmem:s8+$0x0];
	_ =	sdelay $0x1  }
0x1f7: {  	s4 =	simm.s32 $0x8980  }
0x1f8: {  	s1 =	simm.s32 $0xB180;
	v9 =	vld [tilespmem:s4+$0xFFFFFFC0]  }
0x1f9: {  	v10 =	vld [tilespmem:s1+$0xFFFFFFC0]  }
0x1fa: {  	(v2sf) =	vpush v8, $0x0;
	_ =	sdelay $0x3  }
0x1fb: {  	v11 =	vshll.u32 v10, $0x10;
	v8 =	vshll.u32 v9, $0x10  }
0x1fc: {  	v10 =	vand.u32 $0xFFFF0000, v10;
	v9 =	vand.u32 $0xFFFF0000, v9;
	v8 =	vadd.f32 v11, v8;
	s9 =	spop (v2sf)  }
0x1fd: {  	v9 =	vadd.f32 v10, v9;
	s10 =	sxor.u32 $0x80000000, s9  }
0x1fe: {  	v8 =	vmul.f32 s10, v8  }
0x1ff: {  	v10 =	vld [tilespmem:s4+$0x0];
	v9 =	vmul.f32 s10, v9  }
0x200: {  	v11 =	vld [tilespmem:s1+$0x0];
	v8 =	vsub.f32 v8, v6  }
0x201: {  	v9 =	vsub.f32 v9, v7  }
0x202: {  	v8 =	vmul.f32 $1.442695020e+00, v8  }
0x203: {  	v9 =	vmul.f32 $1.442695020e+00, v9  }
0x204: {  	(erf) = vpow2.f32 v8  }
0x205: {  	v12 =	vshll.u32 v11, $0x10;
	v8 =	vshll.u32 v10, $0x10;
	(erf) = vpow2.f32 v9  }
0x206: {  	s13 =	spop (v2sf);
	v9 =	vand.u32 $0xFFFF0000, v10;
	v10 =	vand.u32 $0xFFFF0000, v11;
	v8 =	vadd.f32 v12, v8  }
0x207: {  	s0 =	sxor.u32 $0x80000000, s13;
	v9 =	vadd.f32 v10, v9  }
0x208: {  	v8 =	vmul.f32 s0, v8  }
0x209: {  	v9 =	vmul.f32 s0, v9  }
0x20a: {  	v8 =	vsub.f32 v8, v6  }
0x20b: {  	v9 =	vsub.f32 v9, v7  }
0x20c: {  	v8 =	vmul.f32 $1.442695020e+00, v8  }
0x20d: {  	v9 =	vmul.f32 $1.442695020e+00, v9;
	v10 =	vpop (erf)  }
0x20e: {  	(erf) = vpow2.f32 v8;
	v8 =	vadd.f32 $1.000000000e+00, v10;
	v10 =	vpop (erf)  }
0x20f: {  	(erf) = vpow2.f32 v9;
	v9 =	vadd.f32 $1.000000000e+00, v10  }
0x210: {  	(erf) = vrcp.f32 v8  }
0x211: {  	(erf) = vrcp.f32 v9;
	_ =	sdelay $0x3  }
0x212: {  	s14 =	simm.s32 $0x2  }
0x213: {  	s15 =	sand.u32 $0x7E, s14  }
0x214: {  	v10 =	vld [tilespmem:s15+$0x4E70];
	v8 =	vpop (erf)  }
0x215: {  	v9 =	vpop (erf)  }
0x216: {  	s2 =	simm.s32 $0xEDC0;
	v11 =	vpop (erf)  }
0x217: {  	[tilespmem:s2+$0xFFFFFF80] =	vst v11;
	v11 =	vpop (erf)  }
0x218: {  	[tilespmem:s2+$0xFFFFFF90] =	vst v11  }
0x219: {  	(v2sf) =	vpush v10, $0x0;
	v11 =	vld [tilespmem:s4+$0xFFFFFFD0]  }
0x21a: {  	v12 =	vld [tilespmem:s1+$0xFFFFFFD0]  }
0x21b: {  	v8 =	vadd.f32 $1.000000000e+00, v8  }
0x21c: {  	s16 =	simm.s32 $0x4E73;
	v9 =	vadd.f32 $1.000000000e+00, v9  }
0x21d: {  	(erf) = vrcp.f32 v8;
	v8 =	vld [tilespmem:s16+$0x0]  }
0x21e: {  	(erf) = vrcp.f32 v9  }
0x21f: {  	v9 =	vshll.u32 v11, $0x10;
	v10 =	vshll.u32 v12, $0x10  }
0x220: {  	s20 =	simm.s32 $0x8A00;
	v9 =	vadd.f32 v10, v9  }
0x221: {  	s15 =	simm.s32 $0xB200;
	v11 =	vand.u32 $0xFFFF0000, v11;
	v12 =	vand.u32 $0xFFFF0000, v12;
	v10 =	vld [tilespmem:s20+$0xFFFFFFC0]  }
0x222: {  	(v2sf) =	vpush v8, $0x0;
	v8 =	vadd.f32 v12, v11;
	v12 =	vld [tilespmem:s15+$0xFFFFFFC0];
	v9 =	vmul.f32 s10, v9;
	_ =	sdelay $0x1  }
0x223: {  	v8 =	vmul.f32 s10, v8;
	v9 =	vsub.f32 v9, v5;
	_ =	sdelay $0x1  }
0x224: {  	v11 =	vpop (erf);
	v8 =	vsub.f32 v8, v4;
	v9 =	vmul.f32 $1.442695020e+00, v9  }
0x225: {  	[tilespmem:s2+$0x0] =	vst v11;
	v11 =	vpop (erf);
	v14 =	vshll.u32 v10, $0x10;
	v15 =	vshll.u32 v12, $0x10;
	v10 =	vand.u32 $0xFFFF0000, v10  }
0x226: {  	s17 =	spop (v2sf);
	[tilespmem:s2+$0x10] =	vst v11;
	v12 =	vand.u32 $0xFFFF0000, v12;
	v14 =	vadd.f32 v15, v14;
	(erf) = vpow2.f32 v9  }
0x227: {  	s18 =	sxor.u32 $0x80000000, s17;
	v11 =	vld [tilespmem:s4+$0x10];
	v8 =	vmul.f32 $1.442695020e+00, v8;
	v10 =	vadd.f32 v12, v10  }
0x228: {  	v9 =	vld [tilespmem:s20+$0x0];
	v12 =	vmul.f32 s18, v14  }
0x229: {  	v10 =	vmul.f32 s18, v10;
	(erf) = vpow2.f32 v8;
	v8 =	vld [tilespmem:s15+$0x0];
	_ =	sdelay $0x1  }
0x22a: {  	v12 =	vsub.f32 v12, v6;
	v10 =	vsub.f32 v10, v7  }
0x22b: {  	v13 =	vld [tilespmem:s1+$0x10]  }
0x22c: {  	v14 =	vshll.u32 v11, $0x10;
	v12 =	vmul.f32 $1.442695020e+00, v12;
	v16 =	vshll.u32 v9, $0x10  }
0x22d: {  	v9 =	vand.u32 $0xFFFF0000, v9;
	v17 =	vshll.u32 v8, $0x10;
	v8 =	vand.u32 $0xFFFF0000, v8  }
0x22e: {  	v11 =	vand.u32 $0xFFFF0000, v11;
	v8 =	vadd.f32 v8, v9;
	v9 =	vmul.f32 $1.442695020e+00, v10;
	v10 =	vpop (erf)  }
0x22f: {  	s26 =	spop (v2sf);
	(erf) = vpow2.f32 v12;
	v16 =	vadd.f32 v17, v16;
	v10 =	vadd.f32 $1.000000000e+00, v10  }
0x230: {  	v15 =	vshll.u32 v13, $0x10;
	v13 =	vand.u32 $0xFFFF0000, v13;
	s3 =	sxor.u32 $0x80000000, s26;
	(erf) = vpow2.f32 v9  }
0x231: {  	v16 =	vmul.f32 s3, v16;
	v12 =	vpop (erf);
	(erf) = vrcp.f32 v10;
	v10 =	vadd.f32 v13, v11  }
0x232: {  	v8 =	vmul.f32 s3, v8;
	v9 =	vadd.f32 $1.000000000e+00, v12;
	v12 =	vadd.f32 v15, v14  }
0x233: {  	v14 =	vsub.f32 v16, v6;
	v10 =	vmul.f32 s0, v10  }
0x234: {  	v8 =	vsub.f32 v8, v7;
	(erf) = vrcp.f32 v9;
	v9 =	vmul.f32 s0, v12  }
0x235: {  	v11 =	vmul.f32 $1.442695020e+00, v14;
	v10 =	vsub.f32 v10, v4  }
0x236: {  	v8 =	vmul.f32 $1.442695020e+00, v8;
	v9 =	vsub.f32 v9, v5  }
0x237: {  	(erf) = vpow2.f32 v11  }
0x238: {  	(erf) = vpow2.f32 v8;
	v8 =	vmul.f32 $1.442695020e+00, v9  }
0x239: {  	v9 =	vmul.f32 $1.442695020e+00, v10;
	v10 =	vpop (erf)  }
0x23a: {  	(erf) = vpow2.f32 v8;
	v8 =	vadd.f32 $1.000000000e+00, v10  }
0x23b: {  	v10 =	vpop (erf)  }
0x23c: {  	(erf) = vpow2.f32 v9;
	v9 =	vadd.f32 $1.000000000e+00, v10  }
0x23d: {  	v10 =	vpop (erf)  }
0x23e: {  	(erf) = vrcp.f32 v8;
	[tilespmem:s2+$0xFFFFFFA0] =	vst v10;
	v8 =	vpop (erf)  }
0x23f: {  	(erf) = vrcp.f32 v9;
	[tilespmem:s2+$0xFFFFFFB0] =	vst v8  }
0x240: {  	v9 =	vpop (erf);
	v10 =	vld [tilespmem:s1+$0xFFFFFFE0]  }
0x241: {  	v9 =	vadd.f32 $1.000000000e+00, v9;
	v11 =	vpop (erf)  }
0x242: {  	v8 =	vld [tilespmem:s4+$0xFFFFFFE0];
	v11 =	vadd.f32 $1.000000000e+00, v11;
	_ =	sdelay $0x2  }
0x243: {  	s5 =	simm.s32 $0x4;
	(erf) = vrcp.f32 v9;
	v9 =	vpop (erf);
	v13 =	vshll.u32 v10, $0x10  }
0x244: {  	s5 =	sand.u32 $0x7E, s5;
	(erf) = vrcp.f32 v11;
	v11 =	vpop (erf)  }
0x245: {  	s9 =	simm.s32 $0xEEC0;
	v14 =	vld [tilespmem:s5+$0x4E70];
	v12 =	vshll.u32 v8, $0x10;
	v15 =	vpop (erf)  }
0x246: {  	v8 =	vand.u32 $0xFFFF0000, v8;
	v10 =	vand.u32 $0xFFFF0000, v10;
	v12 =	vadd.f32 v13, v12;
	[tilespmem:s9+$0xFFFFFF80] =	vst v15;
	v13 =	vpop (erf)  }
0x247: {  	v9 =	vadd.f32 $1.000000000e+00, v9;
	v8 =	vadd.f32 v10, v8;
	[tilespmem:s9+$0xFFFFFF90] =	vst v13  }
0x248: {  	v11 =	vadd.f32 $1.000000000e+00, v11;
	v12 =	vmul.f32 s10, v12;
	v13 =	vld [tilespmem:s20+$0xFFFFFFD0]  }
0x249: {  	s28 =	simm.s32 $0x4E75;
	(erf) = vrcp.f32 v9;
	v8 =	vmul.f32 s10, v8;
	v9 =	vld [tilespmem:s15+$0xFFFFFFD0]  }
0x24a: {  	(v2sf) =	vpush v14, $0x0;
	v10 =	vld [tilespmem:s28+$0x0];
	v12 =	vsub.f32 v12, v3  }
0x24b: {  	v8 =	vsub.f32 v8, v2  }
0x24c: {  	(erf) = vrcp.f32 v11;
	v11 =	vpop (erf);
	v12 =	vmul.f32 $1.442695020e+00, v12  }
0x24d: {  	[tilespmem:s9+$0x0] =	vst v11;
	v8 =	vmul.f32 $1.442695020e+00, v8;
	v11 =	vpop (erf)  }
0x24e: {  	s16 =	simm.s32 $0xB280;
	[tilespmem:s9+$0x10] =	vst v11;
	(erf) = vpow2.f32 v12;
	v11 =	vshll.u32 v13, $0x10;
	v12 =	vshll.u32 v9, $0x10  }
0x24f: {  	v15 =	vld [tilespmem:s16+$0xFFFFFFC0];
	(v2sf) =	vpush v10, $0x0;
	v11 =	vadd.f32 v12, v11  }
0x250: {  	v10 =	vld [tilespmem:s20+$0x10];
	(erf) = vpow2.f32 v8;
	v13 =	vand.u32 $0xFFFF0000, v13;
	v9 =	vand.u32 $0xFFFF0000, v9  }
0x251: {  	v8 =	vld [tilespmem:s15+$0x10];
	v9 =	vadd.f32 v9, v13;
	v11 =	vmul.f32 s18, v11  }
0x252: {  	s12 =	simm.s32 $0x8A80  }
0x253: {  	v12 =	vld [tilespmem:s12+$0xFFFFFFC0];
	v9 =	vmul.f32 s18, v9;
	v11 =	vsub.f32 v11, v5  }
0x254: {  	v19 =	vshll.u32 v15, $0x10;
	v15 =	vand.u32 $0xFFFF0000, v15;
	v13 =	vpop (erf)  }
0x255: {  	[tilespmem:s2+$0x20] =	vst v13;
	v13 =	vpop (erf);
	v14 =	vshll.u32 v10, $0x10;
	v9 =	vsub.f32 v9, v4;
	v11 =	vmul.f32 $1.442695020e+00, v11  }
0x256: {  	[tilespmem:s2+$0x30] =	vst v13;
	v10 =	vand.u32 $0xFFFF0000, v10;
	v13 =	vshll.u32 v8, $0x10;
	v8 =	vand.u32 $0xFFFF0000, v8  }
0x257: {  	v18 =	vld [tilespmem:s16+$0x0];
	v13 =	vadd.f32 v13, v14;
	v9 =	vmul.f32 $1.442695020e+00, v9;
	(erf) = vpow2.f32 v11  }
0x258: {  	v14 =	vld [tilespmem:s12+$0x0];
	v8 =	vadd.f32 v8, v10;
	v10 =	vshll.u32 v12, $0x10;
	v12 =	vand.u32 $0xFFFF0000, v12;
	v17 =	vpop (erf)  }
0x259: {  	s31 =	spop (v2sf);
	v10 =	vadd.f32 v19, v10;
	v11 =	vadd.f32 $1.000000000e+00, v17;
	v17 =	vpop (erf);
	(erf) = vpow2.f32 v9  }
0x25a: {  	s6 =	sxor.u32 $0x80000000, s31;
	v12 =	vadd.f32 v15, v12;
	v9 =	vadd.f32 $1.000000000e+00, v17  }
0x25b: {  	v10 =	vmul.f32 s6, v10;
	(erf) = vrcp.f32 v11  }
0x25c: {  	v12 =	vmul.f32 s6, v12;
	v17 =	vshll.u32 v18, $0x10;
	(erf) = vrcp.f32 v9  }
0x25d: {  	v18 =	vand.u32 $0xFFFF0000, v18;
	v15 =	vshll.u32 v14, $0x10;
	v10 =	vsub.f32 v10, v6  }
0x25e: {  	v14 =	vand.u32 $0xFFFF0000, v14;
	s17 =	spop (v2sf);
	v12 =	vsub.f32 v12, v7;
	v15 =	vadd.f32 v17, v15  }
0x25f: {  	v16 =	vld [tilespmem:s4+$0x20];
	v13 =	vmul.f32 s3, v13;
	s11 =	sxor.u32 $0x80000000, s17;
	v14 =	vadd.f32 v18, v14;
	v10 =	vmul.f32 $1.442695020e+00, v10  }
0x260: {  	v9 =	vld [tilespmem:s1+$0x20];
	v12 =	vmul.f32 $1.442695020e+00, v12;
	v15 =	vmul.f32 s11, v15;
	v18 =	vpop (erf)  }
0x261: {  	v14 =	vmul.f32 s11, v14;
	(erf) = vpow2.f32 v10;
	v10 =	vadd.f32 $1.000000000e+00, v18  }
0x262: {  	v8 =	vmul.f32 s3, v8;
	v13 =	vsub.f32 v13, v5;
	v15 =	vsub.f32 v15, v6;
	v18 =	vpop (erf)  }
0x263: {  	v14 =	vsub.f32 v14, v7;
	(erf) = vpow2.f32 v12;
	v12 =	vadd.f32 $1.000000000e+00, v18  }
0x264: {  	v11 =	vshll.u32 v16, $0x10;
	v15 =	vmul.f32 $1.442695020e+00, v15;
	v18 =	vpop (erf);
	(erf) = vrcp.f32 v10  }
0x265: {  	v17 =	vshll.u32 v9, $0x10;
	v14 =	vmul.f32 $1.442695020e+00, v14;
	(erf) = vrcp.f32 v12;
	v10 =	vpop (erf)  }
0x266: {  	v11 =	vadd.f32 v17, v11;
	(erf) = vpow2.f32 v15;
	[tilespmem:s2+$0xFFFFFFD0] =	vst v10;
	v10 =	vmul.f32 $1.442695020e+00, v13  }
0x267: {  	[tilespmem:s2+$0xFFFFFFC0] =	vst v18;
	(erf) = vpow2.f32 v14  }
0x268: {  	v8 =	vsub.f32 v8, v4;
	v12 =	vld [tilespmem:s4+$0xFFFFFFF0];
	(erf) = vpow2.f32 v10;
	v10 =	vmul.f32 s0, v11  }
0x269: {  	v13 =	vld [tilespmem:s1+$0xFFFFFFF0]  }
0x26a: {  	v8 =	vmul.f32 $1.442695020e+00, v8  }
0x26b: {  	v16 =	vand.u32 $0xFFFF0000, v16  }
0x26c: {  	v9 =	vand.u32 $0xFFFF0000, v9;
	(erf) = vpow2.f32 v8;
	v8 =	vsub.f32 v10, v3;
	v10 =	vpop (erf)  }
0x26d: {  	v9 =	vadd.f32 v9, v16;
	v10 =	vadd.f32 $1.000000000e+00, v10;
	v11 =	vpop (erf)  }
0x26e: {  	v14 =	vand.u32 $0xFFFF0000, v12;
	v15 =	vand.u32 $0xFFFF0000, v13;
	v11 =	vadd.f32 $1.000000000e+00, v11  }
0x26f: {  	v9 =	vmul.f32 s0, v9;
	v14 =	vadd.f32 v15, v14  }
0x270: {  	v16 =	vpop (erf)  }
0x271: {  	v9 =	vsub.f32 v9, v2;
	(erf) = vrcp.f32 v10;
	v10 =	vpop (erf)  }
0x272: {  	v8 =	vmul.f32 $1.442695020e+00, v8;
	[tilespmem:s9+$0xFFFFFFA0] =	vst v16;
	(erf) = vrcp.f32 v11;
	v11 =	vpop (erf)  }
0x273: {  	v9 =	vmul.f32 $1.442695020e+00, v9;
	v12 =	vshll.u32 v12, $0x10;
	[tilespmem:s9+$0xFFFFFFB0] =	vst v10;
	v10 =	vmul.f32 s10, v14;
	v14 =	vpop (erf)  }
0x274: {  	(erf) = vpow2.f32 v8;
	v11 =	vadd.f32 $1.000000000e+00, v11;
	v8 =	vadd.f32 $1.000000000e+00, v14;
	v14 =	vld [tilespmem:s15+$0xFFFFFFE0]  }
0x275: {  	(erf) = vpow2.f32 v9;
	v9 =	vshll.u32 v13, $0x10;
	v15 =	vld [tilespmem:s20+$0xFFFFFFE0];
	v16 =	vpop (erf);
	v10 =	vsub.f32 v10, v0  }
0x276: {  	v9 =	vadd.f32 v9, v12;
	(erf) = vrcp.f32 v11;
	v11 =	vadd.f32 $1.000000000e+00, v16  }
0x277: {  	v12 =	vpop (erf);
	(erf) = vrcp.f32 v8;
	v8 =	vmul.f32 $1.442695020e+00, v10  }
0x278: {  	s21 =	simm.s32 $0x6;
	v9 =	vmul.f32 s10, v9;
	v10 =	vadd.f32 $1.000000000e+00, v12;
	(erf) = vrcp.f32 v11  }
0x279: {  	s5 =	sand.u32 $0x7E, s21;
	(erf) = vpow2.f32 v8;
	v11 =	vshll.u32 v14, $0x10  }
0x27a: {  	v9 =	vsub.f32 v9, v1;
	v8 =	vshll.u32 v15, $0x10;
	(erf) = vrcp.f32 v10;
	v10 =	vld [tilespmem:s5+$0x4E70]  }
0x27b: {  	s10 =	simm.s32 $0xEFC0;
	v12 =	vpop (erf);
	v13 =	vand.u32 $0xFFFF0000, v15;
	v14 =	vand.u32 $0xFFFF0000, v14;
	v8 =	vadd.f32 v11, v8  }
0x27c: {  	s22 =	simm.s32 $0x4E77;
	[tilespmem:s10+$0xFFFFFF80] =	vst v12;
	v12 =	vadd.f32 v14, v13;
	v11 =	vpop (erf)  }
0x27d: {  	v9 =	vmul.f32 $1.442695020e+00, v9;
	v13 =	vld [tilespmem:s22+$0x0];
	v8 =	vmul.f32 s18, v8;
	[tilespmem:s10+$0xFFFFFF90] =	vst v11;
	v11 =	vpop (erf)  }
0x27e: {  	v12 =	vmul.f32 s18, v12;
	v14 =	vld [tilespmem:s12+$0xFFFFFFD0];
	v11 =	vadd.f32 $1.000000000e+00, v11  }
0x27f: {  	v15 =	vpop (erf);
	v16 =	vld [tilespmem:s16+$0xFFFFFFD0];
	v8 =	vsub.f32 v8, v3;
	(v2sf) =	vpush v10, $0x0  }
0x280: {  	v10 =	vsub.f32 v12, v2;
	v17 =	vpop (erf);
	v15 =	vadd.f32 $1.000000000e+00, v15;
	(erf) = vpow2.f32 v9  }
0x281: {  	v9 =	vpop (erf);
	(erf) = vrcp.f32 v11;
	v8 =	vmul.f32 $1.442695020e+00, v8  }
0x282: {  	s13 =	simm.s32 $0xB300;
	v10 =	vmul.f32 $1.442695020e+00, v10;
	[tilespmem:s10+$0x10] =	vst v9;
	v9 =	vpop (erf);
	(erf) = vrcp.f32 v15  }
0x283: {  	v28 =	vld [tilespmem:s13+$0x0];
	(v2sf) =	vpush v13, $0x0;
	[tilespmem:s10+$0x0] =	vst v17;
	v12 =	vpop (erf);
	(erf) = vpow2.f32 v8  }
0x284: {  	v11 =	vld [tilespmem:s12+$0x10];
	[tilespmem:s9+$0x20] =	vst v9;
	v8 =	vshll.u32 v14, $0x10;
	v9 =	vpop (erf);
	v15 =	vshll.u32 v16, $0x10;
	(erf) = vpow2.f32 v10  }
0x285: {  	v13 =	vld [tilespmem:s16+$0x10];
	v10 =	vand.u32 $0xFFFF0000, v14;
	[tilespmem:s9+$0x30] =	vst v9;
	v9 =	vand.u32 $0xFFFF0000, v16;
	v8 =	vadd.f32 v15, v8  }
0x286: {  	v9 =	vadd.f32 v9, v10  }
0x287: {  	v18 =	vld [tilespmem:s13+$0xFFFFFFC0];
	v10 =	vadd.f32 $1.000000000e+00, v12;
	v15 =	vmul.f32 s6, v8  }
0x288: {  	s29 =	simm.s32 $0x8B00;
	v33 =	vshll.u32 v28, $0x10;
	v9 =	vmul.f32 s6, v9  }
0x289: {  	v20 =	vand.u32 $0xFFFF0000, v28;
	v12 =	vld [tilespmem:s29+$0xFFFFFFC0];
	v16 =	vshll.u32 v11, $0x10;
	v15 =	vsub.f32 v15, v5  }
0x28a: {  	v11 =	vand.u32 $0xFFFF0000, v11;
	v17 =	vshll.u32 v13, $0x10;
	v8 =	vpop (erf);
	v9 =	vsub.f32 v9, v4  }
0x28b: {  	v14 =	vld [tilespmem:s20+$0x20];
	v13 =	vand.u32 $0xFFFF0000, v13;
	(erf) = vrcp.f32 v10;
	v10 =	vpop (erf);
	v15 =	vmul.f32 $1.442695020e+00, v15  }
0x28c: {  	v32 =	vshll.u32 v18, $0x10;
	v11 =	vadd.f32 v13, v11;
	v13 =	vld [tilespmem:s29+$0x0];
	v19 =	vpop (erf);
	v9 =	vmul.f32 $1.442695020e+00, v9  }
0x28d: {  	v18 =	vand.u32 $0xFFFF0000, v18;
	v16 =	vadd.f32 v17, v16;
	v30 =	vpop (erf);
	(erf) = vpow2.f32 v15  }
0x28e: {  	v29 =	vshll.u32 v12, $0x10;
	v15 =	vadd.f32 $1.000000000e+00, v30;
	v31 =	vpop (erf);
	(erf) = vpow2.f32 v9  }
0x28f: {  	v12 =	vand.u32 $0xFFFF0000, v12;
	v21 =	vadd.f32 v32, v29;
	v9 =	vadd.f32 $1.000000000e+00, v31;
	s23 =	spop (v2sf)  }
0x290: {  	v17 =	vshll.u32 v14, $0x10;
	v12 =	vadd.f32 v18, v12;
	(erf) = vrcp.f32 v15;
	s8 =	sxor.u32 $0x80000000, s23  }
0x291: {  	v18 =	vshll.u32 v13, $0x10;
	(erf) = vrcp.f32 v9;
	v9 =	vmul.f32 s8, v21  }
0x292: {  	v13 =	vand.u32 $0xFFFF0000, v13;
	s24 =	spop (v2sf);
	v18 =	vadd.f32 v33, v18;
	v12 =	vmul.f32 s8, v12  }
0x293: {  	v16 =	vmul.f32 s11, v16;
	v15 =	vld [tilespmem:s15+$0x20];
	v13 =	vadd.f32 v20, v13;
	s30 =	sxor.u32 $0x80000000, s24;
	v9 =	vsub.f32 v9, v6  }
0x294: {  	v34 =	vmul.f32 s11, v11;
	v18 =	vmul.f32 s30, v18;
	v12 =	vsub.f32 v12, v7  }
0x295: {  	v14 =	vand.u32 $0xFFFF0000, v14;
	v11 =	vpop (erf);
	v13 =	vmul.f32 s30, v13;
	v9 =	vmul.f32 $1.442695020e+00, v9  }
0x296: {  	[tilespmem:s2+$0x50] =	vst v19;
	v16 =	vsub.f32 v16, v5;
	v18 =	vsub.f32 v18, v6;
	v12 =	vmul.f32 $1.442695020e+00, v12;
	v19 =	vpop (erf)  }
0x297: {  	[tilespmem:s2+$0x40] =	vst v10;
	v13 =	vsub.f32 v13, v7;
	(erf) = vpow2.f32 v9;
	v9 =	vadd.f32 $1.000000000e+00, v19;
	v19 =	vpop (erf)  }
0x298: {  	v36 =	vld [tilespmem:s1+$0x30];
	v10 =	vshll.u32 v15, $0x10;
	(erf) = vpow2.f32 v12;
	v12 =	vadd.f32 $1.000000000e+00, v19  }
0x299: {  	v35 =	vld [tilespmem:s4+$0x30];
	v15 =	vand.u32 $0xFFFF0000, v15;
	v18 =	vmul.f32 $1.442695020e+00, v18;
	(erf) = vrcp.f32 v9  }
0x29a: {  	v13 =	vmul.f32 $1.442695020e+00, v13;
	v14 =	vadd.f32 v15, v14;
	v19 =	vpop (erf);
	(erf) = vrcp.f32 v12  }
0x29b: {  	v16 =	vmul.f32 $1.442695020e+00, v16;
	[tilespmem:s9+$0xFFFFFFC0] =	vst v19;
	v9 =	vpop (erf);
	(erf) = vpow2.f32 v18  }
0x29c: {  	v21 =	vsub.f32 v34, v4;
	v14 =	vmul.f32 s3, v14;
	[tilespmem:s9+$0xFFFFFFD0] =	vst v9;
	(erf) = vpow2.f32 v13  }
0x29d: {  	v9 =	vadd.f32 v10, v17;
	v12 =	vld [tilespmem:s20+$0xFFFFFFF0];
	(erf) = vpow2.f32 v16;
	v16 =	vshll.u32 v36, $0x10  }
0x29e: {  	v10 =	vmul.f32 $1.442695020e+00, v21;
	v17 =	vand.u32 $0xFFFF0000, v35;
	v13 =	vld [tilespmem:s15+$0xFFFFFFF0]  }
0x29f: {  	v15 =	vshll.u32 v35, $0x10;
	v14 =	vsub.f32 v14, v2;
	v9 =	vmul.f32 s3, v9  }
0x2a0: {  	(erf) = vpow2.f32 v10;
	v10 =	vand.u32 $0xFFFF0000, v36;
	v15 =	vadd.f32 v16, v15;
	v16 =	vpop (erf)  }
0x2a1: {  	v10 =	vadd.f32 v10, v17;
	v16 =	vadd.f32 $1.000000000e+00, v16;
	v17 =	vpop (erf)  }
0x2a2: {  	v9 =	vsub.f32 v9, v3;
	v17 =	vadd.f32 $1.000000000e+00, v17  }
0x2a3: {  	v18 =	vshll.u32 v12, $0x10;
	v19 =	vand.u32 $0xFFFF0000, v13;
	v13 =	vshll.u32 v13, $0x10  }
0x2a4: {  	v14 =	vmul.f32 $1.442695020e+00, v14;
	v12 =	vand.u32 $0xFFFF0000, v12;
	v37 =	vpop (erf);
	v13 =	vadd.f32 v13, v18  }
0x2a5: {  	v9 =	vmul.f32 $1.442695020e+00, v9;
	v12 =	vadd.f32 v19, v12;
	(erf) = vrcp.f32 v16;
	[tilespmem:s10+$0xFFFFFFA0] =	vst v37;
	v16 =	vpop (erf)  }
0x2a6: {  	(erf) = vrcp.f32 v17;
	v13 =	vmul.f32 s18, v13;
	v17 =	vpop (erf);
	[tilespmem:s10+$0xFFFFFFB0] =	vst v16  }
0x2a7: {  	v12 =	vmul.f32 s18, v12;
	(erf) = vpow2.f32 v9;
	v16 =	vadd.f32 $1.000000000e+00, v17;
	v17 =	vpop (erf);
	v18 =	vld [tilespmem:s12+$0xFFFFFFE0]  }
0x2a8: {  	v9 =	vmul.f32 s0, v10;
	v13 =	vsub.f32 v13, v1;
	v10 =	vadd.f32 $1.000000000e+00, v17;
	v17 =	vld [tilespmem:s16+$0xFFFFFFE0]  }
0x2a9: {  	v15 =	vmul.f32 s0, v15;
	(erf) = vpow2.f32 v14;
	v12 =	vsub.f32 v12, v0;
	v19 =	vpop (erf)  }
0x2aa: {  	(erf) = vrcp.f32 v16;
	v14 =	vadd.f32 $1.000000000e+00, v19;
	v13 =	vmul.f32 $1.442695020e+00, v13  }
0x2ab: {  	v9 =	vsub.f32 v9, v0;
	(erf) = vrcp.f32 v10;
	v10 =	vmul.f32 $1.442695020e+00, v12;
	v16 =	vpop (erf)  }
0x2ac: {  	(erf) = vrcp.f32 v14;
	v14 =	vsub.f32 v15, v1;
	v12 =	vadd.f32 $1.000000000e+00, v16  }
0x2ad: {  	s22 =	simm.s32 $0x8;
	(erf) = vpow2.f32 v10;
	v10 =	vshll.u32 v18, $0x10;
	v15 =	vshll.u32 v17, $0x10  }
0x2ae: {  	s26 =	sand.u32 $0x7E, s22;
	s1 =	simm.s32 $0xF0C0;
	v16 =	vpop (erf);
	v18 =	vand.u32 $0xFFFF0000, v18;
	v17 =	vand.u32 $0xFFFF0000, v17;
	v10 =	vadd.f32 v15, v10  }
0x2af: {  	[tilespmem:s1+$0xFFFFFF80] =	vst v16;
	(erf) = vrcp.f32 v12;
	v12 =	vld [tilespmem:s26+$0x4E70];
	v16 =	vadd.f32 v17, v18  }
0x2b0: {  	s23 =	simm.s32 $0x4E79;
	v9 =	vmul.f32 $1.442695020e+00, v9;
	v15 =	vpop (erf);
	v10 =	vmul.f32 s6, v10  }
0x2b1: {  	v14 =	vmul.f32 $1.442695020e+00, v14;
	v17 =	vld [tilespmem:s23+$0x0];
	v16 =	vmul.f32 s6, v16;
	[tilespmem:s1+$0xFFFFFF90] =	vst v15;
	v15 =	vpop (erf)  }
0x2b2: {  	(erf) = vpow2.f32 v13;
	v18 =	vld [tilespmem:s29+$0xFFFFFFD0];
	v15 =	vadd.f32 $1.000000000e+00, v15;
	v13 =	vpop (erf);
	v10 =	vsub.f32 v10, v3  }
0x2b3: {  	v19 =	vld [tilespmem:s13+$0xFFFFFFD0];
	(erf) = vpow2.f32 v14;
	v14 =	vsub.f32 v16, v2;
	v38 =	vpop (erf);
	v13 =	vadd.f32 $1.000000000e+00, v13  }
0x2b4: {  	(v2sf) =	vpush v12, $0x0;
	[tilespmem:s1+$0x0] =	vst v38;
	v12 =	vpop (erf);
	(erf) = vrcp.f32 v15;
	v10 =	vmul.f32 $1.442695020e+00, v10  }
0x2b5: {  	[tilespmem:s1+$0x10] =	vst v12;
	(erf) = vrcp.f32 v13  }
0x2b6: {  	v14 =	vmul.f32 $1.442695020e+00, v14;
	v12 =	vpop (erf);
	(erf) = vpow2.f32 v9;
	v16 =	vld [tilespmem:s13+$0x10]  }
0x2b7: {  	(v2sf) =	vpush v17, $0x0;
	v9 =	vpop (erf);
	v15 =	vshll.u32 v18, $0x10;
	(erf) = vpow2.f32 v10  }
0x2b8: {  	v13 =	vld [tilespmem:s29+$0x10];
	[tilespmem:s10+$0x20] =	vst v12;
	v9 =	vadd.f32 $1.000000000e+00, v9;
	v12 =	vshll.u32 v19, $0x10;
	v10 =	vpop (erf);
	(erf) = vpow2.f32 v14  }
0x2b9: {  	v14 =	vand.u32 $0xFFFF0000, v18;
	v12 =	vadd.f32 v12, v15;
	[tilespmem:s10+$0x30] =	vst v10;
	v10 =	vand.u32 $0xFFFF0000, v19  }
0x2ba: {  	s21 =	simm.s32 $0xB380;
	v14 =	vadd.f32 v10, v14  }
0x2bb: {  	v39 =	vld [tilespmem:s21+$0xFFFFFFC0];
	v12 =	vmul.f32 s8, v12;
	v19 =	vshll.u32 v16, $0x10  }
0x2bc: {  	v42 =	vld [tilespmem:s21+$0x0];
	v8 =	vadd.f32 $1.000000000e+00, v8;
	s0 =	simm.s32 $0x8B80;
	v16 =	vand.u32 $0xFFFF0000, v16;
	v10 =	vpop (erf);
	v14 =	vmul.f32 s8, v14  }
0x2bd: {  	v17 =	vld [tilespmem:s0+$0xFFFFFFC0];
	(erf) = vrcp.f32 v9;
	v18 =	vshll.u32 v13, $0x10;
	v12 =	vsub.f32 v12, v5;
	v9 =	vpop (erf)  }
0x2be: {  	v13 =	vand.u32 $0xFFFF0000, v13;
	v18 =	vadd.f32 v19, v18;
	v19 =	vpop (erf);
	v14 =	vsub.f32 v14, v4  }
0x2bf: {  	v13 =	vadd.f32 v16, v13;
	v12 =	vmul.f32 $1.442695020e+00, v12;
	v16 =	vpop (erf)  }
0x2c0: {  	v46 =	vshll.u32 v39, $0x10;
	v40 =	vld [tilespmem:s0+$0x0];
	(erf) = vrcp.f32 v8;
	v8 =	vpop (erf);
	v14 =	vmul.f32 $1.442695020e+00, v14  }
0x2c1: {  	v48 =	vshll.u32 v42, $0x10;
	v20 =	vand.u32 $0xFFFF0000, v39;
	(erf) = vpow2.f32 v12;
	v44 =	vpop (erf)  }
0x2c2: {  	v43 =	vshll.u32 v17, $0x10;
	v12 =	vadd.f32 $1.000000000e+00, v44;
	v45 =	vpop (erf);
	(erf) = vpow2.f32 v14  }
0x2c3: {  	v17 =	vand.u32 $0xFFFF0000, v17;
	v24 =	vadd.f32 v46, v43;
	s28 =	spop (v2sf);
	v14 =	vadd.f32 $1.000000000e+00, v45  }
0x2c4: {  	v23 =	vand.u32 $0xFFFF0000, v42;
	v17 =	vadd.f32 v20, v17;
	s14 =	sxor.u32 $0x80000000, s28;
	(erf) = vrcp.f32 v12  }
0x2c5: {  	v21 =	vand.u32 $0xFFFF0000, v40;
	(erf) = vrcp.f32 v14;
	v14 =	vmul.f32 s14, v24  }
0x2c6: {  	v47 =	vshll.u32 v40, $0x10;
	v21 =	vadd.f32 v23, v21;
	v17 =	vmul.f32 s14, v17  }
0x2c7: {  	v20 =	vadd.f32 v48, v47;
	s31 =	spop (v2sf);
	v14 =	vsub.f32 v14, v6  }
0x2c8: {  	v18 =	vmul.f32 s30, v18;
	v13 =	vmul.f32 s30, v13;
	v49 =	vpop (erf);
	s4 =	sxor.u32 $0x80000000, s31;
	v17 =	vsub.f32 v17, v7  }
0x2c9: {  	v15 =	vld [tilespmem:s12+$0x20];
	[tilespmem:s9+$0x40] =	vst v19;
	v20 =	vmul.f32 s4, v20;
	v19 =	vpop (erf);
	v14 =	vmul.f32 $1.442695020e+00, v14  }
0x2ca: {  	[tilespmem:s9+$0x50] =	vst v16;
	v21 =	vmul.f32 s4, v21;
	v16 =	vmul.f32 $1.442695020e+00, v17;
	v51 =	vpop (erf)  }
0x2cb: {  	v12 =	vld [tilespmem:s16+$0x20];
	v17 =	vsub.f32 v20, v6;
	(erf) = vpow2.f32 v14;
	v14 =	vadd.f32 $1.000000000e+00, v51;
	v53 =	vpop (erf)  }
0x2cc: {  	v55 =	vld [tilespmem:s15+$0x30];
	v21 =	vsub.f32 v21, v7;
	(erf) = vpow2.f32 v16;
	v16 =	vadd.f32 $1.000000000e+00, v53  }
0x2cd: {  	v18 =	vsub.f32 v18, v5;
	v17 =	vmul.f32 $1.442695020e+00, v17;
	(erf) = vrcp.f32 v14  }
0x2ce: {  	v41 =	vshll.u32 v15, $0x10;
	v52 =	vld [tilespmem:s20+$0x30];
	v21 =	vmul.f32 $1.442695020e+00, v21;
	(erf) = vrcp.f32 v16  }
0x2cf: {  	v15 =	vand.u32 $0xFFFF0000, v15;
	v18 =	vmul.f32 $1.442695020e+00, v18;
	(erf) = vpow2.f32 v17  }
0x2d0: {  	v50 =	vshll.u32 v12, $0x10;
	v12 =	vand.u32 $0xFFFF0000, v12;
	v54 =	vpop (erf);
	(erf) = vpow2.f32 v21  }
0x2d1: {  	v12 =	vadd.f32 v12, v15;
	[tilespmem:s10+$0xFFFFFFC0] =	vst v54;
	v14 =	vpop (erf);
	(erf) = vpow2.f32 v18;
	v18 =	vshll.u32 v55, $0x10  }
0x2d2: {  	v13 =	vsub.f32 v13, v4;
	[tilespmem:s10+$0xFFFFFFD0] =	vst v14;
	v14 =	vadd.f32 v50, v41  }
0x2d3: {  	v15 =	vshll.u32 v52, $0x10;
	v12 =	vmul.f32 s11, v12;
	v16 =	vld [tilespmem:s12+$0xFFFFFFF0]  }
0x2d4: {  	v13 =	vmul.f32 $1.442695020e+00, v13;
	v17 =	vld [tilespmem:s16+$0xFFFFFFF0];
	v14 =	vmul.f32 s11, v14;
	v15 =	vadd.f32 v18, v15;
	v18 =	vpop (erf)  }
0x2d5: {  	v56 =	vand.u32 $0xFFFF0000, v52;
	v12 =	vsub.f32 v12, v2;
	v18 =	vadd.f32 $1.000000000e+00, v18  }
0x2d6: {  	(erf) = vpow2.f32 v13;
	v13 =	vsub.f32 v14, v3;
	v14 =	vand.u32 $0xFFFF0000, v55  }
0x2d7: {  	v12 =	vmul.f32 $1.442695020e+00, v12;
	v14 =	vadd.f32 v14, v56;
	v58 =	vpop (erf)  }
0x2d8: {  	v57 =	vshll.u32 v16, $0x10;
	v13 =	vmul.f32 $1.442695020e+00, v13;
	v20 =	vadd.f32 $1.000000000e+00, v58;
	v60 =	vpop (erf)  }
0x2d9: {  	v16 =	vand.u32 $0xFFFF0000, v16;
	v59 =	vand.u32 $0xFFFF0000, v17;
	(erf) = vrcp.f32 v18;
	v18 =	vpop (erf)  }
0x2da: {  	v61 =	vmul.f32 s3, v15;
	v16 =	vadd.f32 v59, v16;
	(erf) = vrcp.f32 v20;
	v15 =	vpop (erf)  }
0x2db: {  	v17 =	vshll.u32 v17, $0x10;
	[tilespmem:s1+$0xFFFFFFA0] =	vst v60;
	(erf) = vpow2.f32 v13;
	v15 =	vadd.f32 $1.000000000e+00, v15;
	v62 =	vpop (erf)  }
0x2dc: {  	v16 =	vmul.f32 s6, v16;
	[tilespmem:s1+$0xFFFFFFB0] =	vst v18;
	(erf) = vpow2.f32 v12;
	v13 =	vadd.f32 $1.000000000e+00, v62  }
0x2dd: {  	[tilespmem:s2+$0xFFFFFFF0] =	vst v11;
	v17 =	vadd.f32 v17, v57;
	v11 =	vmul.f32 s3, v14;
	v12 =	vld [tilespmem:s29+$0xFFFFFFE0];
	v14 =	vpop (erf);
	(erf) = vrcp.f32 v15  }
0x2de: {  	v63 =	vsub.f32 v16, v0;
	v14 =	vadd.f32 $1.000000000e+00, v14;
	(erf) = vrcp.f32 v13;
	v13 =	vld [tilespmem:s13+$0xFFFFFFE0]  }
0x2df: {  	v18 =	vmul.f32 s6, v17  }
0x2e0: {  	[tilespmem:s9+$0xFFFFFFF0] =	vst v49;
	v17 =	vmul.f32 $1.442695020e+00, v63;
	v15 =	vpop (erf);
	(erf) = vrcp.f32 v14;
	v14 =	vsub.f32 v61, v1  }
0x2e1: {  	s15 =	simm.s32 $0xB380;
	[tilespmem:s2+$0xFFFFFFE0] =	vst v19;
	s3 =	simm.s32 $0x8B80;
	v16 =	vadd.f32 $1.000000000e+00, v15;
	v15 =	vsub.f32 v18, v1  }
.LBB2_4:
0x2e2: {  	s22 =	sadd.s32 $0x2, s22;
	(erf) = vpow2.f32 v17;
	v10 =	vadd.f32 $1.000000000e+00, v10;
	v11 =	vsub.f32 v11, v0;
	s17 =	smov.u32 s1  }
0x2e3: {  	v17 =	vshll.u32 v12, $0x10;
	s5 =	sand.u32 $0x7E, s22;
	v20 =	vshll.u32 v13, $0x10;
	(erf) = vrcp.f32 v16  }
0x2e4: {  	v12 =	vand.u32 $0xFFFF0000, v12;
	s1 =	sadd.s32 $0x100, s1;
	v13 =	vand.u32 $0xFFFF0000, v13;
	v16 =	vld [tilespmem:s5+$0x4E70];
	v19 =	vpop (erf);
	v17 =	vadd.f32 v20, v17  }
0x2e5: {  	s23 =	sadd.s32 $0x2, s23;
	v22 =	vmul.f32 $1.442695020e+00, v15;
	v14 =	vmul.f32 $1.442695020e+00, v14;
	v12 =	vadd.f32 v13, v12;
	[tilespmem:s1+$0xFFFFFF80] =	vst v19;
	v18 =	vpop (erf)  }
0x2e6: {  	v20 =	vadd.f32 $1.000000000e+00, v9;
	v19 =	vmul.f32 $1.442695020e+00, v11;
	v15 =	vld [tilespmem:s23+$0x0];
	[tilespmem:s1+$0xFFFFFF90] =	vst v18;
	v17 =	vmul.f32 s8, v17;
	v18 =	vpop (erf)  }
0x2e7: {  	v11 =	vmul.f32 s8, v12;
	v9 =	vld [tilespmem:s0+$0xFFFFFFD0];
	v12 =	vadd.f32 $1.000000000e+00, v18;
	(erf) = vpow2.f32 v22;
	v13 =	vpop (erf)  }
0x2e8: {  	p0 =	slt.u32 s22, $0x4E;
	v18 =	vld [tilespmem:s21+$0xFFFFFFD0];
	v21 =	vpop (erf);
	v17 =	vsub.f32 v17, v3;
	v13 =	vadd.f32 $1.000000000e+00, v13;
	(erf) = vpow2.f32 v14  }
0x2e9: {  	(v2sf) =	vpush v16, $0x0;
	[tilespmem:s1+$0x0] =	vst v21;
	v14 =	vpop (erf);
	v16 =	vsub.f32 v11, v2;
	(erf) = vrcp.f32 v12  }
0x2ea: {  	v11 =	vadd.f32 $1.000000000e+00, v8;
	[tilespmem:s1+$0x10] =	vst v14;
	v17 =	vmul.f32 $1.442695020e+00, v17;
	v14 =	vpop (erf);
	(erf) = vrcp.f32 v13  }
0x2eb: {  	(v2sf) =	vpush v15, $0x0;
	v8 =	vld [tilespmem:s0+$0x10];
	v13 =	vmul.f32 $1.442695020e+00, v16;
	[tilespmem:s17+$0x20] =	vst v14;
	v14 =	vpop (erf);
	(erf) = vpow2.f32 v19  }
0x2ec: {  	v15 =	vshll.u32 v9, $0x10;
	v16 =	vld [tilespmem:s21+$0x10];
	(erf) = vpow2.f32 v17;
	v12 =	vpop (erf);
	v14 =	vadd.f32 $1.000000000e+00, v14  }
0x2ed: {  	v9 =	vand.u32 $0xFFFF0000, v9;
	v17 =	vshll.u32 v18, $0x10;
	[tilespmem:s17+$0x30] =	vst v12;
	(erf) = vpow2.f32 v13  }
0x2ee: {  	v12 =	vand.u32 $0xFFFF0000, v18;
	v13 =	vadd.f32 v17, v15;
	v15 =	vld [tilespmem:s29+$0x20];
	(erf) = vrcp.f32 v14  }
0x2ef: {  	s0 =	sadd.s32 $0x80, s0;
	v22 =	vadd.f32 v12, v9;
	v12 =	vld [tilespmem:s13+$0x20];
	(erf) = vrcp.f32 v10  }
0x2f0: {  	v14 =	vld [tilespmem:s0+$0xFFFFFFC0];
	v13 =	vmul.f32 s14, v13;
	v17 =	vshll.u32 v8, $0x10;
	v8 =	vand.u32 $0xFFFF0000, v8;
	v10 =	vpop (erf)  }
0x2f1: {  	s21 =	sadd.s32 $0x80, s21;
	v19 =	vmul.f32 s14, v22;
	v18 =	vld [tilespmem:s0+$0x0];
	v23 =	vshll.u32 v16, $0x10;
	v16 =	vand.u32 $0xFFFF0000, v16;
	v9 =	vpop (erf)  }
0x2f2: {  	v22 =	vld [tilespmem:s21+$0xFFFFFFC0];
	v13 =	vsub.f32 v13, v5;
	v17 =	vadd.f32 v23, v17;
	v21 =	vpop (erf);
	(erf) = vrcp.f32 v20  }
0x2f3: {  	v19 =	vsub.f32 v19, v4;
	v16 =	vadd.f32 v16, v8;
	v20 =	vld [tilespmem:s21+$0x0];
	v23 =	vshll.u32 v15, $0x10;
	[tilespmem:s10+$0x40] =	vst v21;
	v8 =	vpop (erf)  }
0x2f4: {  	v15 =	vand.u32 $0xFFFF0000, v15;
	v13 =	vmul.f32 $1.442695020e+00, v13;
	v17 =	vmul.f32 s4, v17;
	[tilespmem:s10+$0x50] =	vst v8;
	v8 =	vpop (erf)  }
0x2f5: {  	v19 =	vmul.f32 $1.442695020e+00, v19;
	v16 =	vmul.f32 s4, v16;
	v21 =	vshll.u32 v14, $0x10;
	v24 =	vpop (erf);
	v25 =	vld [tilespmem:s12+$0x30];
	s12 =	smov.u32 s29;
	s29 =	smov.u32 s3;
	s3 =	smov.u32 s0  }
0x2f6: {  	v14 =	vand.u32 $0xFFFF0000, v14;
	(erf) = vpow2.f32 v13;
	v28 =	vadd.f32 $1.000000000e+00, v24;
	v24 =	vpop (erf);
	v26 =	vld [tilespmem:s16+$0x30];
	s16 =	smov.u32 s13;
	s13 =	smov.u32 s15;
	s15 =	smov.u32 s21  }
0x2f7: {  	v27 =	vshll.u32 v22, $0x10;
	(erf) = vpow2.f32 v19;
	v19 =	vadd.f32 $1.000000000e+00, v24;
	v24 =	vpop (erf)  }
0x2f8: {  	v22 =	vand.u32 $0xFFFF0000, v22;
	v27 =	vadd.f32 v27, v21;
	s5 =	spop (v2sf);
	(erf) = vrcp.f32 v28;
	[tilespmem:s10+$0xFFFFFFF0] =	vst v24;
	v13 =	vpop (erf)  }
0x2f9: {  	v14 =	vadd.f32 v22, v14;
	v22 =	vshll.u32 v18, $0x10;
	s18 =	sxor.u32 $0x80000000, s5;
	(erf) = vrcp.f32 v19;
	[tilespmem:s9+$0xFFFFFFE0] =	vst v13  }
0x2fa: {  	v18 =	vand.u32 $0xFFFF0000, v18;
	v19 =	vshll.u32 v20, $0x10;
	v13 =	vmul.f32 s18, v27;
	s5 =	spop (v2sf)  }
0x2fb: {  	v20 =	vand.u32 $0xFFFF0000, v20;
	v14 =	vmul.f32 s18, v14;
	v19 =	vadd.f32 v19, v22;
	v21 =	vpop (erf)  }
0x2fc: {  	v18 =	vadd.f32 v20, v18;
	v20 =	vshll.u32 v12, $0x10;
	s5 =	sxor.u32 $0x80000000, s5;
	v13 =	vsub.f32 v13, v6;
	[tilespmem:s2+$0x60] =	vst v21  }
0x2fd: {  	v17 =	vsub.f32 v17, v5;
	v14 =	vsub.f32 v14, v7;
	v19 =	vmul.f32 s5, v19  }
0x2fe: {  	v16 =	vsub.f32 v16, v4;
	v18 =	vmul.f32 s5, v18;
	v13 =	vmul.f32 $1.442695020e+00, v13  }
0x2ff: {  	v17 =	vmul.f32 $1.442695020e+00, v17;
	v14 =	vmul.f32 $1.442695020e+00, v14;
	v19 =	vsub.f32 v19, v6;
	v21 =	vpop (erf)  }
0x300: {  	v18 =	vsub.f32 v18, v7;
	(erf) = vpow2.f32 v13;
	v22 =	vadd.f32 $1.000000000e+00, v21;
	v21 =	vpop (erf)  }
0x301: {  	v19 =	vmul.f32 $1.442695020e+00, v19;
	(erf) = vpow2.f32 v14;
	v14 =	vadd.f32 $1.000000000e+00, v21;
	v21 =	vpop (erf)  }
0x302: {  	v12 =	vand.u32 $0xFFFF0000, v12;
	v18 =	vmul.f32 $1.442695020e+00, v18;
	(erf) = vrcp.f32 v22;
	[tilespmem:s17+$0xFFFFFFC0] =	vst v21;
	v13 =	vpop (erf)  }
0x303: {  	v16 =	vmul.f32 $1.442695020e+00, v16;
	(erf) = vrcp.f32 v14;
	[tilespmem:s17+$0xFFFFFFD0] =	vst v13;
	v13 =	vadd.f32 v20, v23  }
0x304: {  	v12 =	vadd.f32 v12, v15;
	v15 =	vshll.u32 v25, $0x10;
	(erf) = vpow2.f32 v19;
	v14 =	vld [tilespmem:s12+$0xFFFFFFF0]  }
0x305: {  	v19 =	vand.u32 $0xFFFF0000, v25;
	(erf) = vpow2.f32 v18;
	v18 =	vld [tilespmem:s16+$0xFFFFFFF0];
	v13 =	vmul.f32 s30, v13  }
0x306: {  	v12 =	vmul.f32 s30, v12;
	(erf) = vpow2.f32 v17;
	v17 =	vshll.u32 v26, $0x10  }
0x307: {  	(erf) = vpow2.f32 v16;
	v13 =	vsub.f32 v13, v3;
	v16 =	vand.u32 $0xFFFF0000, v26  }
0x308: {  	v12 =	vsub.f32 v12, v2;
	v15 =	vadd.f32 v17, v15;
	(erf) = vrcp.f32 v11  }
0x309: {  	v16 =	vadd.f32 v16, v19;
	v11 =	vpop (erf);
	v17 =	vshll.u32 v14, $0x10;
	v13 =	vmul.f32 $1.442695020e+00, v13  }
0x30a: {  	v14 =	vand.u32 $0xFFFF0000, v14;
	v22 =	vadd.f32 $1.000000000e+00, v11;
	v19 =	vpop (erf);
	v20 =	vand.u32 $0xFFFF0000, v18  }
0x30b: {  	v23 =	vadd.f32 $1.000000000e+00, v19;
	v21 =	vpop (erf);
	v14 =	vadd.f32 v20, v14;
	v20 =	vmul.f32 $1.442695020e+00, v12  }
0x30c: {  	v12 =	vshll.u32 v18, $0x10;
	v18 =	vmul.f32 s11, v15;
	(erf) = vrcp.f32 v22;
	[tilespmem:s1+$0xFFFFFFA0] =	vst v21;
	v11 =	vpop (erf)  }
0x30d: {  	v17 =	vadd.f32 v12, v17;
	(erf) = vrcp.f32 v23;
	v15 =	vpop (erf);
	[tilespmem:s1+$0xFFFFFFB0] =	vst v11;
	v14 =	vmul.f32 s8, v14  }
.Ltmp1:
0x30e: {  	v11 =	vmul.f32 s11, v16;
	s11 =	smov.u32 s30;
	s30 =	smov.u32 s4;
	v15 =	vadd.f32 $1.000000000e+00, v15;
	v19 =	vpop (erf);
	v12 =	vld [tilespmem:s29+$0xFFFFFFE0];
	(erf) = vpow2.f32 v13;
	(pc) =	sbr.rel @p0 .LBB2_4-.Ltmp1, $4  }
0x30f: {  	s4 =	smov.u32 s5;
	v16 =	vadd.f32 $1.000000000e+00, v19;
	v13 =	vld [tilespmem:s13+$0xFFFFFFE0];
	v19 =	vpop (erf);
	v14 =	vsub.f32 v14, v0;
	(erf) = vpow2.f32 v20  }
0x310: {  	v20 =	vmul.f32 s8, v17;
	s8 =	smov.u32 s14;
	s14 =	smov.u32 s18;
	(erf) = vrcp.f32 v15;
	v15 =	vadd.f32 $1.000000000e+00, v19;
	v19 =	vpop (erf)  }
0x311: {  	(erf) = vrcp.f32 v16;
	v16 =	vadd.f32 $1.000000000e+00, v19;
	v17 =	vmul.f32 $1.442695020e+00, v14;
	v19 =	vpop (erf)  }
0x312: {  	v14 =	vsub.f32 v18, v1;
	(erf) = vrcp.f32 v15;
	v15 =	vsub.f32 v20, v1;
	[tilespmem:s2+$0x70] =	vst v19;
	s2 =	smov.u32 s9;
	s9 =	smov.u32 s10;
	s10 =	smov.u32 s17  }
0x313: {  	_ =	sdelay $0x1  }
0x314: {  	(erf) = vpow2.f32 v17;
	v33 =	vshll.u32 v12, $0x10;
	s18 =	sadd.s32 $0x100, s1;
	v18 =	vshll.u32 v13, $0x10;
	v19 =	vpop (erf)  }
0x315: {  	v34 =	vand.u32 $0xFFFF0000, v12;
	v35 =	vand.u32 $0xFFFF0000, v13;
	v17 =	vadd.f32 v18, v33;
	[tilespmem:s18+$0xFFFFFF80] =	vst v19;
	v36 =	vpop (erf)  }
0x316: {  	v37 =	vmul.f32 $1.442695020e+00, v15;
	v14 =	vmul.f32 $1.442695020e+00, v14;
	v12 =	vadd.f32 v35, v34;
	[tilespmem:s18+$0xFFFFFF90] =	vst v36  }
0x317: {  	v11 =	vsub.f32 v11, v0;
	(erf) = vrcp.f32 v16;
	v38 =	vmul.f32 s8, v17;
	v39 =	vpop (erf);
	v40 =	vld [tilespmem:s0+$0xFFFFFFD0]  }
0x318: {  	v12 =	vmul.f32 s8, v12;
	(erf) = vpow2.f32 v37;
	v16 =	vadd.f32 $1.000000000e+00, v39;
	v41 =	vpop (erf);
	v18 =	vld [tilespmem:s21+$0xFFFFFFD0]  }
0x319: {  	(erf) = vpow2.f32 v14;
	v15 =	vsub.f32 v38, v3;
	v13 =	vadd.f32 $1.000000000e+00, v41  }
0x31a: {  	v11 =	vmul.f32 $1.442695020e+00, v11;
	v12 =	vsub.f32 v12, v2;
	(erf) = vrcp.f32 v16  }
0x31b: {  	v42 =	vmul.f32 $1.442695020e+00, v15;
	(erf) = vrcp.f32 v13  }
0x31c: {  	v43 =	vpop (erf);
	v12 =	vmul.f32 $1.442695020e+00, v12;
	(erf) = vpow2.f32 v11;
	v44 =	vshll.u32 v40, $0x10  }
0x31d: {  	v45 =	vpop (erf);
	(erf) = vpow2.f32 v42;
	v46 =	vand.u32 $0xFFFF0000, v40;
	v47 =	vshll.u32 v18, $0x10  }
0x31e: {  	v48 =	vpop (erf);
	v49 =	vand.u32 $0xFFFF0000, v18;
	(erf) = vpow2.f32 v12;
	v11 =	vadd.f32 v47, v44  }
0x31f: {  	v50 =	vpop (erf);
	v12 =	vadd.f32 v49, v46  }
0x320: {  	v51 =	vpop (erf);
	v11 =	vmul.f32 s14, v11  }
0x321: {  	v52 =	vadd.f32 $1.000000000e+00, v50;
	v13 =	vpop (erf);
	v12 =	vmul.f32 s14, v12  }
0x322: {  	v10 =	vadd.f32 $1.000000000e+00, v10;
	v14 =	vpop (erf);
	v11 =	vsub.f32 v11, v5  }
0x323: {  	v9 =	vadd.f32 $1.000000000e+00, v9;
	(erf) = vrcp.f32 v52;
	v20 =	vsub.f32 v12, v4;
	v53 =	vpop (erf)  }
0x324: {  	(erf) = vrcp.f32 v10;
	v21 =	vpop (erf);
	v54 =	vmul.f32 $1.442695020e+00, v11  }
0x325: {  	(erf) = vrcp.f32 v9;
	v55 =	vmul.f32 $1.442695020e+00, v20;
	v12 =	vpop (erf)  }
0x326: {  	[tilespmem:s18+$0x0] =	vst v43;
	v56 =	vpop (erf);
	(erf) = vpow2.f32 v54  }
0x327: {  	[tilespmem:s18+$0x10] =	vst v45;
	v57 =	vadd.f32 $1.000000000e+00, v56;
	v58 =	vpop (erf);
	(erf) = vpow2.f32 v55  }
0x328: {  	v15 =	vld [tilespmem:s0+$0x10];
	v59 =	vadd.f32 $1.000000000e+00, v58  }
0x329: {  	v16 =	vld [tilespmem:s21+$0x10];
	(erf) = vrcp.f32 v57  }
0x32a: {  	(erf) = vrcp.f32 v59;
	_ =	sdelay $0x1  }
0x32b: {  	[tilespmem:s1+$0x20] =	vst v48;
	v10 =	vpop (erf)  }
0x32c: {  	[tilespmem:s1+$0x30] =	vst v51;
	v9 =	vpop (erf)  }
0x32d: {  	v60 =	vshll.u32 v15, $0x10;
	v61 =	vshll.u32 v16, $0x10;
	v62 =	vld [tilespmem:s29+$0x20];
	v11 =	vpop (erf)  }
0x32e: {  	v22 =	vld [tilespmem:s13+$0x20];
	v17 =	vadd.f32 v61, v60;
	v63 =	vpop (erf)  }
0x32f: {  	v15 =	vand.u32 $0xFFFF0000, v15;
	v16 =	vand.u32 $0xFFFF0000, v16;
	v23 =	vadd.f32 $1.000000000e+00, v63;
	v24 =	vpop (erf)  }
0x330: {  	v15 =	vadd.f32 v16, v15;
	[tilespmem:s10+$0x40] =	vst v53;
	v17 =	vmul.f32 s4, v17;
	v18 =	vadd.f32 $1.000000000e+00, v24  }
0x331: {  	[tilespmem:s10+$0x50] =	vst v21;
	v25 =	vpop (erf);
	(erf) = vrcp.f32 v23  }
0x332: {  	v15 =	vmul.f32 s4, v15;
	v17 =	vsub.f32 v17, v5;
	[tilespmem:s1+$0xFFFFFFC0] =	vst v25;
	v27 =	vpop (erf);
	(erf) = vrcp.f32 v18  }
0x333: {  	v26 =	vld [tilespmem:s12+$0x30];
	v29 =	vshll.u32 v62, $0x10;
	v30 =	vand.u32 $0xFFFF0000, v62;
	v31 =	vshll.u32 v22, $0x10;
	[tilespmem:s1+$0xFFFFFFD0] =	vst v27  }
0x334: {  	v22 =	vand.u32 $0xFFFF0000, v22;
	v20 =	vadd.f32 v31, v29;
	v17 =	vmul.f32 $1.442695020e+00, v17;
	v23 =	vld [tilespmem:s29+$0xFFFFFFF0]  }
0x335: {  	v15 =	vsub.f32 v15, v4;
	v19 =	vadd.f32 v22, v30;
	v32 =	vld [tilespmem:s13+$0xFFFFFFF0]  }
0x336: {  	v28 =	vld [tilespmem:s16+$0x30];
	v33 =	vmul.f32 s30, v20;
	(erf) = vpow2.f32 v17  }
0x337: {  	v15 =	vmul.f32 $1.442695020e+00, v15;
	v19 =	vmul.f32 s30, v19  }
0x338: {  	v8 =	vadd.f32 $1.000000000e+00, v8;
	v34 =	vshll.u32 v26, $0x10;
	v17 =	vsub.f32 v33, v3  }
0x339: {  	v16 =	vand.u32 $0xFFFF0000, v26;
	v19 =	vsub.f32 v19, v2;
	(erf) = vpow2.f32 v15  }
0x33a: {  	v17 =	vmul.f32 $1.442695020e+00, v17;
	v36 =	vand.u32 $0xFFFF0000, v23;
	v24 =	vand.u32 $0xFFFF0000, v32;
	v25 =	vpop (erf)  }
0x33b: {  	v35 =	vshll.u32 v28, $0x10;
	(erf) = vrcp.f32 v8;
	v22 =	vadd.f32 v24, v36;
	[tilespmem:s18+$0xFFFFFFA0] =	vst v25;
	v37 =	vpop (erf)  }
0x33c: {  	v19 =	vmul.f32 $1.442695020e+00, v19;
	v15 =	vadd.f32 v35, v34;
	(erf) = vpow2.f32 v17;
	[tilespmem:s18+$0xFFFFFFB0] =	vst v37  }
0x33d: {  	v8 =	vshll.u32 v23, $0x10;
	v21 =	vshll.u32 v32, $0x10;
	v22 =	vmul.f32 s8, v22;
	v38 =	vld [tilespmem:s3+$0xFFFFFFE0]  }
0x33e: {  	v18 =	vand.u32 $0xFFFF0000, v28;
	(erf) = vpow2.f32 v19;
	v8 =	vadd.f32 v21, v8;
	v39 =	vld [tilespmem:s15+$0xFFFFFFE0]  }
0x33f: {  	v16 =	vadd.f32 v18, v16;
	v15 =	vmul.f32 s11, v15;
	v40 =	vpop (erf);
	v41 =	vsub.f32 v22, v0  }
0x340: {  	v8 =	vmul.f32 s8, v8;
	v18 =	vadd.f32 $1.000000000e+00, v40  }
0x341: {  	v16 =	vmul.f32 s11, v16;
	v15 =	vsub.f32 v15, v1;
	v19 =	vmul.f32 $1.442695020e+00, v41  }
0x342: {  	v42 =	vpop (erf);
	v43 =	vsub.f32 v8, v1;
	(erf) = vrcp.f32 v18;
	v8 =	vshll.u32 v38, $0x10  }
0x343: {  	v20 =	vadd.f32 $1.000000000e+00, v42;
	(erf) = vpow2.f32 v19;
	v44 =	vshll.u32 v39, $0x10  }
0x344: {  	v45 =	vand.u32 $0xFFFF0000, v38;
	v17 =	vand.u32 $0xFFFF0000, v39;
	v19 =	vadd.f32 v44, v8  }
0x345: {  	v15 =	vmul.f32 $1.442695020e+00, v15;
	v18 =	vmul.f32 $1.442695020e+00, v43;
	v17 =	vadd.f32 v17, v45;
	v8 =	vpop (erf)  }
0x346: {  	v16 =	vsub.f32 v16, v0;
	(erf) = vrcp.f32 v20;
	v19 =	vmul.f32 s14, v19;
	v46 =	vpop (erf)  }
0x347: {  	(erf) = vpow2.f32 v18;
	v17 =	vmul.f32 s14, v17;
	v20 =	vadd.f32 $1.000000000e+00, v46;
	v47 =	vpop (erf)  }
0x348: {  	(erf) = vpow2.f32 v15;
	v19 =	vsub.f32 v19, v3;
	v18 =	vadd.f32 $1.000000000e+00, v47  }
0x349: {  	v48 =	vmul.f32 $1.442695020e+00, v16;
	v49 =	vsub.f32 v17, v2;
	(erf) = vrcp.f32 v20  }
0x34a: {  	v50 =	vmul.f32 $1.442695020e+00, v19;
	(erf) = vrcp.f32 v18  }
0x34b: {  	v16 =	vmul.f32 $1.442695020e+00, v49;
	(erf) = vpow2.f32 v48  }
0x34c: {  	(erf) = vpow2.f32 v50  }
0x34d: {  	v51 =	vpop (erf);
	(erf) = vpow2.f32 v16  }
0x34e: {  	v52 =	vpop (erf)  }
0x34f: {  	v53 =	vpop (erf)  }
0x350: {  	v54 =	vpop (erf)  }
0x351: {  	v55 =	vpop (erf)  }
0x352: {  	v20 =	vpop (erf)  }
0x353: {  	v16 =	vadd.f32 $1.000000000e+00, v52;
	v56 =	vpop (erf)  }
0x354: {  	v13 =	vadd.f32 $1.000000000e+00, v13;
	v57 =	vpop (erf)  }
0x355: {  	v14 =	vadd.f32 $1.000000000e+00, v14;
	(erf) = vrcp.f32 v16;
	v58 =	vpop (erf)  }
0x356: {  	(erf) = vrcp.f32 v13;
	v59 =	vadd.f32 $1.000000000e+00, v58;
	v60 =	vpop (erf)  }
0x357: {  	(erf) = vrcp.f32 v14;
	v61 =	vadd.f32 $1.000000000e+00, v60  }
0x358: {  	[tilespmem:s18+$0x20] =	vst v51;
	(erf) = vrcp.f32 v59  }
0x359: {  	[tilespmem:s18+$0x30] =	vst v53;
	(erf) = vrcp.f32 v61  }
0x35a: {  	v62 =	vld [tilespmem:s3+$0x20]  }
0x35b: {  	v63 =	vld [tilespmem:s15+$0x20];
	_ =	sdelay $0x2  }
0x35c: {  	v15 =	vpop (erf)  }
0x35d: {  	v16 =	vpop (erf)  }
0x35e: {  	v29 =	vshll.u32 v62, $0x10;
	v30 =	vshll.u32 v63, $0x10;
	v28 =	vpop (erf)  }
0x35f: {  	v13 =	vand.u32 $0xFFFF0000, v62;
	v14 =	vand.u32 $0xFFFF0000, v63;
	v23 =	vadd.f32 v30, v29;
	v31 =	vpop (erf)  }
0x360: {  	v13 =	vadd.f32 v14, v13;
	[tilespmem:s18+$0xFFFFFFC0] =	vst v31;
	v32 =	vpop (erf)  }
0x361: {  	v34 =	vmul.f32 s4, v23;
	[tilespmem:s18+$0xFFFFFFD0] =	vst v32  }
0x362: {  	[tilespmem:s1+$0x40] =	vst v20;
	v13 =	vmul.f32 s4, v13;
	v33 =	vld [tilespmem:s3+$0xFFFFFFF0]  }
0x363: {  	[tilespmem:s1+$0x50] =	vst v56;
	v20 =	vsub.f32 v34, v3;
	v35 =	vld [tilespmem:s15+$0xFFFFFFF0]  }
0x364: {  	v12 =	vadd.f32 $1.000000000e+00, v12;
	v36 =	vld [tilespmem:s29+$0x30];
	v13 =	vsub.f32 v13, v2  }
0x365: {  	v37 =	vld [tilespmem:s13+$0x30];
	v20 =	vmul.f32 $1.442695020e+00, v20  }
0x366: {  	(erf) = vrcp.f32 v12;
	v13 =	vmul.f32 $1.442695020e+00, v13  }
0x367: {  	(erf) = vpow2.f32 v20  }
0x368: {  	(erf) = vpow2.f32 v13;
	v14 =	vand.u32 $0xFFFF0000, v33;
	v39 =	vand.u32 $0xFFFF0000, v35  }
0x369: {  	v38 =	vshll.u32 v33, $0x10;
	v40 =	vshll.u32 v35, $0x10;
	v14 =	vadd.f32 v39, v14  }
0x36a: {  	v41 =	vshll.u32 v36, $0x10;
	v42 =	vshll.u32 v37, $0x10;
	v12 =	vadd.f32 v40, v38  }
0x36b: {  	v13 =	vadd.f32 v42, v41;
	v14 =	vmul.f32 s14, v14  }
0x36c: {  	v12 =	vmul.f32 s14, v12  }
0x36d: {  	v13 =	vmul.f32 s30, v13;
	v14 =	vsub.f32 v14, v0  }
0x36e: {  	v12 =	vsub.f32 v12, v1  }
0x36f: {  	v13 =	vsub.f32 v13, v1;
	v14 =	vmul.f32 $1.442695020e+00, v14  }
0x370: {  	v43 =	vpop (erf);
	v12 =	vmul.f32 $1.442695020e+00, v12  }
0x371: {  	v13 =	vmul.f32 $1.442695020e+00, v13;
	v44 =	vpop (erf);
	(erf) = vpow2.f32 v14  }
0x372: {  	v45 =	vpop (erf);
	v14 =	vadd.f32 $1.000000000e+00, v44;
	(erf) = vpow2.f32 v12  }
0x373: {  	v12 =	vadd.f32 $1.000000000e+00, v45;
	(erf) = vpow2.f32 v13  }
0x374: {  	(erf) = vrcp.f32 v14  }
0x375: {  	(erf) = vrcp.f32 v12;
	_ =	sdelay $0x4  }
0x376: {  	v46 =	vpop (erf)  }
0x377: {  	v47 =	vpop (erf)  }
0x378: {  	v48 =	vpop (erf)  }
0x379: {  	v49 =	vpop (erf)  }
0x37a: {  	[tilespmem:s18+$0x40] =	vst v49;
	v50 =	vpop (erf)  }
0x37b: {  	[tilespmem:s18+$0x50] =	vst v50  }
0x37c: {  	v21 =	vld [tilespmem:s3+$0x30]  }
0x37d: {  	v23 =	vand.u32 $0xFFFF0000, v36;
	v24 =	vand.u32 $0xFFFF0000, v37;
	v51 =	vld [tilespmem:s15+$0x30]  }
0x37e: {  	v23 =	vadd.f32 v24, v23;
	_ =	sdelay $0x1  }
0x37f: {  	v23 =	vmul.f32 s30, v23;
	_ =	sdelay $0x1  }
0x380: {  	v23 =	vsub.f32 v23, v0;
	v52 =	vshll.u32 v21, $0x10;
	v26 =	vshll.u32 v51, $0x10  }
0x381: {  	v21 =	vand.u32 $0xFFFF0000, v21;
	v25 =	vand.u32 $0xFFFF0000, v51;
	v24 =	vadd.f32 v26, v52  }
0x382: {  	v23 =	vmul.f32 $1.442695020e+00, v23;
	v21 =	vadd.f32 v25, v21  }
0x383: {  	v12 =	vadd.f32 $1.000000000e+00, v46;
	v24 =	vmul.f32 s4, v24  }
0x384: {  	v18 =	vadd.f32 $1.000000000e+00, v54;
	(erf) = vpow2.f32 v23;
	v21 =	vmul.f32 s4, v21  }
0x385: {  	v53 =	vadd.f32 $1.000000000e+00, v55;
	(erf) = vrcp.f32 v12;
	v54 =	vsub.f32 v24, v1  }
0x386: {  	v22 =	vadd.f32 $1.000000000e+00, v57;
	(erf) = vrcp.f32 v18;
	v55 =	vsub.f32 v21, v0  }
0x387: {  	(erf) = vrcp.f32 v53;
	v56 =	vmul.f32 $1.442695020e+00, v54  }
0x388: {  	(erf) = vrcp.f32 v22;
	v18 =	vmul.f32 $1.442695020e+00, v55  }
0x389: {  	(erf) = vpow2.f32 v56  }
0x38a: {  	(erf) = vpow2.f32 v18;
	_ =	sdelay $0x2  }
0x38b: {  	v57 =	vpop (erf)  }
0x38c: {  	v58 =	vpop (erf)  }
0x38d: {  	v59 =	vpop (erf)  }
0x38e: {  	[tilespmem:s10+$0xFFFFFFF0] =	vst v10;
	v13 =	vadd.f32 $1.000000000e+00, v47;
	v60 =	vpop (erf)  }
0x38f: {  	[tilespmem:s9+$0xFFFFFFE0] =	vst v9;
	v14 =	vadd.f32 $1.000000000e+00, v48;
	v61 =	vpop (erf)  }
0x390: {  	[tilespmem:s2+$0x60] =	vst v11;
	v62 =	vadd.f32 $1.000000000e+00, v57;
	(erf) = vrcp.f32 v13;
	v63 =	vpop (erf)  }
0x391: {  	[tilespmem:s2+$0x70] =	vst v8;
	(erf) = vrcp.f32 v14;
	v8 =	vpop (erf);
	v12 =	vadd.f32 $1.000000000e+00, v63  }
0x392: {  	[tilespmem:s1+$0xFFFFFFF0] =	vst v15;
	(erf) = vrcp.f32 v62;
	v8 =	vadd.f32 $1.000000000e+00, v8  }
0x393: {  	[tilespmem:s10+$0xFFFFFFE0] =	vst v16;
	(erf) = vrcp.f32 v12  }
0x394: {  	[tilespmem:s9+$0x60] =	vst v28;
	(erf) = vrcp.f32 v8  }
0x395: {  	[tilespmem:s9+$0x70] =	vst v43  }
0x396: {  	[tilespmem:s18+$0xFFFFFFF0] =	vst v58  }
0x397: {  	[tilespmem:s1+$0xFFFFFFE0] =	vst v59  }
0x398: {  	[tilespmem:s10+$0x60] =	vst v60  }
0x399: {  	[tilespmem:s10+$0x70] =	vst v61;
	v8 =	vpop (erf)  }
0x39a: {  	[tilespmem:s18+$0xFFFFFFE0] =	vst v8;
	v8 =	vpop (erf)  }
0x39b: {  	[tilespmem:s1+$0x60] =	vst v8;
	v8 =	vpop (erf)  }
0x39c: {  	[tilespmem:s1+$0x70] =	vst v8;
	v8 =	vpop (erf)  }
0x39d: {  	[tilespmem:s18+$0x60] =	vst v8;
	v8 =	vpop (erf)  }
0x39e: {  	s24 =	simm.s32 $0xED40;
	s26 =	simm.s32 $0x8940;
	[tilespmem:s18+$0x70] =	vst v8  }
0x39f: {  	s28 =	simm.s32 $0xB140;
	s31 =	simm.s32 $0x2800;
	s23 =	rddreg [dreg:$0xa]  }
0x3a0: {  	[hbm4b:s23+s25] =	stream.linear.scatter [tilespmem:s24], [sflag:$0x6], $0x2800, $0x38;
	[tilespmem:$0x115C0] =	vst v63  }
0x3a1: {  	s16 =	simm.s32 $0x4EC1;
	s29 =	simm.s32 $0xF0;
	s25 =	rddreg [dreg:$0x5]  }
0x3a2: {  	[tilespmem:s26], [sflag:$0x2] =	stream.indirect.gather [hbm4b:s25+s19], $0x40, s29, s19, $0xb8;
	[tilespmem:$0x115C0] =	vst v63  }
0x3a3: {  	s2 =	simm.s32 $0xA0;
	s30 =	simm.s32 $0x1;
	s9 =	simm.s32 $0x4F11  }
0x3a4: {  	[tilespmem:s28], [sflag:$0x4] =	stream.indirect.gather [hbm4b:s7+s19], $0x40, s31, s19, $0xb8;
	[tilespmem:$0x115C0] =	vst v63  }
.LBB2_6:
0x3a5: {  	s0 =	simm.s32 $0x1  }
0x3a6: {  	_ =	swait.ge [sflag:s0], $0x1400  }
0x3a7: {  	[sflag:s0] =	ssyncset.done $0x0  }
0x3a8: {  	s12 =	simm.s32 $0x3;
	[sflag:s0] =	ssyncadd.s32 $0xFFFFEC00  }
0x3a9: {  	_ =	swait.ge [sflag:s12], $0x1400  }
0x3aa: {  	[sflag:s12] =	ssyncset.done $0x0  }
0x3ab: {  	s13 =	simm.s32 $0x5;
	[sflag:s12] =	ssyncadd.s32 $0xFFFFEC00  }
0x3ac: {  	_ =	swait.ge [sflag:s13], $0x2800  }
0x3ad: {  	[sflag:s13] =	ssyncset.done $0x0  }
0x3ae: {  	s14 =	simm.s32 $0x0;
	s1 =	sadd.s32 $0x0, s2;
	[sflag:s13] =	ssyncadd.s32 $0xFFFFD800  }
0x3af: {  	s1 =	sand.u32 $0x7FF8, s1;
	s0 =	sand.u32 $0x6, s14;
	v8 =	vld [tilespmem:s16+$0x0]  }
0x3b0: {  	s0 =	sor.u32 s0, s1  }
0x3b1: {  	v9 =	vld [tilespmem:s0+$0x4E20];
	_ =	sdelay $0x2  }
0x3b2: {  	(v2sf) =	vpush v8, $0x0;
	_ =	sdelay $0x1  }
0x3b3: {  	(v2sf) =	vpush v9, $0x0;
	_ =	sdelay $0x4  }
0x3b4: {  	s10 =	simm.s32 $0x9D80  }
0x3b5: {  	s26 =	simm.s32 $0x7580;
	v8 =	vld [tilespmem:s10+$0x0]  }
0x3b6: {  	v9 =	vld [tilespmem:s26+$0x0]  }
0x3b7: {  	v10 =	vld [tilespmem:s26+$0xFFFFFFC0]  }
0x3b8: {  	v11 =	vld [tilespmem:s10+$0xFFFFFFC0];
	_ =	sdelay $0x2  }
0x3b9: {  	v12 =	vshll.u32 v8, $0x10;
	v8 =	vand.u32 $0xFFFF0000, v8;
	v13 =	vshll.u32 v9, $0x10  }
0x3ba: {  	v9 =	vand.u32 $0xFFFF0000, v9;
	v12 =	vadd.f32 v12, v13;
	v13 =	vshll.u32 v10, $0x10;
	s15 =	spop (v2sf)  }
0x3bb: {  	v8 =	vadd.f32 v8, v9;
	v9 =	vshll.u32 v11, $0x10;
	v10 =	vand.u32 $0xFFFF0000, v10;
	s3 =	sxor.u32 $0x80000000, s15  }
0x3bc: {  	v11 =	vand.u32 $0xFFFF0000, v11;
	v9 =	vadd.f32 v9, v13;
	s17 =	spop (v2sf);
	v12 =	vmul.f32 s3, v12  }
0x3bd: {  	v10 =	vadd.f32 v11, v10;
	s4 =	sxor.u32 $0x80000000, s17;
	v8 =	vmul.f32 s3, v8  }
0x3be: {  	v9 =	vmul.f32 s4, v9;
	v11 =	vsub.f32 v12, v6  }
0x3bf: {  	v10 =	vmul.f32 s4, v10;
	v8 =	vsub.f32 v8, v7  }
0x3c0: {  	v9 =	vsub.f32 v9, v6;
	v11 =	vmul.f32 $1.442695020e+00, v11  }
0x3c1: {  	v10 =	vsub.f32 v10, v7;
	v8 =	vmul.f32 $1.442695020e+00, v8  }
0x3c2: {  	v9 =	vmul.f32 $1.442695020e+00, v9;
	(erf) = vpow2.f32 v11  }
0x3c3: {  	(erf) = vpow2.f32 v8;
	v8 =	vmul.f32 $1.442695020e+00, v10  }
0x3c4: {  	(erf) = vpow2.f32 v9  }
0x3c5: {  	(erf) = vpow2.f32 v8;
	_ =	sdelay $0x5  }
0x3c6: {  	v8 =	vpop (erf)  }
0x3c7: {  	v9 =	vpop (erf)  }
0x3c8: {  	v10 =	vpop (erf)  }
0x3c9: {  	v11 =	vpop (erf)  }
0x3ca: {  	v11 =	vadd.f32 $1.000000000e+00, v11  }
0x3cb: {  	v10 =	vadd.f32 $1.000000000e+00, v10  }
0x3cc: {  	(erf) = vrcp.f32 v11  }
0x3cd: {  	(erf) = vrcp.f32 v10;
	_ =	sdelay $0x1  }
0x3ce: {  	s18 =	sadd.s32 $0x2, s16  }
0x3cf: {  	v10 =	vld [tilespmem:s18+$0x0]  }
0x3d0: {  	s20 =	simm.s32 $0x2;
	s5 =	sadd.s32 $0x2, s2  }
0x3d1: {  	s5 =	sand.u32 $0x7FF8, s5;
	s1 =	sand.u32 $0x6, s20  }
0x3d2: {  	s1 =	sor.u32 s1, s5  }
0x3d3: {  	v11 =	vld [tilespmem:s1+$0x4E20]  }
0x3d4: {  	s11 =	simm.s32 $0xC5C0;
	(v2sf) =	vpush v10, $0x0;
	v12 =	vpop (erf)  }
0x3d5: {  	[tilespmem:s11+$0xFFFFFF90] =	vst v12;
	v10 =	vpop (erf)  }
0x3d6: {  	[tilespmem:s11+$0xFFFFFF80] =	vst v10  }
0x3d7: {  	v10 =	vld [tilespmem:s26+$0xFFFFFFD0]  }
0x3d8: {  	(v2sf) =	vpush v11, $0x0;
	v12 =	vld [tilespmem:s10+$0xFFFFFFD0];
	_ =	sdelay $0x2  }
0x3d9: {  	s22 =	simm.s32 $0x7600  }
0x3da: {  	s23 =	simm.s32 $0x9E00;
	v15 =	vld [tilespmem:s22+$0x0]  }
0x3db: {  	v13 =	vld [tilespmem:s23+$0x0];
	v11 =	vshll.u32 v10, $0x10;
	v14 =	vshll.u32 v12, $0x10  }
0x3dc: {  	v11 =	vadd.f32 v14, v11;
	_ =	sdelay $0x1  }
0x3dd: {  	v16 =	vld [tilespmem:s23+$0xFFFFFFC0];
	v10 =	vand.u32 $0xFFFF0000, v10;
	v12 =	vand.u32 $0xFFFF0000, v12;
	v11 =	vmul.f32 s4, v11  }
0x3de: {  	v17 =	vshll.u32 v15, $0x10;
	v15 =	vand.u32 $0xFFFF0000, v15;
	v10 =	vadd.f32 v12, v10;
	v12 =	vld [tilespmem:s22+$0xFFFFFFC0]  }
0x3df: {  	v8 =	vadd.f32 $1.000000000e+00, v8;
	v14 =	vshll.u32 v13, $0x10;
	v11 =	vsub.f32 v11, v5  }
0x3e0: {  	v13 =	vand.u32 $0xFFFF0000, v13;
	v14 =	vadd.f32 v14, v17;
	v10 =	vmul.f32 s4, v10;
	s21 =	spop (v2sf)  }
0x3e1: {  	v9 =	vadd.f32 $1.000000000e+00, v9;
	v13 =	vadd.f32 v13, v15;
	s15 =	sxor.u32 $0x80000000, s21;
	v11 =	vmul.f32 $1.442695020e+00, v11  }
0x3e2: {  	v15 =	vand.u32 $0xFFFF0000, v16;
	v10 =	vsub.f32 v10, v4;
	v14 =	vmul.f32 s15, v14  }
0x3e3: {  	v17 =	vshll.u32 v12, $0x10;
	(erf) = vpow2.f32 v11;
	v11 =	vshll.u32 v16, $0x10  }
0x3e4: {  	s24 =	spop (v2sf);
	v12 =	vand.u32 $0xFFFF0000, v12;
	v13 =	vmul.f32 s15, v13;
	v11 =	vadd.f32 v11, v17  }
0x3e5: {  	s24 =	sxor.u32 $0x80000000, s24;
	v10 =	vmul.f32 $1.442695020e+00, v10;
	(erf) = vrcp.f32 v8;
	v8 =	vadd.f32 v15, v12  }
0x3e6: {  	(erf) = vrcp.f32 v9;
	v9 =	vmul.f32 s24, v11  }
0x3e7: {  	v12 =	vsub.f32 v14, v6;
	v8 =	vmul.f32 s24, v8  }
0x3e8: {  	v11 =	vsub.f32 v13, v7;
	(erf) = vpow2.f32 v10;
	v9 =	vsub.f32 v9, v6  }
0x3e9: {  	v10 =	vmul.f32 $1.442695020e+00, v12;
	v8 =	vsub.f32 v8, v7  }
0x3ea: {  	v11 =	vmul.f32 $1.442695020e+00, v11;
	v9 =	vmul.f32 $1.442695020e+00, v9  }
0x3eb: {  	(erf) = vpow2.f32 v10;
	v8 =	vmul.f32 $1.442695020e+00, v8  }
0x3ec: {  	(erf) = vpow2.f32 v11  }
0x3ed: {  	(erf) = vpow2.f32 v9  }
0x3ee: {  	(erf) = vpow2.f32 v8;
	v9 =	vpop (erf)  }
0x3ef: {  	v8 =	vpop (erf)  }
0x3f0: {  	v10 =	vpop (erf)  }
0x3f1: {  	v9 =	vadd.f32 $1.000000000e+00, v9;
	v11 =	vpop (erf)  }
0x3f2: {  	v11 =	vadd.f32 $1.000000000e+00, v11;
	_ =	sdelay $0x1  }
0x3f3: {  	v12 =	vpop (erf);
	(erf) = vrcp.f32 v11  }
0x3f4: {  	(erf) = vrcp.f32 v9;
	v9 =	vpop (erf)  }
0x3f5: {  	v11 =	vpop (erf)  }
0x3f6: {  	v13 =	vpop (erf)  }
0x3f7: {  	[tilespmem:s11+$0x0] =	vst v8;
	v8 =	vadd.f32 $1.000000000e+00, v13  }
0x3f8: {  	[tilespmem:s11+$0x10] =	vst v10;
	v10 =	vadd.f32 $1.000000000e+00, v11  }
0x3f9: {  	(erf) = vrcp.f32 v8  }
0x3fa: {  	v11 =	vld [tilespmem:s10+$0x10];
	(erf) = vrcp.f32 v10  }
0x3fb: {  	v8 =	vld [tilespmem:s26+$0x10]  }
0x3fc: {  	s0 =	sadd.s32 $0x2, s18;
	v10 =	vpop (erf)  }
0x3fd: {  	v13 =	vld [tilespmem:s0+$0x0];
	[tilespmem:s11+$0xFFFFFFB0] =	vst v10;
	v10 =	vpop (erf)  }
0x3fe: {  	[tilespmem:s11+$0xFFFFFFA0] =	vst v10  }
0x3ff: {  	v15 =	vshll.u32 v11, $0x10;
	v10 =	vld [tilespmem:s26+$0xFFFFFFE0]  }
0x400: {  	v11 =	vand.u32 $0xFFFF0000, v11;
	v14 =	vshll.u32 v8, $0x10;
	v16 =	vld [tilespmem:s10+$0xFFFFFFE0]  }
0x401: {  	s25 =	simm.s32 $0x4;
	s6 =	sadd.s32 $0x4, s2;
	v8 =	vand.u32 $0xFFFF0000, v8;
	v14 =	vadd.f32 v15, v14  }
0x402: {  	s5 =	sand.u32 $0x7FF8, s6;
	s12 =	simm.s32 $0xC6C0;
	s1 =	sand.u32 $0x6, s25;
	(v2sf) =	vpush v13, $0x0;
	v8 =	vadd.f32 v11, v8;
	v15 =	vpop (erf)  }
0x403: {  	s1 =	sor.u32 s1, s5;
	v13 =	vmul.f32 s3, v14;
	[tilespmem:s12+$0xFFFFFF90] =	vst v15;
	v11 =	vpop (erf)  }
0x404: {  	v14 =	vld [tilespmem:s1+$0x4E20];
	v8 =	vmul.f32 s3, v8;
	v15 =	vshll.u32 v10, $0x10;
	[tilespmem:s12+$0xFFFFFF80] =	vst v11  }
0x405: {  	v11 =	vsub.f32 v13, v5;
	v10 =	vand.u32 $0xFFFF0000, v10;
	v13 =	vand.u32 $0xFFFF0000, v16;
	v17 =	vld [tilespmem:s22+$0xFFFFFFD0]  }
0x406: {  	v10 =	vadd.f32 v13, v10;
	v13 =	vld [tilespmem:s23+$0xFFFFFFD0]  }
0x407: {  	v8 =	vsub.f32 v8, v4;
	v16 =	vshll.u32 v16, $0x10;
	v11 =	vmul.f32 $1.442695020e+00, v11  }
0x408: {  	v15 =	vadd.f32 v16, v15;
	v10 =	vmul.f32 s4, v10  }
0x409: {  	s14 =	simm.s32 $0x7680;
	v8 =	vmul.f32 $1.442695020e+00, v8;
	(v2sf) =	vpush v14, $0x0;
	(erf) = vpow2.f32 v11  }
0x40a: {  	s13 =	simm.s32 $0x9E80;
	v18 =	vld [tilespmem:s14+$0x0];
	v11 =	vadd.f32 $1.000000000e+00, v12;
	v12 =	vmul.f32 s4, v15;
	v10 =	vsub.f32 v10, v2  }
0x40b: {  	v15 =	vld [tilespmem:s13+$0x0];
	v14 =	vshll.u32 v17, $0x10;
	v16 =	vand.u32 $0xFFFF0000, v17;
	v17 =	vshll.u32 v13, $0x10  }
0x40c: {  	v13 =	vand.u32 $0xFFFF0000, v13;
	v12 =	vsub.f32 v12, v3;
	v14 =	vadd.f32 v17, v14  }
0x40d: {  	(erf) = vpow2.f32 v8;
	v13 =	vadd.f32 v13, v16;
	v10 =	vmul.f32 $1.442695020e+00, v10  }
0x40e: {  	v8 =	vadd.f32 $1.000000000e+00, v9;
	v12 =	vmul.f32 $1.442695020e+00, v12;
	v9 =	vmul.f32 s24, v14  }
0x40f: {  	v17 =	vshll.u32 v18, $0x10;
	v13 =	vmul.f32 s24, v13  }
0x410: {  	v14 =	vld [tilespmem:s14+$0xFFFFFFC0];
	(erf) = vpow2.f32 v10;
	v10 =	vshll.u32 v15, $0x10;
	v9 =	vsub.f32 v9, v5  }
0x411: {  	v16 =	vld [tilespmem:s13+$0xFFFFFFC0];
	s8 =	spop (v2sf);
	v10 =	vadd.f32 v10, v17;
	(erf) = vpow2.f32 v12  }
0x412: {  	v18 =	vand.u32 $0xFFFF0000, v18;
	s8 =	sxor.u32 $0x80000000, s8;
	v13 =	vsub.f32 v13, v4;
	v12 =	vpop (erf);
	v9 =	vmul.f32 $1.442695020e+00, v9  }
0x413: {  	v15 =	vand.u32 $0xFFFF0000, v15;
	v10 =	vmul.f32 s8, v10;
	v12 =	vadd.f32 $1.000000000e+00, v12  }
0x414: {  	v15 =	vadd.f32 v15, v18;
	v13 =	vmul.f32 $1.442695020e+00, v13;
	(erf) = vpow2.f32 v9  }
0x415: {  	v17 =	vshll.u32 v14, $0x10;
	v10 =	vsub.f32 v10, v6;
	(erf) = vrcp.f32 v12  }
0x416: {  	v9 =	vand.u32 $0xFFFF0000, v14;
	v14 =	vpop (erf);
	v12 =	vand.u32 $0xFFFF0000, v16;
	(erf) = vrcp.f32 v11  }
0x417: {  	v11 =	vshll.u32 v16, $0x10;
	(erf) = vrcp.f32 v8;
	v8 =	vadd.f32 $1.000000000e+00, v14  }
0x418: {  	v15 =	vmul.f32 s8, v15;
	s17 =	spop (v2sf);
	v11 =	vadd.f32 v11, v17;
	(erf) = vpow2.f32 v13  }
0x419: {  	v10 =	vmul.f32 $1.442695020e+00, v10;
	v9 =	vadd.f32 v12, v9;
	s1 =	sxor.u32 $0x80000000, s17;
	v12 =	vpop (erf);
	(erf) = vrcp.f32 v8  }
0x41a: {  	v8 =	vmul.f32 s1, v11;
	v11 =	vsub.f32 v15, v7;
	v12 =	vadd.f32 $1.000000000e+00, v12;
	v13 =	vpop (erf)  }
0x41b: {  	v9 =	vmul.f32 s1, v9;
	(erf) = vpow2.f32 v10;
	v10 =	vadd.f32 $1.000000000e+00, v13  }
0x41c: {  	v8 =	vsub.f32 v8, v6;
	v11 =	vmul.f32 $1.442695020e+00, v11  }
0x41d: {  	v9 =	vsub.f32 v9, v7  }
0x41e: {  	(erf) = vrcp.f32 v12;
	v12 =	vpop (erf);
	v8 =	vmul.f32 $1.442695020e+00, v8  }
0x41f: {  	(erf) = vrcp.f32 v10;
	v9 =	vmul.f32 $1.442695020e+00, v9;
	v10 =	vpop (erf)  }
0x420: {  	(erf) = vpow2.f32 v11;
	v11 =	vpop (erf)  }
0x421: {  	v13 =	vpop (erf)  }
0x422: {  	(erf) = vpow2.f32 v8;
	v8 =	vpop (erf)  }
0x423: {  	[tilespmem:s11+$0x20] =	vst v10;
	(erf) = vpow2.f32 v9;
	v9 =	vpop (erf);
	v8 =	vadd.f32 $1.000000000e+00, v8  }
0x424: {  	[tilespmem:s11+$0x30] =	vst v9  }
0x425: {  	v9 =	vadd.f32 $1.000000000e+00, v12;
	v10 =	vpop (erf);
	v12 =	vld [tilespmem:s10+$0x20];
	(erf) = vrcp.f32 v8  }
0x426: {  	v15 =	vld [tilespmem:s26+$0x20];
	_ =	sdelay $0x1  }
0x427: {  	v14 =	vpop (erf);
	(erf) = vrcp.f32 v9  }
0x428: {  	v8 =	vpop (erf)  }
0x429: {  	[tilespmem:s11+$0xFFFFFFD0] =	vst v14;
	v16 =	vpop (erf)  }
0x42a: {  	[tilespmem:s11+$0xFFFFFFC0] =	vst v8;
	v9 =	vpop (erf);
	v14 =	vand.u32 $0xFFFF0000, v12;
	v18 =	vand.u32 $0xFFFF0000, v15  }
0x42b: {  	[tilespmem:s12+$0x0] =	vst v11;
	v8 =	vld [tilespmem:s26+$0xFFFFFFF0];
	v17 =	vpop (erf);
	v14 =	vadd.f32 v14, v18  }
0x42c: {  	[tilespmem:s12+$0x10] =	vst v13;
	v17 =	vadd.f32 $1.000000000e+00, v17;
	v18 =	vadd.f32 $1.000000000e+00, v9;
	v9 =	vld [tilespmem:s10+$0xFFFFFFF0]  }
0x42d: {  	v11 =	vshll.u32 v15, $0x10;
	v12 =	vshll.u32 v12, $0x10;
	v13 =	vmul.f32 s3, v14;
	v14 =	vld [tilespmem:s23+$0x10];
	v15 =	vpop (erf)  }
0x42e: {  	v11 =	vadd.f32 v12, v11;
	(erf) = vrcp.f32 v17;
	[tilespmem:s12+$0xFFFFFFB0] =	vst v15;
	v15 =	vld [tilespmem:s22+$0x10]  }
0x42f: {  	(erf) = vrcp.f32 v18;
	v13 =	vsub.f32 v13, v2  }
0x430: {  	s0 =	sadd.s32 $0x2, s0;
	v11 =	vmul.f32 s3, v11;
	v12 =	vpop (erf)  }
0x431: {  	v18 =	vshll.u32 v8, $0x10;
	[tilespmem:s12+$0xFFFFFFA0] =	vst v12;
	v12 =	vld [tilespmem:s0+$0x0];
	v13 =	vmul.f32 $1.442695020e+00, v13  }
0x432: {  	v11 =	vsub.f32 v11, v3;
	v19 =	vshll.u32 v9, $0x10;
	v17 =	vld [tilespmem:s22+$0xFFFFFFE0];
	v21 =	vand.u32 $0xFFFF0000, v14  }
0x433: {  	v20 =	vld [tilespmem:s23+$0xFFFFFFE0];
	(erf) = vpow2.f32 v13;
	v13 =	vshll.u32 v15, $0x10;
	v15 =	vand.u32 $0xFFFF0000, v15  }
0x434: {  	s6 =	sadd.s32 $0x6, s2;
	s18 =	simm.s32 $0x6;
	v18 =	vadd.f32 v19, v18;
	v14 =	vshll.u32 v14, $0x10;
	v15 =	vadd.f32 v21, v15  }
0x435: {  	s6 =	sand.u32 $0x7FF8, s6;
	s5 =	sand.u32 $0x6, s18;
	v11 =	vmul.f32 $1.442695020e+00, v11;
	v13 =	vadd.f32 v14, v13  }
0x436: {  	s5 =	sor.u32 s5, s6;
	v18 =	vmul.f32 s4, v18;
	v15 =	vmul.f32 s15, v15  }
0x437: {  	s31 =	simm.s32 $0xC7C0;
	(erf) = vpow2.f32 v11;
	v14 =	vld [tilespmem:s5+$0x4E20];
	(v2sf) =	vpush v12, $0x0;
	v19 =	vpop (erf);
	v12 =	vmul.f32 s15, v13  }
0x438: {  	v11 =	vand.u32 $0xFFFF0000, v17;
	[tilespmem:s31+$0xFFFFFF90] =	vst v19;
	v19 =	vpop (erf);
	v13 =	vand.u32 $0xFFFF0000, v20;
	v15 =	vsub.f32 v15, v4  }
0x439: {  	[tilespmem:s31+$0xFFFFFF80] =	vst v19;
	v11 =	vadd.f32 v13, v11;
	v12 =	vsub.f32 v12, v5  }
0x43a: {  	v18 =	vsub.f32 v18, v1;
	v13 =	vshll.u32 v17, $0x10;
	v17 =	vshll.u32 v20, $0x10;
	v19 =	vld [tilespmem:s14+$0xFFFFFFD0]  }
0x43b: {  	v60 =	vld [tilespmem:s13+$0xFFFFFFD0];
	v13 =	vadd.f32 v17, v13;
	v11 =	vmul.f32 s24, v11;
	v12 =	vmul.f32 $1.442695020e+00, v12  }
0x43c: {  	v17 =	vmul.f32 $1.442695020e+00, v18;
	(v2sf) =	vpush v14, $0x0;
	v14 =	vmul.f32 $1.442695020e+00, v15;
	v15 =	vpop (erf)  }
0x43d: {  	v11 =	vsub.f32 v11, v2;
	(erf) = vpow2.f32 v12;
	v12 =	vadd.f32 $1.000000000e+00, v15  }
0x43e: {  	v13 =	vmul.f32 s24, v13;
	(erf) = vpow2.f32 v14  }
0x43f: {  	s18 =	simm.s32 $0x9F00;
	v15 =	vshll.u32 v19, $0x10;
	v11 =	vmul.f32 $1.442695020e+00, v11;
	(erf) = vrcp.f32 v12  }
0x440: {  	s25 =	simm.s32 $0x7700;
	v61 =	vld [tilespmem:s18+$0x0];
	v18 =	vand.u32 $0xFFFF0000, v19;
	v19 =	vshll.u32 v60, $0x10;
	(erf) = vpow2.f32 v17  }
0x441: {  	v14 =	vpop (erf);
	v15 =	vadd.f32 v19, v15;
	v12 =	vld [tilespmem:s25+$0x0];
	(erf) = vpow2.f32 v11;
	v11 =	vsub.f32 v13, v3  }
0x442: {  	v20 =	vand.u32 $0xFFFF0000, v60;
	v14 =	vadd.f32 $1.000000000e+00, v14  }
0x443: {  	v17 =	vadd.f32 v20, v18;
	v13 =	vmul.f32 s1, v15;
	v11 =	vmul.f32 $1.442695020e+00, v11  }
0x444: {  	(erf) = vrcp.f32 v14  }
0x445: {  	v14 =	vadd.f32 $1.000000000e+00, v16;
	v15 =	vmul.f32 s1, v17;
	v13 =	vsub.f32 v13, v5  }
0x446: {  	v17 =	vshll.u32 v61, $0x10;
	v18 =	vshll.u32 v12, $0x10;
	v12 =	vand.u32 $0xFFFF0000, v12  }
0x447: {  	v16 =	vld [tilespmem:s25+$0xFFFFFFC0];
	v15 =	vsub.f32 v15, v4;
	(erf) = vpow2.f32 v11;
	v13 =	vmul.f32 $1.442695020e+00, v13;
	v11 =	vpop (erf)  }
0x448: {  	v19 =	vld [tilespmem:s18+$0xFFFFFFC0];
	v17 =	vadd.f32 v17, v18;
	v18 =	vand.u32 $0xFFFF0000, v61;
	v11 =	vadd.f32 $1.000000000e+00, v11  }
0x449: {  	v10 =	vadd.f32 $1.000000000e+00, v10;
	s20 =	spop (v2sf);
	v12 =	vadd.f32 v18, v12  }
0x44a: {  	s20 =	sxor.u32 $0x80000000, s20;
	v15 =	vmul.f32 $1.442695020e+00, v15;
	v62 =	vpop (erf)  }
0x44b: {  	(erf) = vpow2.f32 v13;
	v12 =	vmul.f32 s20, v12;
	v13 =	vpop (erf)  }
0x44c: {  	v17 =	vmul.f32 s20, v17;
	v63 =	vshll.u32 v16, $0x10;
	(erf) = vrcp.f32 v11;
	v11 =	vpop (erf)  }
0x44d: {  	[tilespmem:s11+$0x50] =	vst v13;
	v13 =	vshll.u32 v19, $0x10;
	v12 =	vsub.f32 v12, v7;
	(erf) = vrcp.f32 v10;
	v10 =	vpop (erf)  }
0x44e: {  	s21 =	spop (v2sf);
	v13 =	vadd.f32 v13, v63;
	(erf) = vrcp.f32 v14;
	v11 =	vadd.f32 $1.000000000e+00, v11;
	v14 =	vpop (erf)  }
0x44f: {  	v16 =	vand.u32 $0xFFFF0000, v16;
	v17 =	vsub.f32 v17, v6;
	s21 =	sxor.u32 $0x80000000, s21;
	v12 =	vmul.f32 $1.442695020e+00, v12;
	[tilespmem:s11+$0x40] =	vst v14  }
0x450: {  	v18 =	vadd.f32 $1.000000000e+00, v62;
	v13 =	vmul.f32 s21, v13;
	(erf) = vrcp.f32 v11;
	v14 =	vld [tilespmem:s26+$0x30]  }
0x451: {  	v11 =	vmul.f32 $1.442695020e+00, v17;
	(erf) = vpow2.f32 v15;
	v15 =	vand.u32 $0xFFFF0000, v19;
	v17 =	vld [tilespmem:s10+$0x30]  }
0x452: {  	v10 =	vadd.f32 $1.000000000e+00, v10;
	(erf) = vrcp.f32 v18;
	v15 =	vadd.f32 v15, v16;
	v16 =	vpop (erf)  }
0x453: {  	v13 =	vsub.f32 v13, v6;
	(erf) = vpow2.f32 v11;
	v11 =	vadd.f32 $1.000000000e+00, v16  }
0x454: {  	v15 =	vmul.f32 s21, v15;
	(erf) = vrcp.f32 v10  }
0x455: {  	v16 =	vpop (erf);
	(erf) = vrcp.f32 v11;
	v11 =	vmul.f32 $1.442695020e+00, v13;
	v18 =	vand.u32 $0xFFFF0000, v14  }
0x456: {  	v10 =	vpop (erf);
	v19 =	vand.u32 $0xFFFF0000, v17;
	(erf) = vpow2.f32 v12;
	v15 =	vsub.f32 v15, v7  }
0x457: {  	v13 =	vpop (erf);
	v12 =	vshll.u32 v14, $0x10;
	v17 =	vshll.u32 v17, $0x10;
	v18 =	vadd.f32 v19, v18  }
0x458: {  	v9 =	vand.u32 $0xFFFF0000, v9;
	[tilespmem:s12+$0x20] =	vst v10;
	v14 =	vpop (erf);
	v10 =	vadd.f32 v17, v12;
	v12 =	vmul.f32 $1.442695020e+00, v15  }
0x459: {  	v19 =	vpop (erf);
	(erf) = vpow2.f32 v11;
	v11 =	vmul.f32 s3, v18  }
0x45a: {  	v8 =	vand.u32 $0xFFFF0000, v8  }
0x45b: {  	v8 =	vadd.f32 v9, v8;
	[tilespmem:s31+$0x0] =	vst v13;
	v9 =	vpop (erf);
	v15 =	vsub.f32 v11, v0  }
0x45c: {  	[tilespmem:s31+$0x10] =	vst v14;
	v14 =	vmul.f32 s3, v10;
	(erf) = vpow2.f32 v12;
	v13 =	vpop (erf)  }
0x45d: {  	v9 =	vadd.f32 $1.000000000e+00, v9;
	v12 =	vpop (erf)  }
0x45e: {  	v8 =	vmul.f32 s4, v8;
	v11 =	vld [tilespmem:s13+$0x10];
	v14 =	vsub.f32 v14, v1;
	[tilespmem:s12+$0x30] =	vst v13;
	v13 =	vadd.f32 $1.000000000e+00, v16;
	v16 =	vpop (erf)  }
0x45f: {  	v10 =	vld [tilespmem:s23+$0x20];
	(erf) = vrcp.f32 v9;
	v9 =	vmul.f32 $1.442695020e+00, v15;
	[tilespmem:s12+$0xFFFFFFD0] =	vst v16;
	v15 =	vpop (erf)  }
0x460: {  	v8 =	vsub.f32 v8, v0;
	(erf) = vrcp.f32 v13;
	v13 =	vmul.f32 $1.442695020e+00, v14;
	[tilespmem:s12+$0xFFFFFFC0] =	vst v15;
	v15 =	vld [tilespmem:s22+$0x20]  }
0x461: {  	(erf) = vpow2.f32 v9;
	v14 =	vld [tilespmem:s22+$0xFFFFFFF0]  }
0x462: {  	v18 =	vmul.f32 $1.442695020e+00, v8;
	(erf) = vpow2.f32 v13;
	v13 =	vld [tilespmem:s23+$0xFFFFFFF0]  }
0x463: {  	s28 =	simm.s32 $0xC7C0;
	s4 =	simm.s32 $0x7700;
	v8 =	vadd.f32 $1.000000000e+00, v12;
	v12 =	vand.u32 $0xFFFF0000, v11;
	v9 =	vpop (erf)  }
0x464: {  	s10 =	smul.u32 $0xA0, s30;
	s26 =	simm.s32 $0x8;
	s3 =	simm.s32 $0x9F00;
	[tilespmem:s11+$0xFFFFFFE0] =	vst v19;
	(erf) = vpow2.f32 v18;
	v9 =	vadd.f32 $1.000000000e+00, v9;
	v16 =	vpop (erf);
	v17 =	vand.u32 $0xFFFF0000, v10  }
.LBB2_7:
0x465: {  	p0 =	slt.u32 s26, $0x4E;
	v18 =	vpop (erf);
	v19 =	vand.u32 $0xFFFF0000, v15;
	s5 =	smov.u32 s26;
	s26 =	sadd.s32 $0x2, s26  }
0x466: {  	s31 =	sadd.s32 $0x100, s31;
	v21 =	vadd.f32 $1.000000000e+00, v18;
	v20 =	vand.u32 $0xFFFF0000, v14;
	v17 =	vadd.f32 v17, v19  }
0x467: {  	v15 =	vshll.u32 v15, $0x10;
	v10 =	vshll.u32 v10, $0x10;
	v19 =	vand.u32 $0xFFFF0000, v13  }
0x468: {  	v16 =	vadd.f32 $1.000000000e+00, v16;
	(erf) = vrcp.f32 v21;
	v18 =	vpop (erf);
	v21 =	vshll.u32 v14, $0x10  }
0x469: {  	v15 =	vadd.f32 v10, v15;
	v13 =	vshll.u32 v13, $0x10;
	v17 =	vmul.f32 s15, v17;
	[tilespmem:s28+$0xFFFFFFB0] =	vst v18;
	v18 =	vpop (erf)  }
0x46a: {  	s0 =	sadd.s32 $0x2, s0;
	v10 =	vadd.f32 v19, v20;
	v13 =	vadd.f32 v13, v21;
	(erf) = vrcp.f32 v16;
	[tilespmem:s28+$0xFFFFFFA0] =	vst v18;
	v14 =	vpop (erf)  }
0x46b: {  	v15 =	vmul.f32 s15, v15;
	v17 =	vsub.f32 v17, v2;
	v16 =	vld [tilespmem:s14+$0x10];
	v14 =	vadd.f32 $1.000000000e+00, v14  }
0x46c: {  	s6 =	sadd.s32 s5, s2;
	v13 =	vmul.f32 s24, v13;
	v18 =	vld [tilespmem:s0+$0x0];
	v19 =	vpop (erf)  }
0x46d: {  	s5 =	sand.u32 $0x6, s5;
	s6 =	sand.u32 $0x7FF8, s6;
	v15 =	vsub.f32 v15, v3;
	v17 =	vmul.f32 $1.442695020e+00, v17;
	v20 =	vld [tilespmem:s14+$0xFFFFFFE0];
	v21 =	vpop (erf);
	(erf) = vrcp.f32 v14  }
0x46e: {  	s5 =	sor.u32 s5, s6;
	v19 =	vadd.f32 $1.000000000e+00, v19;
	v14 =	vld [tilespmem:s13+$0xFFFFFFE0];
	v21 =	vadd.f32 $1.000000000e+00, v21  }
0x46f: {  	v15 =	vmul.f32 $1.442695020e+00, v15;
	v13 =	vsub.f32 v13, v1;
	(erf) = vpow2.f32 v17  }
0x470: {  	v11 =	vshll.u32 v11, $0x10;
	v17 =	vshll.u32 v16, $0x10;
	(erf) = vrcp.f32 v21  }
0x471: {  	v23 =	vand.u32 $0xFFFF0000, v16;
	v21 =	vld [tilespmem:s5+$0x4E20];
	v22 =	vpop (erf);
	v11 =	vadd.f32 v11, v17;
	(erf) = vpow2.f32 v15  }
0x472: {  	v12 =	vadd.f32 v12, v23;
	v15 =	vshll.u32 v20, $0x10;
	v17 =	vand.u32 $0xFFFF0000, v20  }
0x473: {  	(v2sf) =	vpush v18, $0x0;
	[tilespmem:s31+$0xFFFFFF90] =	vst v22;
	v16 =	vpop (erf);
	v11 =	vmul.f32 s8, v11;
	(erf) = vrcp.f32 v19  }
0x474: {  	v19 =	vshll.u32 v14, $0x10;
	v14 =	vand.u32 $0xFFFF0000, v14;
	v12 =	vmul.f32 s8, v12;
	[tilespmem:s31+$0xFFFFFF80] =	vst v16  }
0x475: {  	v13 =	vmul.f32 $1.442695020e+00, v13;
	v14 =	vadd.f32 v14, v17;
	v18 =	vld [tilespmem:s25+$0xFFFFFFD0];
	v11 =	vsub.f32 v11, v5  }
0x476: {  	v15 =	vadd.f32 v19, v15;
	v12 =	vsub.f32 v12, v4;
	v17 =	vld [tilespmem:s18+$0xFFFFFFD0];
	v16 =	vpop (erf)  }
0x477: {  	v14 =	vmul.f32 s1, v14;
	(v2sf) =	vpush v21, $0x0;
	v11 =	vmul.f32 $1.442695020e+00, v11;
	[tilespmem:s11+$0x70] =	vst v16  }
0x478: {  	v15 =	vmul.f32 s1, v15;
	v12 =	vmul.f32 $1.442695020e+00, v12;
	v16 =	vpop (erf)  }
0x479: {  	v14 =	vsub.f32 v14, v2;
	(erf) = vpow2.f32 v11;
	v11 =	vadd.f32 $1.000000000e+00, v16;
	v16 =	vpop (erf)  }
0x47a: {  	s18 =	sadd.s32 $0x80, s18;
	v15 =	vsub.f32 v15, v3;
	v19 =	vshll.u32 v18, $0x10;
	v18 =	vand.u32 $0xFFFF0000, v18;
	v20 =	vpop (erf);
	[tilespmem:s11+$0xFFFFFFF0] =	vst v16  }
0x47b: {  	s25 =	sadd.s32 $0x80, s25;
	v14 =	vmul.f32 $1.442695020e+00, v14;
	v16 =	vld [tilespmem:s18+$0x0];
	v21 =	vshll.u32 v17, $0x10;
	v17 =	vand.u32 $0xFFFF0000, v17  }
0x47c: {  	v22 =	vld [tilespmem:s25+$0x0];
	v19 =	vadd.f32 v21, v19;
	v17 =	vadd.f32 v17, v18;
	(erf) = vpow2.f32 v12;
	v12 =	vpop (erf)  }
0x47d: {  	v15 =	vmul.f32 $1.442695020e+00, v15;
	v18 =	vadd.f32 $1.000000000e+00, v20;
	(erf) = vrcp.f32 v11;
	[tilespmem:s11+$0x60] =	vst v12;
	s11 =	smov.u32 s12;
	s12 =	smov.u32 s28;
	s28 =	smov.u32 s31  }
0x47e: {  	v11 =	vmul.f32 s21, v19;
	(erf) = vpow2.f32 v13  }
0x47f: {  	v12 =	vmul.f32 s21, v17;
	(erf) = vpow2.f32 v14  }
0x480: {  	v13 =	vld [tilespmem:s25+$0xFFFFFFC0];
	v14 =	vshll.u32 v16, $0x10;
	v11 =	vsub.f32 v11, v5;
	(erf) = vrcp.f32 v18  }
0x481: {  	v12 =	vsub.f32 v12, v4;
	v17 =	vld [tilespmem:s18+$0xFFFFFFC0];
	v18 =	vshll.u32 v22, $0x10;
	v19 =	vand.u32 $0xFFFF0000, v22  }
0x482: {  	v14 =	vadd.f32 v14, v18;
	s5 =	spop (v2sf);
	(erf) = vpow2.f32 v15;
	v15 =	vpop (erf)  }
0x483: {  	v20 =	vmul.f32 $1.442695020e+00, v11;
	v12 =	vmul.f32 $1.442695020e+00, v12;
	s17 =	sxor.u32 $0x80000000, s5;
	v21 =	vadd.f32 $1.000000000e+00, v15  }
0x484: {  	v16 =	vand.u32 $0xFFFF0000, v16;
	v14 =	vmul.f32 s17, v14  }
0x485: {  	v16 =	vadd.f32 v16, v19;
	v18 =	vshll.u32 v13, $0x10;
	(erf) = vpow2.f32 v20;
	v11 =	vpop (erf)  }
0x486: {  	v13 =	vand.u32 $0xFFFF0000, v13;
	v14 =	vsub.f32 v14, v6;
	s5 =	spop (v2sf);
	(erf) = vrcp.f32 v21;
	v15 =	vpop (erf)  }
0x487: {  	v16 =	vmul.f32 s17, v16;
	v19 =	vand.u32 $0xFFFF0000, v17;
	s5 =	sxor.u32 $0x80000000, s5;
	(erf) = vrcp.f32 v8;
	[tilespmem:s11+$0x50] =	vst v15;
	v8 =	vpop (erf)  }
0x488: {  	v15 =	vshll.u32 v17, $0x10;
	v14 =	vmul.f32 $1.442695020e+00, v14;
	v17 =	vpop (erf);
	v8 =	vadd.f32 $1.000000000e+00, v8  }
0x489: {  	v16 =	vsub.f32 v16, v7;
	(erf) = vrcp.f32 v9;
	v9 =	vadd.f32 $1.000000000e+00, v11;
	v11 =	vpop (erf)  }
0x48a: {  	v15 =	vadd.f32 v15, v18;
	v17 =	vadd.f32 $1.000000000e+00, v17;
	[tilespmem:s11+$0x40] =	vst v11;
	(erf) = vrcp.f32 v8  }
0x48b: {  	v8 =	vadd.f32 v19, v13;
	v11 =	vmul.f32 $1.442695020e+00, v16;
	(erf) = vpow2.f32 v12;
	v12 =	vpop (erf);
	v13 =	vld [tilespmem:s22+$0x30];
	s22 =	smov.u32 s14;
	s14 =	smov.u32 s4;
	s4 =	smov.u32 s25  }
0x48c: {  	(erf) = vrcp.f32 v9;
	v9 =	vld [tilespmem:s23+$0x30];
	s23 =	smov.u32 s13;
	s13 =	smov.u32 s3;
	s3 =	smov.u32 s18  }
0x48d: {  	v15 =	vmul.f32 s5, v15;
	v18 =	vadd.f32 $1.000000000e+00, v12;
	(erf) = vpow2.f32 v14  }
0x48e: {  	v8 =	vmul.f32 s5, v8;
	v14 =	vpop (erf);
	(erf) = vrcp.f32 v17  }
0x48f: {  	v15 =	vsub.f32 v15, v6;
	(erf) = vrcp.f32 v18;
	v12 =	vpop (erf)  }
0x490: {  	v8 =	vsub.f32 v8, v7;
	v16 =	vpop (erf);
	[tilespmem:s12+$0x20] =	vst v12;
	v12 =	vshll.u32 v13, $0x10  }
0x491: {  	v19 =	vmul.f32 $1.442695020e+00, v15;
	v13 =	vand.u32 $0xFFFF0000, v13;
	v18 =	vand.u32 $0xFFFF0000, v9  }
0x492: {  	v14 =	vadd.f32 $1.000000000e+00, v14;
	(erf) = vpow2.f32 v11;
	v11 =	vpop (erf);
	v18 =	vadd.f32 v18, v13  }
0x493: {  	v20 =	vmul.f32 $1.442695020e+00, v8;
	v9 =	vshll.u32 v9, $0x10;
	v17 =	vpop (erf)  }
0x494: {  	v9 =	vadd.f32 v9, v12;
	(erf) = vpow2.f32 v19;
	v15 =	vpop (erf);
	[tilespmem:s11+$0xFFFFFFE0] =	vst v17;
	v12 =	vmul.f32 s15, v18  }
0x495: {  	(erf) = vpow2.f32 v20;
	[tilespmem:s31+$0x0] =	vst v16;
	v13 =	vpop (erf)  }
0x496: {  	v9 =	vmul.f32 s15, v9;
	s15 =	smov.u32 s8;
	s8 =	smov.u32 s20;
	s20 =	smov.u32 s17;
	v15 =	vadd.f32 $1.000000000e+00, v15;
	v8 =	vpop (erf);
	[tilespmem:s31+$0x10] =	vst v11;
	v12 =	vsub.f32 v12, v0  }
0x497: {  	v16 =	vmul.f32 s24, v10;
	s24 =	smov.u32 s1;
	s1 =	smov.u32 s21;
	s21 =	smov.u32 s5;
	v8 =	vadd.f32 $1.000000000e+00, v8;
	v11 =	vld [tilespmem:s13+$0x10];
	[tilespmem:s12+$0x30] =	vst v13;
	v13 =	vpop (erf)  }
0x498: {  	v18 =	vsub.f32 v9, v1;
	(erf) = vrcp.f32 v15;
	[tilespmem:s12+$0xFFFFFFD0] =	vst v13;
	v10 =	vld [tilespmem:s23+$0x20];
	v13 =	vpop (erf);
	v12 =	vmul.f32 $1.442695020e+00, v12  }
.Ltmp2:
0x499: {  	v16 =	vsub.f32 v16, v0;
	(erf) = vrcp.f32 v14;
	[tilespmem:s12+$0xFFFFFFC0] =	vst v13;
	v15 =	vld [tilespmem:s22+$0x20];
	(pc) =	sbr.rel @p0 .LBB2_7-.Ltmp2, $4  }
0x49a: {  	v17 =	vmul.f32 $1.442695020e+00, v18;
	v14 =	vld [tilespmem:s22+$0xFFFFFFF0];
	(erf) = vpow2.f32 v12  }
0x49b: {  	v18 =	vmul.f32 $1.442695020e+00, v16;
	v9 =	vpop (erf);
	v13 =	vld [tilespmem:s23+$0xFFFFFFF0]  }
0x49c: {  	v9 =	vadd.f32 $1.000000000e+00, v9;
	(erf) = vpow2.f32 v17  }
0x49d: {  	v12 =	vand.u32 $0xFFFF0000, v11;
	v16 =	vpop (erf);
	v17 =	vand.u32 $0xFFFF0000, v10;
	(erf) = vpow2.f32 v18  }
0x49e: {  	v18 =	vand.u32 $0xFFFF0000, v15;
	v19 =	vpop (erf);
	v15 =	vshll.u32 v15, $0x10  }
0x49f: {  	v10 =	vshll.u32 v10, $0x10;
	v17 =	vadd.f32 v17, v18;
	v18 =	vadd.f32 $1.000000000e+00, v19  }
0x4a0: {  	v10 =	vadd.f32 v10, v15  }
0x4a1: {  	v16 =	vadd.f32 $1.000000000e+00, v16;
	v17 =	vmul.f32 s15, v17  }
0x4a2: {  	v19 =	vpop (erf);
	(erf) = vrcp.f32 v18;
	v10 =	vmul.f32 s15, v10  }
0x4a3: {  	(erf) = vrcp.f32 v16;
	v16 =	vld [tilespmem:s14+$0x10];
	v18 =	vpop (erf)  }
0x4a4: {  	v17 =	vsub.f32 v17, v2;
	v10 =	vsub.f32 v10, v3;
	v15 =	vpop (erf)  }
0x4a5: {  	v20 =	vshll.u32 v13, $0x10;
	[tilespmem:s28+$0xFFFFFFA0] =	vst v18;
	v15 =	vadd.f32 $1.000000000e+00, v15;
	v18 =	vpop (erf)  }
0x4a6: {  	[tilespmem:s28+$0xFFFFFFB0] =	vst v19;
	v19 =	vshll.u32 v14, $0x10;
	v17 =	vmul.f32 $1.442695020e+00, v17;
	v10 =	vmul.f32 $1.442695020e+00, v10;
	v22 =	vpop (erf)  }
0x4a7: {  	v21 =	vld [tilespmem:s14+$0xFFFFFFE0];
	(erf) = vrcp.f32 v15;
	v15 =	vadd.f32 v20, v19;
	v32 =	vadd.f32 $1.000000000e+00, v22  }
0x4a8: {  	v19 =	vld [tilespmem:s13+$0xFFFFFFE0];
	(erf) = vpow2.f32 v17;
	v17 =	vshll.u32 v16, $0x10;
	v16 =	vand.u32 $0xFFFF0000, v16  }
0x4a9: {  	v11 =	vshll.u32 v11, $0x10;
	(erf) = vrcp.f32 v32  }
0x4aa: {  	v11 =	vadd.f32 v11, v17;
	(erf) = vpow2.f32 v10;
	v10 =	vadd.f32 v12, v16  }
0x4ab: {  	s0 =	sadd.s32 $0x100, s31;
	v12 =	vmul.f32 s24, v15;
	v16 =	vpop (erf)  }
0x4ac: {  	v11 =	vmul.f32 s8, v11;
	[tilespmem:s0+$0xFFFFFF90] =	vst v16;
	v16 =	vpop (erf);
	v10 =	vmul.f32 s8, v10  }
0x4ad: {  	v15 =	vadd.f32 $1.000000000e+00, v18;
	v17 =	vand.u32 $0xFFFF0000, v21;
	v18 =	vand.u32 $0xFFFF0000, v19;
	[tilespmem:s0+$0xFFFFFF80] =	vst v16  }
0x4ae: {  	v16 =	vadd.f32 v18, v17;
	v11 =	vsub.f32 v11, v5;
	v17 =	vld [tilespmem:s25+$0xFFFFFFD0]  }
0x4af: {  	v33 =	vshll.u32 v21, $0x10;
	v18 =	vsub.f32 v10, v4;
	v34 =	vld [tilespmem:s18+$0xFFFFFFD0]  }
0x4b0: {  	v12 =	vsub.f32 v12, v1;
	(erf) = vrcp.f32 v15;
	v11 =	vmul.f32 $1.442695020e+00, v11;
	v10 =	vpop (erf)  }
0x4b1: {  	v15 =	vshll.u32 v19, $0x10;
	v16 =	vmul.f32 s1, v16;
	v18 =	vmul.f32 $1.442695020e+00, v18;
	v19 =	vpop (erf)  }
0x4b2: {  	v15 =	vadd.f32 v15, v33;
	(erf) = vpow2.f32 v11;
	v19 =	vadd.f32 $1.000000000e+00, v19  }
0x4b3: {  	v12 =	vmul.f32 $1.442695020e+00, v12;
	v16 =	vsub.f32 v16, v2;
	(erf) = vpow2.f32 v18  }
0x4b4: {  	v11 =	vpop (erf);
	v18 =	vshll.u32 v17, $0x10;
	(erf) = vrcp.f32 v19;
	v19 =	vshll.u32 v34, $0x10  }
0x4b5: {  	v16 =	vmul.f32 $1.442695020e+00, v16;
	v35 =	vpop (erf);
	(erf) = vpow2.f32 v12;
	v12 =	vadd.f32 v19, v18  }
0x4b6: {  	v15 =	vmul.f32 s1, v15;
	v20 =	vadd.f32 $1.000000000e+00, v35  }
0x4b7: {  	(erf) = vpow2.f32 v16;
	v16 =	vmul.f32 s21, v12  }
0x4b8: {  	v15 =	vsub.f32 v15, v3;
	v18 =	vand.u32 $0xFFFF0000, v34;
	(erf) = vrcp.f32 v20  }
0x4b9: {  	v16 =	vsub.f32 v16, v5  }
0x4ba: {  	v17 =	vand.u32 $0xFFFF0000, v17;
	v15 =	vmul.f32 $1.442695020e+00, v15;
	v12 =	vpop (erf)  }
0x4bb: {  	v17 =	vadd.f32 v18, v17;
	v18 =	vpop (erf);
	v16 =	vmul.f32 $1.442695020e+00, v16  }
0x4bc: {  	(erf) = vpow2.f32 v15;
	v15 =	vadd.f32 $1.000000000e+00, v18  }
0x4bd: {  	v17 =	vmul.f32 s21, v17;
	v19 =	vpop (erf)  }
0x4be: {  	v18 =	vpop (erf);
	(erf) = vpow2.f32 v16  }
0x4bf: {  	v17 =	vsub.f32 v17, v4;
	(erf) = vrcp.f32 v15;
	v16 =	vpop (erf)  }
0x4c0: {  	(erf) = vrcp.f32 v8;
	v15 =	vpop (erf);
	v8 =	vadd.f32 $1.000000000e+00, v16  }
0x4c1: {  	v17 =	vmul.f32 $1.442695020e+00, v17;
	[tilespmem:s12+$0x50] =	vst v18;
	(erf) = vrcp.f32 v9;
	v16 =	vpop (erf)  }
0x4c2: {  	v9 =	vadd.f32 $1.000000000e+00, v19;
	[tilespmem:s12+$0x40] =	vst v16;
	(erf) = vrcp.f32 v8  }
0x4c3: {  	v8 =	vld [tilespmem:s22+$0x30];
	(erf) = vpow2.f32 v17  }
0x4c4: {  	v16 =	vld [tilespmem:s23+$0x30]  }
0x4c5: {  	(erf) = vrcp.f32 v9  }
0x4c6: {  	v9 =	vpop (erf)  }
0x4c7: {  	v13 =	vand.u32 $0xFFFF0000, v13;
	v14 =	vand.u32 $0xFFFF0000, v14;
	v17 =	vpop (erf)  }
0x4c8: {  	v13 =	vadd.f32 v13, v14;
	v18 =	vpop (erf)  }
0x4c9: {  	v15 =	vadd.f32 $1.000000000e+00, v15;
	v19 =	vand.u32 $0xFFFF0000, v8;
	v36 =	vand.u32 $0xFFFF0000, v16;
	v37 =	vpop (erf)  }
0x4ca: {  	v38 =	vshll.u32 v8, $0x10;
	v16 =	vshll.u32 v16, $0x10;
	v19 =	vadd.f32 v36, v19;
	v39 =	vpop (erf)  }
0x4cb: {  	v16 =	vadd.f32 v16, v38;
	v8 =	vpop (erf)  }
0x4cc: {  	v13 =	vmul.f32 s24, v13;
	v9 =	vadd.f32 $1.000000000e+00, v9;
	v19 =	vmul.f32 s15, v19;
	v14 =	vpop (erf)  }
0x4cd: {  	(erf) = vrcp.f32 v15;
	v16 =	vmul.f32 s15, v16;
	v14 =	vadd.f32 $1.000000000e+00, v14  }
0x4ce: {  	[tilespmem:s28+$0x20] =	vst v18;
	(erf) = vrcp.f32 v9;
	v9 =	vadd.f32 $1.000000000e+00, v17;
	v15 =	vpop (erf);
	v18 =	vsub.f32 v19, v0  }
0x4cf: {  	[tilespmem:s28+$0x30] =	vst v15;
	v15 =	vsub.f32 v16, v1;
	(erf) = vrcp.f32 v14  }
0x4d0: {  	v13 =	vsub.f32 v13, v0;
	v16 =	vmul.f32 $1.442695020e+00, v18;
	(erf) = vrcp.f32 v9;
	v9 =	vld [tilespmem:s14+$0x20]  }
0x4d1: {  	v14 =	vld [tilespmem:s13+$0x20];
	v15 =	vmul.f32 $1.442695020e+00, v15  }
0x4d2: {  	v13 =	vmul.f32 $1.442695020e+00, v13;
	(erf) = vpow2.f32 v16  }
0x4d3: {  	(erf) = vpow2.f32 v15  }
0x4d4: {  	(erf) = vpow2.f32 v13  }
0x4d5: {  	v15 =	vand.u32 $0xFFFF0000, v9  }
0x4d6: {  	[tilespmem:s0+$0x0] =	vst v37;
	v13 =	vand.u32 $0xFFFF0000, v14  }
0x4d7: {  	[tilespmem:s0+$0x10] =	vst v39;
	v16 =	vpop (erf);
	v14 =	vshll.u32 v14, $0x10;
	v9 =	vshll.u32 v9, $0x10;
	v13 =	vadd.f32 v13, v15  }
0x4d8: {  	[tilespmem:s28+$0xFFFFFFD0] =	vst v16;
	v16 =	vld [tilespmem:s3+$0x10];
	v9 =	vadd.f32 v14, v9;
	v15 =	vpop (erf)  }
0x4d9: {  	v19 =	vld [tilespmem:s4+$0x10];
	v13 =	vmul.f32 s8, v13;
	[tilespmem:s28+$0xFFFFFFC0] =	vst v15;
	v15 =	vpop (erf)  }
0x4da: {  	v9 =	vmul.f32 s8, v9;
	v17 =	vld [tilespmem:s14+$0xFFFFFFF0];
	v18 =	vpop (erf)  }
0x4db: {  	v13 =	vsub.f32 v13, v2;
	[tilespmem:s0+$0xFFFFFFB0] =	vst v15;
	v14 =	vpop (erf)  }
0x4dc: {  	v15 =	vld [tilespmem:s13+$0xFFFFFFF0];
	v9 =	vsub.f32 v9, v3;
	[tilespmem:s0+$0xFFFFFFA0] =	vst v18;
	v14 =	vadd.f32 $1.000000000e+00, v14;
	v18 =	vpop (erf)  }
0x4dd: {  	v40 =	vand.u32 $0xFFFF0000, v16;
	v16 =	vshll.u32 v16, $0x10;
	v13 =	vmul.f32 $1.442695020e+00, v13;
	v41 =	vld [tilespmem:s4+$0xFFFFFFE0];
	v42 =	vpop (erf)  }
0x4de: {  	v23 =	vld [tilespmem:s3+$0xFFFFFFE0];
	v9 =	vmul.f32 $1.442695020e+00, v9;
	(erf) = vrcp.f32 v14;
	v22 =	vadd.f32 $1.000000000e+00, v42  }
0x4df: {  	v14 =	vshll.u32 v17, $0x10;
	(erf) = vpow2.f32 v13;
	v13 =	vshll.u32 v19, $0x10  }
0x4e0: {  	v19 =	vand.u32 $0xFFFF0000, v19;
	(erf) = vrcp.f32 v22;
	v13 =	vadd.f32 v16, v13  }
0x4e1: {  	v16 =	vshll.u32 v15, $0x10;
	(erf) = vpow2.f32 v9;
	v9 =	vadd.f32 v40, v19  }
0x4e2: {  	v14 =	vadd.f32 v16, v14;
	v16 =	vand.u32 $0xFFFF0000, v41  }
0x4e3: {  	v19 =	vand.u32 $0xFFFF0000, v23;
	v13 =	vmul.f32 s20, v13;
	v9 =	vmul.f32 s20, v9  }
0x4e4: {  	v18 =	vadd.f32 $1.000000000e+00, v18;
	v16 =	vadd.f32 v19, v16  }
0x4e5: {  	v13 =	vsub.f32 v13, v5;
	v19 =	vsub.f32 v9, v4  }
0x4e6: {  	(erf) = vrcp.f32 v18  }
0x4e7: {  	v14 =	vmul.f32 s1, v14;
	v13 =	vmul.f32 $1.442695020e+00, v13  }
0x4e8: {  	v16 =	vmul.f32 s21, v16;
	v9 =	vpop (erf);
	v18 =	vmul.f32 $1.442695020e+00, v19  }
0x4e9: {  	v14 =	vsub.f32 v14, v1;
	v19 =	vpop (erf)  }
0x4ea: {  	v16 =	vsub.f32 v16, v2;
	(erf) = vpow2.f32 v13;
	v19 =	vadd.f32 $1.000000000e+00, v19  }
0x4eb: {  	v14 =	vmul.f32 $1.442695020e+00, v14;
	(erf) = vpow2.f32 v18;
	v13 =	vpop (erf)  }
0x4ec: {  	v16 =	vmul.f32 $1.442695020e+00, v16;
	v18 =	vpop (erf);
	(erf) = vrcp.f32 v19  }
0x4ed: {  	v18 =	vadd.f32 $1.000000000e+00, v18;
	(erf) = vpow2.f32 v14  }
0x4ee: {  	(erf) = vpow2.f32 v16  }
0x4ef: {  	v14 =	vshll.u32 v41, $0x10;
	(erf) = vrcp.f32 v18  }
0x4f0: {  	v16 =	vshll.u32 v23, $0x10  }
0x4f1: {  	v16 =	vadd.f32 v16, v14  }
0x4f2: {  	v14 =	vpop (erf)  }
0x4f3: {  	v16 =	vmul.f32 s21, v16;
	v18 =	vpop (erf)  }
0x4f4: {  	v19 =	vpop (erf)  }
0x4f5: {  	v16 =	vsub.f32 v16, v3;
	v43 =	vpop (erf)  }
0x4f6: {  	v44 =	vpop (erf)  }
0x4f7: {  	v16 =	vmul.f32 $1.442695020e+00, v16;
	v45 =	vpop (erf)  }
0x4f8: {  	v18 =	vadd.f32 $1.000000000e+00, v18;
	[tilespmem:s28+$0x50] =	vst v43;
	v46 =	vpop (erf)  }
0x4f9: {  	(erf) = vpow2.f32 v16;
	v16 =	vadd.f32 $1.000000000e+00, v44;
	[tilespmem:s28+$0x40] =	vst v46  }
0x4fa: {  	(erf) = vrcp.f32 v18;
	v18 =	vadd.f32 $1.000000000e+00, v19;
	v19 =	vld [tilespmem:s14+$0x30]  }
0x4fb: {  	(erf) = vrcp.f32 v16;
	v16 =	vld [tilespmem:s13+$0x30]  }
0x4fc: {  	(erf) = vrcp.f32 v18;
	_ =	sdelay $0x3  }
0x4fd: {  	v17 =	vand.u32 $0xFFFF0000, v17;
	v18 =	vand.u32 $0xFFFF0000, v19;
	v47 =	vand.u32 $0xFFFF0000, v16  }
0x4fe: {  	v19 =	vshll.u32 v19, $0x10;
	v16 =	vshll.u32 v16, $0x10;
	v18 =	vadd.f32 v47, v18  }
0x4ff: {  	v15 =	vand.u32 $0xFFFF0000, v15;
	v48 =	vpop (erf);
	v16 =	vadd.f32 v16, v19  }
0x500: {  	v15 =	vadd.f32 v15, v17;
	v17 =	vpop (erf);
	v18 =	vmul.f32 s8, v18  }
0x501: {  	v19 =	vpop (erf);
	v16 =	vmul.f32 s8, v16  }
0x502: {  	v15 =	vmul.f32 s1, v15;
	v49 =	vadd.f32 $1.000000000e+00, v45;
	[tilespmem:s0+$0x20] =	vst v17;
	v17 =	vpop (erf);
	v18 =	vsub.f32 v18, v0  }
0x503: {  	v20 =	vadd.f32 $1.000000000e+00, v48;
	[tilespmem:s0+$0x30] =	vst v17;
	v16 =	vsub.f32 v16, v1  }
0x504: {  	v15 =	vsub.f32 v15, v0;
	(erf) = vrcp.f32 v49;
	v17 =	vld [tilespmem:s3+$0x20];
	v18 =	vmul.f32 $1.442695020e+00, v18  }
0x505: {  	(erf) = vrcp.f32 v20;
	v50 =	vld [tilespmem:s4+$0x20];
	v16 =	vmul.f32 $1.442695020e+00, v16  }
0x506: {  	v15 =	vmul.f32 $1.442695020e+00, v15;
	(erf) = vpow2.f32 v18  }
0x507: {  	(erf) = vpow2.f32 v16  }
0x508: {  	(erf) = vpow2.f32 v15;
	_ =	sdelay $0x1  }
0x509: {  	v15 =	vand.u32 $0xFFFF0000, v17;
	v16 =	vand.u32 $0xFFFF0000, v50  }
0x50a: {  	v17 =	vshll.u32 v17, $0x10;
	v15 =	vadd.f32 v15, v16  }
0x50b: {  	v16 =	vshll.u32 v50, $0x10  }
0x50c: {  	v18 =	vpop (erf);
	v16 =	vadd.f32 v17, v16;
	v15 =	vmul.f32 s20, v15  }
0x50d: {  	v17 =	vpop (erf)  }
0x50e: {  	[tilespmem:s0+$0xFFFFFFD0] =	vst v18;
	v16 =	vmul.f32 s20, v16;
	v15 =	vsub.f32 v15, v2;
	v18 =	vpop (erf)  }
0x50f: {  	[tilespmem:s0+$0xFFFFFFC0] =	vst v17;
	v17 =	vadd.f32 $1.000000000e+00, v18;
	v18 =	vpop (erf)  }
0x510: {  	v51 =	vld [tilespmem:s4+$0xFFFFFFF0];
	v16 =	vsub.f32 v16, v3;
	v15 =	vmul.f32 $1.442695020e+00, v15;
	v52 =	vpop (erf)  }
0x511: {  	v53 =	vld [tilespmem:s3+$0xFFFFFFF0];
	(erf) = vrcp.f32 v17;
	v17 =	vadd.f32 $1.000000000e+00, v52  }
0x512: {  	v16 =	vmul.f32 $1.442695020e+00, v16;
	(erf) = vpow2.f32 v15  }
0x513: {  	(erf) = vrcp.f32 v17  }
0x514: {  	(erf) = vpow2.f32 v16;
	_ =	sdelay $0x1  }
0x515: {  	v15 =	vshll.u32 v51, $0x10;
	v16 =	vshll.u32 v53, $0x10  }
0x516: {  	v15 =	vadd.f32 v16, v15;
	_ =	sdelay $0x1  }
0x517: {  	v17 =	vadd.f32 $1.000000000e+00, v18;
	v15 =	vmul.f32 s21, v15  }
0x518: {  	v16 =	vpop (erf)  }
0x519: {  	v15 =	vsub.f32 v15, v1;
	v18 =	vpop (erf)  }
0x51a: {  	v18 =	vadd.f32 $1.000000000e+00, v18;
	v54 =	vpop (erf)  }
0x51b: {  	(erf) = vrcp.f32 v17;
	v15 =	vmul.f32 $1.442695020e+00, v15;
	v17 =	vpop (erf)  }
0x51c: {  	v17 =	vadd.f32 $1.000000000e+00, v17;
	(erf) = vrcp.f32 v18  }
0x51d: {  	(erf) = vpow2.f32 v15  }
0x51e: {  	(erf) = vrcp.f32 v17;
	_ =	sdelay $0x5  }
0x51f: {  	v15 =	vpop (erf)  }
0x520: {  	v17 =	vpop (erf)  }
0x521: {  	v18 =	vpop (erf)  }
0x522: {  	[tilespmem:s0+$0x50] =	vst v17;
	v17 =	vpop (erf)  }
0x523: {  	[tilespmem:s0+$0x40] =	vst v17  }
0x524: {  	v17 =	vld [tilespmem:s4+$0x30]  }
0x525: {  	v55 =	vld [tilespmem:s3+$0x30];
	_ =	sdelay $0x4  }
0x526: {  	v24 =	vand.u32 $0xFFFF0000, v17;
	v25 =	vand.u32 $0xFFFF0000, v55  }
0x527: {  	v17 =	vshll.u32 v17, $0x10;
	v23 =	vshll.u32 v55, $0x10;
	v24 =	vadd.f32 v25, v24  }
0x528: {  	v20 =	vand.u32 $0xFFFF0000, v51;
	v22 =	vand.u32 $0xFFFF0000, v53;
	v17 =	vadd.f32 v23, v17  }
0x529: {  	v20 =	vadd.f32 v22, v20;
	v56 =	vmul.f32 s20, v24  }
0x52a: {  	v17 =	vmul.f32 s20, v17  }
0x52b: {  	v20 =	vmul.f32 s21, v20;
	v22 =	vsub.f32 v56, v0  }
0x52c: {  	v18 =	vadd.f32 $1.000000000e+00, v18;
	v17 =	vsub.f32 v17, v1  }
0x52d: {  	v20 =	vsub.f32 v20, v0;
	v22 =	vmul.f32 $1.442695020e+00, v22  }
0x52e: {  	(erf) = vrcp.f32 v18;
	v17 =	vmul.f32 $1.442695020e+00, v17  }
0x52f: {  	v18 =	vmul.f32 $1.442695020e+00, v20;
	(erf) = vpow2.f32 v22  }
0x530: {  	(erf) = vpow2.f32 v17  }
0x531: {  	(erf) = vpow2.f32 v18;
	_ =	sdelay $0x5  }
0x532: {  	v17 =	vpop (erf)  }
0x533: {  	[tilespmem:s11+$0x70] =	vst v10;
	v18 =	vpop (erf)  }
0x534: {  	[tilespmem:s11+$0xFFFFFFF0] =	vst v11;
	v57 =	vpop (erf)  }
0x535: {  	[tilespmem:s11+$0x60] =	vst v12;
	v10 =	vadd.f32 $1.000000000e+00, v18;
	v18 =	vpop (erf)  }
0x536: {  	[tilespmem:s12+$0xFFFFFFE0] =	vst v8;
	v11 =	vadd.f32 $1.000000000e+00, v18  }
0x537: {  	[tilespmem:s12+$0x70] =	vst v9;
	(erf) = vrcp.f32 v10;
	v10 =	vadd.f32 $1.000000000e+00, v57  }
0x538: {  	[tilespmem:s12+$0xFFFFFFF0] =	vst v13;
	(erf) = vrcp.f32 v11  }
0x539: {  	[tilespmem:s12+$0x60] =	vst v14;
	(erf) = vrcp.f32 v10  }
0x53a: {  	[tilespmem:s28+$0xFFFFFFE0] =	vst v19  }
0x53b: {  	[tilespmem:s28+$0x70] =	vst v16  }
0x53c: {  	[tilespmem:s28+$0xFFFFFFF0] =	vst v54  }
0x53d: {  	[tilespmem:s28+$0x60] =	vst v15  }
0x53e: {  	[tilespmem:s0+$0xFFFFFFE0] =	vst v17  }
0x53f: {  	s20 =	rddreg [dreg:$0x4]  }
0x540: {  	s1 =	sadd.s32 s20, s10;
	v8 =	vpop (erf)  }
0x541: {  	s1 =	sshll.u32 s1, $0x4;
	[tilespmem:s0+$0x70] =	vst v8;
	v8 =	vpop (erf)  }
0x542: {  	s21 =	rddreg [dreg:$0x2];
	s1 =	sand.u32 $0x1FFFFF00, s1;
	[tilespmem:s0+$0xFFFFFFF0] =	vst v8;
	v8 =	vpop (erf)  }
0x543: {  	s22 =	simm.s32 $0x0;
	s23 =	simm.s32 $0xC540;
	[tilespmem:s0+$0x60] =	vst v8;
	s0 =	sadd.s32 s21, s1  }
0x544: {  	[hbm4b:s0+s22] =	stream.linear.scatter [tilespmem:s23], [sflag:$0x5], $0x2800, $0x38;
	[tilespmem:$0x115C0] =	vst v63  }
0x545: {  	s26 =	simm.s32 $0x7540;
	s24 =	sadd.s32 $0xA0, s10;
	s25 =	rddreg [dreg:$0x5]  }
0x546: {  	[tilespmem:s26], [sflag:$0x1] =	stream.indirect.gather [hbm4b:s25+s19], $0x40, s24, s19, $0xb8;
	[tilespmem:$0x115C0] =	vst v63  }
0x547: {  	s5 =	simm.s32 $0x2;
	s3 =	sadd.s32 $0x27B0, s10;
	s4 =	simm.s32 $0x9D40  }
0x548: {  	[tilespmem:s4], [sflag:$0x3] =	stream.indirect.gather [hbm4b:s7+s19], $0x40, s3, s19, $0xb8;
	[tilespmem:$0x115C0] =	vst v63  }
0x549: {  	_ =	swait.ge [sflag:s5], $0x1400  }
0x54a: {  	[sflag:s5] =	ssyncset.done $0x0  }
0x54b: {  	s6 =	simm.s32 $0x4;
	[sflag:s5] =	ssyncadd.s32 $0xFFFFEC00  }
0x54c: {  	_ =	swait.ge [sflag:s6], $0x1400  }
0x54d: {  	[sflag:s6] =	ssyncset.done $0x0  }
0x54e: {  	s8 =	simm.s32 $0x6;
	[sflag:s6] =	ssyncadd.s32 $0xFFFFEC00  }
0x54f: {  	_ =	swait.ge [sflag:s8], $0x2800  }
0x550: {  	[sflag:s8] =	ssyncset.done $0x0  }
0x551: {  	s11 =	sadd.s32 $0x0, s29;
	[sflag:s8] =	ssyncadd.s32 $0xFFFFD800  }
0x552: {  	s1 =	sand.u32 $0x6, s22;
	s0 =	sand.u32 $0xFFF8, s11;
	v8 =	vld [tilespmem:s9+$0x0]  }
0x553: {  	s0 =	sor.u32 s1, s0  }
0x554: {  	v9 =	vld [tilespmem:s0+$0x4E20];
	_ =	sdelay $0x2  }
0x555: {  	(v2sf) =	vpush v8, $0x0;
	_ =	sdelay $0x1  }
0x556: {  	(v2sf) =	vpush v9, $0x0;
	_ =	sdelay $0x4  }
0x557: {  	s28 =	simm.s32 $0xB180  }
0x558: {  	s31 =	simm.s32 $0x8980;
	v8 =	vld [tilespmem:s28+$0x0]  }
0x559: {  	v9 =	vld [tilespmem:s31+$0x0]  }
0x55a: {  	v10 =	vld [tilespmem:s31+$0xFFFFFFC0]  }
0x55b: {  	v11 =	vld [tilespmem:s28+$0xFFFFFFC0];
	_ =	sdelay $0x2  }
0x55c: {  	v12 =	vshll.u32 v8, $0x10;
	v8 =	vand.u32 $0xFFFF0000, v8;
	v13 =	vshll.u32 v9, $0x10  }
0x55d: {  	v9 =	vand.u32 $0xFFFF0000, v9;
	v12 =	vadd.f32 v12, v13;
	v13 =	vshll.u32 v10, $0x10;
	s12 =	spop (v2sf)  }
0x55e: {  	v8 =	vadd.f32 v8, v9;
	v9 =	vshll.u32 v11, $0x10;
	v10 =	vand.u32 $0xFFFF0000, v10;
	s3 =	sxor.u32 $0x80000000, s12  }
0x55f: {  	v11 =	vand.u32 $0xFFFF0000, v11;
	v9 =	vadd.f32 v9, v13;
	s13 =	spop (v2sf);
	v12 =	vmul.f32 s3, v12  }
0x560: {  	v10 =	vadd.f32 v11, v10;
	s4 =	sxor.u32 $0x80000000, s13;
	v8 =	vmul.f32 s3, v8  }
0x561: {  	v9 =	vmul.f32 s4, v9;
	v11 =	vsub.f32 v12, v6  }
0x562: {  	v10 =	vmul.f32 s4, v10;
	v8 =	vsub.f32 v8, v7  }
0x563: {  	v9 =	vsub.f32 v9, v6;
	v11 =	vmul.f32 $1.442695020e+00, v11  }
0x564: {  	v10 =	vsub.f32 v10, v7;
	v8 =	vmul.f32 $1.442695020e+00, v8  }
0x565: {  	v9 =	vmul.f32 $1.442695020e+00, v9;
	(erf) = vpow2.f32 v11  }
0x566: {  	(erf) = vpow2.f32 v8;
	v8 =	vmul.f32 $1.442695020e+00, v10  }
0x567: {  	(erf) = vpow2.f32 v9  }
0x568: {  	(erf) = vpow2.f32 v8;
	_ =	sdelay $0x5  }
0x569: {  	v8 =	vpop (erf)  }
0x56a: {  	v9 =	vpop (erf)  }
0x56b: {  	v10 =	vpop (erf)  }
0x56c: {  	v11 =	vpop (erf)  }
0x56d: {  	v11 =	vadd.f32 $1.000000000e+00, v11  }
0x56e: {  	v10 =	vadd.f32 $1.000000000e+00, v10  }
0x56f: {  	(erf) = vrcp.f32 v11  }
0x570: {  	(erf) = vrcp.f32 v10;
	_ =	sdelay $0x1  }
0x571: {  	s14 =	sadd.s32 $0x2, s9  }
0x572: {  	v10 =	vld [tilespmem:s14+$0x0]  }
0x573: {  	s17 =	simm.s32 $0x2;
	s5 =	sadd.s32 $0x2, s29  }
0x574: {  	s1 =	sand.u32 $0x6, s17;
	s5 =	sand.u32 $0xFFF8, s5  }
0x575: {  	s1 =	sor.u32 s1, s5  }
0x576: {  	v11 =	vld [tilespmem:s1+$0x4E20]  }
0x577: {  	s11 =	simm.s32 $0xEDC0;
	(v2sf) =	vpush v10, $0x0;
	v12 =	vpop (erf)  }
0x578: {  	[tilespmem:s11+$0xFFFFFF90] =	vst v12;
	v10 =	vpop (erf)  }
0x579: {  	[tilespmem:s11+$0xFFFFFF80] =	vst v10  }
0x57a: {  	v10 =	vld [tilespmem:s31+$0xFFFFFFD0]  }
0x57b: {  	(v2sf) =	vpush v11, $0x0;
	v12 =	vld [tilespmem:s28+$0xFFFFFFD0];
	_ =	sdelay $0x2  }
0x57c: {  	s22 =	simm.s32 $0x8A00  }
0x57d: {  	s23 =	simm.s32 $0xB200;
	v15 =	vld [tilespmem:s22+$0x0]  }
0x57e: {  	v13 =	vld [tilespmem:s23+$0x0];
	v11 =	vshll.u32 v10, $0x10;
	v14 =	vshll.u32 v12, $0x10  }
0x57f: {  	v11 =	vadd.f32 v14, v11;
	_ =	sdelay $0x1  }
0x580: {  	v16 =	vld [tilespmem:s23+$0xFFFFFFC0];
	v10 =	vand.u32 $0xFFFF0000, v10;
	v12 =	vand.u32 $0xFFFF0000, v12;
	v11 =	vmul.f32 s4, v11  }
0x581: {  	v17 =	vshll.u32 v15, $0x10;
	v15 =	vand.u32 $0xFFFF0000, v15;
	v10 =	vadd.f32 v12, v10;
	v12 =	vld [tilespmem:s22+$0xFFFFFFC0]  }
0x582: {  	v8 =	vadd.f32 $1.000000000e+00, v8;
	v14 =	vshll.u32 v13, $0x10;
	v11 =	vsub.f32 v11, v5  }
0x583: {  	v13 =	vand.u32 $0xFFFF0000, v13;
	v14 =	vadd.f32 v14, v17;
	v10 =	vmul.f32 s4, v10;
	s18 =	spop (v2sf)  }
0x584: {  	v9 =	vadd.f32 $1.000000000e+00, v9;
	v13 =	vadd.f32 v13, v15;
	s15 =	sxor.u32 $0x80000000, s18;
	v11 =	vmul.f32 $1.442695020e+00, v11  }
0x585: {  	v15 =	vand.u32 $0xFFFF0000, v16;
	v10 =	vsub.f32 v10, v4;
	v14 =	vmul.f32 s15, v14  }
0x586: {  	v17 =	vshll.u32 v12, $0x10;
	(erf) = vpow2.f32 v11;
	v11 =	vshll.u32 v16, $0x10  }
0x587: {  	s20 =	spop (v2sf);
	v12 =	vand.u32 $0xFFFF0000, v12;
	v13 =	vmul.f32 s15, v13;
	v11 =	vadd.f32 v11, v17  }
0x588: {  	s24 =	sxor.u32 $0x80000000, s20;
	v10 =	vmul.f32 $1.442695020e+00, v10;
	(erf) = vrcp.f32 v8;
	v8 =	vadd.f32 v15, v12  }
0x589: {  	(erf) = vrcp.f32 v9;
	v9 =	vmul.f32 s24, v11  }
0x58a: {  	v12 =	vsub.f32 v14, v6;
	v8 =	vmul.f32 s24, v8  }
0x58b: {  	v11 =	vsub.f32 v13, v7;
	(erf) = vpow2.f32 v10;
	v9 =	vsub.f32 v9, v6  }
0x58c: {  	v10 =	vmul.f32 $1.442695020e+00, v12;
	v8 =	vsub.f32 v8, v7  }
0x58d: {  	v11 =	vmul.f32 $1.442695020e+00, v11;
	v9 =	vmul.f32 $1.442695020e+00, v9  }
0x58e: {  	(erf) = vpow2.f32 v10;
	v8 =	vmul.f32 $1.442695020e+00, v8  }
0x58f: {  	(erf) = vpow2.f32 v11  }
0x590: {  	(erf) = vpow2.f32 v9  }
0x591: {  	(erf) = vpow2.f32 v8;
	v9 =	vpop (erf)  }
0x592: {  	v8 =	vpop (erf)  }
0x593: {  	v10 =	vpop (erf)  }
0x594: {  	v9 =	vadd.f32 $1.000000000e+00, v9;
	v11 =	vpop (erf)  }
0x595: {  	v11 =	vadd.f32 $1.000000000e+00, v11;
	_ =	sdelay $0x1  }
0x596: {  	v12 =	vpop (erf);
	(erf) = vrcp.f32 v11  }
0x597: {  	(erf) = vrcp.f32 v9;
	v9 =	vpop (erf)  }
0x598: {  	v11 =	vpop (erf)  }
0x599: {  	v13 =	vpop (erf)  }
0x59a: {  	[tilespmem:s11+$0x0] =	vst v8;
	v8 =	vadd.f32 $1.000000000e+00, v13  }
0x59b: {  	[tilespmem:s11+$0x10] =	vst v10;
	v10 =	vadd.f32 $1.000000000e+00, v11  }
0x59c: {  	(erf) = vrcp.f32 v8  }
0x59d: {  	v11 =	vld [tilespmem:s28+$0x10];
	(erf) = vrcp.f32 v10  }
0x59e: {  	v8 =	vld [tilespmem:s31+$0x10]  }
0x59f: {  	s0 =	sadd.s32 $0x2, s14;
	v10 =	vpop (erf)  }
0x5a0: {  	v13 =	vld [tilespmem:s0+$0x0];
	[tilespmem:s11+$0xFFFFFFB0] =	vst v10;
	v10 =	vpop (erf)  }
0x5a1: {  	[tilespmem:s11+$0xFFFFFFA0] =	vst v10  }
0x5a2: {  	v15 =	vshll.u32 v11, $0x10;
	v10 =	vld [tilespmem:s31+$0xFFFFFFE0]  }
0x5a3: {  	v11 =	vand.u32 $0xFFFF0000, v11;
	v14 =	vshll.u32 v8, $0x10;
	v16 =	vld [tilespmem:s28+$0xFFFFFFE0]  }
0x5a4: {  	s21 =	simm.s32 $0x4;
	s25 =	sadd.s32 $0x4, s29;
	v8 =	vand.u32 $0xFFFF0000, v8;
	v14 =	vadd.f32 v15, v14  }
0x5a5: {  	s5 =	sand.u32 $0xFFF8, s25;
	s12 =	simm.s32 $0xEEC0;
	s1 =	sand.u32 $0x6, s21;
	(v2sf) =	vpush v13, $0x0;
	v8 =	vadd.f32 v11, v8;
	v15 =	vpop (erf)  }
0x5a6: {  	s1 =	sor.u32 s1, s5;
	v13 =	vmul.f32 s3, v14;
	[tilespmem:s12+$0xFFFFFF90] =	vst v15;
	v11 =	vpop (erf)  }
0x5a7: {  	v14 =	vld [tilespmem:s1+$0x4E20];
	v8 =	vmul.f32 s3, v8;
	v15 =	vshll.u32 v10, $0x10;
	[tilespmem:s12+$0xFFFFFF80] =	vst v11  }
0x5a8: {  	v11 =	vsub.f32 v13, v5;
	v10 =	vand.u32 $0xFFFF0000, v10;
	v13 =	vand.u32 $0xFFFF0000, v16;
	v17 =	vld [tilespmem:s22+$0xFFFFFFD0]  }
0x5a9: {  	v10 =	vadd.f32 v13, v10;
	v13 =	vld [tilespmem:s23+$0xFFFFFFD0]  }
0x5aa: {  	v8 =	vsub.f32 v8, v4;
	v16 =	vshll.u32 v16, $0x10;
	v11 =	vmul.f32 $1.442695020e+00, v11  }
0x5ab: {  	v15 =	vadd.f32 v16, v15;
	v10 =	vmul.f32 s4, v10  }
0x5ac: {  	s14 =	simm.s32 $0x8A80;
	v8 =	vmul.f32 $1.442695020e+00, v8;
	(v2sf) =	vpush v14, $0x0;
	(erf) = vpow2.f32 v11  }
0x5ad: {  	s13 =	simm.s32 $0xB280;
	v18 =	vld [tilespmem:s14+$0x0];
	v11 =	vadd.f32 $1.000000000e+00, v12;
	v12 =	vmul.f32 s4, v15;
	v10 =	vsub.f32 v10, v2  }
0x5ae: {  	v15 =	vld [tilespmem:s13+$0x0];
	v14 =	vshll.u32 v17, $0x10;
	v16 =	vand.u32 $0xFFFF0000, v17;
	v17 =	vshll.u32 v13, $0x10  }
0x5af: {  	v13 =	vand.u32 $0xFFFF0000, v13;
	v12 =	vsub.f32 v12, v3;
	v14 =	vadd.f32 v17, v14  }
0x5b0: {  	(erf) = vpow2.f32 v8;
	v13 =	vadd.f32 v13, v16;
	v10 =	vmul.f32 $1.442695020e+00, v10  }
0x5b1: {  	v8 =	vadd.f32 $1.000000000e+00, v9;
	v12 =	vmul.f32 $1.442695020e+00, v12;
	v9 =	vmul.f32 s24, v14  }
0x5b2: {  	v17 =	vshll.u32 v18, $0x10;
	v13 =	vmul.f32 s24, v13  }
0x5b3: {  	v14 =	vld [tilespmem:s14+$0xFFFFFFC0];
	(erf) = vpow2.f32 v10;
	v10 =	vshll.u32 v15, $0x10;
	v9 =	vsub.f32 v9, v5  }
0x5b4: {  	v16 =	vld [tilespmem:s13+$0xFFFFFFC0];
	s26 =	spop (v2sf);
	v10 =	vadd.f32 v10, v17;
	(erf) = vpow2.f32 v12  }
0x5b5: {  	v18 =	vand.u32 $0xFFFF0000, v18;
	s8 =	sxor.u32 $0x80000000, s26;
	v13 =	vsub.f32 v13, v4;
	v12 =	vpop (erf);
	v9 =	vmul.f32 $1.442695020e+00, v9  }
0x5b6: {  	v15 =	vand.u32 $0xFFFF0000, v15;
	v10 =	vmul.f32 s8, v10;
	v12 =	vadd.f32 $1.000000000e+00, v12  }
0x5b7: {  	v15 =	vadd.f32 v15, v18;
	v13 =	vmul.f32 $1.442695020e+00, v13;
	(erf) = vpow2.f32 v9  }
0x5b8: {  	v17 =	vshll.u32 v14, $0x10;
	v10 =	vsub.f32 v10, v6;
	(erf) = vrcp.f32 v12  }
0x5b9: {  	v9 =	vand.u32 $0xFFFF0000, v14;
	v14 =	vpop (erf);
	v12 =	vand.u32 $0xFFFF0000, v16;
	(erf) = vrcp.f32 v11  }
0x5ba: {  	v11 =	vshll.u32 v16, $0x10;
	(erf) = vrcp.f32 v8;
	v8 =	vadd.f32 $1.000000000e+00, v14  }
0x5bb: {  	v15 =	vmul.f32 s8, v15;
	s5 =	spop (v2sf);
	v11 =	vadd.f32 v11, v17;
	(erf) = vpow2.f32 v13  }
0x5bc: {  	v10 =	vmul.f32 $1.442695020e+00, v10;
	v9 =	vadd.f32 v12, v9;
	s1 =	sxor.u32 $0x80000000, s5;
	v12 =	vpop (erf);
	(erf) = vrcp.f32 v8  }
0x5bd: {  	v8 =	vmul.f32 s1, v11;
	v11 =	vsub.f32 v15, v7;
	v12 =	vadd.f32 $1.000000000e+00, v12;
	v13 =	vpop (erf)  }
0x5be: {  	v9 =	vmul.f32 s1, v9;
	(erf) = vpow2.f32 v10;
	v10 =	vadd.f32 $1.000000000e+00, v13  }
0x5bf: {  	v8 =	vsub.f32 v8, v6;
	v11 =	vmul.f32 $1.442695020e+00, v11  }
0x5c0: {  	v9 =	vsub.f32 v9, v7  }
0x5c1: {  	(erf) = vrcp.f32 v12;
	v12 =	vpop (erf);
	v8 =	vmul.f32 $1.442695020e+00, v8  }
0x5c2: {  	(erf) = vrcp.f32 v10;
	v9 =	vmul.f32 $1.442695020e+00, v9;
	v10 =	vpop (erf)  }
0x5c3: {  	(erf) = vpow2.f32 v11;
	v11 =	vpop (erf)  }
0x5c4: {  	v13 =	vpop (erf)  }
0x5c5: {  	(erf) = vpow2.f32 v8;
	v8 =	vpop (erf)  }
0x5c6: {  	[tilespmem:s11+$0x20] =	vst v10;
	(erf) = vpow2.f32 v9;
	v9 =	vpop (erf);
	v8 =	vadd.f32 $1.000000000e+00, v8  }
0x5c7: {  	[tilespmem:s11+$0x30] =	vst v9  }
0x5c8: {  	v9 =	vadd.f32 $1.000000000e+00, v12;
	v10 =	vpop (erf);
	v12 =	vld [tilespmem:s28+$0x20];
	(erf) = vrcp.f32 v8  }
0x5c9: {  	v15 =	vld [tilespmem:s31+$0x20];
	_ =	sdelay $0x1  }
0x5ca: {  	v14 =	vpop (erf);
	(erf) = vrcp.f32 v9  }
0x5cb: {  	v8 =	vpop (erf)  }
0x5cc: {  	[tilespmem:s11+$0xFFFFFFD0] =	vst v14;
	v16 =	vpop (erf)  }
0x5cd: {  	[tilespmem:s11+$0xFFFFFFC0] =	vst v8;
	v9 =	vpop (erf);
	v14 =	vand.u32 $0xFFFF0000, v12;
	v18 =	vand.u32 $0xFFFF0000, v15  }
0x5ce: {  	[tilespmem:s12+$0x0] =	vst v11;
	v8 =	vld [tilespmem:s31+$0xFFFFFFF0];
	v17 =	vpop (erf);
	v14 =	vadd.f32 v14, v18  }
0x5cf: {  	[tilespmem:s12+$0x10] =	vst v13;
	v17 =	vadd.f32 $1.000000000e+00, v17;
	v18 =	vadd.f32 $1.000000000e+00, v9;
	v9 =	vld [tilespmem:s28+$0xFFFFFFF0]  }
0x5d0: {  	v11 =	vshll.u32 v15, $0x10;
	v12 =	vshll.u32 v12, $0x10;
	v13 =	vmul.f32 s3, v14;
	v14 =	vld [tilespmem:s23+$0x10];
	v15 =	vpop (erf)  }
0x5d1: {  	v11 =	vadd.f32 v12, v11;
	(erf) = vrcp.f32 v17;
	[tilespmem:s12+$0xFFFFFFB0] =	vst v15;
	v15 =	vld [tilespmem:s22+$0x10]  }
0x5d2: {  	(erf) = vrcp.f32 v18;
	v13 =	vsub.f32 v13, v2  }
0x5d3: {  	s18 =	sadd.s32 $0x2, s0;
	v11 =	vmul.f32 s3, v11;
	v12 =	vpop (erf)  }
0x5d4: {  	v18 =	vshll.u32 v8, $0x10;
	[tilespmem:s12+$0xFFFFFFA0] =	vst v12;
	v12 =	vld [tilespmem:s18+$0x0];
	v13 =	vmul.f32 $1.442695020e+00, v13  }
0x5d5: {  	v11 =	vsub.f32 v11, v3;
	v19 =	vshll.u32 v9, $0x10;
	v17 =	vld [tilespmem:s22+$0xFFFFFFE0];
	v59 =	vand.u32 $0xFFFF0000, v14  }
0x5d6: {  	v58 =	vld [tilespmem:s23+$0xFFFFFFE0];
	(erf) = vpow2.f32 v13;
	v13 =	vshll.u32 v15, $0x10;
	v15 =	vand.u32 $0xFFFF0000, v15  }
0x5d7: {  	s17 =	sadd.s32 $0x6, s29;
	s6 =	simm.s32 $0x6;
	v18 =	vadd.f32 v19, v18;
	v14 =	vshll.u32 v14, $0x10;
	v15 =	vadd.f32 v59, v15  }
0x5d8: {  	s6 =	sand.u32 $0x6, s6;
	s5 =	sand.u32 $0xFFF8, s17;
	v11 =	vmul.f32 $1.442695020e+00, v11;
	v13 =	vadd.f32 v14, v13  }
0x5d9: {  	s5 =	sor.u32 s6, s5;
	v18 =	vmul.f32 s4, v18;
	v15 =	vmul.f32 s15, v15  }
0x5da: {  	s0 =	simm.s32 $0xEFC0;
	(erf) = vpow2.f32 v11;
	v14 =	vld [tilespmem:s5+$0x4E20];
	(v2sf) =	vpush v12, $0x0;
	v19 =	vpop (erf);
	v12 =	vmul.f32 s15, v13  }
0x5db: {  	v11 =	vand.u32 $0xFFFF0000, v17;
	[tilespmem:s0+$0xFFFFFF90] =	vst v19;
	v19 =	vpop (erf);
	v13 =	vand.u32 $0xFFFF0000, v58;
	v15 =	vsub.f32 v15, v4  }
0x5dc: {  	[tilespmem:s0+$0xFFFFFF80] =	vst v19;
	v11 =	vadd.f32 v13, v11;
	v12 =	vsub.f32 v12, v5  }
0x5dd: {  	v18 =	vsub.f32 v18, v1;
	v13 =	vshll.u32 v17, $0x10;
	v17 =	vshll.u32 v58, $0x10;
	v19 =	vld [tilespmem:s14+$0xFFFFFFD0]  }
0x5de: {  	v60 =	vld [tilespmem:s13+$0xFFFFFFD0];
	v13 =	vadd.f32 v17, v13;
	v11 =	vmul.f32 s24, v11;
	v12 =	vmul.f32 $1.442695020e+00, v12  }
0x5df: {  	v17 =	vmul.f32 $1.442695020e+00, v18;
	(v2sf) =	vpush v14, $0x0;
	v14 =	vmul.f32 $1.442695020e+00, v15;
	v15 =	vpop (erf)  }
0x5e0: {  	v11 =	vsub.f32 v11, v2;
	(erf) = vpow2.f32 v12;
	v12 =	vadd.f32 $1.000000000e+00, v15  }
0x5e1: {  	v13 =	vmul.f32 s24, v13;
	(erf) = vpow2.f32 v14  }
0x5e2: {  	s25 =	simm.s32 $0xB300;
	v15 =	vshll.u32 v19, $0x10;
	v11 =	vmul.f32 $1.442695020e+00, v11;
	(erf) = vrcp.f32 v12  }
0x5e3: {  	v61 =	vld [tilespmem:s25+$0x0];
	s26 =	simm.s32 $0x8B00;
	v18 =	vand.u32 $0xFFFF0000, v19;
	v19 =	vshll.u32 v60, $0x10;
	(erf) = vpow2.f32 v17  }
0x5e4: {  	v14 =	vpop (erf);
	v15 =	vadd.f32 v19, v15;
	v12 =	vld [tilespmem:s26+$0x0];
	(erf) = vpow2.f32 v11;
	v11 =	vsub.f32 v13, v3  }
0x5e5: {  	v20 =	vand.u32 $0xFFFF0000, v60;
	v14 =	vadd.f32 $1.000000000e+00, v14  }
0x5e6: {  	v17 =	vadd.f32 v20, v18;
	v13 =	vmul.f32 s1, v15;
	v11 =	vmul.f32 $1.442695020e+00, v11  }
0x5e7: {  	(erf) = vrcp.f32 v14  }
0x5e8: {  	v14 =	vadd.f32 $1.000000000e+00, v16;
	v15 =	vmul.f32 s1, v17;
	v13 =	vsub.f32 v13, v5  }
0x5e9: {  	v17 =	vshll.u32 v61, $0x10;
	v18 =	vshll.u32 v12, $0x10;
	v12 =	vand.u32 $0xFFFF0000, v12  }
0x5ea: {  	v16 =	vld [tilespmem:s26+$0xFFFFFFC0];
	v15 =	vsub.f32 v15, v4;
	(erf) = vpow2.f32 v11;
	v13 =	vmul.f32 $1.442695020e+00, v13;
	v11 =	vpop (erf)  }
0x5eb: {  	v19 =	vld [tilespmem:s25+$0xFFFFFFC0];
	v17 =	vadd.f32 v17, v18;
	v18 =	vand.u32 $0xFFFF0000, v61;
	v11 =	vadd.f32 $1.000000000e+00, v11  }
0x5ec: {  	v10 =	vadd.f32 $1.000000000e+00, v10;
	s20 =	spop (v2sf);
	v12 =	vadd.f32 v18, v12  }
0x5ed: {  	s20 =	sxor.u32 $0x80000000, s20;
	v15 =	vmul.f32 $1.442695020e+00, v15;
	v62 =	vpop (erf)  }
0x5ee: {  	(erf) = vpow2.f32 v13;
	v12 =	vmul.f32 s20, v12;
	v13 =	vpop (erf)  }
0x5ef: {  	v17 =	vmul.f32 s20, v17;
	v63 =	vshll.u32 v16, $0x10;
	(erf) = vrcp.f32 v11;
	v11 =	vpop (erf)  }
0x5f0: {  	[tilespmem:s11+$0x50] =	vst v13;
	v13 =	vshll.u32 v19, $0x10;
	v12 =	vsub.f32 v12, v7;
	(erf) = vrcp.f32 v10;
	v10 =	vpop (erf)  }
0x5f1: {  	s21 =	spop (v2sf);
	v13 =	vadd.f32 v13, v63;
	(erf) = vrcp.f32 v14;
	v11 =	vadd.f32 $1.000000000e+00, v11;
	v14 =	vpop (erf)  }
0x5f2: {  	v16 =	vand.u32 $0xFFFF0000, v16;
	v17 =	vsub.f32 v17, v6;
	s21 =	sxor.u32 $0x80000000, s21;
	v12 =	vmul.f32 $1.442695020e+00, v12;
	[tilespmem:s11+$0x40] =	vst v14  }
0x5f3: {  	v18 =	vadd.f32 $1.000000000e+00, v62;
	v13 =	vmul.f32 s21, v13;
	(erf) = vrcp.f32 v11;
	v14 =	vld [tilespmem:s31+$0x30]  }
0x5f4: {  	v11 =	vmul.f32 $1.442695020e+00, v17;
	(erf) = vpow2.f32 v15;
	v15 =	vand.u32 $0xFFFF0000, v19;
	v17 =	vld [tilespmem:s28+$0x30]  }
0x5f5: {  	v10 =	vadd.f32 $1.000000000e+00, v10;
	(erf) = vrcp.f32 v18;
	v15 =	vadd.f32 v15, v16;
	v16 =	vpop (erf)  }
0x5f6: {  	v13 =	vsub.f32 v13, v6;
	(erf) = vpow2.f32 v11;
	v11 =	vadd.f32 $1.000000000e+00, v16  }
0x5f7: {  	v15 =	vmul.f32 s21, v15;
	(erf) = vrcp.f32 v10  }
0x5f8: {  	v16 =	vpop (erf);
	(erf) = vrcp.f32 v11;
	v11 =	vmul.f32 $1.442695020e+00, v13;
	v18 =	vand.u32 $0xFFFF0000, v14  }
0x5f9: {  	v10 =	vpop (erf);
	v19 =	vand.u32 $0xFFFF0000, v17;
	(erf) = vpow2.f32 v12;
	v15 =	vsub.f32 v15, v7  }
0x5fa: {  	v13 =	vpop (erf);
	v12 =	vshll.u32 v14, $0x10;
	v17 =	vshll.u32 v17, $0x10;
	v18 =	vadd.f32 v19, v18  }
0x5fb: {  	v9 =	vand.u32 $0xFFFF0000, v9;
	[tilespmem:s12+$0x20] =	vst v10;
	v14 =	vpop (erf);
	v10 =	vadd.f32 v17, v12;
	v12 =	vmul.f32 $1.442695020e+00, v15  }
0x5fc: {  	v19 =	vpop (erf);
	(erf) = vpow2.f32 v11;
	v11 =	vmul.f32 s3, v18  }
0x5fd: {  	v8 =	vand.u32 $0xFFFF0000, v8  }
0x5fe: {  	v8 =	vadd.f32 v9, v8;
	[tilespmem:s0+$0x0] =	vst v13;
	v9 =	vpop (erf);
	v15 =	vsub.f32 v11, v0  }
0x5ff: {  	[tilespmem:s0+$0x10] =	vst v14;
	v14 =	vmul.f32 s3, v10;
	(erf) = vpow2.f32 v12;
	v13 =	vpop (erf)  }
0x600: {  	v9 =	vadd.f32 $1.000000000e+00, v9;
	v12 =	vpop (erf)  }
0x601: {  	v8 =	vmul.f32 s4, v8;
	v11 =	vld [tilespmem:s13+$0x10];
	v14 =	vsub.f32 v14, v1;
	[tilespmem:s12+$0x30] =	vst v13;
	v13 =	vadd.f32 $1.000000000e+00, v16;
	v16 =	vpop (erf)  }
0x602: {  	v10 =	vld [tilespmem:s23+$0x20];
	(erf) = vrcp.f32 v9;
	v9 =	vmul.f32 $1.442695020e+00, v15;
	[tilespmem:s12+$0xFFFFFFD0] =	vst v16;
	v15 =	vpop (erf)  }
0x603: {  	v8 =	vsub.f32 v8, v0;
	(erf) = vrcp.f32 v13;
	v13 =	vmul.f32 $1.442695020e+00, v14;
	[tilespmem:s12+$0xFFFFFFC0] =	vst v15;
	v15 =	vld [tilespmem:s22+$0x20]  }
0x604: {  	(erf) = vpow2.f32 v9;
	v14 =	vld [tilespmem:s22+$0xFFFFFFF0]  }
0x605: {  	v18 =	vmul.f32 $1.442695020e+00, v8;
	(erf) = vpow2.f32 v13;
	v13 =	vld [tilespmem:s23+$0xFFFFFFF0]  }
0x606: {  	s17 =	simm.s32 $0x8;
	s4 =	simm.s32 $0xEFC0;
	v8 =	vadd.f32 $1.000000000e+00, v12;
	v12 =	vand.u32 $0xFFFF0000, v11;
	v9 =	vpop (erf)  }
0x607: {  	s28 =	sadd.s32 $0x50, s10;
	s31 =	simm.s32 $0xB300;
	s3 =	simm.s32 $0x8B00;
	[tilespmem:s11+$0xFFFFFFE0] =	vst v19;
	(erf) = vpow2.f32 v18;
	v9 =	vadd.f32 $1.000000000e+00, v9;
	v16 =	vpop (erf);
	v17 =	vand.u32 $0xFFFF0000, v10  }
.LBB2_9:
0x608: {  	p0 =	slt.u32 s17, $0x4E;
	v18 =	vpop (erf);
	v19 =	vand.u32 $0xFFFF0000, v15;
	s5 =	smov.u32 s17;
	s17 =	sadd.s32 $0x2, s17  }
0x609: {  	s0 =	sadd.s32 $0x100, s0;
	v21 =	vadd.f32 $1.000000000e+00, v18;
	v20 =	vand.u32 $0xFFFF0000, v14;
	v17 =	vadd.f32 v17, v19  }
0x60a: {  	v15 =	vshll.u32 v15, $0x10;
	v10 =	vshll.u32 v10, $0x10;
	v19 =	vand.u32 $0xFFFF0000, v13  }
0x60b: {  	v16 =	vadd.f32 $1.000000000e+00, v16;
	(erf) = vrcp.f32 v21;
	v18 =	vpop (erf);
	v21 =	vshll.u32 v14, $0x10  }
0x60c: {  	v15 =	vadd.f32 v10, v15;
	v13 =	vshll.u32 v13, $0x10;
	v17 =	vmul.f32 s15, v17;
	[tilespmem:s4+$0xFFFFFFB0] =	vst v18;
	v18 =	vpop (erf)  }
0x60d: {  	s18 =	sadd.s32 $0x2, s18;
	v10 =	vadd.f32 v19, v20;
	v13 =	vadd.f32 v13, v21;
	(erf) = vrcp.f32 v16;
	[tilespmem:s4+$0xFFFFFFA0] =	vst v18;
	v14 =	vpop (erf)  }
0x60e: {  	v15 =	vmul.f32 s15, v15;
	v17 =	vsub.f32 v17, v2;
	v16 =	vld [tilespmem:s14+$0x10];
	v14 =	vadd.f32 $1.000000000e+00, v14  }
0x60f: {  	s6 =	sadd.s32 s5, s29;
	v13 =	vmul.f32 s24, v13;
	v18 =	vld [tilespmem:s18+$0x0];
	v19 =	vpop (erf)  }
0x610: {  	s5 =	sand.u32 $0x6, s5;
	s6 =	sand.u32 $0xFFF8, s6;
	v15 =	vsub.f32 v15, v3;
	v17 =	vmul.f32 $1.442695020e+00, v17;
	v20 =	vld [tilespmem:s14+$0xFFFFFFE0];
	v21 =	vpop (erf);
	(erf) = vrcp.f32 v14  }
0x611: {  	s5 =	sor.u32 s5, s6;
	v19 =	vadd.f32 $1.000000000e+00, v19;
	v14 =	vld [tilespmem:s13+$0xFFFFFFE0];
	v21 =	vadd.f32 $1.000000000e+00, v21  }
0x612: {  	v15 =	vmul.f32 $1.442695020e+00, v15;
	v13 =	vsub.f32 v13, v1;
	(erf) = vpow2.f32 v17  }
0x613: {  	v11 =	vshll.u32 v11, $0x10;
	v17 =	vshll.u32 v16, $0x10;
	(erf) = vrcp.f32 v21  }
0x614: {  	v23 =	vand.u32 $0xFFFF0000, v16;
	v21 =	vld [tilespmem:s5+$0x4E20];
	v22 =	vpop (erf);
	v11 =	vadd.f32 v11, v17;
	(erf) = vpow2.f32 v15  }
0x615: {  	v12 =	vadd.f32 v12, v23;
	v15 =	vshll.u32 v20, $0x10;
	v17 =	vand.u32 $0xFFFF0000, v20  }
0x616: {  	(v2sf) =	vpush v18, $0x0;
	[tilespmem:s0+$0xFFFFFF90] =	vst v22;
	v16 =	vpop (erf);
	v11 =	vmul.f32 s8, v11;
	(erf) = vrcp.f32 v19  }
0x617: {  	v19 =	vshll.u32 v14, $0x10;
	v14 =	vand.u32 $0xFFFF0000, v14;
	v12 =	vmul.f32 s8, v12;
	[tilespmem:s0+$0xFFFFFF80] =	vst v16  }
0x618: {  	v13 =	vmul.f32 $1.442695020e+00, v13;
	v14 =	vadd.f32 v14, v17;
	v18 =	vld [tilespmem:s26+$0xFFFFFFD0];
	v11 =	vsub.f32 v11, v5  }
0x619: {  	v15 =	vadd.f32 v19, v15;
	v12 =	vsub.f32 v12, v4;
	v17 =	vld [tilespmem:s25+$0xFFFFFFD0];
	v16 =	vpop (erf)  }
0x61a: {  	v14 =	vmul.f32 s1, v14;
	(v2sf) =	vpush v21, $0x0;
	v11 =	vmul.f32 $1.442695020e+00, v11;
	[tilespmem:s11+$0x70] =	vst v16  }
0x61b: {  	v15 =	vmul.f32 s1, v15;
	v12 =	vmul.f32 $1.442695020e+00, v12;
	v16 =	vpop (erf)  }
0x61c: {  	v14 =	vsub.f32 v14, v2;
	(erf) = vpow2.f32 v11;
	v11 =	vadd.f32 $1.000000000e+00, v16;
	v16 =	vpop (erf)  }
0x61d: {  	s25 =	sadd.s32 $0x80, s25;
	v15 =	vsub.f32 v15, v3;
	v19 =	vshll.u32 v18, $0x10;
	v18 =	vand.u32 $0xFFFF0000, v18;
	v20 =	vpop (erf);
	[tilespmem:s11+$0xFFFFFFF0] =	vst v16  }
0x61e: {  	s26 =	sadd.s32 $0x80, s26;
	v14 =	vmul.f32 $1.442695020e+00, v14;
	v16 =	vld [tilespmem:s25+$0x0];
	v21 =	vshll.u32 v17, $0x10;
	v17 =	vand.u32 $0xFFFF0000, v17  }
0x61f: {  	v22 =	vld [tilespmem:s26+$0x0];
	v19 =	vadd.f32 v21, v19;
	v17 =	vadd.f32 v17, v18;
	(erf) = vpow2.f32 v12;
	v12 =	vpop (erf)  }
0x620: {  	v15 =	vmul.f32 $1.442695020e+00, v15;
	v18 =	vadd.f32 $1.000000000e+00, v20;
	(erf) = vrcp.f32 v11;
	[tilespmem:s11+$0x60] =	vst v12;
	s11 =	smov.u32 s12;
	s12 =	smov.u32 s4;
	s4 =	smov.u32 s0  }
0x621: {  	v11 =	vmul.f32 s21, v19;
	(erf) = vpow2.f32 v13  }
0x622: {  	v12 =	vmul.f32 s21, v17;
	(erf) = vpow2.f32 v14  }
0x623: {  	v13 =	vld [tilespmem:s26+$0xFFFFFFC0];
	v14 =	vshll.u32 v16, $0x10;
	v11 =	vsub.f32 v11, v5;
	(erf) = vrcp.f32 v18  }
0x624: {  	v12 =	vsub.f32 v12, v4;
	v17 =	vld [tilespmem:s25+$0xFFFFFFC0];
	v18 =	vshll.u32 v22, $0x10;
	v19 =	vand.u32 $0xFFFF0000, v22  }
0x625: {  	v14 =	vadd.f32 v14, v18;
	s5 =	spop (v2sf);
	(erf) = vpow2.f32 v15;
	v15 =	vpop (erf)  }
0x626: {  	v20 =	vmul.f32 $1.442695020e+00, v11;
	v12 =	vmul.f32 $1.442695020e+00, v12;
	s5 =	sxor.u32 $0x80000000, s5;
	v21 =	vadd.f32 $1.000000000e+00, v15  }
0x627: {  	v16 =	vand.u32 $0xFFFF0000, v16;
	v14 =	vmul.f32 s5, v14  }
0x628: {  	v16 =	vadd.f32 v16, v19;
	v18 =	vshll.u32 v13, $0x10;
	(erf) = vpow2.f32 v20;
	v11 =	vpop (erf)  }
0x629: {  	v13 =	vand.u32 $0xFFFF0000, v13;
	v14 =	vsub.f32 v14, v6;
	s6 =	spop (v2sf);
	(erf) = vrcp.f32 v21;
	v15 =	vpop (erf)  }
0x62a: {  	v16 =	vmul.f32 s5, v16;
	v19 =	vand.u32 $0xFFFF0000, v17;
	s6 =	sxor.u32 $0x80000000, s6;
	(erf) = vrcp.f32 v8;
	[tilespmem:s11+$0x50] =	vst v15;
	v8 =	vpop (erf)  }
0x62b: {  	v15 =	vshll.u32 v17, $0x10;
	v14 =	vmul.f32 $1.442695020e+00, v14;
	v17 =	vpop (erf);
	v8 =	vadd.f32 $1.000000000e+00, v8  }
0x62c: {  	v16 =	vsub.f32 v16, v7;
	(erf) = vrcp.f32 v9;
	v9 =	vadd.f32 $1.000000000e+00, v11;
	v11 =	vpop (erf)  }
0x62d: {  	v15 =	vadd.f32 v15, v18;
	v17 =	vadd.f32 $1.000000000e+00, v17;
	[tilespmem:s11+$0x40] =	vst v11;
	(erf) = vrcp.f32 v8  }
0x62e: {  	v8 =	vadd.f32 v19, v13;
	v11 =	vmul.f32 $1.442695020e+00, v16;
	(erf) = vpow2.f32 v12;
	v12 =	vpop (erf);
	v13 =	vld [tilespmem:s22+$0x30];
	s22 =	smov.u32 s14;
	s14 =	smov.u32 s3;
	s3 =	smov.u32 s26  }
0x62f: {  	(erf) = vrcp.f32 v9;
	v9 =	vld [tilespmem:s23+$0x30];
	s23 =	smov.u32 s13;
	s13 =	smov.u32 s31;
	s31 =	smov.u32 s25  }
0x630: {  	v15 =	vmul.f32 s6, v15;
	v18 =	vadd.f32 $1.000000000e+00, v12;
	(erf) = vpow2.f32 v14  }
0x631: {  	v8 =	vmul.f32 s6, v8;
	v14 =	vpop (erf);
	(erf) = vrcp.f32 v17  }
0x632: {  	v15 =	vsub.f32 v15, v6;
	(erf) = vrcp.f32 v18;
	v12 =	vpop (erf)  }
0x633: {  	v8 =	vsub.f32 v8, v7;
	v16 =	vpop (erf);
	[tilespmem:s12+$0x20] =	vst v12;
	v12 =	vshll.u32 v13, $0x10  }
0x634: {  	v19 =	vmul.f32 $1.442695020e+00, v15;
	v13 =	vand.u32 $0xFFFF0000, v13;
	v18 =	vand.u32 $0xFFFF0000, v9  }
0x635: {  	v14 =	vadd.f32 $1.000000000e+00, v14;
	(erf) = vpow2.f32 v11;
	v11 =	vpop (erf);
	v18 =	vadd.f32 v18, v13  }
0x636: {  	v20 =	vmul.f32 $1.442695020e+00, v8;
	v9 =	vshll.u32 v9, $0x10;
	v17 =	vpop (erf)  }
0x637: {  	v9 =	vadd.f32 v9, v12;
	(erf) = vpow2.f32 v19;
	v15 =	vpop (erf);
	[tilespmem:s11+$0xFFFFFFE0] =	vst v17;
	v12 =	vmul.f32 s15, v18  }
0x638: {  	(erf) = vpow2.f32 v20;
	[tilespmem:s0+$0x0] =	vst v16;
	v13 =	vpop (erf)  }
0x639: {  	v9 =	vmul.f32 s15, v9;
	s15 =	smov.u32 s8;
	s8 =	smov.u32 s20;
	s20 =	smov.u32 s5;
	v15 =	vadd.f32 $1.000000000e+00, v15;
	v8 =	vpop (erf);
	[tilespmem:s0+$0x10] =	vst v11;
	v12 =	vsub.f32 v12, v0  }
0x63a: {  	v16 =	vmul.f32 s24, v10;
	s24 =	smov.u32 s1;
	s1 =	smov.u32 s21;
	s21 =	smov.u32 s6;
	v8 =	vadd.f32 $1.000000000e+00, v8;
	v11 =	vld [tilespmem:s13+$0x10];
	[tilespmem:s12+$0x30] =	vst v13;
	v13 =	vpop (erf)  }
0x63b: {  	v18 =	vsub.f32 v9, v1;
	(erf) = vrcp.f32 v15;
	[tilespmem:s12+$0xFFFFFFD0] =	vst v13;
	v10 =	vld [tilespmem:s23+$0x20];
	v13 =	vpop (erf);
	v12 =	vmul.f32 $1.442695020e+00, v12  }
.Ltmp3:
0x63c: {  	v16 =	vsub.f32 v16, v0;
	(erf) = vrcp.f32 v14;
	[tilespmem:s12+$0xFFFFFFC0] =	vst v13;
	v15 =	vld [tilespmem:s22+$0x20];
	(pc) =	sbr.rel @p0 .LBB2_9-.Ltmp3, $4  }
0x63d: {  	v17 =	vmul.f32 $1.442695020e+00, v18;
	v14 =	vld [tilespmem:s22+$0xFFFFFFF0];
	(erf) = vpow2.f32 v12  }
0x63e: {  	v18 =	vmul.f32 $1.442695020e+00, v16;
	v9 =	vpop (erf);
	v13 =	vld [tilespmem:s23+$0xFFFFFFF0]  }
0x63f: {  	v9 =	vadd.f32 $1.000000000e+00, v9;
	(erf) = vpow2.f32 v17  }
0x640: {  	v12 =	vand.u32 $0xFFFF0000, v11;
	v16 =	vpop (erf);
	v17 =	vand.u32 $0xFFFF0000, v10;
	(erf) = vpow2.f32 v18  }
0x641: {  	v18 =	vand.u32 $0xFFFF0000, v15  }
0x642: {  	v19 =	vpop (erf);
	v17 =	vadd.f32 v17, v18  }
0x643: {  	v54 =	vshll.u32 v15, $0x10;
	v53 =	vadd.f32 $1.000000000e+00, v19  }
0x644: {  	v10 =	vshll.u32 v10, $0x10;
	v16 =	vadd.f32 $1.000000000e+00, v16;
	v55 =	vpop (erf);
	v17 =	vmul.f32 s15, v17  }
0x645: {  	v58 =	vld [tilespmem:s14+$0x10];
	v10 =	vadd.f32 v10, v54;
	(erf) = vrcp.f32 v53;
	v56 =	vpop (erf)  }
0x646: {  	(erf) = vrcp.f32 v16;
	v57 =	vpop (erf);
	v17 =	vsub.f32 v17, v2  }
0x647: {  	v10 =	vmul.f32 s15, v10;
	[tilespmem:s4+$0xFFFFFFB0] =	vst v55;
	v15 =	vadd.f32 $1.000000000e+00, v57  }
0x648: {  	[tilespmem:s4+$0xFFFFFFA0] =	vst v56;
	v60 =	vpop (erf);
	v17 =	vmul.f32 $1.442695020e+00, v17  }
0x649: {  	v11 =	vshll.u32 v11, $0x10;
	v10 =	vsub.f32 v10, v3;
	v21 =	vld [tilespmem:s14+$0xFFFFFFE0];
	v22 =	vpop (erf);
	(erf) = vrcp.f32 v15  }
0x64a: {  	v62 =	vld [tilespmem:s13+$0xFFFFFFE0];
	v63 =	vadd.f32 $1.000000000e+00, v22;
	(erf) = vpow2.f32 v17;
	v22 =	vshll.u32 v58, $0x10  }
0x64b: {  	v16 =	vand.u32 $0xFFFF0000, v58;
	v10 =	vmul.f32 $1.442695020e+00, v10;
	v11 =	vadd.f32 v11, v22  }
0x64c: {  	v59 =	vshll.u32 v14, $0x10;
	v23 =	vadd.f32 v12, v16;
	(erf) = vrcp.f32 v63  }
0x64d: {  	v20 =	vshll.u32 v13, $0x10;
	(erf) = vpow2.f32 v10;
	v11 =	vmul.f32 s8, v11  }
0x64e: {  	s0 =	sadd.s32 $0x100, s0;
	v61 =	vadd.f32 v20, v59;
	v26 =	vpop (erf);
	v10 =	vmul.f32 s8, v23  }
0x64f: {  	v27 =	vand.u32 $0xFFFF0000, v21;
	v29 =	vand.u32 $0xFFFF0000, v62;
	[tilespmem:s0+$0xFFFFFF90] =	vst v26;
	v28 =	vpop (erf);
	v11 =	vsub.f32 v11, v5  }
0x650: {  	v24 =	vmul.f32 s24, v61;
	v30 =	vadd.f32 v29, v27;
	[tilespmem:s0+$0xFFFFFF80] =	vst v28  }
0x651: {  	v25 =	vadd.f32 $1.000000000e+00, v60;
	v32 =	vsub.f32 v10, v4;
	v31 =	vld [tilespmem:s26+$0xFFFFFFD0];
	v11 =	vmul.f32 $1.442695020e+00, v11  }
0x652: {  	v12 =	vsub.f32 v24, v1;
	v33 =	vshll.u32 v21, $0x10;
	v16 =	vmul.f32 s1, v30;
	v34 =	vld [tilespmem:s25+$0xFFFFFFD0];
	v10 =	vpop (erf)  }
0x653: {  	v35 =	vshll.u32 v62, $0x10;
	(erf) = vrcp.f32 v25;
	v18 =	vmul.f32 $1.442695020e+00, v32;
	v36 =	vpop (erf)  }
0x654: {  	v16 =	vsub.f32 v16, v2;
	(erf) = vpow2.f32 v11;
	v19 =	vadd.f32 $1.000000000e+00, v36  }
0x655: {  	v12 =	vmul.f32 $1.442695020e+00, v12;
	v15 =	vadd.f32 v35, v33;
	(erf) = vpow2.f32 v18;
	v11 =	vpop (erf)  }
0x656: {  	v16 =	vmul.f32 $1.442695020e+00, v16;
	v37 =	vshll.u32 v31, $0x10;
	v38 =	vpop (erf);
	(erf) = vrcp.f32 v19  }
0x657: {  	v39 =	vshll.u32 v34, $0x10;
	v20 =	vadd.f32 $1.000000000e+00, v38;
	(erf) = vpow2.f32 v12  }
0x658: {  	v40 =	vadd.f32 v39, v37;
	(erf) = vpow2.f32 v16  }
0x659: {  	v15 =	vmul.f32 s1, v15;
	(erf) = vrcp.f32 v20  }
0x65a: {  	v41 =	vmul.f32 s21, v40  }
0x65b: {  	v15 =	vsub.f32 v15, v3  }
0x65c: {  	v17 =	vand.u32 $0xFFFF0000, v31;
	v42 =	vand.u32 $0xFFFF0000, v34;
	v12 =	vpop (erf);
	v16 =	vsub.f32 v41, v5  }
0x65d: {  	v15 =	vmul.f32 $1.442695020e+00, v15;
	v17 =	vadd.f32 v42, v17;
	v43 =	vpop (erf)  }
0x65e: {  	v16 =	vmul.f32 $1.442695020e+00, v16;
	v44 =	vpop (erf)  }
0x65f: {  	v17 =	vmul.f32 s21, v17;
	(erf) = vpow2.f32 v15;
	v45 =	vadd.f32 $1.000000000e+00, v43;
	v46 =	vpop (erf)  }
0x660: {  	(erf) = vpow2.f32 v16;
	v47 =	vpop (erf)  }
0x661: {  	v17 =	vsub.f32 v17, v4;
	(erf) = vrcp.f32 v45;
	v48 =	vpop (erf)  }
0x662: {  	(erf) = vrcp.f32 v8;
	[tilespmem:s12+$0x50] =	vst v46;
	v8 =	vadd.f32 $1.000000000e+00, v47;
	v49 =	vpop (erf)  }
0x663: {  	v17 =	vmul.f32 $1.442695020e+00, v17;
	(erf) = vrcp.f32 v9;
	[tilespmem:s12+$0x40] =	vst v49  }
0x664: {  	v50 =	vadd.f32 $1.000000000e+00, v44;
	(erf) = vrcp.f32 v8;
	v8 =	vld [tilespmem:s22+$0x30]  }
0x665: {  	(erf) = vpow2.f32 v17;
	v16 =	vld [tilespmem:s23+$0x30]  }
0x666: {  	(erf) = vrcp.f32 v50;
	_ =	sdelay $0x1  }
0x667: {  	v51 =	vpop (erf)  }
0x668: {  	v52 =	vpop (erf)  }
0x669: {  	v53 =	vpop (erf);
	v54 =	vand.u32 $0xFFFF0000, v8;
	v55 =	vand.u32 $0xFFFF0000, v16  }
0x66a: {  	v56 =	vand.u32 $0xFFFF0000, v14;
	v57 =	vpop (erf);
	v19 =	vadd.f32 v55, v54  }
0x66b: {  	v15 =	vadd.f32 $1.000000000e+00, v48;
	v58 =	vshll.u32 v8, $0x10;
	v16 =	vshll.u32 v16, $0x10;
	v59 =	vpop (erf)  }
0x66c: {  	v60 =	vand.u32 $0xFFFF0000, v13;
	v16 =	vadd.f32 v16, v58;
	v8 =	vpop (erf);
	v19 =	vmul.f32 s15, v19  }
0x66d: {  	v13 =	vadd.f32 v60, v56;
	v9 =	vadd.f32 $1.000000000e+00, v51;
	(erf) = vrcp.f32 v15;
	v61 =	vpop (erf)  }
0x66e: {  	[tilespmem:s4+$0x20] =	vst v53;
	v16 =	vmul.f32 s15, v16;
	v62 =	vpop (erf);
	v14 =	vadd.f32 $1.000000000e+00, v61;
	v63 =	vsub.f32 v19, v0  }
0x66f: {  	v13 =	vmul.f32 s24, v13;
	(erf) = vrcp.f32 v9;
	v20 =	vadd.f32 $1.000000000e+00, v52;
	[tilespmem:s4+$0x30] =	vst v62  }
0x670: {  	v24 =	vsub.f32 v16, v1;
	(erf) = vrcp.f32 v14;
	v23 =	vld [tilespmem:s13+$0x20];
	v25 =	vmul.f32 $1.442695020e+00, v63  }
0x671: {  	v13 =	vsub.f32 v13, v0;
	v26 =	vld [tilespmem:s14+$0x20];
	(erf) = vrcp.f32 v20  }
0x672: {  	v15 =	vmul.f32 $1.442695020e+00, v24;
	(erf) = vpow2.f32 v25  }
0x673: {  	v13 =	vmul.f32 $1.442695020e+00, v13  }
0x674: {  	(erf) = vpow2.f32 v15  }
0x675: {  	(erf) = vpow2.f32 v13  }
0x676: {  	[tilespmem:s0+$0x0] =	vst v57;
	v27 =	vand.u32 $0xFFFF0000, v23;
	v28 =	vand.u32 $0xFFFF0000, v26  }
0x677: {  	[tilespmem:s0+$0x10] =	vst v59;
	v29 =	vpop (erf);
	v13 =	vadd.f32 v27, v28  }
0x678: {  	v31 =	vld [tilespmem:s31+$0x10];
	v30 =	vpop (erf)  }
0x679: {  	v36 =	vld [tilespmem:s3+$0x10];
	v9 =	vshll.u32 v26, $0x10;
	v14 =	vshll.u32 v23, $0x10;
	v13 =	vmul.f32 s8, v13;
	v32 =	vpop (erf)  }
0x67a: {  	[tilespmem:s4+$0xFFFFFFD0] =	vst v29;
	v9 =	vadd.f32 v14, v9;
	v34 =	vpop (erf)  }
0x67b: {  	[tilespmem:s4+$0xFFFFFFC0] =	vst v30;
	v13 =	vsub.f32 v13, v2;
	v35 =	vpop (erf)  }
0x67c: {  	v33 =	vld [tilespmem:s14+$0xFFFFFFF0];
	v9 =	vmul.f32 s8, v9;
	[tilespmem:s0+$0xFFFFFFB0] =	vst v32;
	v14 =	vadd.f32 $1.000000000e+00, v35  }
0x67d: {  	v39 =	vand.u32 $0xFFFF0000, v31;
	v37 =	vld [tilespmem:s13+$0xFFFFFFF0];
	[tilespmem:s0+$0xFFFFFFA0] =	vst v34;
	v38 =	vpop (erf);
	v13 =	vmul.f32 $1.442695020e+00, v13  }
0x67e: {  	v43 =	vshll.u32 v36, $0x10;
	v9 =	vsub.f32 v9, v3;
	v40 =	vld [tilespmem:s3+$0xFFFFFFE0];
	v41 =	vpop (erf);
	(erf) = vrcp.f32 v14  }
0x67f: {  	v16 =	vshll.u32 v31, $0x10;
	v23 =	vld [tilespmem:s31+$0xFFFFFFE0];
	v22 =	vadd.f32 $1.000000000e+00, v41;
	(erf) = vpow2.f32 v13  }
0x680: {  	v19 =	vand.u32 $0xFFFF0000, v36;
	v9 =	vmul.f32 $1.442695020e+00, v9;
	v13 =	vadd.f32 v16, v43  }
0x681: {  	v45 =	vadd.f32 v39, v19;
	v42 =	vshll.u32 v33, $0x10;
	(erf) = vrcp.f32 v22  }
0x682: {  	v44 =	vshll.u32 v37, $0x10;
	(erf) = vpow2.f32 v9;
	v13 =	vmul.f32 s20, v13  }
0x683: {  	v14 =	vadd.f32 v44, v42;
	v9 =	vmul.f32 s20, v45  }
0x684: {  	v46 =	vand.u32 $0xFFFF0000, v40;
	v47 =	vand.u32 $0xFFFF0000, v23;
	v13 =	vsub.f32 v13, v5  }
0x685: {  	v18 =	vadd.f32 $1.000000000e+00, v38;
	v16 =	vadd.f32 v47, v46  }
0x686: {  	v14 =	vmul.f32 s1, v14;
	v48 =	vsub.f32 v9, v4;
	v13 =	vmul.f32 $1.442695020e+00, v13  }
0x687: {  	v16 =	vmul.f32 s21, v16;
	v9 =	vpop (erf)  }
0x688: {  	v14 =	vsub.f32 v14, v1;
	(erf) = vrcp.f32 v18;
	v49 =	vmul.f32 $1.442695020e+00, v48;
	v50 =	vpop (erf)  }
0x689: {  	v16 =	vsub.f32 v16, v2;
	(erf) = vpow2.f32 v13;
	v19 =	vadd.f32 $1.000000000e+00, v50  }
0x68a: {  	v14 =	vmul.f32 $1.442695020e+00, v14;
	(erf) = vpow2.f32 v49;
	v13 =	vpop (erf)  }
0x68b: {  	v16 =	vmul.f32 $1.442695020e+00, v16;
	v51 =	vpop (erf);
	(erf) = vrcp.f32 v19  }
0x68c: {  	v18 =	vadd.f32 $1.000000000e+00, v51;
	(erf) = vpow2.f32 v14  }
0x68d: {  	(erf) = vpow2.f32 v16  }
0x68e: {  	(erf) = vrcp.f32 v18  }
0x68f: {  	v52 =	vshll.u32 v40, $0x10;
	v53 =	vshll.u32 v23, $0x10  }
0x690: {  	v16 =	vadd.f32 v53, v52  }
0x691: {  	v14 =	vpop (erf)  }
0x692: {  	v16 =	vmul.f32 s21, v16;
	v54 =	vpop (erf)  }
0x693: {  	v55 =	vpop (erf)  }
0x694: {  	v16 =	vsub.f32 v16, v3;
	v56 =	vpop (erf)  }
0x695: {  	v57 =	vpop (erf)  }
0x696: {  	v16 =	vmul.f32 $1.442695020e+00, v16;
	v58 =	vpop (erf)  }
0x697: {  	v18 =	vadd.f32 $1.000000000e+00, v54;
	[tilespmem:s4+$0x50] =	vst v56;
	v59 =	vpop (erf)  }
0x698: {  	(erf) = vpow2.f32 v16;
	v60 =	vadd.f32 $1.000000000e+00, v57;
	[tilespmem:s4+$0x40] =	vst v59  }
0x699: {  	v61 =	vadd.f32 $1.000000000e+00, v55;
	(erf) = vrcp.f32 v18;
	v62 =	vld [tilespmem:s14+$0x30]  }
0x69a: {  	(erf) = vrcp.f32 v60;
	v63 =	vld [tilespmem:s13+$0x30]  }
0x69b: {  	(erf) = vrcp.f32 v61;
	_ =	sdelay $0x3  }
0x69c: {  	v24 =	vand.u32 $0xFFFF0000, v62;
	v25 =	vand.u32 $0xFFFF0000, v63  }
0x69d: {  	v19 =	vshll.u32 v62, $0x10;
	v16 =	vshll.u32 v63, $0x10;
	v18 =	vadd.f32 v25, v24  }
0x69e: {  	v17 =	vand.u32 $0xFFFF0000, v33;
	v15 =	vand.u32 $0xFFFF0000, v37;
	v26 =	vpop (erf);
	v16 =	vadd.f32 v16, v19  }
0x69f: {  	v15 =	vadd.f32 v15, v17;
	v27 =	vpop (erf);
	v18 =	vmul.f32 s8, v18  }
0x6a0: {  	v19 =	vpop (erf);
	v16 =	vmul.f32 s8, v16  }
0x6a1: {  	v15 =	vmul.f32 s1, v15;
	v28 =	vadd.f32 $1.000000000e+00, v58;
	[tilespmem:s0+$0x20] =	vst v27;
	v29 =	vpop (erf);
	v18 =	vsub.f32 v18, v0  }
0x6a2: {  	v20 =	vadd.f32 $1.000000000e+00, v26;
	[tilespmem:s0+$0x30] =	vst v29;
	v16 =	vsub.f32 v16, v1  }
0x6a3: {  	v15 =	vsub.f32 v15, v0;
	(erf) = vrcp.f32 v28;
	v17 =	vld [tilespmem:s31+$0x20];
	v18 =	vmul.f32 $1.442695020e+00, v18  }
0x6a4: {  	(erf) = vrcp.f32 v20;
	v30 =	vld [tilespmem:s3+$0x20];
	v16 =	vmul.f32 $1.442695020e+00, v16  }
0x6a5: {  	v15 =	vmul.f32 $1.442695020e+00, v15;
	(erf) = vpow2.f32 v18  }
0x6a6: {  	(erf) = vpow2.f32 v16  }
0x6a7: {  	(erf) = vpow2.f32 v15;
	_ =	sdelay $0x1  }
0x6a8: {  	v31 =	vand.u32 $0xFFFF0000, v17;
	v32 =	vand.u32 $0xFFFF0000, v30  }
0x6a9: {  	v15 =	vadd.f32 v31, v32  }
0x6aa: {  	v33 =	vshll.u32 v30, $0x10;
	v17 =	vshll.u32 v17, $0x10  }
0x6ab: {  	v34 =	vpop (erf);
	v16 =	vadd.f32 v17, v33;
	v15 =	vmul.f32 s20, v15  }
0x6ac: {  	v35 =	vpop (erf)  }
0x6ad: {  	[tilespmem:s0+$0xFFFFFFD0] =	vst v34;
	v16 =	vmul.f32 s20, v16;
	v15 =	vsub.f32 v15, v2;
	v36 =	vpop (erf)  }
0x6ae: {  	[tilespmem:s0+$0xFFFFFFC0] =	vst v35;
	v37 =	vadd.f32 $1.000000000e+00, v36;
	v38 =	vpop (erf)  }
0x6af: {  	v39 =	vld [tilespmem:s3+$0xFFFFFFF0];
	v16 =	vsub.f32 v16, v3;
	v15 =	vmul.f32 $1.442695020e+00, v15;
	v40 =	vpop (erf)  }
0x6b0: {  	v41 =	vld [tilespmem:s31+$0xFFFFFFF0];
	(erf) = vrcp.f32 v37;
	v42 =	vadd.f32 $1.000000000e+00, v40  }
0x6b1: {  	v16 =	vmul.f32 $1.442695020e+00, v16;
	(erf) = vpow2.f32 v15  }
0x6b2: {  	(erf) = vrcp.f32 v42  }
0x6b3: {  	(erf) = vpow2.f32 v16;
	_ =	sdelay $0x1  }
0x6b4: {  	v43 =	vshll.u32 v39, $0x10;
	v44 =	vshll.u32 v41, $0x10  }
0x6b5: {  	v15 =	vadd.f32 v44, v43;
	_ =	sdelay $0x1  }
0x6b6: {  	v15 =	vmul.f32 s21, v15  }
0x6b7: {  	v45 =	vpop (erf)  }
0x6b8: {  	v46 =	vadd.f32 $1.000000000e+00, v38;
	v15 =	vsub.f32 v15, v1;
	v47 =	vpop (erf)  }
0x6b9: {  	v18 =	vadd.f32 $1.000000000e+00, v47;
	v48 =	vpop (erf)  }
0x6ba: {  	v15 =	vmul.f32 $1.442695020e+00, v15;
	(erf) = vrcp.f32 v46;
	v49 =	vpop (erf)  }
0x6bb: {  	v17 =	vadd.f32 $1.000000000e+00, v49;
	(erf) = vrcp.f32 v18  }
0x6bc: {  	(erf) = vpow2.f32 v15  }
0x6bd: {  	(erf) = vrcp.f32 v17;
	_ =	sdelay $0x5  }
0x6be: {  	v50 =	vpop (erf)  }
0x6bf: {  	v51 =	vpop (erf)  }
0x6c0: {  	v52 =	vpop (erf)  }
0x6c1: {  	[tilespmem:s0+$0x50] =	vst v51;
	v53 =	vpop (erf)  }
0x6c2: {  	[tilespmem:s0+$0x40] =	vst v53  }
0x6c3: {  	v17 =	vld [tilespmem:s3+$0x30]  }
0x6c4: {  	v54 =	vld [tilespmem:s31+$0x30];
	_ =	sdelay $0x4  }
0x6c5: {  	v24 =	vand.u32 $0xFFFF0000, v17;
	v25 =	vand.u32 $0xFFFF0000, v54  }
0x6c6: {  	v17 =	vshll.u32 v17, $0x10;
	v23 =	vshll.u32 v54, $0x10;
	v24 =	vadd.f32 v25, v24  }
0x6c7: {  	v20 =	vand.u32 $0xFFFF0000, v39;
	v22 =	vand.u32 $0xFFFF0000, v41;
	v17 =	vadd.f32 v23, v17  }
0x6c8: {  	v20 =	vadd.f32 v22, v20;
	v55 =	vmul.f32 s20, v24  }
0x6c9: {  	v17 =	vmul.f32 s20, v17  }
0x6ca: {  	v20 =	vmul.f32 s21, v20;
	v22 =	vsub.f32 v55, v0  }
0x6cb: {  	v18 =	vadd.f32 $1.000000000e+00, v52;
	v17 =	vsub.f32 v17, v1  }
0x6cc: {  	v20 =	vsub.f32 v20, v0;
	v22 =	vmul.f32 $1.442695020e+00, v22  }
0x6cd: {  	(erf) = vrcp.f32 v18;
	v17 =	vmul.f32 $1.442695020e+00, v17  }
0x6ce: {  	v56 =	vmul.f32 $1.442695020e+00, v20;
	(erf) = vpow2.f32 v22  }
0x6cf: {  	(erf) = vpow2.f32 v17  }
0x6d0: {  	(erf) = vpow2.f32 v56;
	_ =	sdelay $0x5  }
0x6d1: {  	v57 =	vpop (erf)  }
0x6d2: {  	[tilespmem:s11+$0x70] =	vst v10;
	v58 =	vpop (erf)  }
0x6d3: {  	[tilespmem:s11+$0xFFFFFFF0] =	vst v11;
	v59 =	vpop (erf)  }
0x6d4: {  	[tilespmem:s11+$0x60] =	vst v12;
	v60 =	vadd.f32 $1.000000000e+00, v58;
	v61 =	vpop (erf)  }
0x6d5: {  	[tilespmem:s12+$0xFFFFFFE0] =	vst v8;
	v62 =	vadd.f32 $1.000000000e+00, v61  }
0x6d6: {  	[tilespmem:s12+$0x70] =	vst v9;
	v63 =	vadd.f32 $1.000000000e+00, v59;
	(erf) = vrcp.f32 v60  }
0x6d7: {  	[tilespmem:s12+$0xFFFFFFF0] =	vst v13;
	(erf) = vrcp.f32 v62  }
0x6d8: {  	[tilespmem:s12+$0x60] =	vst v14;
	(erf) = vrcp.f32 v63  }
0x6d9: {  	[tilespmem:s4+$0xFFFFFFE0] =	vst v19  }
0x6da: {  	[tilespmem:s4+$0x70] =	vst v45  }
0x6db: {  	[tilespmem:s4+$0xFFFFFFF0] =	vst v48  }
0x6dc: {  	[tilespmem:s4+$0x60] =	vst v50  }
0x6dd: {  	[tilespmem:s0+$0xFFFFFFE0] =	vst v57  }
0x6de: {  	p0 =	seq.s32 s30, $0x3D;
	s26 =	rddreg [dreg:$0x4]  }
.Ltmp4:
0x6df: {  	s1 =	sadd.s32 s26, s28;
	v8 =	vpop (erf);
	(pc) =	sbr.rel @p0 .LBB2_12-.Ltmp4, $4  }
0x6e0: {  	s1 =	sshll.u32 s1, $0x4;
	[tilespmem:s0+$0x70] =	vst v8;
	v8 =	vpop (erf)  }
0x6e1: {  	s28 =	rddreg [dreg:$0x2];
	s1 =	sand.u32 $0x1FFFFF00, s1;
	[tilespmem:s0+$0xFFFFFFF0] =	vst v8;
	v8 =	vpop (erf)  }
0x6e2: {  	s25 =	simm.s32 $0x0;
	s31 =	simm.s32 $0xED40;
	[tilespmem:s0+$0x60] =	vst v8;
	s0 =	sadd.s32 s28, s1  }
0x6e3: {  	[hbm4b:s0+s25] =	stream.linear.scatter [tilespmem:s31], [sflag:$0x6], $0x2800, $0x38;
	[tilespmem:$0x115C0] =	vst v63  }
0x6e4: {  	s0 =	sadd.s32 $0xF0, s10;
	s1 =	rddreg [dreg:$0x5]  }
.Ltmp5:
0x6e5: {  	s3 =	simm.s32 $0x8940;
	s28 =	sadd.s32 $0x2800, s10;
	(pc) =	sbr.rel .LBB2_6-.Ltmp5, $4  }
0x6e6: {  	s31 =	simm.s32 $0xB140;
	s30 =	sadd.s32 $0x1, s30;
	s2 =	sadd.s32 $0xA0, s2  }
0x6e7: {  	[tilespmem:s3], [sflag:$0x2] =	stream.indirect.gather [hbm4b:s1+s19], $0x40, s0, s19, $0xb8;
	[tilespmem:$0x115C0] =	vst v63  }
0x6e8: {  	s16 =	sadd.s32 $0xA0, s16;
	s29 =	sadd.s32 $0xA0, s29;
	s9 =	sadd.s32 $0xA0, s9  }
0x6e9: {  	[tilespmem:s31], [sflag:$0x4] =	stream.indirect.gather [hbm4b:s7+s19], $0x40, s28, s19, $0xb8;
	[tilespmem:$0x115C0] =	vst v63  }
.LBB2_12:
0x6ea: {  	s0 =	simm.s32 $0x1  }
0x6eb: {  	_ =	swait.ge [sflag:s0], $0x1400  }
0x6ec: {  	[sflag:s0] =	ssyncset.done $0x0  }
0x6ed: {  	s24 =	simm.s32 $0x3;
	[sflag:s0] =	ssyncadd.s32 $0xFFFFEC00  }
0x6ee: {  	_ =	swait.ge [sflag:s24], $0x1400  }
0x6ef: {  	[sflag:s24] =	ssyncset.done $0x0  }
0x6f0: {  	s1 =	simm.s32 $0x5;
	[sflag:s24] =	ssyncadd.s32 $0xFFFFEC00  }
0x6f1: {  	_ =	swait.ge [sflag:s1], $0x2800  }
0x6f2: {  	s26 =	simm.s32 $0x0;
	[sflag:s1] =	ssyncset.done $0x0  }
0x6f3: {  	s0 =	sand.u32 $0x7E, s26;
	[sflag:s1] =	ssyncadd.s32 $0xFFFFD800  }
0x6f4: {  	v8 =	vld [tilespmem:s0+$0x74E0];
	_ =	sdelay $0x4  }
0x6f5: {  	(v2sf) =	vpush v8, $0x0;
	_ =	sdelay $0x3  }
0x6f6: {  	s28 =	simm.s32 $0x74E1  }
0x6f7: {  	v8 =	vld [tilespmem:s28+$0x0];
	_ =	sdelay $0x1  }
0x6f8: {  	s4 =	simm.s32 $0x7580  }
0x6f9: {  	s31 =	simm.s32 $0x9D80;
	v9 =	vld [tilespmem:s4+$0xFFFFFFC0]  }
0x6fa: {  	v10 =	vld [tilespmem:s31+$0xFFFFFFC0]  }
0x6fb: {  	(v2sf) =	vpush v8, $0x0;
	_ =	sdelay $0x3  }
0x6fc: {  	v11 =	vshll.u32 v10, $0x10;
	v8 =	vshll.u32 v9, $0x10  }
0x6fd: {  	v10 =	vand.u32 $0xFFFF0000, v10;
	v9 =	vand.u32 $0xFFFF0000, v9;
	v8 =	vadd.f32 v11, v8;
	s5 =	spop (v2sf)  }
0x6fe: {  	v9 =	vadd.f32 v10, v9;
	s8 =	sxor.u32 $0x80000000, s5  }
0x6ff: {  	v8 =	vmul.f32 s8, v8  }
0x700: {  	v10 =	vld [tilespmem:s4+$0x0];
	v9 =	vmul.f32 s8, v9  }
0x701: {  	v11 =	vld [tilespmem:s31+$0x0];
	v8 =	vsub.f32 v8, v6  }
0x702: {  	v9 =	vsub.f32 v9, v7  }
0x703: {  	v8 =	vmul.f32 $1.442695020e+00, v8  }
0x704: {  	v9 =	vmul.f32 $1.442695020e+00, v9  }
0x705: {  	(erf) = vpow2.f32 v8  }
0x706: {  	v12 =	vshll.u32 v11, $0x10;
	v8 =	vshll.u32 v10, $0x10;
	(erf) = vpow2.f32 v9  }
0x707: {  	s6 =	spop (v2sf);
	v9 =	vand.u32 $0xFFFF0000, v10;
	v10 =	vand.u32 $0xFFFF0000, v11;
	v8 =	vadd.f32 v12, v8  }
0x708: {  	s0 =	sxor.u32 $0x80000000, s6;
	v9 =	vadd.f32 v10, v9  }
0x709: {  	v8 =	vmul.f32 s0, v8  }
0x70a: {  	v9 =	vmul.f32 s0, v9  }
0x70b: {  	v8 =	vsub.f32 v8, v6  }
0x70c: {  	v9 =	vsub.f32 v9, v7  }
0x70d: {  	v8 =	vmul.f32 $1.442695020e+00, v8  }
0x70e: {  	v9 =	vmul.f32 $1.442695020e+00, v9;
	v10 =	vpop (erf)  }
0x70f: {  	(erf) = vpow2.f32 v8;
	v8 =	vadd.f32 $1.000000000e+00, v10;
	v10 =	vpop (erf)  }
0x710: {  	(erf) = vpow2.f32 v9;
	v9 =	vadd.f32 $1.000000000e+00, v10  }
0x711: {  	(erf) = vrcp.f32 v8  }
0x712: {  	(erf) = vrcp.f32 v9;
	_ =	sdelay $0x3  }
0x713: {  	s2 =	simm.s32 $0x2  }
0x714: {  	s3 =	sand.u32 $0x7E, s2  }
0x715: {  	v10 =	vld [tilespmem:s3+$0x74E0];
	v8 =	vpop (erf)  }
0x716: {  	v9 =	vpop (erf)  }
0x717: {  	s2 =	simm.s32 $0xC5C0;
	v11 =	vpop (erf)  }
0x718: {  	[tilespmem:s2+$0xFFFFFF80] =	vst v11;
	v11 =	vpop (erf)  }
0x719: {  	[tilespmem:s2+$0xFFFFFF90] =	vst v11  }
0x71a: {  	(v2sf) =	vpush v10, $0x0;
	v11 =	vld [tilespmem:s4+$0xFFFFFFD0]  }
0x71b: {  	v12 =	vld [tilespmem:s31+$0xFFFFFFD0]  }
0x71c: {  	v8 =	vadd.f32 $1.000000000e+00, v8  }
0x71d: {  	s9 =	simm.s32 $0x74E3;
	v9 =	vadd.f32 $1.000000000e+00, v9  }
0x71e: {  	(erf) = vrcp.f32 v8;
	v8 =	vld [tilespmem:s9+$0x0]  }
0x71f: {  	(erf) = vrcp.f32 v9  }
0x720: {  	v9 =	vshll.u32 v11, $0x10;
	v10 =	vshll.u32 v12, $0x10  }
0x721: {  	s20 =	simm.s32 $0x7600;
	v9 =	vadd.f32 v10, v9  }
0x722: {  	s15 =	simm.s32 $0x9E00;
	v11 =	vand.u32 $0xFFFF0000, v11;
	v12 =	vand.u32 $0xFFFF0000, v12;
	v10 =	vld [tilespmem:s20+$0xFFFFFFC0]  }
0x723: {  	(v2sf) =	vpush v8, $0x0;
	v8 =	vadd.f32 v12, v11;
	v12 =	vld [tilespmem:s15+$0xFFFFFFC0];
	v9 =	vmul.f32 s8, v9;
	_ =	sdelay $0x1  }
0x724: {  	v8 =	vmul.f32 s8, v8;
	v9 =	vsub.f32 v9, v5;
	_ =	sdelay $0x1  }
0x725: {  	v11 =	vpop (erf);
	v8 =	vsub.f32 v8, v4;
	v9 =	vmul.f32 $1.442695020e+00, v9  }
0x726: {  	[tilespmem:s2+$0x0] =	vst v11;
	v11 =	vpop (erf);
	v14 =	vshll.u32 v10, $0x10;
	v15 =	vshll.u32 v12, $0x10;
	v10 =	vand.u32 $0xFFFF0000, v10  }
0x727: {  	s10 =	spop (v2sf);
	[tilespmem:s2+$0x10] =	vst v11;
	v12 =	vand.u32 $0xFFFF0000, v12;
	v14 =	vadd.f32 v15, v14;
	(erf) = vpow2.f32 v9  }
0x728: {  	s14 =	sxor.u32 $0x80000000, s10;
	v11 =	vld [tilespmem:s4+$0x10];
	v8 =	vmul.f32 $1.442695020e+00, v8;
	v10 =	vadd.f32 v12, v10  }
0x729: {  	v9 =	vld [tilespmem:s20+$0x0];
	v12 =	vmul.f32 s14, v14  }
0x72a: {  	v10 =	vmul.f32 s14, v10;
	(erf) = vpow2.f32 v8;
	v8 =	vld [tilespmem:s15+$0x0];
	_ =	sdelay $0x1  }
0x72b: {  	v12 =	vsub.f32 v12, v6;
	v10 =	vsub.f32 v10, v7  }
0x72c: {  	v13 =	vld [tilespmem:s31+$0x10]  }
0x72d: {  	v14 =	vshll.u32 v11, $0x10;
	v12 =	vmul.f32 $1.442695020e+00, v12;
	v16 =	vshll.u32 v9, $0x10  }
0x72e: {  	v9 =	vand.u32 $0xFFFF0000, v9;
	v17 =	vshll.u32 v8, $0x10;
	v8 =	vand.u32 $0xFFFF0000, v8  }
0x72f: {  	v11 =	vand.u32 $0xFFFF0000, v11;
	v8 =	vadd.f32 v8, v9;
	v9 =	vmul.f32 $1.442695020e+00, v10;
	v10 =	vpop (erf)  }
0x730: {  	s11 =	spop (v2sf);
	(erf) = vpow2.f32 v12;
	v16 =	vadd.f32 v17, v16;
	v10 =	vadd.f32 $1.000000000e+00, v10  }
0x731: {  	v15 =	vshll.u32 v13, $0x10;
	v13 =	vand.u32 $0xFFFF0000, v13;
	s3 =	sxor.u32 $0x80000000, s11;
	(erf) = vpow2.f32 v9  }
0x732: {  	v16 =	vmul.f32 s3, v16;
	v12 =	vpop (erf);
	(erf) = vrcp.f32 v10;
	v10 =	vadd.f32 v13, v11  }
0x733: {  	v8 =	vmul.f32 s3, v8;
	v9 =	vadd.f32 $1.000000000e+00, v12;
	v12 =	vadd.f32 v15, v14  }
0x734: {  	v14 =	vsub.f32 v16, v6;
	v10 =	vmul.f32 s0, v10  }
0x735: {  	v8 =	vsub.f32 v8, v7;
	(erf) = vrcp.f32 v9;
	v9 =	vmul.f32 s0, v12  }
0x736: {  	v11 =	vmul.f32 $1.442695020e+00, v14;
	v10 =	vsub.f32 v10, v4  }
0x737: {  	v8 =	vmul.f32 $1.442695020e+00, v8;
	v9 =	vsub.f32 v9, v5  }
0x738: {  	(erf) = vpow2.f32 v11  }
0x739: {  	(erf) = vpow2.f32 v8;
	v8 =	vmul.f32 $1.442695020e+00, v9  }
0x73a: {  	v9 =	vmul.f32 $1.442695020e+00, v10;
	v10 =	vpop (erf)  }
0x73b: {  	(erf) = vpow2.f32 v8;
	v8 =	vadd.f32 $1.000000000e+00, v10  }
0x73c: {  	v10 =	vpop (erf)  }
0x73d: {  	(erf) = vpow2.f32 v9;
	v9 =	vadd.f32 $1.000000000e+00, v10  }
0x73e: {  	v10 =	vpop (erf)  }
0x73f: {  	(erf) = vrcp.f32 v8;
	[tilespmem:s2+$0xFFFFFFA0] =	vst v10;
	v8 =	vpop (erf)  }
0x740: {  	(erf) = vrcp.f32 v9;
	[tilespmem:s2+$0xFFFFFFB0] =	vst v8  }
0x741: {  	v9 =	vpop (erf);
	v10 =	vld [tilespmem:s31+$0xFFFFFFE0]  }
0x742: {  	v9 =	vadd.f32 $1.000000000e+00, v9;
	v11 =	vpop (erf)  }
0x743: {  	v8 =	vld [tilespmem:s4+$0xFFFFFFE0];
	v11 =	vadd.f32 $1.000000000e+00, v11;
	_ =	sdelay $0x2  }
0x744: {  	s5 =	simm.s32 $0x4;
	(erf) = vrcp.f32 v9;
	v9 =	vpop (erf);
	v13 =	vshll.u32 v10, $0x10  }
0x745: {  	s5 =	sand.u32 $0x7E, s5;
	(erf) = vrcp.f32 v11;
	v11 =	vpop (erf)  }
0x746: {  	s9 =	simm.s32 $0xC6C0;
	v14 =	vld [tilespmem:s5+$0x74E0];
	v12 =	vshll.u32 v8, $0x10;
	v15 =	vpop (erf)  }
0x747: {  	v8 =	vand.u32 $0xFFFF0000, v8;
	v10 =	vand.u32 $0xFFFF0000, v10;
	v12 =	vadd.f32 v13, v12;
	[tilespmem:s9+$0xFFFFFF80] =	vst v15;
	v13 =	vpop (erf)  }
0x748: {  	v9 =	vadd.f32 $1.000000000e+00, v9;
	v8 =	vadd.f32 v10, v8;
	[tilespmem:s9+$0xFFFFFF90] =	vst v13  }
0x749: {  	v11 =	vadd.f32 $1.000000000e+00, v11;
	v12 =	vmul.f32 s8, v12;
	v13 =	vld [tilespmem:s20+$0xFFFFFFD0]  }
0x74a: {  	s12 =	simm.s32 $0x74E5;
	(erf) = vrcp.f32 v9;
	v8 =	vmul.f32 s8, v8;
	v9 =	vld [tilespmem:s15+$0xFFFFFFD0]  }
0x74b: {  	(v2sf) =	vpush v14, $0x0;
	v10 =	vld [tilespmem:s12+$0x0];
	v12 =	vsub.f32 v12, v3  }
0x74c: {  	v8 =	vsub.f32 v8, v2  }
0x74d: {  	(erf) = vrcp.f32 v11;
	v11 =	vpop (erf);
	v12 =	vmul.f32 $1.442695020e+00, v12  }
0x74e: {  	[tilespmem:s9+$0x0] =	vst v11;
	v8 =	vmul.f32 $1.442695020e+00, v8;
	v11 =	vpop (erf)  }
0x74f: {  	s12 =	simm.s32 $0x9E80;
	[tilespmem:s9+$0x10] =	vst v11;
	(erf) = vpow2.f32 v12;
	v11 =	vshll.u32 v13, $0x10;
	v12 =	vshll.u32 v9, $0x10  }
0x750: {  	v15 =	vld [tilespmem:s12+$0xFFFFFFC0];
	(v2sf) =	vpush v10, $0x0;
	v11 =	vadd.f32 v12, v11  }
0x751: {  	v10 =	vld [tilespmem:s20+$0x10];
	(erf) = vpow2.f32 v8;
	v13 =	vand.u32 $0xFFFF0000, v13;
	v9 =	vand.u32 $0xFFFF0000, v9  }
0x752: {  	v8 =	vld [tilespmem:s15+$0x10];
	v9 =	vadd.f32 v9, v13;
	v11 =	vmul.f32 s14, v11  }
0x753: {  	s16 =	simm.s32 $0x7680  }
0x754: {  	v12 =	vld [tilespmem:s16+$0xFFFFFFC0];
	v9 =	vmul.f32 s14, v9;
	v11 =	vsub.f32 v11, v5  }
0x755: {  	v19 =	vshll.u32 v15, $0x10;
	v15 =	vand.u32 $0xFFFF0000, v15;
	v13 =	vpop (erf)  }
0x756: {  	[tilespmem:s2+$0x20] =	vst v13;
	v13 =	vpop (erf);
	v14 =	vshll.u32 v10, $0x10;
	v9 =	vsub.f32 v9, v4;
	v11 =	vmul.f32 $1.442695020e+00, v11  }
0x757: {  	[tilespmem:s2+$0x30] =	vst v13;
	v10 =	vand.u32 $0xFFFF0000, v10;
	v13 =	vshll.u32 v8, $0x10;
	v8 =	vand.u32 $0xFFFF0000, v8  }
0x758: {  	v18 =	vld [tilespmem:s12+$0x0];
	v13 =	vadd.f32 v13, v14;
	v9 =	vmul.f32 $1.442695020e+00, v9;
	(erf) = vpow2.f32 v11  }
0x759: {  	v14 =	vld [tilespmem:s16+$0x0];
	v8 =	vadd.f32 v8, v10;
	v10 =	vshll.u32 v12, $0x10;
	v12 =	vand.u32 $0xFFFF0000, v12;
	v17 =	vpop (erf)  }
0x75a: {  	s13 =	spop (v2sf);
	v10 =	vadd.f32 v19, v10;
	v11 =	vadd.f32 $1.000000000e+00, v17;
	v17 =	vpop (erf);
	(erf) = vpow2.f32 v9  }
0x75b: {  	s18 =	sxor.u32 $0x80000000, s13;
	v12 =	vadd.f32 v15, v12;
	v9 =	vadd.f32 $1.000000000e+00, v17  }
0x75c: {  	v10 =	vmul.f32 s18, v10;
	(erf) = vrcp.f32 v11  }
0x75d: {  	v12 =	vmul.f32 s18, v12;
	v17 =	vshll.u32 v18, $0x10;
	(erf) = vrcp.f32 v9  }
0x75e: {  	v18 =	vand.u32 $0xFFFF0000, v18;
	v15 =	vshll.u32 v14, $0x10;
	v10 =	vsub.f32 v10, v6  }
0x75f: {  	v14 =	vand.u32 $0xFFFF0000, v14;
	s17 =	spop (v2sf);
	v12 =	vsub.f32 v12, v7;
	v15 =	vadd.f32 v17, v15  }
0x760: {  	v16 =	vld [tilespmem:s4+$0x20];
	v13 =	vmul.f32 s3, v13;
	s11 =	sxor.u32 $0x80000000, s17;
	v14 =	vadd.f32 v18, v14;
	v10 =	vmul.f32 $1.442695020e+00, v10  }
0x761: {  	v9 =	vld [tilespmem:s31+$0x20];
	v12 =	vmul.f32 $1.442695020e+00, v12;
	v15 =	vmul.f32 s11, v15;
	v18 =	vpop (erf)  }
0x762: {  	v14 =	vmul.f32 s11, v14;
	(erf) = vpow2.f32 v10;
	v10 =	vadd.f32 $1.000000000e+00, v18  }
0x763: {  	v8 =	vmul.f32 s3, v8;
	v13 =	vsub.f32 v13, v5;
	v15 =	vsub.f32 v15, v6;
	v18 =	vpop (erf)  }
0x764: {  	v14 =	vsub.f32 v14, v7;
	(erf) = vpow2.f32 v12;
	v12 =	vadd.f32 $1.000000000e+00, v18  }
0x765: {  	v11 =	vshll.u32 v16, $0x10;
	v15 =	vmul.f32 $1.442695020e+00, v15;
	v18 =	vpop (erf);
	(erf) = vrcp.f32 v10  }
0x766: {  	v17 =	vshll.u32 v9, $0x10;
	v14 =	vmul.f32 $1.442695020e+00, v14;
	(erf) = vrcp.f32 v12;
	v10 =	vpop (erf)  }
0x767: {  	v11 =	vadd.f32 v17, v11;
	(erf) = vpow2.f32 v15;
	[tilespmem:s2+$0xFFFFFFD0] =	vst v10;
	v10 =	vmul.f32 $1.442695020e+00, v13  }
0x768: {  	[tilespmem:s2+$0xFFFFFFC0] =	vst v18;
	(erf) = vpow2.f32 v14  }
0x769: {  	v8 =	vsub.f32 v8, v4;
	v12 =	vld [tilespmem:s4+$0xFFFFFFF0];
	(erf) = vpow2.f32 v10;
	v10 =	vmul.f32 s0, v11  }
0x76a: {  	v13 =	vld [tilespmem:s31+$0xFFFFFFF0]  }
0x76b: {  	v8 =	vmul.f32 $1.442695020e+00, v8  }
0x76c: {  	v16 =	vand.u32 $0xFFFF0000, v16  }
0x76d: {  	v9 =	vand.u32 $0xFFFF0000, v9;
	(erf) = vpow2.f32 v8;
	v8 =	vsub.f32 v10, v3;
	v10 =	vpop (erf)  }
0x76e: {  	v9 =	vadd.f32 v9, v16;
	v10 =	vadd.f32 $1.000000000e+00, v10;
	v11 =	vpop (erf)  }
0x76f: {  	v14 =	vand.u32 $0xFFFF0000, v12;
	v15 =	vand.u32 $0xFFFF0000, v13;
	v11 =	vadd.f32 $1.000000000e+00, v11  }
0x770: {  	v9 =	vmul.f32 s0, v9;
	v14 =	vadd.f32 v15, v14  }
0x771: {  	v16 =	vpop (erf)  }
0x772: {  	v9 =	vsub.f32 v9, v2;
	(erf) = vrcp.f32 v10;
	v10 =	vpop (erf)  }
0x773: {  	v8 =	vmul.f32 $1.442695020e+00, v8;
	[tilespmem:s9+$0xFFFFFFA0] =	vst v16;
	(erf) = vrcp.f32 v11;
	v11 =	vpop (erf)  }
0x774: {  	v9 =	vmul.f32 $1.442695020e+00, v9;
	v12 =	vshll.u32 v12, $0x10;
	[tilespmem:s9+$0xFFFFFFB0] =	vst v10;
	v10 =	vmul.f32 s8, v14;
	v14 =	vpop (erf)  }
0x775: {  	(erf) = vpow2.f32 v8;
	v11 =	vadd.f32 $1.000000000e+00, v11;
	v8 =	vadd.f32 $1.000000000e+00, v14;
	v14 =	vld [tilespmem:s15+$0xFFFFFFE0]  }
0x776: {  	(erf) = vpow2.f32 v9;
	v9 =	vshll.u32 v13, $0x10;
	v15 =	vld [tilespmem:s20+$0xFFFFFFE0];
	v16 =	vpop (erf);
	v10 =	vsub.f32 v10, v0  }
0x777: {  	v9 =	vadd.f32 v9, v12;
	(erf) = vrcp.f32 v11;
	v11 =	vadd.f32 $1.000000000e+00, v16  }
0x778: {  	v12 =	vpop (erf);
	(erf) = vrcp.f32 v8;
	v8 =	vmul.f32 $1.442695020e+00, v10  }
0x779: {  	s21 =	simm.s32 $0x6;
	v9 =	vmul.f32 s8, v9;
	v10 =	vadd.f32 $1.000000000e+00, v12;
	(erf) = vrcp.f32 v11  }
0x77a: {  	s5 =	sand.u32 $0x7E, s21;
	(erf) = vpow2.f32 v8;
	v11 =	vshll.u32 v14, $0x10  }
0x77b: {  	v9 =	vsub.f32 v9, v1;
	v8 =	vshll.u32 v15, $0x10;
	(erf) = vrcp.f32 v10;
	v10 =	vld [tilespmem:s5+$0x74E0]  }
0x77c: {  	s10 =	simm.s32 $0xC7C0;
	v12 =	vpop (erf);
	v13 =	vand.u32 $0xFFFF0000, v15;
	v14 =	vand.u32 $0xFFFF0000, v14;
	v8 =	vadd.f32 v11, v8  }
0x77d: {  	s22 =	simm.s32 $0x74E7;
	[tilespmem:s10+$0xFFFFFF80] =	vst v12;
	v12 =	vadd.f32 v14, v13;
	v11 =	vpop (erf)  }
0x77e: {  	v9 =	vmul.f32 $1.442695020e+00, v9;
	v13 =	vld [tilespmem:s22+$0x0];
	v8 =	vmul.f32 s14, v8;
	[tilespmem:s10+$0xFFFFFF90] =	vst v11;
	v11 =	vpop (erf)  }
0x77f: {  	v12 =	vmul.f32 s14, v12;
	v14 =	vld [tilespmem:s16+$0xFFFFFFD0];
	v11 =	vadd.f32 $1.000000000e+00, v11  }
0x780: {  	v15 =	vpop (erf);
	v16 =	vld [tilespmem:s12+$0xFFFFFFD0];
	v8 =	vsub.f32 v8, v3;
	(v2sf) =	vpush v10, $0x0  }
0x781: {  	v10 =	vsub.f32 v12, v2;
	v17 =	vpop (erf);
	v15 =	vadd.f32 $1.000000000e+00, v15;
	(erf) = vpow2.f32 v9  }
0x782: {  	v9 =	vpop (erf);
	(erf) = vrcp.f32 v11;
	v8 =	vmul.f32 $1.442695020e+00, v8  }
0x783: {  	s13 =	simm.s32 $0x9F00;
	v10 =	vmul.f32 $1.442695020e+00, v10;
	[tilespmem:s10+$0x10] =	vst v9;
	v9 =	vpop (erf);
	(erf) = vrcp.f32 v15  }
0x784: {  	v20 =	vld [tilespmem:s13+$0x0];
	(v2sf) =	vpush v13, $0x0;
	[tilespmem:s10+$0x0] =	vst v17;
	v12 =	vpop (erf);
	(erf) = vpow2.f32 v8  }
0x785: {  	v11 =	vld [tilespmem:s16+$0x10];
	[tilespmem:s9+$0x20] =	vst v9;
	v8 =	vshll.u32 v14, $0x10;
	v9 =	vpop (erf);
	v15 =	vshll.u32 v16, $0x10;
	(erf) = vpow2.f32 v10  }
0x786: {  	v13 =	vld [tilespmem:s12+$0x10];
	v10 =	vand.u32 $0xFFFF0000, v14;
	[tilespmem:s9+$0x30] =	vst v9;
	v9 =	vand.u32 $0xFFFF0000, v16;
	v8 =	vadd.f32 v15, v8  }
0x787: {  	v9 =	vadd.f32 v9, v10  }
0x788: {  	v18 =	vld [tilespmem:s13+$0xFFFFFFC0];
	v10 =	vadd.f32 $1.000000000e+00, v12;
	v15 =	vmul.f32 s18, v8  }
0x789: {  	s29 =	simm.s32 $0x7700;
	v36 =	vshll.u32 v20, $0x10;
	v9 =	vmul.f32 s18, v9  }
0x78a: {  	v20 =	vand.u32 $0xFFFF0000, v20;
	v12 =	vld [tilespmem:s29+$0xFFFFFFC0];
	v16 =	vshll.u32 v11, $0x10;
	v15 =	vsub.f32 v15, v5  }
0x78b: {  	v11 =	vand.u32 $0xFFFF0000, v11;
	v17 =	vshll.u32 v13, $0x10;
	v8 =	vpop (erf);
	v9 =	vsub.f32 v9, v4  }
0x78c: {  	v14 =	vld [tilespmem:s20+$0x20];
	v13 =	vand.u32 $0xFFFF0000, v13;
	(erf) = vrcp.f32 v10;
	v10 =	vpop (erf);
	v15 =	vmul.f32 $1.442695020e+00, v15  }
0x78d: {  	v23 =	vshll.u32 v18, $0x10;
	v11 =	vadd.f32 v13, v11;
	v13 =	vld [tilespmem:s29+$0x0];
	v19 =	vpop (erf);
	v9 =	vmul.f32 $1.442695020e+00, v9  }
0x78e: {  	v18 =	vand.u32 $0xFFFF0000, v18;
	v16 =	vadd.f32 v17, v16;
	v22 =	vpop (erf);
	(erf) = vpow2.f32 v15  }
0x78f: {  	v21 =	vshll.u32 v12, $0x10;
	v15 =	vadd.f32 $1.000000000e+00, v22;
	v35 =	vpop (erf);
	(erf) = vpow2.f32 v9  }
0x790: {  	v12 =	vand.u32 $0xFFFF0000, v12;
	v21 =	vadd.f32 v23, v21;
	v9 =	vadd.f32 $1.000000000e+00, v35;
	s23 =	spop (v2sf)  }
0x791: {  	v17 =	vshll.u32 v14, $0x10;
	v12 =	vadd.f32 v18, v12;
	(erf) = vrcp.f32 v15;
	s8 =	sxor.u32 $0x80000000, s23  }
0x792: {  	v18 =	vshll.u32 v13, $0x10;
	(erf) = vrcp.f32 v9;
	v9 =	vmul.f32 s8, v21  }
0x793: {  	v13 =	vand.u32 $0xFFFF0000, v13;
	s24 =	spop (v2sf);
	v18 =	vadd.f32 v36, v18;
	v12 =	vmul.f32 s8, v12  }
0x794: {  	v16 =	vmul.f32 s11, v16;
	v15 =	vld [tilespmem:s15+$0x20];
	v13 =	vadd.f32 v20, v13;
	s30 =	sxor.u32 $0x80000000, s24;
	v9 =	vsub.f32 v9, v6  }
0x795: {  	v37 =	vmul.f32 s11, v11;
	v18 =	vmul.f32 s30, v18;
	v12 =	vsub.f32 v12, v7  }
0x796: {  	v14 =	vand.u32 $0xFFFF0000, v14;
	v11 =	vpop (erf);
	v13 =	vmul.f32 s30, v13;
	v9 =	vmul.f32 $1.442695020e+00, v9  }
0x797: {  	[tilespmem:s2+$0x50] =	vst v19;
	v16 =	vsub.f32 v16, v5;
	v18 =	vsub.f32 v18, v6;
	v12 =	vmul.f32 $1.442695020e+00, v12;
	v19 =	vpop (erf)  }
0x798: {  	[tilespmem:s2+$0x40] =	vst v10;
	v13 =	vsub.f32 v13, v7;
	(erf) = vpow2.f32 v9;
	v9 =	vadd.f32 $1.000000000e+00, v19;
	v19 =	vpop (erf)  }
0x799: {  	v39 =	vld [tilespmem:s31+$0x30];
	v10 =	vshll.u32 v15, $0x10;
	(erf) = vpow2.f32 v12;
	v12 =	vadd.f32 $1.000000000e+00, v19  }
0x79a: {  	v38 =	vld [tilespmem:s4+$0x30];
	v15 =	vand.u32 $0xFFFF0000, v15;
	v18 =	vmul.f32 $1.442695020e+00, v18;
	(erf) = vrcp.f32 v9  }
0x79b: {  	v13 =	vmul.f32 $1.442695020e+00, v13;
	v14 =	vadd.f32 v15, v14;
	v19 =	vpop (erf);
	(erf) = vrcp.f32 v12  }
0x79c: {  	v16 =	vmul.f32 $1.442695020e+00, v16;
	[tilespmem:s9+$0xFFFFFFC0] =	vst v19;
	v9 =	vpop (erf);
	(erf) = vpow2.f32 v18  }
0x79d: {  	v21 =	vsub.f32 v37, v4;
	v14 =	vmul.f32 s3, v14;
	[tilespmem:s9+$0xFFFFFFD0] =	vst v9;
	(erf) = vpow2.f32 v13  }
0x79e: {  	v9 =	vadd.f32 v10, v17;
	v12 =	vld [tilespmem:s20+$0xFFFFFFF0];
	(erf) = vpow2.f32 v16;
	v16 =	vshll.u32 v39, $0x10  }
0x79f: {  	v10 =	vmul.f32 $1.442695020e+00, v21;
	v17 =	vand.u32 $0xFFFF0000, v38;
	v13 =	vld [tilespmem:s15+$0xFFFFFFF0]  }
0x7a0: {  	v15 =	vshll.u32 v38, $0x10;
	v14 =	vsub.f32 v14, v2;
	v9 =	vmul.f32 s3, v9  }
0x7a1: {  	(erf) = vpow2.f32 v10;
	v10 =	vand.u32 $0xFFFF0000, v39;
	v15 =	vadd.f32 v16, v15;
	v16 =	vpop (erf)  }
0x7a2: {  	v10 =	vadd.f32 v10, v17;
	v16 =	vadd.f32 $1.000000000e+00, v16;
	v17 =	vpop (erf)  }
0x7a3: {  	v9 =	vsub.f32 v9, v3;
	v17 =	vadd.f32 $1.000000000e+00, v17  }
0x7a4: {  	v18 =	vshll.u32 v12, $0x10;
	v19 =	vand.u32 $0xFFFF0000, v13;
	v13 =	vshll.u32 v13, $0x10  }
0x7a5: {  	v14 =	vmul.f32 $1.442695020e+00, v14;
	v12 =	vand.u32 $0xFFFF0000, v12;
	v40 =	vpop (erf);
	v13 =	vadd.f32 v13, v18  }
0x7a6: {  	v9 =	vmul.f32 $1.442695020e+00, v9;
	v12 =	vadd.f32 v19, v12;
	(erf) = vrcp.f32 v16;
	[tilespmem:s10+$0xFFFFFFA0] =	vst v40;
	v16 =	vpop (erf)  }
0x7a7: {  	(erf) = vrcp.f32 v17;
	v13 =	vmul.f32 s14, v13;
	v17 =	vpop (erf);
	[tilespmem:s10+$0xFFFFFFB0] =	vst v16  }
0x7a8: {  	v12 =	vmul.f32 s14, v12;
	(erf) = vpow2.f32 v9;
	v16 =	vadd.f32 $1.000000000e+00, v17;
	v17 =	vpop (erf);
	v18 =	vld [tilespmem:s16+$0xFFFFFFE0]  }
0x7a9: {  	v9 =	vmul.f32 s0, v10;
	v13 =	vsub.f32 v13, v1;
	v10 =	vadd.f32 $1.000000000e+00, v17;
	v17 =	vld [tilespmem:s12+$0xFFFFFFE0]  }
0x7aa: {  	v15 =	vmul.f32 s0, v15;
	(erf) = vpow2.f32 v14;
	v12 =	vsub.f32 v12, v0;
	v19 =	vpop (erf)  }
0x7ab: {  	(erf) = vrcp.f32 v16;
	v14 =	vadd.f32 $1.000000000e+00, v19;
	v13 =	vmul.f32 $1.442695020e+00, v13  }
0x7ac: {  	v9 =	vsub.f32 v9, v0;
	(erf) = vrcp.f32 v10;
	v10 =	vmul.f32 $1.442695020e+00, v12;
	v16 =	vpop (erf)  }
0x7ad: {  	(erf) = vrcp.f32 v14;
	v14 =	vsub.f32 v15, v1;
	v12 =	vadd.f32 $1.000000000e+00, v16  }
0x7ae: {  	s22 =	simm.s32 $0x8;
	(erf) = vpow2.f32 v10;
	v10 =	vshll.u32 v18, $0x10;
	v15 =	vshll.u32 v17, $0x10  }
0x7af: {  	s1 =	simm.s32 $0xC8C0;
	s26 =	sand.u32 $0x7E, s22;
	v16 =	vpop (erf);
	v18 =	vand.u32 $0xFFFF0000, v18;
	v17 =	vand.u32 $0xFFFF0000, v17;
	v10 =	vadd.f32 v15, v10  }
0x7b0: {  	[tilespmem:s1+$0xFFFFFF80] =	vst v16;
	(erf) = vrcp.f32 v12;
	v12 =	vld [tilespmem:s26+$0x74E0];
	v16 =	vadd.f32 v17, v18  }
0x7b1: {  	s23 =	simm.s32 $0x74E9;
	v9 =	vmul.f32 $1.442695020e+00, v9;
	v15 =	vpop (erf);
	v10 =	vmul.f32 s18, v10  }
0x7b2: {  	v14 =	vmul.f32 $1.442695020e+00, v14;
	v17 =	vld [tilespmem:s23+$0x0];
	v16 =	vmul.f32 s18, v16;
	[tilespmem:s1+$0xFFFFFF90] =	vst v15;
	v15 =	vpop (erf)  }
0x7b3: {  	(erf) = vpow2.f32 v13;
	v18 =	vld [tilespmem:s29+$0xFFFFFFD0];
	v15 =	vadd.f32 $1.000000000e+00, v15;
	v13 =	vpop (erf);
	v10 =	vsub.f32 v10, v3  }
0x7b4: {  	v19 =	vld [tilespmem:s13+$0xFFFFFFD0];
	(erf) = vpow2.f32 v14;
	v14 =	vsub.f32 v16, v2;
	v41 =	vpop (erf);
	v13 =	vadd.f32 $1.000000000e+00, v13  }
0x7b5: {  	(v2sf) =	vpush v12, $0x0;
	[tilespmem:s1+$0x0] =	vst v41;
	v12 =	vpop (erf);
	(erf) = vrcp.f32 v15;
	v10 =	vmul.f32 $1.442695020e+00, v10  }
0x7b6: {  	[tilespmem:s1+$0x10] =	vst v12;
	(erf) = vrcp.f32 v13  }
0x7b7: {  	v14 =	vmul.f32 $1.442695020e+00, v14;
	v12 =	vpop (erf);
	(erf) = vpow2.f32 v9;
	v16 =	vld [tilespmem:s13+$0x10]  }
0x7b8: {  	(v2sf) =	vpush v17, $0x0;
	v9 =	vpop (erf);
	v15 =	vshll.u32 v18, $0x10;
	(erf) = vpow2.f32 v10  }
0x7b9: {  	v13 =	vld [tilespmem:s29+$0x10];
	[tilespmem:s10+$0x20] =	vst v12;
	v9 =	vadd.f32 $1.000000000e+00, v9;
	v12 =	vshll.u32 v19, $0x10;
	v10 =	vpop (erf);
	(erf) = vpow2.f32 v14  }
0x7ba: {  	v14 =	vand.u32 $0xFFFF0000, v18;
	v12 =	vadd.f32 v12, v15;
	[tilespmem:s10+$0x30] =	vst v10;
	v10 =	vand.u32 $0xFFFF0000, v19  }
0x7bb: {  	s21 =	simm.s32 $0x9F80;
	v14 =	vadd.f32 v10, v14  }
0x7bc: {  	v42 =	vld [tilespmem:s21+$0xFFFFFFC0];
	v12 =	vmul.f32 s8, v12;
	v19 =	vshll.u32 v16, $0x10  }
0x7bd: {  	v45 =	vld [tilespmem:s21+$0x0];
	v8 =	vadd.f32 $1.000000000e+00, v8;
	s0 =	simm.s32 $0x7780;
	v16 =	vand.u32 $0xFFFF0000, v16;
	v10 =	vpop (erf);
	v14 =	vmul.f32 s8, v14  }
0x7be: {  	v17 =	vld [tilespmem:s0+$0xFFFFFFC0];
	(erf) = vrcp.f32 v9;
	v18 =	vshll.u32 v13, $0x10;
	v12 =	vsub.f32 v12, v5;
	v9 =	vpop (erf)  }
0x7bf: {  	v13 =	vand.u32 $0xFFFF0000, v13;
	v18 =	vadd.f32 v19, v18;
	v19 =	vpop (erf);
	v14 =	vsub.f32 v14, v4  }
0x7c0: {  	v13 =	vadd.f32 v16, v13;
	v12 =	vmul.f32 $1.442695020e+00, v12;
	v16 =	vpop (erf)  }
0x7c1: {  	v26 =	vshll.u32 v42, $0x10;
	v43 =	vld [tilespmem:s0+$0x0];
	(erf) = vrcp.f32 v8;
	v8 =	vpop (erf);
	v14 =	vmul.f32 $1.442695020e+00, v14  }
0x7c2: {  	v48 =	vshll.u32 v45, $0x10;
	v20 =	vand.u32 $0xFFFF0000, v42;
	(erf) = vpow2.f32 v12;
	v25 =	vpop (erf)  }
0x7c3: {  	v24 =	vshll.u32 v17, $0x10;
	v12 =	vadd.f32 $1.000000000e+00, v25;
	v46 =	vpop (erf);
	(erf) = vpow2.f32 v14  }
0x7c4: {  	v17 =	vand.u32 $0xFFFF0000, v17;
	v24 =	vadd.f32 v26, v24;
	s28 =	spop (v2sf);
	v14 =	vadd.f32 $1.000000000e+00, v46  }
0x7c5: {  	v23 =	vand.u32 $0xFFFF0000, v45;
	v17 =	vadd.f32 v20, v17;
	s14 =	sxor.u32 $0x80000000, s28;
	(erf) = vrcp.f32 v12  }
0x7c6: {  	v21 =	vand.u32 $0xFFFF0000, v43;
	(erf) = vrcp.f32 v14;
	v14 =	vmul.f32 s14, v24  }
0x7c7: {  	v47 =	vshll.u32 v43, $0x10;
	v21 =	vadd.f32 v23, v21;
	v17 =	vmul.f32 s14, v17  }
0x7c8: {  	v20 =	vadd.f32 v48, v47;
	s31 =	spop (v2sf);
	v14 =	vsub.f32 v14, v6  }
0x7c9: {  	v18 =	vmul.f32 s30, v18;
	v13 =	vmul.f32 s30, v13;
	v49 =	vpop (erf);
	s4 =	sxor.u32 $0x80000000, s31;
	v17 =	vsub.f32 v17, v7  }
0x7ca: {  	v15 =	vld [tilespmem:s16+$0x20];
	[tilespmem:s9+$0x40] =	vst v19;
	v20 =	vmul.f32 s4, v20;
	v19 =	vpop (erf);
	v14 =	vmul.f32 $1.442695020e+00, v14  }
0x7cb: {  	[tilespmem:s9+$0x50] =	vst v16;
	v21 =	vmul.f32 s4, v21;
	v16 =	vmul.f32 $1.442695020e+00, v17;
	v51 =	vpop (erf)  }
0x7cc: {  	v12 =	vld [tilespmem:s12+$0x20];
	v17 =	vsub.f32 v20, v6;
	(erf) = vpow2.f32 v14;
	v14 =	vadd.f32 $1.000000000e+00, v51;
	v53 =	vpop (erf)  }
0x7cd: {  	v55 =	vld [tilespmem:s15+$0x30];
	v21 =	vsub.f32 v21, v7;
	(erf) = vpow2.f32 v16;
	v16 =	vadd.f32 $1.000000000e+00, v53  }
0x7ce: {  	v18 =	vsub.f32 v18, v5;
	v17 =	vmul.f32 $1.442695020e+00, v17;
	(erf) = vrcp.f32 v14  }
0x7cf: {  	v44 =	vshll.u32 v15, $0x10;
	v52 =	vld [tilespmem:s20+$0x30];
	v21 =	vmul.f32 $1.442695020e+00, v21;
	(erf) = vrcp.f32 v16  }
0x7d0: {  	v15 =	vand.u32 $0xFFFF0000, v15;
	v18 =	vmul.f32 $1.442695020e+00, v18;
	(erf) = vpow2.f32 v17  }
0x7d1: {  	v50 =	vshll.u32 v12, $0x10;
	v12 =	vand.u32 $0xFFFF0000, v12;
	v54 =	vpop (erf);
	(erf) = vpow2.f32 v21  }
0x7d2: {  	v12 =	vadd.f32 v12, v15;
	[tilespmem:s10+$0xFFFFFFC0] =	vst v54;
	v14 =	vpop (erf);
	(erf) = vpow2.f32 v18;
	v18 =	vshll.u32 v55, $0x10  }
0x7d3: {  	v13 =	vsub.f32 v13, v4;
	[tilespmem:s10+$0xFFFFFFD0] =	vst v14;
	v14 =	vadd.f32 v50, v44  }
0x7d4: {  	v15 =	vshll.u32 v52, $0x10;
	v12 =	vmul.f32 s11, v12;
	v16 =	vld [tilespmem:s16+$0xFFFFFFF0]  }
0x7d5: {  	v13 =	vmul.f32 $1.442695020e+00, v13;
	v17 =	vld [tilespmem:s12+$0xFFFFFFF0];
	v14 =	vmul.f32 s11, v14;
	v15 =	vadd.f32 v18, v15;
	v18 =	vpop (erf)  }
0x7d6: {  	v56 =	vand.u32 $0xFFFF0000, v52;
	v12 =	vsub.f32 v12, v2;
	v18 =	vadd.f32 $1.000000000e+00, v18  }
0x7d7: {  	(erf) = vpow2.f32 v13;
	v13 =	vsub.f32 v14, v3;
	v14 =	vand.u32 $0xFFFF0000, v55  }
0x7d8: {  	v12 =	vmul.f32 $1.442695020e+00, v12;
	v14 =	vadd.f32 v14, v56;
	v58 =	vpop (erf)  }
0x7d9: {  	v57 =	vshll.u32 v16, $0x10;
	v13 =	vmul.f32 $1.442695020e+00, v13;
	v20 =	vadd.f32 $1.000000000e+00, v58;
	v60 =	vpop (erf)  }
0x7da: {  	v16 =	vand.u32 $0xFFFF0000, v16;
	v59 =	vand.u32 $0xFFFF0000, v17;
	(erf) = vrcp.f32 v18;
	v18 =	vpop (erf)  }
0x7db: {  	v61 =	vmul.f32 s3, v15;
	v16 =	vadd.f32 v59, v16;
	(erf) = vrcp.f32 v20;
	v15 =	vpop (erf)  }
0x7dc: {  	v17 =	vshll.u32 v17, $0x10;
	[tilespmem:s1+$0xFFFFFFA0] =	vst v60;
	(erf) = vpow2.f32 v13;
	v15 =	vadd.f32 $1.000000000e+00, v15;
	v62 =	vpop (erf)  }
0x7dd: {  	v16 =	vmul.f32 s18, v16;
	[tilespmem:s1+$0xFFFFFFB0] =	vst v18;
	(erf) = vpow2.f32 v12;
	v13 =	vadd.f32 $1.000000000e+00, v62  }
0x7de: {  	[tilespmem:s2+$0xFFFFFFF0] =	vst v11;
	v17 =	vadd.f32 v17, v57;
	v11 =	vmul.f32 s3, v14;
	v12 =	vld [tilespmem:s29+$0xFFFFFFE0];
	v14 =	vpop (erf);
	(erf) = vrcp.f32 v15  }
0x7df: {  	v63 =	vsub.f32 v16, v0;
	v14 =	vadd.f32 $1.000000000e+00, v14;
	(erf) = vrcp.f32 v13;
	v13 =	vld [tilespmem:s13+$0xFFFFFFE0]  }
0x7e0: {  	v18 =	vmul.f32 s18, v17  }
0x7e1: {  	[tilespmem:s9+$0xFFFFFFF0] =	vst v49;
	v17 =	vmul.f32 $1.442695020e+00, v63;
	v15 =	vpop (erf);
	(erf) = vrcp.f32 v14;
	v14 =	vsub.f32 v61, v1  }
0x7e2: {  	s15 =	simm.s32 $0x7780;
	[tilespmem:s2+$0xFFFFFFE0] =	vst v19;
	s3 =	simm.s32 $0x9F80;
	v16 =	vadd.f32 $1.000000000e+00, v15;
	v15 =	vsub.f32 v18, v1  }
.LBB2_13:
0x7e3: {  	s22 =	sadd.s32 $0x2, s22;
	(erf) = vpow2.f32 v17;
	v10 =	vadd.f32 $1.000000000e+00, v10;
	v11 =	vsub.f32 v11, v0;
	s17 =	smov.u32 s1  }
0x7e4: {  	v17 =	vshll.u32 v12, $0x10;
	s5 =	sand.u32 $0x7E, s22;
	v20 =	vshll.u32 v13, $0x10;
	(erf) = vrcp.f32 v16  }
0x7e5: {  	v12 =	vand.u32 $0xFFFF0000, v12;
	s1 =	sadd.s32 $0x100, s1;
	v13 =	vand.u32 $0xFFFF0000, v13;
	v16 =	vld [tilespmem:s5+$0x74E0];
	v19 =	vpop (erf);
	v17 =	vadd.f32 v20, v17  }
0x7e6: {  	s23 =	sadd.s32 $0x2, s23;
	v22 =	vmul.f32 $1.442695020e+00, v15;
	v14 =	vmul.f32 $1.442695020e+00, v14;
	v12 =	vadd.f32 v13, v12;
	[tilespmem:s1+$0xFFFFFF80] =	vst v19;
	v18 =	vpop (erf)  }
0x7e7: {  	v20 =	vadd.f32 $1.000000000e+00, v9;
	v19 =	vmul.f32 $1.442695020e+00, v11;
	v15 =	vld [tilespmem:s23+$0x0];
	[tilespmem:s1+$0xFFFFFF90] =	vst v18;
	v17 =	vmul.f32 s8, v17;
	v18 =	vpop (erf)  }
0x7e8: {  	v11 =	vmul.f32 s8, v12;
	v9 =	vld [tilespmem:s0+$0xFFFFFFD0];
	v12 =	vadd.f32 $1.000000000e+00, v18;
	(erf) = vpow2.f32 v22;
	v13 =	vpop (erf)  }
0x7e9: {  	p0 =	slt.u32 s22, $0x4E;
	v18 =	vld [tilespmem:s21+$0xFFFFFFD0];
	v21 =	vpop (erf);
	v17 =	vsub.f32 v17, v3;
	v13 =	vadd.f32 $1.000000000e+00, v13;
	(erf) = vpow2.f32 v14  }
0x7ea: {  	(v2sf) =	vpush v16, $0x0;
	[tilespmem:s1+$0x0] =	vst v21;
	v14 =	vpop (erf);
	v16 =	vsub.f32 v11, v2;
	(erf) = vrcp.f32 v12  }
0x7eb: {  	v11 =	vadd.f32 $1.000000000e+00, v8;
	[tilespmem:s1+$0x10] =	vst v14;
	v17 =	vmul.f32 $1.442695020e+00, v17;
	v14 =	vpop (erf);
	(erf) = vrcp.f32 v13  }
0x7ec: {  	(v2sf) =	vpush v15, $0x0;
	v8 =	vld [tilespmem:s0+$0x10];
	v13 =	vmul.f32 $1.442695020e+00, v16;
	[tilespmem:s17+$0x20] =	vst v14;
	v14 =	vpop (erf);
	(erf) = vpow2.f32 v19  }
0x7ed: {  	v15 =	vshll.u32 v9, $0x10;
	v16 =	vld [tilespmem:s21+$0x10];
	(erf) = vpow2.f32 v17;
	v12 =	vpop (erf);
	v14 =	vadd.f32 $1.000000000e+00, v14  }
0x7ee: {  	v9 =	vand.u32 $0xFFFF0000, v9;
	v17 =	vshll.u32 v18, $0x10;
	[tilespmem:s17+$0x30] =	vst v12;
	(erf) = vpow2.f32 v13  }
0x7ef: {  	v12 =	vand.u32 $0xFFFF0000, v18;
	v13 =	vadd.f32 v17, v15;
	v15 =	vld [tilespmem:s29+$0x20];
	(erf) = vrcp.f32 v14  }
0x7f0: {  	s0 =	sadd.s32 $0x80, s0;
	v22 =	vadd.f32 v12, v9;
	v12 =	vld [tilespmem:s13+$0x20];
	(erf) = vrcp.f32 v10  }
0x7f1: {  	v14 =	vld [tilespmem:s0+$0xFFFFFFC0];
	v13 =	vmul.f32 s14, v13;
	v17 =	vshll.u32 v8, $0x10;
	v8 =	vand.u32 $0xFFFF0000, v8;
	v10 =	vpop (erf)  }
0x7f2: {  	s21 =	sadd.s32 $0x80, s21;
	v19 =	vmul.f32 s14, v22;
	v18 =	vld [tilespmem:s0+$0x0];
	v23 =	vshll.u32 v16, $0x10;
	v16 =	vand.u32 $0xFFFF0000, v16;
	v9 =	vpop (erf)  }
0x7f3: {  	v22 =	vld [tilespmem:s21+$0xFFFFFFC0];
	v13 =	vsub.f32 v13, v5;
	v17 =	vadd.f32 v23, v17;
	v21 =	vpop (erf);
	(erf) = vrcp.f32 v20  }
0x7f4: {  	v19 =	vsub.f32 v19, v4;
	v16 =	vadd.f32 v16, v8;
	v20 =	vld [tilespmem:s21+$0x0];
	v23 =	vshll.u32 v15, $0x10;
	[tilespmem:s10+$0x40] =	vst v21;
	v8 =	vpop (erf)  }
0x7f5: {  	v15 =	vand.u32 $0xFFFF0000, v15;
	v13 =	vmul.f32 $1.442695020e+00, v13;
	v17 =	vmul.f32 s4, v17;
	[tilespmem:s10+$0x50] =	vst v8;
	v8 =	vpop (erf)  }
0x7f6: {  	v19 =	vmul.f32 $1.442695020e+00, v19;
	v16 =	vmul.f32 s4, v16;
	v21 =	vshll.u32 v14, $0x10;
	v24 =	vpop (erf);
	v25 =	vld [tilespmem:s16+$0x30];
	s16 =	smov.u32 s29;
	s29 =	smov.u32 s15;
	s15 =	smov.u32 s0  }
0x7f7: {  	v14 =	vand.u32 $0xFFFF0000, v14;
	(erf) = vpow2.f32 v13;
	v28 =	vadd.f32 $1.000000000e+00, v24;
	v24 =	vpop (erf);
	v26 =	vld [tilespmem:s12+$0x30];
	s12 =	smov.u32 s13;
	s13 =	smov.u32 s3;
	s3 =	smov.u32 s21  }
0x7f8: {  	v27 =	vshll.u32 v22, $0x10;
	(erf) = vpow2.f32 v19;
	v19 =	vadd.f32 $1.000000000e+00, v24;
	v24 =	vpop (erf)  }
0x7f9: {  	v22 =	vand.u32 $0xFFFF0000, v22;
	v27 =	vadd.f32 v27, v21;
	s5 =	spop (v2sf);
	(erf) = vrcp.f32 v28;
	[tilespmem:s10+$0xFFFFFFF0] =	vst v24;
	v13 =	vpop (erf)  }
0x7fa: {  	v14 =	vadd.f32 v22, v14;
	v22 =	vshll.u32 v18, $0x10;
	s18 =	sxor.u32 $0x80000000, s5;
	(erf) = vrcp.f32 v19;
	[tilespmem:s9+$0xFFFFFFE0] =	vst v13  }
0x7fb: {  	v18 =	vand.u32 $0xFFFF0000, v18;
	v19 =	vshll.u32 v20, $0x10;
	v13 =	vmul.f32 s18, v27;
	s5 =	spop (v2sf)  }
0x7fc: {  	v20 =	vand.u32 $0xFFFF0000, v20;
	v14 =	vmul.f32 s18, v14;
	v19 =	vadd.f32 v19, v22;
	v21 =	vpop (erf)  }
0x7fd: {  	v18 =	vadd.f32 v20, v18;
	v20 =	vshll.u32 v12, $0x10;
	s5 =	sxor.u32 $0x80000000, s5;
	v13 =	vsub.f32 v13, v6;
	[tilespmem:s2+$0x60] =	vst v21  }
0x7fe: {  	v17 =	vsub.f32 v17, v5;
	v14 =	vsub.f32 v14, v7;
	v19 =	vmul.f32 s5, v19  }
0x7ff: {  	v16 =	vsub.f32 v16, v4;
	v18 =	vmul.f32 s5, v18;
	v13 =	vmul.f32 $1.442695020e+00, v13  }
0x800: {  	v17 =	vmul.f32 $1.442695020e+00, v17;
	v14 =	vmul.f32 $1.442695020e+00, v14;
	v19 =	vsub.f32 v19, v6;
	v21 =	vpop (erf)  }
0x801: {  	v18 =	vsub.f32 v18, v7;
	(erf) = vpow2.f32 v13;
	v22 =	vadd.f32 $1.000000000e+00, v21;
	v21 =	vpop (erf)  }
0x802: {  	v19 =	vmul.f32 $1.442695020e+00, v19;
	(erf) = vpow2.f32 v14;
	v14 =	vadd.f32 $1.000000000e+00, v21;
	v21 =	vpop (erf)  }
0x803: {  	v12 =	vand.u32 $0xFFFF0000, v12;
	v18 =	vmul.f32 $1.442695020e+00, v18;
	(erf) = vrcp.f32 v22;
	[tilespmem:s17+$0xFFFFFFC0] =	vst v21;
	v13 =	vpop (erf)  }
0x804: {  	v16 =	vmul.f32 $1.442695020e+00, v16;
	(erf) = vrcp.f32 v14;
	[tilespmem:s17+$0xFFFFFFD0] =	vst v13;
	v13 =	vadd.f32 v20, v23  }
0x805: {  	v12 =	vadd.f32 v12, v15;
	v15 =	vshll.u32 v25, $0x10;
	(erf) = vpow2.f32 v19;
	v14 =	vld [tilespmem:s16+$0xFFFFFFF0]  }
0x806: {  	v19 =	vand.u32 $0xFFFF0000, v25;
	(erf) = vpow2.f32 v18;
	v18 =	vld [tilespmem:s12+$0xFFFFFFF0];
	v13 =	vmul.f32 s30, v13  }
0x807: {  	v12 =	vmul.f32 s30, v12;
	(erf) = vpow2.f32 v17;
	v17 =	vshll.u32 v26, $0x10  }
0x808: {  	(erf) = vpow2.f32 v16;
	v13 =	vsub.f32 v13, v3;
	v16 =	vand.u32 $0xFFFF0000, v26  }
0x809: {  	v12 =	vsub.f32 v12, v2;
	v15 =	vadd.f32 v17, v15;
	(erf) = vrcp.f32 v11  }
0x80a: {  	v16 =	vadd.f32 v16, v19;
	v11 =	vpop (erf);
	v17 =	vshll.u32 v14, $0x10;
	v13 =	vmul.f32 $1.442695020e+00, v13  }
0x80b: {  	v14 =	vand.u32 $0xFFFF0000, v14;
	v22 =	vadd.f32 $1.000000000e+00, v11;
	v19 =	vpop (erf);
	v20 =	vand.u32 $0xFFFF0000, v18  }
0x80c: {  	v23 =	vadd.f32 $1.000000000e+00, v19;
	v21 =	vpop (erf);
	v14 =	vadd.f32 v20, v14;
	v20 =	vmul.f32 $1.442695020e+00, v12  }
0x80d: {  	v12 =	vshll.u32 v18, $0x10;
	v18 =	vmul.f32 s11, v15;
	(erf) = vrcp.f32 v22;
	[tilespmem:s1+$0xFFFFFFA0] =	vst v21;
	v11 =	vpop (erf)  }
0x80e: {  	v17 =	vadd.f32 v12, v17;
	(erf) = vrcp.f32 v23;
	v15 =	vpop (erf);
	[tilespmem:s1+$0xFFFFFFB0] =	vst v11;
	v14 =	vmul.f32 s8, v14  }
.Ltmp6:
0x80f: {  	v11 =	vmul.f32 s11, v16;
	s11 =	smov.u32 s30;
	s30 =	smov.u32 s4;
	v15 =	vadd.f32 $1.000000000e+00, v15;
	v19 =	vpop (erf);
	v12 =	vld [tilespmem:s29+$0xFFFFFFE0];
	(erf) = vpow2.f32 v13;
	(pc) =	sbr.rel @p0 .LBB2_13-.Ltmp6, $4  }
0x810: {  	s4 =	smov.u32 s5;
	v16 =	vadd.f32 $1.000000000e+00, v19;
	v13 =	vld [tilespmem:s13+$0xFFFFFFE0];
	v19 =	vpop (erf);
	v14 =	vsub.f32 v14, v0;
	(erf) = vpow2.f32 v20  }
0x811: {  	v20 =	vmul.f32 s8, v17;
	s8 =	smov.u32 s14;
	s14 =	smov.u32 s18;
	(erf) = vrcp.f32 v15;
	v15 =	vadd.f32 $1.000000000e+00, v19;
	v19 =	vpop (erf)  }
0x812: {  	(erf) = vrcp.f32 v16;
	v16 =	vadd.f32 $1.000000000e+00, v19;
	v17 =	vmul.f32 $1.442695020e+00, v14;
	v19 =	vpop (erf)  }
0x813: {  	v14 =	vsub.f32 v18, v1;
	(erf) = vrcp.f32 v15;
	v15 =	vsub.f32 v20, v1;
	[tilespmem:s2+$0x70] =	vst v19;
	s2 =	smov.u32 s9;
	s9 =	smov.u32 s10;
	s10 =	smov.u32 s17  }
0x814: {  	_ =	sdelay $0x1  }
0x815: {  	(erf) = vpow2.f32 v17;
	v6 =	vshll.u32 v12, $0x10;
	s18 =	sadd.s32 $0x100, s1;
	v7 =	vshll.u32 v13, $0x10;
	v20 =	vpop (erf)  }
0x816: {  	v21 =	vand.u32 $0xFFFF0000, v12;
	v22 =	vand.u32 $0xFFFF0000, v13;
	v6 =	vadd.f32 v7, v6;
	[tilespmem:s18+$0xFFFFFF80] =	vst v20;
	v23 =	vpop (erf)  }
0x817: {  	v24 =	vmul.f32 $1.442695020e+00, v15;
	v26 =	vmul.f32 $1.442695020e+00, v14;
	v12 =	vadd.f32 v22, v21;
	[tilespmem:s18+$0xFFFFFF90] =	vst v23  }
0x818: {  	v25 =	vsub.f32 v11, v0;
	(erf) = vrcp.f32 v16;
	v6 =	vmul.f32 s8, v6;
	v27 =	vpop (erf);
	v28 =	vld [tilespmem:s0+$0xFFFFFFD0]  }
0x819: {  	v12 =	vmul.f32 s8, v12;
	(erf) = vpow2.f32 v24;
	v14 =	vadd.f32 $1.000000000e+00, v27;
	v29 =	vpop (erf);
	v30 =	vld [tilespmem:s21+$0xFFFFFFD0]  }
0x81a: {  	(erf) = vpow2.f32 v26;
	v6 =	vsub.f32 v6, v3;
	v13 =	vadd.f32 $1.000000000e+00, v29  }
0x81b: {  	v7 =	vmul.f32 $1.442695020e+00, v25;
	v31 =	vsub.f32 v12, v2;
	(erf) = vrcp.f32 v14  }
0x81c: {  	v6 =	vmul.f32 $1.442695020e+00, v6;
	(erf) = vrcp.f32 v13  }
0x81d: {  	v32 =	vpop (erf);
	v11 =	vmul.f32 $1.442695020e+00, v31;
	(erf) = vpow2.f32 v7;
	v33 =	vshll.u32 v28, $0x10  }
0x81e: {  	v34 =	vpop (erf);
	(erf) = vpow2.f32 v6;
	v35 =	vand.u32 $0xFFFF0000, v28;
	v36 =	vshll.u32 v30, $0x10  }
0x81f: {  	v37 =	vpop (erf);
	v38 =	vand.u32 $0xFFFF0000, v30;
	(erf) = vpow2.f32 v11;
	v7 =	vadd.f32 v36, v33  }
0x820: {  	v39 =	vpop (erf);
	v6 =	vadd.f32 v38, v35  }
0x821: {  	v40 =	vpop (erf);
	v7 =	vmul.f32 s14, v7  }
0x822: {  	v10 =	vadd.f32 $1.000000000e+00, v10;
	v41 =	vadd.f32 $1.000000000e+00, v39;
	v11 =	vpop (erf);
	v6 =	vmul.f32 s14, v6  }
0x823: {  	v12 =	vpop (erf);
	v7 =	vsub.f32 v7, v5  }
0x824: {  	v9 =	vadd.f32 $1.000000000e+00, v9;
	(erf) = vrcp.f32 v41;
	v6 =	vsub.f32 v6, v4;
	v42 =	vpop (erf)  }
0x825: {  	(erf) = vrcp.f32 v10;
	v18 =	vpop (erf);
	v7 =	vmul.f32 $1.442695020e+00, v7  }
0x826: {  	(erf) = vrcp.f32 v9;
	v6 =	vmul.f32 $1.442695020e+00, v6;
	v10 =	vpop (erf)  }
0x827: {  	[tilespmem:s18+$0x0] =	vst v32;
	v43 =	vpop (erf);
	(erf) = vpow2.f32 v7  }
0x828: {  	[tilespmem:s18+$0x10] =	vst v34;
	v44 =	vadd.f32 $1.000000000e+00, v43;
	v45 =	vpop (erf);
	(erf) = vpow2.f32 v6  }
0x829: {  	v13 =	vld [tilespmem:s0+$0x10];
	v46 =	vadd.f32 $1.000000000e+00, v45  }
0x82a: {  	v14 =	vld [tilespmem:s21+$0x10];
	(erf) = vrcp.f32 v44  }
0x82b: {  	(erf) = vrcp.f32 v46;
	_ =	sdelay $0x1  }
0x82c: {  	[tilespmem:s1+$0x20] =	vst v37;
	v7 =	vpop (erf)  }
0x82d: {  	[tilespmem:s1+$0x30] =	vst v40;
	v6 =	vpop (erf)  }
0x82e: {  	v47 =	vshll.u32 v13, $0x10;
	v48 =	vshll.u32 v14, $0x10;
	v19 =	vld [tilespmem:s29+$0x20];
	v9 =	vpop (erf)  }
0x82f: {  	v13 =	vand.u32 $0xFFFF0000, v13;
	v14 =	vand.u32 $0xFFFF0000, v14;
	v20 =	vld [tilespmem:s13+$0x20];
	v15 =	vadd.f32 v48, v47;
	v49 =	vpop (erf)  }
0x830: {  	v13 =	vadd.f32 v14, v13;
	v50 =	vadd.f32 $1.000000000e+00, v49;
	v51 =	vpop (erf)  }
0x831: {  	[tilespmem:s10+$0x40] =	vst v42;
	v15 =	vmul.f32 s4, v15;
	v16 =	vadd.f32 $1.000000000e+00, v51  }
0x832: {  	v13 =	vmul.f32 s4, v13;
	[tilespmem:s10+$0x50] =	vst v18;
	v52 =	vpop (erf);
	(erf) = vrcp.f32 v50  }
0x833: {  	v54 =	vsub.f32 v15, v5;
	v56 =	vshll.u32 v19, $0x10;
	[tilespmem:s1+$0xFFFFFFC0] =	vst v52;
	v55 =	vpop (erf);
	(erf) = vrcp.f32 v16  }
0x834: {  	v53 =	vld [tilespmem:s16+$0x30];
	v58 =	vsub.f32 v13, v4;
	v59 =	vand.u32 $0xFFFF0000, v19;
	v60 =	vshll.u32 v20, $0x10;
	[tilespmem:s1+$0xFFFFFFD0] =	vst v55  }
0x835: {  	v62 =	vand.u32 $0xFFFF0000, v20;
	v15 =	vadd.f32 v60, v56;
	v5 =	vmul.f32 $1.442695020e+00, v54;
	v61 =	vld [tilespmem:s29+$0xFFFFFFF0]  }
0x836: {  	v13 =	vadd.f32 v62, v59;
	v4 =	vmul.f32 $1.442695020e+00, v58;
	v63 =	vld [tilespmem:s13+$0xFFFFFFF0]  }
0x837: {  	v57 =	vld [tilespmem:s12+$0x30];
	v24 =	vmul.f32 s30, v15;
	(erf) = vpow2.f32 v5  }
0x838: {  	v13 =	vmul.f32 s30, v13  }
0x839: {  	v25 =	vadd.f32 $1.000000000e+00, v8;
	v5 =	vsub.f32 v24, v3;
	(erf) = vpow2.f32 v4  }
0x83a: {  	v26 =	vshll.u32 v53, $0x10;
	v14 =	vand.u32 $0xFFFF0000, v53;
	v13 =	vsub.f32 v13, v2  }
0x83b: {  	v5 =	vmul.f32 $1.442695020e+00, v5;
	v28 =	vand.u32 $0xFFFF0000, v61;
	v29 =	vand.u32 $0xFFFF0000, v63;
	v21 =	vpop (erf)  }
0x83c: {  	v27 =	vshll.u32 v57, $0x10;
	(erf) = vrcp.f32 v25;
	v19 =	vadd.f32 v29, v28;
	[tilespmem:s18+$0xFFFFFFA0] =	vst v21;
	v30 =	vpop (erf)  }
0x83d: {  	v34 =	vadd.f32 v27, v26;
	v13 =	vmul.f32 $1.442695020e+00, v13;
	(erf) = vpow2.f32 v5;
	[tilespmem:s18+$0xFFFFFFB0] =	vst v30  }
0x83e: {  	v31 =	vshll.u32 v61, $0x10;
	v16 =	vshll.u32 v63, $0x10;
	v32 =	vmul.f32 s8, v19;
	v33 =	vld [tilespmem:s15+$0xFFFFFFE0]  }
0x83f: {  	v17 =	vand.u32 $0xFFFF0000, v57;
	(erf) = vpow2.f32 v13;
	v4 =	vadd.f32 v16, v31;
	v35 =	vld [tilespmem:s3+$0xFFFFFFE0]  }
0x840: {  	v36 =	vadd.f32 v17, v14;
	v5 =	vmul.f32 s11, v34;
	v37 =	vpop (erf);
	v38 =	vsub.f32 v32, v0  }
0x841: {  	v4 =	vmul.f32 s8, v4;
	v14 =	vadd.f32 $1.000000000e+00, v37  }
0x842: {  	v13 =	vmul.f32 s11, v36;
	v5 =	vsub.f32 v5, v1;
	v39 =	vpop (erf);
	v15 =	vmul.f32 $1.442695020e+00, v38  }
0x843: {  	v16 =	vadd.f32 $1.000000000e+00, v39;
	v40 =	vsub.f32 v4, v1;
	(erf) = vrcp.f32 v14  }
0x844: {  	(erf) = vpow2.f32 v15;
	v41 =	vshll.u32 v33, $0x10;
	v42 =	vshll.u32 v35, $0x10  }
0x845: {  	v43 =	vand.u32 $0xFFFF0000, v33;
	v8 =	vand.u32 $0xFFFF0000, v35;
	v15 =	vadd.f32 v42, v41  }
0x846: {  	v5 =	vmul.f32 $1.442695020e+00, v5;
	v4 =	vpop (erf);
	v14 =	vmul.f32 $1.442695020e+00, v40;
	v8 =	vadd.f32 v8, v43  }
0x847: {  	v13 =	vsub.f32 v13, v0;
	v44 =	vpop (erf);
	(erf) = vrcp.f32 v16;
	v15 =	vmul.f32 s14, v15  }
0x848: {  	v45 =	vpop (erf);
	v16 =	vadd.f32 $1.000000000e+00, v44;
	(erf) = vpow2.f32 v14;
	v8 =	vmul.f32 s14, v8  }
0x849: {  	v14 =	vadd.f32 $1.000000000e+00, v45;
	(erf) = vpow2.f32 v5;
	v15 =	vsub.f32 v15, v3  }
0x84a: {  	v46 =	vmul.f32 $1.442695020e+00, v13;
	(erf) = vrcp.f32 v16;
	v8 =	vsub.f32 v8, v2  }
0x84b: {  	(erf) = vrcp.f32 v14;
	v47 =	vmul.f32 $1.442695020e+00, v15  }
0x84c: {  	(erf) = vpow2.f32 v46;
	v8 =	vmul.f32 $1.442695020e+00, v8  }
0x84d: {  	(erf) = vpow2.f32 v47  }
0x84e: {  	v48 =	vpop (erf);
	(erf) = vpow2.f32 v8  }
0x84f: {  	v49 =	vpop (erf)  }
0x850: {  	v50 =	vpop (erf)  }
0x851: {  	v51 =	vpop (erf)  }
0x852: {  	v52 =	vpop (erf)  }
0x853: {  	v16 =	vpop (erf)  }
0x854: {  	v8 =	vadd.f32 $1.000000000e+00, v49;
	v53 =	vpop (erf)  }
0x855: {  	v11 =	vadd.f32 $1.000000000e+00, v11;
	v54 =	vpop (erf)  }
0x856: {  	v12 =	vadd.f32 $1.000000000e+00, v12;
	(erf) = vrcp.f32 v8;
	v55 =	vpop (erf)  }
0x857: {  	(erf) = vrcp.f32 v11;
	v8 =	vadd.f32 $1.000000000e+00, v55;
	v56 =	vpop (erf)  }
0x858: {  	(erf) = vrcp.f32 v12;
	v11 =	vadd.f32 $1.000000000e+00, v56  }
0x859: {  	[tilespmem:s18+$0x20] =	vst v48;
	(erf) = vrcp.f32 v8  }
0x85a: {  	[tilespmem:s18+$0x30] =	vst v50;
	(erf) = vrcp.f32 v11  }
0x85b: {  	v5 =	vld [tilespmem:s15+$0x20]  }
0x85c: {  	v57 =	vld [tilespmem:s3+$0x20];
	_ =	sdelay $0x2  }
0x85d: {  	v58 =	vpop (erf)  }
0x85e: {  	v12 =	vpop (erf)  }
0x85f: {  	v60 =	vshll.u32 v5, $0x10;
	v61 =	vshll.u32 v57, $0x10;
	v59 =	vpop (erf)  }
0x860: {  	v5 =	vand.u32 $0xFFFF0000, v5;
	v19 =	vadd.f32 v61, v60;
	v8 =	vand.u32 $0xFFFF0000, v57;
	v62 =	vpop (erf)  }
0x861: {  	v5 =	vadd.f32 v8, v5;
	[tilespmem:s18+$0xFFFFFFC0] =	vst v62;
	v63 =	vpop (erf)  }
0x862: {  	v24 =	vmul.f32 s4, v19;
	[tilespmem:s18+$0xFFFFFFD0] =	vst v63  }
0x863: {  	[tilespmem:s1+$0x40] =	vst v16;
	v5 =	vmul.f32 s4, v5;
	v23 =	vld [tilespmem:s15+$0xFFFFFFF0]  }
0x864: {  	[tilespmem:s1+$0x50] =	vst v53;
	v27 =	vsub.f32 v24, v3;
	v25 =	vld [tilespmem:s3+$0xFFFFFFF0]  }
0x865: {  	v10 =	vadd.f32 $1.000000000e+00, v10;
	v26 =	vld [tilespmem:s29+$0x30];
	v29 =	vsub.f32 v5, v2  }
0x866: {  	v28 =	vld [tilespmem:s13+$0x30];
	v3 =	vmul.f32 $1.442695020e+00, v27  }
0x867: {  	(erf) = vrcp.f32 v10;
	v2 =	vmul.f32 $1.442695020e+00, v29  }
0x868: {  	(erf) = vpow2.f32 v3  }
0x869: {  	(erf) = vpow2.f32 v2;
	v8 =	vand.u32 $0xFFFF0000, v23;
	v31 =	vand.u32 $0xFFFF0000, v25  }
0x86a: {  	v30 =	vshll.u32 v23, $0x10;
	v33 =	vshll.u32 v25, $0x10;
	v32 =	vadd.f32 v31, v8  }
0x86b: {  	v34 =	vshll.u32 v26, $0x10;
	v35 =	vshll.u32 v28, $0x10;
	v5 =	vadd.f32 v33, v30  }
0x86c: {  	v2 =	vadd.f32 v35, v34;
	v3 =	vmul.f32 s14, v32  }
0x86d: {  	v5 =	vmul.f32 s14, v5  }
0x86e: {  	v2 =	vmul.f32 s30, v2;
	v3 =	vsub.f32 v3, v0  }
0x86f: {  	v5 =	vsub.f32 v5, v1  }
0x870: {  	v2 =	vsub.f32 v2, v1;
	v3 =	vmul.f32 $1.442695020e+00, v3  }
0x871: {  	v36 =	vpop (erf);
	v5 =	vmul.f32 $1.442695020e+00, v5  }
0x872: {  	v2 =	vmul.f32 $1.442695020e+00, v2;
	v37 =	vpop (erf);
	(erf) = vpow2.f32 v3  }
0x873: {  	v38 =	vpop (erf);
	v3 =	vadd.f32 $1.000000000e+00, v37;
	(erf) = vpow2.f32 v5  }
0x874: {  	v5 =	vadd.f32 $1.000000000e+00, v38;
	(erf) = vpow2.f32 v2  }
0x875: {  	(erf) = vrcp.f32 v3  }
0x876: {  	(erf) = vrcp.f32 v5;
	_ =	sdelay $0x4  }
0x877: {  	v39 =	vpop (erf)  }
0x878: {  	v40 =	vpop (erf)  }
0x879: {  	v41 =	vpop (erf)  }
0x87a: {  	v42 =	vpop (erf)  }
0x87b: {  	[tilespmem:s18+$0x40] =	vst v42;
	v43 =	vpop (erf)  }
0x87c: {  	[tilespmem:s18+$0x50] =	vst v43  }
0x87d: {  	v10 =	vld [tilespmem:s15+$0x30]  }
0x87e: {  	v44 =	vand.u32 $0xFFFF0000, v26;
	v16 =	vand.u32 $0xFFFF0000, v28;
	v45 =	vld [tilespmem:s3+$0x30]  }
0x87f: {  	v16 =	vadd.f32 v16, v44;
	_ =	sdelay $0x1  }
0x880: {  	v16 =	vmul.f32 s30, v16;
	_ =	sdelay $0x1  }
0x881: {  	v16 =	vsub.f32 v16, v0;
	v46 =	vshll.u32 v10, $0x10;
	v47 =	vshll.u32 v45, $0x10  }
0x882: {  	v10 =	vand.u32 $0xFFFF0000, v10;
	v19 =	vand.u32 $0xFFFF0000, v45;
	v17 =	vadd.f32 v47, v46  }
0x883: {  	v16 =	vmul.f32 $1.442695020e+00, v16;
	v10 =	vadd.f32 v19, v10  }
0x884: {  	v2 =	vadd.f32 $1.000000000e+00, v39;
	v17 =	vmul.f32 s4, v17  }
0x885: {  	v14 =	vadd.f32 $1.000000000e+00, v51;
	(erf) = vpow2.f32 v16;
	v10 =	vmul.f32 s4, v10  }
0x886: {  	v15 =	vadd.f32 $1.000000000e+00, v52;
	(erf) = vrcp.f32 v2;
	v48 =	vsub.f32 v17, v1  }
0x887: {  	v49 =	vadd.f32 $1.000000000e+00, v54;
	(erf) = vrcp.f32 v14;
	v50 =	vsub.f32 v10, v0  }
0x888: {  	(erf) = vrcp.f32 v15;
	v1 =	vmul.f32 $1.442695020e+00, v48  }
0x889: {  	(erf) = vrcp.f32 v49;
	v0 =	vmul.f32 $1.442695020e+00, v50  }
0x88a: {  	(erf) = vpow2.f32 v1  }
0x88b: {  	(erf) = vpow2.f32 v0;
	_ =	sdelay $0x2  }
0x88c: {  	v51 =	vpop (erf)  }
0x88d: {  	v52 =	vpop (erf)  }
0x88e: {  	v53 =	vpop (erf)  }
0x88f: {  	[tilespmem:s10+$0xFFFFFFF0] =	vst v7;
	v3 =	vadd.f32 $1.000000000e+00, v40;
	v54 =	vpop (erf)  }
0x890: {  	[tilespmem:s9+$0xFFFFFFE0] =	vst v6;
	v5 =	vadd.f32 $1.000000000e+00, v41;
	v55 =	vpop (erf)  }
0x891: {  	[tilespmem:s2+$0x60] =	vst v9;
	v0 =	vadd.f32 $1.000000000e+00, v51;
	(erf) = vrcp.f32 v3;
	v56 =	vpop (erf)  }
0x892: {  	[tilespmem:s2+$0x70] =	vst v4;
	(erf) = vrcp.f32 v5;
	v57 =	vpop (erf);
	v3 =	vadd.f32 $1.000000000e+00, v56  }
0x893: {  	[tilespmem:s1+$0xFFFFFFF0] =	vst v58;
	(erf) = vrcp.f32 v0;
	v58 =	vadd.f32 $1.000000000e+00, v57  }
0x894: {  	[tilespmem:s10+$0xFFFFFFE0] =	vst v12;
	(erf) = vrcp.f32 v3  }
0x895: {  	[tilespmem:s9+$0x60] =	vst v59;
	(erf) = vrcp.f32 v58  }
0x896: {  	[tilespmem:s9+$0x70] =	vst v36  }
0x897: {  	[tilespmem:s18+$0xFFFFFFF0] =	vst v52  }
0x898: {  	[tilespmem:s1+$0xFFFFFFE0] =	vst v53  }
0x899: {  	[tilespmem:s10+$0x60] =	vst v54  }
0x89a: {  	[tilespmem:s10+$0x70] =	vst v55;
	v59 =	vpop (erf)  }
0x89b: {  	[tilespmem:s18+$0xFFFFFFE0] =	vst v59;
	v60 =	vpop (erf)  }
0x89c: {  	[tilespmem:s1+$0x60] =	vst v60;
	v61 =	vpop (erf)  }
0x89d: {  	[tilespmem:s1+$0x70] =	vst v61;
	v62 =	vpop (erf)  }
0x89e: {  	[tilespmem:s18+$0x60] =	vst v62;
	v63 =	vpop (erf)  }
0x89f: {  	[tilespmem:s18+$0x70] =	vst v63  }
0x8a0: {  	s26 =	simm.s32 $0xC540;
	s28 =	simm.s32 $0x6;
	s24 =	rddreg [dreg:$0xb]  }
0x8a1: {  	[hbm4b:s24+s25] =	stream.linear.scatter [tilespmem:s26], [sflag:$0x5], $0x2800, $0x38;
	[tilespmem:$0x115C0] =	vst v63  }
0x8a2: {  	_ =	swait.ge [sflag:s28], $0x2800  }
0x8a3: {  	[sflag:s28] =	ssyncset.done $0x0  }
0x8a4: {  	s29 =	simm.s32 $0x5;
	[sflag:s28] =	ssyncadd.s32 $0xFFFFD800  }
0x8a5: {  	_ =	swait.ge [sflag:s29], $0x2800  }
0x8a6: {  	s30 =	rddreg [dreg:$0xd]  }
0x8a7: {  	s31 =	rddreg [dreg:$0xc];
	s2 =	sadd.s32 $0x1, s30  }
0x8a8: {  	p0 =	sne.s32 s2, s31  }
.Ltmp7:
0x8a9: {  	_ = 	snop;
	(pc) =	sbr.rel @p0 .LBB2_1-.Ltmp7, $3  }
0x8aa: {  	_ =	sdelay $0x1  }
0x8ab: {  	[sflag:s29] =	ssyncset.done $0x0  }
0x8ac: {  	[sflag:s29] =	ssyncadd.s32 $0xFFFFD800  }
0x8ad: {  	_ =	sfence.sel $0x180000  }
0x8ae: {  	[bflag:$0x0] =	sbarrier.arrive $0xFFFF  }
0x8af: {  	_ =	strace $0x90000047  }
0x8b0: {  	s0 =	stileid.u32;
	[bflag:$0x2] =	sbarrier.arrive $0xFFFF  }
0x8b1: {  	p0 =	sne.s32 s0, $0x0;
	s0 =	rddreg [dreg:$0x3]  }
0x8b2: {  	s0 =	sadd.s32 @!p0 $0x100000, s0  }
0x8b3: {  	[sflag:s0] =	ssyncadd.tile.s32 @!p0 $0x1;
	_ =	shalt  }
.Lfunc_end2:
_tile_overlayer_lowered:
.L_overlay_start_2:
0x8b4: {  	(tag) =	ssettag $0x2  }
0x8b5: {  	s0 =	rddreg [dreg:$0x0];
	s2 =	stileid.u32  }
0x8b6: {  	s1 =	rddreg [dreg:$0x1];
	p0 =	sne.s32 s2, $0x0  }
0x8b7: {  	s3 =	rddreg [dreg:$0x2];
	[bflag:$0x3] =	sbarrier.arrive $0xFFFF;
	s2 =	simm.s32 @!p0 $0x1C07  }
0x8b8: {  	[timem:s3], [sflag:s2] =	dma.local @!p0 [hbm:s0], s1  }
0x8b9: {  	s0 =	simm.s32 @!p0 $0x7  }
0x8ba: {  	_ =	swait.ge @!p0 [sflag:s0], s1  }
0x8bb: {  	s1 =	ssub.s32 @!p0 $0x0, s1;
	[sflag:s0] =	ssyncset.done @!p0 $0x0  }
0x8bc: {  	[sflag:s0] =	ssyncadd.s32 @!p0 s1  }
0x8bd: {  	[bflag:$0x3] =	sbarrier.arrive $0xFFFF  }
0x8be: {  	_ =	shalt  }

</sc_bundles>
